<compile_context>
chip_gen: v7x
topology: tpu7x:2x2x1
jax: 0.10.2.dev20260603
libtpu: 0.0.44.dev20260713+nightly
codegen_flags: <defaults>
</compile_context>

<pallas_src>
import functools

import jax
import jax.numpy as jnp
from jax import lax
from jax.experimental import pallas as pl
from jax.experimental.pallas import tpu as pltpu
from jax.experimental.pallas import tpu_sc as plsc

SEQ = 200
EXP = 32
BG = 128
NW = 32
INFLIGHT = 8


def _rank_body(ts_ref, g_ref):
    tst = ts_ref[...].T
    jio = lax.broadcasted_iota(jnp.int32, (SEQ, BG), 0)
    acc = jnp.zeros((SEQ, BG), jnp.float32)
    for k in range(SEQ):
        bk = jnp.broadcast_to(tst[k:k + 1, :], (SEQ, BG))
        lt = bk < tst
        tie = (bk == tst) & (jio > k)
        acc = acc + jnp.where(lt | tie, 1.0, 0.0)
    b = pl.program_id(0) * BG + lax.broadcasted_iota(jnp.int32, (BG, SEQ), 0)
    g_ref[...] = acc.T.astype(jnp.int32) + b * SEQ


def _ranks_tc(ts):
    batch = ts.shape[0]
    ngrp = batch // BG
    return pl.pallas_call(
        _rank_body,
        grid=(ngrp,),
        in_specs=[pl.BlockSpec((BG, SEQ), lambda i: (i, 0))],
        out_specs=pl.BlockSpec((BG, SEQ), lambda i: (i, 0)),
        out_shape=jax.ShapeDtypeStruct((batch, SEQ), jnp.int32),
    )(ts)


def _scatter_sc(g, embedding, batch):
    flat = batch * SEQ
    ngrp = batch // BG
    gpw = ngrp // NW
    mesh = plsc.VectorSubcoreMesh(core_axis_name="c", subcore_axis_name="s")

    @functools.partial(
        pl.kernel,
        mesh=mesh,
        out_type=jax.ShapeDtypeStruct((flat, EXP), jnp.float32),
        scratch_types=[
            pltpu.VMEM((BG, SEQ), jnp.int32),
            pltpu.VMEM((BG, SEQ), jnp.int32),
            pltpu.VMEM((SEQ, EXP), jnp.float32),
            pltpu.SemaphoreType.DMA,
            pltpu.SemaphoreType.DMA,
        ],
        compiler_params=pltpu.CompilerParams(use_tc_tiling_on_sc=False),
    )
    def k(g_hbm, emb_hbm, out_hbm, ids0_v, ids1_v, tbl_v, sem, lsem):
        wid = lax.axis_index("s") * 2 + lax.axis_index("c")
        pltpu.sync_copy(emb_hbm, tbl_v)

        slots = (ids0_v, ids1_v)

        def load(t, slot):
            base = (wid * gpw + t) * BG
            return pltpu.make_async_copy(
                g_hbm.at[pl.ds(base, BG)], slots[slot], lsem)

        def chunk_copy(ids_v, c):
            return pltpu.make_async_copy(
                tbl_v, out_hbm.at[ids_v.at[c]], sem)

        load(0, 0).start()
        for t in range(gpw):
            ids_v = slots[t & 1]
            load(t, t & 1).wait()
            if t + 1 < gpw:
                load(t + 1, (t + 1) & 1).start()

            def scat_step(c, carry):
                chunk_copy(ids_v, c).start()

                @pl.when(c >= INFLIGHT)
                def _():
                    chunk_copy(ids_v, c - INFLIGHT).wait()
                return carry

            lax.fori_loop(0, BG, scat_step, 0)
            for c in range(BG - INFLIGHT, BG):
                chunk_copy(ids_v, c).wait()

    return k(g, embedding)


def kernel(ts, embedding):
    batch = ts.shape[0]
    g = _ranks_tc(ts)
    out = _scatter_sc(g, embedding, batch)
    return out.reshape(batch, SEQ, EXP)

# --- scband reference (transcript-rebuilt; emitter-appended) ---
"""Pipeline reference for scband-pos-encode-75935021793388 (READ-ONLY COPY).

The authoritative reference and input builder live on the scoring server;
editing this copy changes nothing except your own understanding.
"""

import jax, jax.numpy as jnp
import numpy as np

SEQ_LEN = 200
EXPAND_DIM = 32
BATCH = 16384

def setup_inputs(seed: int = 0) -> dict:
    key = jax.random.key(seed)
    k_ts, k_emb = jax.random.split(key)
    ts = jax.random.normal(k_ts, (BATCH, SEQ_LEN), dtype=jnp.float32)
    embedding = jax.random.normal(k_emb, (SEQ_LEN, EXPAND_DIM), dtype=jnp.float32) * 0.02
    return {"ts": ts, "embedding": embedding}

def reference(ts, embedding):
    # idx = argsort of timestamps along the sequence axis
    idx = jnp.argsort(ts, axis=1)          # int32 [B, L], values in [0, SEQ_LEN)
    # embedding lookup: gather rows of the positional table
    out = jnp.take(embedding, idx, axis=0)  # [B, L, EXPAND_DIM]
    return out

if __name__ == "__main__":
    import jax
    _d = setup_inputs()
    print(jax.jit(kernel)(*tuple(_d.values())))

</pallas_src>

<mosaic_0001>
#map = affine_map<(d0, d1) -> (0, 0)>
module attributes {stable_mosaic.version = 14 : i64} {
  func.func @k(%arg0: i32, %arg1: i32, %arg2: memref<16384x200xi32, #tpu.memory_space<hbm>>, %arg3: memref<200x32xf32, #tpu.memory_space<hbm>>, %arg4: memref<3276800x32xf32, #tpu.memory_space<hbm>>, %arg5: memref<128x200xi32, #tpu.memory_space<vmem>>, %arg6: memref<128x200xi32, #tpu.memory_space<vmem>>, %arg7: memref<200x32xf32, #tpu.memory_space<vmem>>, %arg8: memref<!tpu.dma_semaphore, #tpu.memory_space<semaphore_mem>>, %arg9: memref<!tpu.dma_semaphore, #tpu.memory_space<semaphore_mem>>) attributes {dimension_semantics = [#tpu.dimension_semantics<core_parallel>, #tpu.dimension_semantics<subcore_parallel>], iteration_bounds = array<i64: 2, 16>, scalar_prefetch = 0 : i64, scratch_operands = 5 : i64, tpu.core_type = #tpu.core_type<sc_vector_subcore>, window_params = [{transform_indices = #map}, {transform_indices = #map}, {transform_indices = #map}]} {
    %mul3A = arith.constant 2 : i32
    %mul3A_0 = arith.muli %arg1, %mul3A : i32
    %add3A = arith.addi %mul3A_0, %arg0 : i32
    "tpu.region"() ({
      %run_scoped3A = tpu.sem_alloc : memref<!tpu.dma_semaphore, #tpu.memory_space<semaphore_mem>>
      tpu.enqueue_dma source(%arg3 : memref<200x32xf32, #tpu.memory_space<hbm>>) target(%arg7 : memref<200x32xf32, #tpu.memory_space<vmem>>) target_semaphore(%run_scoped3A : memref<!tpu.dma_semaphore, #tpu.memory_space<semaphore_mem>>)
      tpu.wait_dma2 semaphore(%run_scoped3A : memref<!tpu.dma_semaphore, #tpu.memory_space<semaphore_mem>>) src(%arg3 : memref<200x32xf32, #tpu.memory_space<hbm>>) dst(%arg7 : memref<200x32xf32, #tpu.memory_space<vmem>>)
      tpu.yield
    }) : () -> ()
    %mul3A_1 = arith.constant 4 : i32
    %mul3A_2 = arith.muli %add3A, %mul3A_1 : i32
    %add3A_3 = arith.constant 0 : i32
    %add3A_4 = arith.addi %mul3A_2, %add3A_3 : i32
    %mul3A_5 = arith.constant 128 : i32
    %mul3A_6 = arith.muli %add3A_4, %mul3A_5 : i32
    %dma_start3A = arith.constant 0 : i32
    %dma_start3A_7 = tpu.memref_slice %arg2[%mul3A_6, %dma_start3A] : memref<16384x200xi32, #tpu.memory_space<hbm>> -> memref<128x200xi32, #tpu.memory_space<hbm>>
    %dma_start3A_8 = arith.constant 0 : i32
    %dma_start3A_9 = tpu.memref_slice %arg2[%mul3A_6, %dma_start3A_8] : memref<16384x200xi32, #tpu.memory_space<hbm>> -> memref<128x200xi32, #tpu.memory_space<hbm>>
    tpu.enqueue_dma source(%dma_start3A_9 : memref<128x200xi32, #tpu.memory_space<hbm>>) target(%arg5 : memref<128x200xi32, #tpu.memory_space<vmem>>) target_semaphore(%arg9 : memref<!tpu.dma_semaphore, #tpu.memory_space<semaphore_mem>>)
    %mul3A_10 = arith.constant 4 : i32
    %mul3A_11 = arith.muli %add3A, %mul3A_10 : i32
    %add3A_12 = arith.constant 0 : i32
    %add3A_13 = arith.addi %mul3A_11, %add3A_12 : i32
    %mul3A_14 = arith.constant 128 : i32
    %mul3A_15 = arith.muli %add3A_13, %mul3A_14 : i32
    %dma_wait3A = arith.constant 0 : i32
    %dma_wait3A_16 = tpu.memref_slice %arg2[%mul3A_15, %dma_wait3A] : memref<16384x200xi32, #tpu.memory_space<hbm>> -> memref<128x200xi32, #tpu.memory_space<hbm>>
    %dma_wait3A_17 = arith.constant 0 : i32
    %dma_wait3A_18 = tpu.memref_slice %arg2[%mul3A_15, %dma_wait3A_17] : memref<16384x200xi32, #tpu.memory_space<hbm>> -> memref<128x200xi32, #tpu.memory_space<hbm>>
    tpu.wait_dma2 semaphore(%arg9 : memref<!tpu.dma_semaphore, #tpu.memory_space<semaphore_mem>>) src(%dma_wait3A_18 : memref<128x200xi32, #tpu.memory_space<hbm>>) dst(%arg5 : memref<128x200xi32, #tpu.memory_space<vmem>>)
    %mul3A_19 = arith.constant 4 : i32
    %mul3A_20 = arith.muli %add3A, %mul3A_19 : i32
    %add3A_21 = arith.constant 1 : i32
    %add3A_22 = arith.addi %mul3A_20, %add3A_21 : i32
    %mul3A_23 = arith.constant 128 : i32
    %mul3A_24 = arith.muli %add3A_22, %mul3A_23 : i32
    %dma_start3A_25 = arith.constant 0 : i32
    %dma_start3A_26 = tpu.memref_slice %arg2[%mul3A_24, %dma_start3A_25] : memref<16384x200xi32, #tpu.memory_space<hbm>> -> memref<128x200xi32, #tpu.memory_space<hbm>>
    %dma_start3A_27 = arith.constant 0 : i32
    %dma_start3A_28 = tpu.memref_slice %arg2[%mul3A_24, %dma_start3A_27] : memref<16384x200xi32, #tpu.memory_space<hbm>> -> memref<128x200xi32, #tpu.memory_space<hbm>>
    tpu.enqueue_dma source(%dma_start3A_28 : memref<128x200xi32, #tpu.memory_space<hbm>>) target(%arg6 : memref<128x200xi32, #tpu.memory_space<vmem>>) target_semaphore(%arg9 : memref<!tpu.dma_semaphore, #tpu.memory_space<semaphore_mem>>)
    %scan3A = arith.constant 0 : i32
    %scan3A_29 = arith.constant 0 : i32
    %scan3A_30 = arith.constant 128 : i32
    %scan3A_31 = arith.addi %scan3A_29, %scan3A_30 : i32
    %scan3A_32 = arith.constant 1 : i32
    scf.for %scan3A_326 = %scan3A_29 to %scan3A_31 step %scan3A_32  : i32 {
      %dma_start3A_327 = arith.constant 0 : i32
      %dma_start3A_328 = tpu.memref_slice %arg5[%scan3A_326, %dma_start3A_327] : memref<128x200xi32, #tpu.memory_space<vmem>> -> memref<1x200xi32, #tpu.memory_space<vmem>>
      %dma_start3A_329 = tpu.memref_squeeze %dma_start3A_328 : memref<1x200xi32, #tpu.memory_space<vmem>> -> memref<200xi32, #tpu.memory_space<vmem>>
      %dma_start3A_330 = arith.constant 0 : i32
      %dma_start3A_331 = arith.constant 0 : i32
      %dma_start3A_332 = tpu.memref_slice %arg4[%dma_start3A_330, %dma_start3A_331] : memref<3276800x32xf32, #tpu.memory_space<hbm>> -> memref<3276800x32xf32, #tpu.memory_space<hbm>>
      tpu.enqueue_indirect_dma source(%arg7 : memref<200x32xf32, #tpu.memory_space<vmem>>) target(%dma_start3A_332 : memref<3276800x32xf32, #tpu.memory_space<hbm>>) offsets(%dma_start3A_329 : memref<200xi32, #tpu.memory_space<vmem>>) semaphore(%arg8 : memref<!tpu.dma_semaphore, #tpu.memory_space<semaphore_mem>>)
      %ge3A = arith.constant 8 : i32
      %ge3A_333 = arith.cmpi sge, %scan3A_326, %ge3A : i32
      %convert_element_type3A = arith.extui %ge3A_333 : i1 to i32
      %cond3A = arith.constant 0 : i32
      %cond3A_334 = arith.cmpi ne, %convert_element_type3A, %cond3A : i32
      scf.if %cond3A_334 {
        %sub3A = arith.constant 8 : i32
        %sub3A_335 = arith.subi %scan3A_326, %sub3A : i32
        %dma_wait3A_336 = arith.constant 0 : i32
        %dma_wait3A_337 = tpu.memref_slice %arg5[%sub3A_335, %dma_wait3A_336] : memref<128x200xi32, #tpu.memory_space<vmem>> -> memref<1x200xi32, #tpu.memory_space<vmem>>
        %dma_wait3A_338 = tpu.memref_squeeze %dma_wait3A_337 : memref<1x200xi32, #tpu.memory_space<vmem>> -> memref<200xi32, #tpu.memory_space<vmem>>
        %dma_wait3A_339 = arith.constant 0 : i32
        %dma_wait3A_340 = arith.constant 0 : i32
        %dma_wait3A_341 = tpu.memref_slice %arg4[%dma_wait3A_339, %dma_wait3A_340] : memref<3276800x32xf32, #tpu.memory_space<hbm>> -> memref<3276800x32xf32, #tpu.memory_space<hbm>>
        tpu.wait_indirect_dma semaphore(%arg8 : memref<!tpu.dma_semaphore, #tpu.memory_space<semaphore_mem>>) src(%arg7 : memref<200x32xf32, #tpu.memory_space<vmem>>) dst(%dma_wait3A_341 : memref<3276800x32xf32, #tpu.memory_space<hbm>>)
      } else {
      }
    }
    %scan3A_33 = arith.constant 128 : i32
    %dma_wait3A_34 = arith.constant 120 : i32
    %dma_wait3A_35 = arith.constant 0 : i32
    %dma_wait3A_36 = tpu.memref_slice %arg5[%dma_wait3A_34, %dma_wait3A_35] : memref<128x200xi32, #tpu.memory_space<vmem>> -> memref<1x200xi32, #tpu.memory_space<vmem>>
    %dma_wait3A_37 = tpu.memref_squeeze %dma_wait3A_36 : memref<1x200xi32, #tpu.memory_space<vmem>> -> memref<200xi32, #tpu.memory_space<vmem>>
    %dma_wait3A_38 = arith.constant 0 : i32
    %dma_wait3A_39 = arith.constant 0 : i32
    %dma_wait3A_40 = tpu.memref_slice %arg4[%dma_wait3A_38, %dma_wait3A_39] : memref<3276800x32xf32, #tpu.memory_space<hbm>> -> memref<3276800x32xf32, #tpu.memory_space<hbm>>
    tpu.wait_indirect_dma semaphore(%arg8 : memref<!tpu.dma_semaphore, #tpu.memory_space<semaphore_mem>>) src(%arg7 : memref<200x32xf32, #tpu.memory_space<vmem>>) dst(%dma_wait3A_40 : memref<3276800x32xf32, #tpu.memory_space<hbm>>)
    %dma_wait3A_41 = arith.constant 121 : i32
    %dma_wait3A_42 = arith.constant 0 : i32
    %dma_wait3A_43 = tpu.memref_slice %arg5[%dma_wait3A_41, %dma_wait3A_42] : memref<128x200xi32, #tpu.memory_space<vmem>> -> memref<1x200xi32, #tpu.memory_space<vmem>>
    %dma_wait3A_44 = tpu.memref_squeeze %dma_wait3A_43 : memref<1x200xi32, #tpu.memory_space<vmem>> -> memref<200xi32, #tpu.memory_space<vmem>>
    %dma_wait3A_45 = arith.constant 0 : i32
    %dma_wait3A_46 = arith.constant 0 : i32
    %dma_wait3A_47 = tpu.memref_slice %arg4[%dma_wait3A_45, %dma_wait3A_46] : memref<3276800x32xf32, #tpu.memory_space<hbm>> -> memref<3276800x32xf32, #tpu.memory_space<hbm>>
    tpu.wait_indirect_dma semaphore(%arg8 : memref<!tpu.dma_semaphore, #tpu.memory_space<semaphore_mem>>) src(%arg7 : memref<200x32xf32, #tpu.memory_space<vmem>>) dst(%dma_wait3A_47 : memref<3276800x32xf32, #tpu.memory_space<hbm>>)
    %dma_wait3A_48 = arith.constant 122 : i32
    %dma_wait3A_49 = arith.constant 0 : i32
    %dma_wait3A_50 = tpu.memref_slice %arg5[%dma_wait3A_48, %dma_wait3A_49] : memref<128x200xi32, #tpu.memory_space<vmem>> -> memref<1x200xi32, #tpu.memory_space<vmem>>
    %dma_wait3A_51 = tpu.memref_squeeze %dma_wait3A_50 : memref<1x200xi32, #tpu.memory_space<vmem>> -> memref<200xi32, #tpu.memory_space<vmem>>
    %dma_wait3A_52 = arith.constant 0 : i32
    %dma_wait3A_53 = arith.constant 0 : i32
    %dma_wait3A_54 = tpu.memref_slice %arg4[%dma_wait3A_52, %dma_wait3A_53] : memref<3276800x32xf32, #tpu.memory_space<hbm>> -> memref<3276800x32xf32, #tpu.memory_space<hbm>>
    tpu.wait_indirect_dma semaphore(%arg8 : memref<!tpu.dma_semaphore, #tpu.memory_space<semaphore_mem>>) src(%arg7 : memref<200x32xf32, #tpu.memory_space<vmem>>) dst(%dma_wait3A_54 : memref<3276800x32xf32, #tpu.memory_space<hbm>>)
    %dma_wait3A_55 = arith.constant 123 : i32
    %dma_wait3A_56 = arith.constant 0 : i32
    %dma_wait3A_57 = tpu.memref_slice %arg5[%dma_wait3A_55, %dma_wait3A_56] : memref<128x200xi32, #tpu.memory_space<vmem>> -> memref<1x200xi32, #tpu.memory_space<vmem>>
    %dma_wait3A_58 = tpu.memref_squeeze %dma_wait3A_57 : memref<1x200xi32, #tpu.memory_space<vmem>> -> memref<200xi32, #tpu.memory_space<vmem>>
    %dma_wait3A_59 = arith.constant 0 : i32
    %dma_wait3A_60 = arith.constant 0 : i32
    %dma_wait3A_61 = tpu.memref_slice %arg4[%dma_wait3A_59, %dma_wait3A_60] : memref<3276800x32xf32, #tpu.memory_space<hbm>> -> memref<3276800x32xf32, #tpu.memory_space<hbm>>
    tpu.wait_indirect_dma semaphore(%arg8 : memref<!tpu.dma_semaphore, #tpu.memory_space<semaphore_mem>>) src(%arg7 : memref<200x32xf32, #tpu.memory_space<vmem>>) dst(%dma_wait3A_61 : memref<3276800x32xf32, #tpu.memory_space<hbm>>)
    %dma_wait3A_62 = arith.constant 124 : i32
    %dma_wait3A_63 = arith.constant 0 : i32
    %dma_wait3A_64 = tpu.memref_slice %arg5[%dma_wait3A_62, %dma_wait3A_63] : memref<128x200xi32, #tpu.memory_space<vmem>> -> memref<1x200xi32, #tpu.memory_space<vmem>>
    %dma_wait3A_65 = tpu.memref_squeeze %dma_wait3A_64 : memref<1x200xi32, #tpu.memory_space<vmem>> -> memref<200xi32, #tpu.memory_space<vmem>>
    %dma_wait3A_66 = arith.constant 0 : i32
    %dma_wait3A_67 = arith.constant 0 : i32
    %dma_wait3A_68 = tpu.memref_slice %arg4[%dma_wait3A_66, %dma_wait3A_67] : memref<3276800x32xf32, #tpu.memory_space<hbm>> -> memref<3276800x32xf32, #tpu.memory_space<hbm>>
    tpu.wait_indirect_dma semaphore(%arg8 : memref<!tpu.dma_semaphore, #tpu.memory_space<semaphore_mem>>) src(%arg7 : memref<200x32xf32, #tpu.memory_space<vmem>>) dst(%dma_wait3A_68 : memref<3276800x32xf32, #tpu.memory_space<hbm>>)
    %dma_wait3A_69 = arith.constant 125 : i32
    %dma_wait3A_70 = arith.constant 0 : i32
    %dma_wait3A_71 = tpu.memref_slice %arg5[%dma_wait3A_69, %dma_wait3A_70] : memref<128x200xi32, #tpu.memory_space<vmem>> -> memref<1x200xi32, #tpu.memory_space<vmem>>
    %dma_wait3A_72 = tpu.memref_squeeze %dma_wait3A_71 : memref<1x200xi32, #tpu.memory_space<vmem>> -> memref<200xi32, #tpu.memory_space<vmem>>
    %dma_wait3A_73 = arith.constant 0 : i32
    %dma_wait3A_74 = arith.constant 0 : i32
    %dma_wait3A_75 = tpu.memref_slice %arg4[%dma_wait3A_73, %dma_wait3A_74] : memref<3276800x32xf32, #tpu.memory_space<hbm>> -> memref<3276800x32xf32, #tpu.memory_space<hbm>>
    tpu.wait_indirect_dma semaphore(%arg8 : memref<!tpu.dma_semaphore, #tpu.memory_space<semaphore_mem>>) src(%arg7 : memref<200x32xf32, #tpu.memory_space<vmem>>) dst(%dma_wait3A_75 : memref<3276800x32xf32, #tpu.memory_space<hbm>>)
    %dma_wait3A_76 = arith.constant 126 : i32
    %dma_wait3A_77 = arith.constant 0 : i32
    %dma_wait3A_78 = tpu.memref_slice %arg5[%dma_wait3A_76, %dma_wait3A_77] : memref<128x200xi32, #tpu.memory_space<vmem>> -> memref<1x200xi32, #tpu.memory_space<vmem>>
    %dma_wait3A_79 = tpu.memref_squeeze %dma_wait3A_78 : memref<1x200xi32, #tpu.memory_space<vmem>> -> memref<200xi32, #tpu.memory_space<vmem>>
    %dma_wait3A_80 = arith.constant 0 : i32
    %dma_wait3A_81 = arith.constant 0 : i32
    %dma_wait3A_82 = tpu.memref_slice %arg4[%dma_wait3A_80, %dma_wait3A_81] : memref<3276800x32xf32, #tpu.memory_space<hbm>> -> memref<3276800x32xf32, #tpu.memory_space<hbm>>
    tpu.wait_indirect_dma semaphore(%arg8 : memref<!tpu.dma_semaphore, #tpu.memory_space<semaphore_mem>>) src(%arg7 : memref<200x32xf32, #tpu.memory_space<vmem>>) dst(%dma_wait3A_82 : memref<3276800x32xf32, #tpu.memory_space<hbm>>)
    %dma_wait3A_83 = arith.constant 127 : i32
    %dma_wait3A_84 = arith.constant 0 : i32
    %dma_wait3A_85 = tpu.memref_slice %arg5[%dma_wait3A_83, %dma_wait3A_84] : memref<128x200xi32, #tpu.memory_space<vmem>> -> memref<1x200xi32, #tpu.memory_space<vmem>>
    %dma_wait3A_86 = tpu.memref_squeeze %dma_wait3A_85 : memref<1x200xi32, #tpu.memory_space<vmem>> -> memref<200xi32, #tpu.memory_space<vmem>>
    %dma_wait3A_87 = arith.constant 0 : i32
    %dma_wait3A_88 = arith.constant 0 : i32
    %dma_wait3A_89 = tpu.memref_slice %arg4[%dma_wait3A_87, %dma_wait3A_88] : memref<3276800x32xf32, #tpu.memory_space<hbm>> -> memref<3276800x32xf32, #tpu.memory_space<hbm>>
    tpu.wait_indirect_dma semaphore(%arg8 : memref<!tpu.dma_semaphore, #tpu.memory_space<semaphore_mem>>) src(%arg7 : memref<200x32xf32, #tpu.memory_space<vmem>>) dst(%dma_wait3A_89 : memref<3276800x32xf32, #tpu.memory_space<hbm>>)
    %mul3A_90 = arith.constant 4 : i32
    %mul3A_91 = arith.muli %add3A, %mul3A_90 : i32
    %add3A_92 = arith.constant 1 : i32
    %add3A_93 = arith.addi %mul3A_91, %add3A_92 : i32
    %mul3A_94 = arith.constant 128 : i32
    %mul3A_95 = arith.muli %add3A_93, %mul3A_94 : i32
    %dma_wait3A_96 = arith.constant 0 : i32
    %dma_wait3A_97 = tpu.memref_slice %arg2[%mul3A_95, %dma_wait3A_96] : memref<16384x200xi32, #tpu.memory_space<hbm>> -> memref<128x200xi32, #tpu.memory_space<hbm>>
    %dma_wait3A_98 = arith.constant 0 : i32
    %dma_wait3A_99 = tpu.memref_slice %arg2[%mul3A_95, %dma_wait3A_98] : memref<16384x200xi32, #tpu.memory_space<hbm>> -> memref<128x200xi32, #tpu.memory_space<hbm>>
    tpu.wait_dma2 semaphore(%arg9 : memref<!tpu.dma_semaphore, #tpu.memory_space<semaphore_mem>>) src(%dma_wait3A_99 : memref<128x200xi32, #tpu.memory_space<hbm>>) dst(%arg6 : memref<128x200xi32, #tpu.memory_space<vmem>>)
    %mul3A_100 = arith.constant 4 : i32
    %mul3A_101 = arith.muli %add3A, %mul3A_100 : i32
    %add3A_102 = arith.constant 2 : i32
    %add3A_103 = arith.addi %mul3A_101, %add3A_102 : i32
    %mul3A_104 = arith.constant 128 : i32
    %mul3A_105 = arith.muli %add3A_103, %mul3A_104 : i32
    %dma_start3A_106 = arith.constant 0 : i32
    %dma_start3A_107 = tpu.memref_slice %arg2[%mul3A_105, %dma_start3A_106] : memref<16384x200xi32, #tpu.memory_space<hbm>> -> memref<128x200xi32, #tpu.memory_space<hbm>>
    %dma_start3A_108 = arith.constant 0 : i32
    %dma_start3A_109 = tpu.memref_slice %arg2[%mul3A_105, %dma_start3A_108] : memref<16384x200xi32, #tpu.memory_space<hbm>> -> memref<128x200xi32, #tpu.memory_space<hbm>>
    tpu.enqueue_dma source(%dma_start3A_109 : memref<128x200xi32, #tpu.memory_space<hbm>>) target(%arg5 : memref<128x200xi32, #tpu.memory_space<vmem>>) target_semaphore(%arg9 : memref<!tpu.dma_semaphore, #tpu.memory_space<semaphore_mem>>)
    %scan3A_110 = arith.constant 0 : i32
    %scan3A_111 = arith.constant 0 : i32
    %scan3A_112 = arith.constant 128 : i32
    %scan3A_113 = arith.addi %scan3A_111, %scan3A_112 : i32
    %scan3A_114 = arith.constant 1 : i32
    scf.for %scan3A_326 = %scan3A_111 to %scan3A_113 step %scan3A_114  : i32 {
      %dma_start3A_327 = arith.constant 0 : i32
      %dma_start3A_328 = tpu.memref_slice %arg6[%scan3A_326, %dma_start3A_327] : memref<128x200xi32, #tpu.memory_space<vmem>> -> memref<1x200xi32, #tpu.memory_space<vmem>>
      %dma_start3A_329 = tpu.memref_squeeze %dma_start3A_328 : memref<1x200xi32, #tpu.memory_space<vmem>> -> memref<200xi32, #tpu.memory_space<vmem>>
      %dma_start3A_330 = arith.constant 0 : i32
      %dma_start3A_331 = arith.constant 0 : i32
      %dma_start3A_332 = tpu.memref_slice %arg4[%dma_start3A_330, %dma_start3A_331] : memref<3276800x32xf32, #tpu.memory_space<hbm>> -> memref<3276800x32xf32, #tpu.memory_space<hbm>>
      tpu.enqueue_indirect_dma source(%arg7 : memref<200x32xf32, #tpu.memory_space<vmem>>) target(%dma_start3A_332 : memref<3276800x32xf32, #tpu.memory_space<hbm>>) offsets(%dma_start3A_329 : memref<200xi32, #tpu.memory_space<vmem>>) semaphore(%arg8 : memref<!tpu.dma_semaphore, #tpu.memory_space<semaphore_mem>>)
      %ge3A = arith.constant 8 : i32
      %ge3A_333 = arith.cmpi sge, %scan3A_326, %ge3A : i32
      %convert_element_type3A = arith.extui %ge3A_333 : i1 to i32
      %cond3A = arith.constant 0 : i32
      %cond3A_334 = arith.cmpi ne, %convert_element_type3A, %cond3A : i32
      scf.if %cond3A_334 {
        %sub3A = arith.constant 8 : i32
        %sub3A_335 = arith.subi %scan3A_326, %sub3A : i32
        %dma_wait3A_336 = arith.constant 0 : i32
        %dma_wait3A_337 = tpu.memref_slice %arg6[%sub3A_335, %dma_wait3A_336] : memref<128x200xi32, #tpu.memory_space<vmem>> -> memref<1x200xi32, #tpu.memory_space<vmem>>
        %dma_wait3A_338 = tpu.memref_squeeze %dma_wait3A_337 : memref<1x200xi32, #tpu.memory_space<vmem>> -> memref<200xi32, #tpu.memory_space<vmem>>
        %dma_wait3A_339 = arith.constant 0 : i32
        %dma_wait3A_340 = arith.constant 0 : i32
        %dma_wait3A_341 = tpu.memref_slice %arg4[%dma_wait3A_339, %dma_wait3A_340] : memref<3276800x32xf32, #tpu.memory_space<hbm>> -> memref<3276800x32xf32, #tpu.memory_space<hbm>>
        tpu.wait_indirect_dma semaphore(%arg8 : memref<!tpu.dma_semaphore, #tpu.memory_space<semaphore_mem>>) src(%arg7 : memref<200x32xf32, #tpu.memory_space<vmem>>) dst(%dma_wait3A_341 : memref<3276800x32xf32, #tpu.memory_space<hbm>>)
      } else {
      }
    }
    %scan3A_115 = arith.constant 128 : i32
    %dma_wait3A_116 = arith.constant 120 : i32
    %dma_wait3A_117 = arith.constant 0 : i32
    %dma_wait3A_118 = tpu.memref_slice %arg6[%dma_wait3A_116, %dma_wait3A_117] : memref<128x200xi32, #tpu.memory_space<vmem>> -> memref<1x200xi32, #tpu.memory_space<vmem>>
    %dma_wait3A_119 = tpu.memref_squeeze %dma_wait3A_118 : memref<1x200xi32, #tpu.memory_space<vmem>> -> memref<200xi32, #tpu.memory_space<vmem>>
    %dma_wait3A_120 = arith.constant 0 : i32
    %dma_wait3A_121 = arith.constant 0 : i32
    %dma_wait3A_122 = tpu.memref_slice %arg4[%dma_wait3A_120, %dma_wait3A_121] : memref<3276800x32xf32, #tpu.memory_space<hbm>> -> memref<3276800x32xf32, #tpu.memory_space<hbm>>
    tpu.wait_indirect_dma semaphore(%arg8 : memref<!tpu.dma_semaphore, #tpu.memory_space<semaphore_mem>>) src(%arg7 : memref<200x32xf32, #tpu.memory_space<vmem>>) dst(%dma_wait3A_122 : memref<3276800x32xf32, #tpu.memory_space<hbm>>)
    %dma_wait3A_123 = arith.constant 121 : i32
    %dma_wait3A_124 = arith.constant 0 : i32
    %dma_wait3A_125 = tpu.memref_slice %arg6[%dma_wait3A_123, %dma_wait3A_124] : memref<128x200xi32, #tpu.memory_space<vmem>> -> memref<1x200xi32, #tpu.memory_space<vmem>>
    %dma_wait3A_126 = tpu.memref_squeeze %dma_wait3A_125 : memref<1x200xi32, #tpu.memory_space<vmem>> -> memref<200xi32, #tpu.memory_space<vmem>>
    %dma_wait3A_127 = arith.constant 0 : i32
    %dma_wait3A_128 = arith.constant 0 : i32
    %dma_wait3A_129 = tpu.memref_slice %arg4[%dma_wait3A_127, %dma_wait3A_128] : memref<3276800x32xf32, #tpu.memory_space<hbm>> -> memref<3276800x32xf32, #tpu.memory_space<hbm>>
    tpu.wait_indirect_dma semaphore(%arg8 : memref<!tpu.dma_semaphore, #tpu.memory_space<semaphore_mem>>) src(%arg7 : memref<200x32xf32, #tpu.memory_space<vmem>>) dst(%dma_wait3A_129 : memref<3276800x32xf32, #tpu.memory_space<hbm>>)
    %dma_wait3A_130 = arith.constant 122 : i32
    %dma_wait3A_131 = arith.constant 0 : i32
    %dma_wait3A_132 = tpu.memref_slice %arg6[%dma_wait3A_130, %dma_wait3A_131] : memref<128x200xi32, #tpu.memory_space<vmem>> -> memref<1x200xi32, #tpu.memory_space<vmem>>
    %dma_wait3A_133 = tpu.memref_squeeze %dma_wait3A_132 : memref<1x200xi32, #tpu.memory_space<vmem>> -> memref<200xi32, #tpu.memory_space<vmem>>
    %dma_wait3A_134 = arith.constant 0 : i32
    %dma_wait3A_135 = arith.constant 0 : i32
    %dma_wait3A_136 = tpu.memref_slice %arg4[%dma_wait3A_134, %dma_wait3A_135] : memref<3276800x32xf32, #tpu.memory_space<hbm>> -> memref<3276800x32xf32, #tpu.memory_space<hbm>>
    tpu.wait_indirect_dma semaphore(%arg8 : memref<!tpu.dma_semaphore, #tpu.memory_space<semaphore_mem>>) src(%arg7 : memref<200x32xf32, #tpu.memory_space<vmem>>) dst(%dma_wait3A_136 : memref<3276800x32xf32, #tpu.memory_space<hbm>>)
    %dma_wait3A_137 = arith.constant 123 : i32
    %dma_wait3A_138 = arith.constant 0 : i32
    %dma_wait3A_139 = tpu.memref_slice %arg6[%dma_wait3A_137, %dma_wait3A_138] : memref<128x200xi32, #tpu.memory_space<vmem>> -> memref<1x200xi32, #tpu.memory_space<vmem>>
    %dma_wait3A_140 = tpu.memref_squeeze %dma_wait3A_139 : memref<1x200xi32, #tpu.memory_space<vmem>> -> memref<200xi32, #tpu.memory_space<vmem>>
    %dma_wait3A_141 = arith.constant 0 : i32
    %dma_wait3A_142 = arith.constant 0 : i32
    %dma_wait3A_143 = tpu.memref_slice %arg4[%dma_wait3A_141, %dma_wait3A_142] : memref<3276800x32xf32, #tpu.memory_space<hbm>> -> memref<3276800x32xf32, #tpu.memory_space<hbm>>
    tpu.wait_indirect_dma semaphore(%arg8 : memref<!tpu.dma_semaphore, #tpu.memory_space<semaphore_mem>>) src(%arg7 : memref<200x32xf32, #tpu.memory_space<vmem>>) dst(%dma_wait3A_143 : memref<3276800x32xf32, #tpu.memory_space<hbm>>)
    %dma_wait3A_144 = arith.constant 124 : i32
    %dma_wait3A_145 = arith.constant 0 : i32
    %dma_wait3A_146 = tpu.memref_slice %arg6[%dma_wait3A_144, %dma_wait3A_145] : memref<128x200xi32, #tpu.memory_space<vmem>> -> memref<1x200xi32, #tpu.memory_space<vmem>>
    %dma_wait3A_147 = tpu.memref_squeeze %dma_wait3A_146 : memref<1x200xi32, #tpu.memory_space<vmem>> -> memref<200xi32, #tpu.memory_space<vmem>>
    %dma_wait3A_148 = arith.constant 0 : i32
    %dma_wait3A_149 = arith.constant 0 : i32
    %dma_wait3A_150 = tpu.memref_slice %arg4[%dma_wait3A_148, %dma_wait3A_149] : memref<3276800x32xf32, #tpu.memory_space<hbm>> -> memref<3276800x32xf32, #tpu.memory_space<hbm>>
    tpu.wait_indirect_dma semaphore(%arg8 : memref<!tpu.dma_semaphore, #tpu.memory_space<semaphore_mem>>) src(%arg7 : memref<200x32xf32, #tpu.memory_space<vmem>>) dst(%dma_wait3A_150 : memref<3276800x32xf32, #tpu.memory_space<hbm>>)
    %dma_wait3A_151 = arith.constant 125 : i32
    %dma_wait3A_152 = arith.constant 0 : i32
    %dma_wait3A_153 = tpu.memref_slice %arg6[%dma_wait3A_151, %dma_wait3A_152] : memref<128x200xi32, #tpu.memory_space<vmem>> -> memref<1x200xi32, #tpu.memory_space<vmem>>
    %dma_wait3A_154 = tpu.memref_squeeze %dma_wait3A_153 : memref<1x200xi32, #tpu.memory_space<vmem>> -> memref<200xi32, #tpu.memory_space<vmem>>
    %dma_wait3A_155 = arith.constant 0 : i32
    %dma_wait3A_156 = arith.constant 0 : i32
    %dma_wait3A_157 = tpu.memref_slice %arg4[%dma_wait3A_155, %dma_wait3A_156] : memref<3276800x32xf32, #tpu.memory_space<hbm>> -> memref<3276800x32xf32, #tpu.memory_space<hbm>>
    tpu.wait_indirect_dma semaphore(%arg8 : memref<!tpu.dma_semaphore, #tpu.memory_space<semaphore_mem>>) src(%arg7 : memref<200x32xf32, #tpu.memory_space<vmem>>) dst(%dma_wait3A_157 : memref<3276800x32xf32, #tpu.memory_space<hbm>>)
    %dma_wait3A_158 = arith.constant 126 : i32
    %dma_wait3A_159 = arith.constant 0 : i32
    %dma_wait3A_160 = tpu.memref_slice %arg6[%dma_wait3A_158, %dma_wait3A_159] : memref<128x200xi32, #tpu.memory_space<vmem>> -> memref<1x200xi32, #tpu.memory_space<vmem>>
    %dma_wait3A_161 = tpu.memref_squeeze %dma_wait3A_160 : memref<1x200xi32, #tpu.memory_space<vmem>> -> memref<200xi32, #tpu.memory_space<vmem>>
    %dma_wait3A_162 = arith.constant 0 : i32
    %dma_wait3A_163 = arith.constant 0 : i32
    %dma_wait3A_164 = tpu.memref_slice %arg4[%dma_wait3A_162, %dma_wait3A_163] : memref<3276800x32xf32, #tpu.memory_space<hbm>> -> memref<3276800x32xf32, #tpu.memory_space<hbm>>
    tpu.wait_indirect_dma semaphore(%arg8 : memref<!tpu.dma_semaphore, #tpu.memory_space<semaphore_mem>>) src(%arg7 : memref<200x32xf32, #tpu.memory_space<vmem>>) dst(%dma_wait3A_164 : memref<3276800x32xf32, #tpu.memory_space<hbm>>)
    %dma_wait3A_165 = arith.constant 127 : i32
    %dma_wait3A_166 = arith.constant 0 : i32
    %dma_wait3A_167 = tpu.memref_slice %arg6[%dma_wait3A_165, %dma_wait3A_166] : memref<128x200xi32, #tpu.memory_space<vmem>> -> memref<1x200xi32, #tpu.memory_space<vmem>>
    %dma_wait3A_168 = tpu.memref_squeeze %dma_wait3A_167 : memref<1x200xi32, #tpu.memory_space<vmem>> -> memref<200xi32, #tpu.memory_space<vmem>>
    %dma_wait3A_169 = arith.constant 0 : i32
    %dma_wait3A_170 = arith.constant 0 : i32
    %dma_wait3A_171 = tpu.memref_slice %arg4[%dma_wait3A_169, %dma_wait3A_170] : memref<3276800x32xf32, #tpu.memory_space<hbm>> -> memref<3276800x32xf32, #tpu.memory_space<hbm>>
    tpu.wait_indirect_dma semaphore(%arg8 : memref<!tpu.dma_semaphore, #tpu.memory_space<semaphore_mem>>) src(%arg7 : memref<200x32xf32, #tpu.memory_space<vmem>>) dst(%dma_wait3A_171 : memref<3276800x32xf32, #tpu.memory_space<hbm>>)
    %mul3A_172 = arith.constant 4 : i32
    %mul3A_173 = arith.muli %add3A, %mul3A_172 : i32
    %add3A_174 = arith.constant 2 : i32
    %add3A_175 = arith.addi %mul3A_173, %add3A_174 : i32
    %mul3A_176 = arith.constant 128 : i32
    %mul3A_177 = arith.muli %add3A_175, %mul3A_176 : i32
    %dma_wait3A_178 = arith.constant 0 : i32
    %dma_wait3A_179 = tpu.memref_slice %arg2[%mul3A_177, %dma_wait3A_178] : memref<16384x200xi32, #tpu.memory_space<hbm>> -> memref<128x200xi32, #tpu.memory_space<hbm>>
    %dma_wait3A_180 = arith.constant 0 : i32
    %dma_wait3A_181 = tpu.memref_slice %arg2[%mul3A_177, %dma_wait3A_180] : memref<16384x200xi32, #tpu.memory_space<hbm>> -> memref<128x200xi32, #tpu.memory_space<hbm>>
    tpu.wait_dma2 semaphore(%arg9 : memref<!tpu.dma_semaphore, #tpu.memory_space<semaphore_mem>>) src(%dma_wait3A_181 : memref<128x200xi32, #tpu.memory_space<hbm>>) dst(%arg5 : memref<128x200xi32, #tpu.memory_space<vmem>>)
    %mul3A_182 = arith.constant 4 : i32
    %mul3A_183 = arith.muli %add3A, %mul3A_182 : i32
    %add3A_184 = arith.constant 3 : i32
    %add3A_185 = arith.addi %mul3A_183, %add3A_184 : i32
    %mul3A_186 = arith.constant 128 : i32
    %mul3A_187 = arith.muli %add3A_185, %mul3A_186 : i32
    %dma_start3A_188 = arith.constant 0 : i32
    %dma_start3A_189 = tpu.memref_slice %arg2[%mul3A_187, %dma_start3A_188] : memref<16384x200xi32, #tpu.memory_space<hbm>> -> memref<128x200xi32, #tpu.memory_space<hbm>>
    %dma_start3A_190 = arith.constant 0 : i32
    %dma_start3A_191 = tpu.memref_slice %arg2[%mul3A_187, %dma_start3A_190] : memref<16384x200xi32, #tpu.memory_space<hbm>> -> memref<128x200xi32, #tpu.memory_space<hbm>>
    tpu.enqueue_dma source(%dma_start3A_191 : memref<128x200xi32, #tpu.memory_space<hbm>>) target(%arg6 : memref<128x200xi32, #tpu.memory_space<vmem>>) target_semaphore(%arg9 : memref<!tpu.dma_semaphore, #tpu.memory_space<semaphore_mem>>)
    %scan3A_192 = arith.constant 0 : i32
    %scan3A_193 = arith.constant 0 : i32
    %scan3A_194 = arith.constant 128 : i32
    %scan3A_195 = arith.addi %scan3A_193, %scan3A_194 : i32
    %scan3A_196 = arith.constant 1 : i32
    scf.for %scan3A_326 = %scan3A_193 to %scan3A_195 step %scan3A_196  : i32 {
      %dma_start3A_327 = arith.constant 0 : i32
      %dma_start3A_328 = tpu.memref_slice %arg5[%scan3A_326, %dma_start3A_327] : memref<128x200xi32, #tpu.memory_space<vmem>> -> memref<1x200xi32, #tpu.memory_space<vmem>>
      %dma_start3A_329 = tpu.memref_squeeze %dma_start3A_328 : memref<1x200xi32, #tpu.memory_space<vmem>> -> memref<200xi32, #tpu.memory_space<vmem>>
      %dma_start3A_330 = arith.constant 0 : i32
      %dma_start3A_331 = arith.constant 0 : i32
      %dma_start3A_332 = tpu.memref_slice %arg4[%dma_start3A_330, %dma_start3A_331] : memref<3276800x32xf32, #tpu.memory_space<hbm>> -> memref<3276800x32xf32, #tpu.memory_space<hbm>>
      tpu.enqueue_indirect_dma source(%arg7 : memref<200x32xf32, #tpu.memory_space<vmem>>) target(%dma_start3A_332 : memref<3276800x32xf32, #tpu.memory_space<hbm>>) offsets(%dma_start3A_329 : memref<200xi32, #tpu.memory_space<vmem>>) semaphore(%arg8 : memref<!tpu.dma_semaphore, #tpu.memory_space<semaphore_mem>>)
      %ge3A = arith.constant 8 : i32
      %ge3A_333 = arith.cmpi sge, %scan3A_326, %ge3A : i32
      %convert_element_type3A = arith.extui %ge3A_333 : i1 to i32
      %cond3A = arith.constant 0 : i32
      %cond3A_334 = arith.cmpi ne, %convert_element_type3A, %cond3A : i32
      scf.if %cond3A_334 {
        %sub3A = arith.constant 8 : i32
        %sub3A_335 = arith.subi %scan3A_326, %sub3A : i32
        %dma_wait3A_336 = arith.constant 0 : i32
        %dma_wait3A_337 = tpu.memref_slice %arg5[%sub3A_335, %dma_wait3A_336] : memref<128x200xi32, #tpu.memory_space<vmem>> -> memref<1x200xi32, #tpu.memory_space<vmem>>
        %dma_wait3A_338 = tpu.memref_squeeze %dma_wait3A_337 : memref<1x200xi32, #tpu.memory_space<vmem>> -> memref<200xi32, #tpu.memory_space<vmem>>
        %dma_wait3A_339 = arith.constant 0 : i32
        %dma_wait3A_340 = arith.constant 0 : i32
        %dma_wait3A_341 = tpu.memref_slice %arg4[%dma_wait3A_339, %dma_wait3A_340] : memref<3276800x32xf32, #tpu.memory_space<hbm>> -> memref<3276800x32xf32, #tpu.memory_space<hbm>>
        tpu.wait_indirect_dma semaphore(%arg8 : memref<!tpu.dma_semaphore, #tpu.memory_space<semaphore_mem>>) src(%arg7 : memref<200x32xf32, #tpu.memory_space<vmem>>) dst(%dma_wait3A_341 : memref<3276800x32xf32, #tpu.memory_space<hbm>>)
      } else {
      }
    }
    %scan3A_197 = arith.constant 128 : i32
    %dma_wait3A_198 = arith.constant 120 : i32
    %dma_wait3A_199 = arith.constant 0 : i32
    %dma_wait3A_200 = tpu.memref_slice %arg5[%dma_wait3A_198, %dma_wait3A_199] : memref<128x200xi32, #tpu.memory_space<vmem>> -> memref<1x200xi32, #tpu.memory_space<vmem>>
    %dma_wait3A_201 = tpu.memref_squeeze %dma_wait3A_200 : memref<1x200xi32, #tpu.memory_space<vmem>> -> memref<200xi32, #tpu.memory_space<vmem>>
    %dma_wait3A_202 = arith.constant 0 : i32
    %dma_wait3A_203 = arith.constant 0 : i32
    %dma_wait3A_204 = tpu.memref_slice %arg4[%dma_wait3A_202, %dma_wait3A_203] : memref<3276800x32xf32, #tpu.memory_space<hbm>> -> memref<3276800x32xf32, #tpu.memory_space<hbm>>
    tpu.wait_indirect_dma semaphore(%arg8 : memref<!tpu.dma_semaphore, #tpu.memory_space<semaphore_mem>>) src(%arg7 : memref<200x32xf32, #tpu.memory_space<vmem>>) dst(%dma_wait3A_204 : memref<3276800x32xf32, #tpu.memory_space<hbm>>)
    %dma_wait3A_205 = arith.constant 121 : i32
    %dma_wait3A_206 = arith.constant 0 : i32
    %dma_wait3A_207 = tpu.memref_slice %arg5[%dma_wait3A_205, %dma_wait3A_206] : memref<128x200xi32, #tpu.memory_space<vmem>> -> memref<1x200xi32, #tpu.memory_space<vmem>>
    %dma_wait3A_208 = tpu.memref_squeeze %dma_wait3A_207 : memref<1x200xi32, #tpu.memory_space<vmem>> -> memref<200xi32, #tpu.memory_space<vmem>>
    %dma_wait3A_209 = arith.constant 0 : i32
    %dma_wait3A_210 = arith.constant 0 : i32
    %dma_wait3A_211 = tpu.memref_slice %arg4[%dma_wait3A_209, %dma_wait3A_210] : memref<3276800x32xf32, #tpu.memory_space<hbm>> -> memref<3276800x32xf32, #tpu.memory_space<hbm>>
    tpu.wait_indirect_dma semaphore(%arg8 : memref<!tpu.dma_semaphore, #tpu.memory_space<semaphore_mem>>) src(%arg7 : memref<200x32xf32, #tpu.memory_space<vmem>>) dst(%dma_wait3A_211 : memref<3276800x32xf32, #tpu.memory_space<hbm>>)
    %dma_wait3A_212 = arith.constant 122 : i32
    %dma_wait3A_213 = arith.constant 0 : i32
    %dma_wait3A_214 = tpu.memref_slice %arg5[%dma_wait3A_212, %dma_wait3A_213] : memref<128x200xi32, #tpu.memory_space<vmem>> -> memref<1x200xi32, #tpu.memory_space<vmem>>
    %dma_wait3A_215 = tpu.memref_squeeze %dma_wait3A_214 : memref<1x200xi32, #tpu.memory_space<vmem>> -> memref<200xi32, #tpu.memory_space<vmem>>
    %dma_wait3A_216 = arith.constant 0 : i32
    %dma_wait3A_217 = arith.constant 0 : i32
    %dma_wait3A_218 = tpu.memref_slice %arg4[%dma_wait3A_216, %dma_wait3A_217] : memref<3276800x32xf32, #tpu.memory_space<hbm>> -> memref<3276800x32xf32, #tpu.memory_space<hbm>>
    tpu.wait_indirect_dma semaphore(%arg8 : memref<!tpu.dma_semaphore, #tpu.memory_space<semaphore_mem>>) src(%arg7 : memref<200x32xf32, #tpu.memory_space<vmem>>) dst(%dma_wait3A_218 : memref<3276800x32xf32, #tpu.memory_space<hbm>>)
    %dma_wait3A_219 = arith.constant 123 : i32
    %dma_wait3A_220 = arith.constant 0 : i32
    %dma_wait3A_221 = tpu.memref_slice %arg5[%dma_wait3A_219, %dma_wait3A_220] : memref<128x200xi32, #tpu.memory_space<vmem>> -> memref<1x200xi32, #tpu.memory_space<vmem>>
    %dma_wait3A_222 = tpu.memref_squeeze %dma_wait3A_221 : memref<1x200xi32, #tpu.memory_space<vmem>> -> memref<200xi32, #tpu.memory_space<vmem>>
    %dma_wait3A_223 = arith.constant 0 : i32
    %dma_wait3A_224 = arith.constant 0 : i32
    %dma_wait3A_225 = tpu.memref_slice %arg4[%dma_wait3A_223, %dma_wait3A_224] : memref<3276800x32xf32, #tpu.memory_space<hbm>> -> memref<3276800x32xf32, #tpu.memory_space<hbm>>
    tpu.wait_indirect_dma semaphore(%arg8 : memref<!tpu.dma_semaphore, #tpu.memory_space<semaphore_mem>>) src(%arg7 : memref<200x32xf32, #tpu.memory_space<vmem>>) dst(%dma_wait3A_225 : memref<3276800x32xf32, #tpu.memory_space<hbm>>)
    %dma_wait3A_226 = arith.constant 124 : i32
    %dma_wait3A_227 = arith.constant 0 : i32
    %dma_wait3A_228 = tpu.memref_slice %arg5[%dma_wait3A_226, %dma_wait3A_227] : memref<128x200xi32, #tpu.memory_space<vmem>> -> memref<1x200xi32, #tpu.memory_space<vmem>>
    %dma_wait3A_229 = tpu.memref_squeeze %dma_wait3A_228 : memref<1x200xi32, #tpu.memory_space<vmem>> -> memref<200xi32, #tpu.memory_space<vmem>>
    %dma_wait3A_230 = arith.constant 0 : i32
    %dma_wait3A_231 = arith.constant 0 : i32
    %dma_wait3A_232 = tpu.memref_slice %arg4[%dma_wait3A_230, %dma_wait3A_231] : memref<3276800x32xf32, #tpu.memory_space<hbm>> -> memref<3276800x32xf32, #tpu.memory_space<hbm>>
    tpu.wait_indirect_dma semaphore(%arg8 : memref<!tpu.dma_semaphore, #tpu.memory_space<semaphore_mem>>) src(%arg7 : memref<200x32xf32, #tpu.memory_space<vmem>>) dst(%dma_wait3A_232 : memref<3276800x32xf32, #tpu.memory_space<hbm>>)
    %dma_wait3A_233 = arith.constant 125 : i32
    %dma_wait3A_234 = arith.constant 0 : i32
    %dma_wait3A_235 = tpu.memref_slice %arg5[%dma_wait3A_233, %dma_wait3A_234] : memref<128x200xi32, #tpu.memory_space<vmem>> -> memref<1x200xi32, #tpu.memory_space<vmem>>
    %dma_wait3A_236 = tpu.memref_squeeze %dma_wait3A_235 : memref<1x200xi32, #tpu.memory_space<vmem>> -> memref<200xi32, #tpu.memory_space<vmem>>
    %dma_wait3A_237 = arith.constant 0 : i32
    %dma_wait3A_238 = arith.constant 0 : i32
    %dma_wait3A_239 = tpu.memref_slice %arg4[%dma_wait3A_237, %dma_wait3A_238] : memref<3276800x32xf32, #tpu.memory_space<hbm>> -> memref<3276800x32xf32, #tpu.memory_space<hbm>>
    tpu.wait_indirect_dma semaphore(%arg8 : memref<!tpu.dma_semaphore, #tpu.memory_space<semaphore_mem>>) src(%arg7 : memref<200x32xf32, #tpu.memory_space<vmem>>) dst(%dma_wait3A_239 : memref<3276800x32xf32, #tpu.memory_space<hbm>>)
    %dma_wait3A_240 = arith.constant 126 : i32
    %dma_wait3A_241 = arith.constant 0 : i32
    %dma_wait3A_242 = tpu.memref_slice %arg5[%dma_wait3A_240, %dma_wait3A_241] : memref<128x200xi32, #tpu.memory_space<vmem>> -> memref<1x200xi32, #tpu.memory_space<vmem>>
    %dma_wait3A_243 = tpu.memref_squeeze %dma_wait3A_242 : memref<1x200xi32, #tpu.memory_space<vmem>> -> memref<200xi32, #tpu.memory_space<vmem>>
    %dma_wait3A_244 = arith.constant 0 : i32
    %dma_wait3A_245 = arith.constant 0 : i32
    %dma_wait3A_246 = tpu.memref_slice %arg4[%dma_wait3A_244, %dma_wait3A_245] : memref<3276800x32xf32, #tpu.memory_space<hbm>> -> memref<3276800x32xf32, #tpu.memory_space<hbm>>
    tpu.wait_indirect_dma semaphore(%arg8 : memref<!tpu.dma_semaphore, #tpu.memory_space<semaphore_mem>>) src(%arg7 : memref<200x32xf32, #tpu.memory_space<vmem>>) dst(%dma_wait3A_246 : memref<3276800x32xf32, #tpu.memory_space<hbm>>)
    %dma_wait3A_247 = arith.constant 127 : i32
    %dma_wait3A_248 = arith.constant 0 : i32
    %dma_wait3A_249 = tpu.memref_slice %arg5[%dma_wait3A_247, %dma_wait3A_248] : memref<128x200xi32, #tpu.memory_space<vmem>> -> memref<1x200xi32, #tpu.memory_space<vmem>>
    %dma_wait3A_250 = tpu.memref_squeeze %dma_wait3A_249 : memref<1x200xi32, #tpu.memory_space<vmem>> -> memref<200xi32, #tpu.memory_space<vmem>>
    %dma_wait3A_251 = arith.constant 0 : i32
    %dma_wait3A_252 = arith.constant 0 : i32
    %dma_wait3A_253 = tpu.memref_slice %arg4[%dma_wait3A_251, %dma_wait3A_252] : memref<3276800x32xf32, #tpu.memory_space<hbm>> -> memref<3276800x32xf32, #tpu.memory_space<hbm>>
    tpu.wait_indirect_dma semaphore(%arg8 : memref<!tpu.dma_semaphore, #tpu.memory_space<semaphore_mem>>) src(%arg7 : memref<200x32xf32, #tpu.memory_space<vmem>>) dst(%dma_wait3A_253 : memref<3276800x32xf32, #tpu.memory_space<hbm>>)
    %mul3A_254 = arith.constant 4 : i32
    %mul3A_255 = arith.muli %add3A, %mul3A_254 : i32
    %add3A_256 = arith.constant 3 : i32
    %add3A_257 = arith.addi %mul3A_255, %add3A_256 : i32
    %mul3A_258 = arith.constant 128 : i32
    %mul3A_259 = arith.muli %add3A_257, %mul3A_258 : i32
    %dma_wait3A_260 = arith.constant 0 : i32
    %dma_wait3A_261 = tpu.memref_slice %arg2[%mul3A_259, %dma_wait3A_260] : memref<16384x200xi32, #tpu.memory_space<hbm>> -> memref<128x200xi32, #tpu.memory_space<hbm>>
    %dma_wait3A_262 = arith.constant 0 : i32
    %dma_wait3A_263 = tpu.memref_slice %arg2[%mul3A_259, %dma_wait3A_262] : memref<16384x200xi32, #tpu.memory_space<hbm>> -> memref<128x200xi32, #tpu.memory_space<hbm>>
    tpu.wait_dma2 semaphore(%arg9 : memref<!tpu.dma_semaphore, #tpu.memory_space<semaphore_mem>>) src(%dma_wait3A_263 : memref<128x200xi32, #tpu.memory_space<hbm>>) dst(%arg6 : memref<128x200xi32, #tpu.memory_space<vmem>>)
    %scan3A_264 = arith.constant 0 : i32
    %scan3A_265 = arith.constant 0 : i32
    %scan3A_266 = arith.constant 128 : i32
    %scan3A_267 = arith.addi %scan3A_265, %scan3A_266 : i32
    %scan3A_268 = arith.constant 1 : i32
    scf.for %scan3A_326 = %scan3A_265 to %scan3A_267 step %scan3A_268  : i32 {
      %dma_start3A_327 = arith.constant 0 : i32
      %dma_start3A_328 = tpu.memref_slice %arg6[%scan3A_326, %dma_start3A_327] : memref<128x200xi32, #tpu.memory_space<vmem>> -> memref<1x200xi32, #tpu.memory_space<vmem>>
      %dma_start3A_329 = tpu.memref_squeeze %dma_start3A_328 : memref<1x200xi32, #tpu.memory_space<vmem>> -> memref<200xi32, #tpu.memory_space<vmem>>
      %dma_start3A_330 = arith.constant 0 : i32
      %dma_start3A_331 = arith.constant 0 : i32
      %dma_start3A_332 = tpu.memref_slice %arg4[%dma_start3A_330, %dma_start3A_331] : memref<3276800x32xf32, #tpu.memory_space<hbm>> -> memref<3276800x32xf32, #tpu.memory_space<hbm>>
      tpu.enqueue_indirect_dma source(%arg7 : memref<200x32xf32, #tpu.memory_space<vmem>>) target(%dma_start3A_332 : memref<3276800x32xf32, #tpu.memory_space<hbm>>) offsets(%dma_start3A_329 : memref<200xi32, #tpu.memory_space<vmem>>) semaphore(%arg8 : memref<!tpu.dma_semaphore, #tpu.memory_space<semaphore_mem>>)
      %ge3A = arith.constant 8 : i32
      %ge3A_333 = arith.cmpi sge, %scan3A_326, %ge3A : i32
      %convert_element_type3A = arith.extui %ge3A_333 : i1 to i32
      %cond3A = arith.constant 0 : i32
      %cond3A_334 = arith.cmpi ne, %convert_element_type3A, %cond3A : i32
      scf.if %cond3A_334 {
        %sub3A = arith.constant 8 : i32
        %sub3A_335 = arith.subi %scan3A_326, %sub3A : i32
        %dma_wait3A_336 = arith.constant 0 : i32
        %dma_wait3A_337 = tpu.memref_slice %arg6[%sub3A_335, %dma_wait3A_336] : memref<128x200xi32, #tpu.memory_space<vmem>> -> memref<1x200xi32, #tpu.memory_space<vmem>>
        %dma_wait3A_338 = tpu.memref_squeeze %dma_wait3A_337 : memref<1x200xi32, #tpu.memory_space<vmem>> -> memref<200xi32, #tpu.memory_space<vmem>>
        %dma_wait3A_339 = arith.constant 0 : i32
        %dma_wait3A_340 = arith.constant 0 : i32
        %dma_wait3A_341 = tpu.memref_slice %arg4[%dma_wait3A_339, %dma_wait3A_340] : memref<3276800x32xf32, #tpu.memory_space<hbm>> -> memref<3276800x32xf32, #tpu.memory_space<hbm>>
        tpu.wait_indirect_dma semaphore(%arg8 : memref<!tpu.dma_semaphore, #tpu.memory_space<semaphore_mem>>) src(%arg7 : memref<200x32xf32, #tpu.memory_space<vmem>>) dst(%dma_wait3A_341 : memref<3276800x32xf32, #tpu.memory_space<hbm>>)
      } else {
      }
    }
    %scan3A_269 = arith.constant 128 : i32
    %dma_wait3A_270 = arith.constant 120 : i32
    %dma_wait3A_271 = arith.constant 0 : i32
    %dma_wait3A_272 = tpu.memref_slice %arg6[%dma_wait3A_270, %dma_wait3A_271] : memref<128x200xi32, #tpu.memory_space<vmem>> -> memref<1x200xi32, #tpu.memory_space<vmem>>
    %dma_wait3A_273 = tpu.memref_squeeze %dma_wait3A_272 : memref<1x200xi32, #tpu.memory_space<vmem>> -> memref<200xi32, #tpu.memory_space<vmem>>
    %dma_wait3A_274 = arith.constant 0 : i32
    %dma_wait3A_275 = arith.constant 0 : i32
    %dma_wait3A_276 = tpu.memref_slice %arg4[%dma_wait3A_274, %dma_wait3A_275] : memref<3276800x32xf32, #tpu.memory_space<hbm>> -> memref<3276800x32xf32, #tpu.memory_space<hbm>>
    tpu.wait_indirect_dma semaphore(%arg8 : memref<!tpu.dma_semaphore, #tpu.memory_space<semaphore_mem>>) src(%arg7 : memref<200x32xf32, #tpu.memory_space<vmem>>) dst(%dma_wait3A_276 : memref<3276800x32xf32, #tpu.memory_space<hbm>>)
    %dma_wait3A_277 = arith.constant 121 : i32
    %dma_wait3A_278 = arith.constant 0 : i32
    %dma_wait3A_279 = tpu.memref_slice %arg6[%dma_wait3A_277, %dma_wait3A_278] : memref<128x200xi32, #tpu.memory_space<vmem>> -> memref<1x200xi32, #tpu.memory_space<vmem>>
    %dma_wait3A_280 = tpu.memref_squeeze %dma_wait3A_279 : memref<1x200xi32, #tpu.memory_space<vmem>> -> memref<200xi32, #tpu.memory_space<vmem>>
    %dma_wait3A_281 = arith.constant 0 : i32
    %dma_wait3A_282 = arith.constant 0 : i32
    %dma_wait3A_283 = tpu.memref_slice %arg4[%dma_wait3A_281, %dma_wait3A_282] : memref<3276800x32xf32, #tpu.memory_space<hbm>> -> memref<3276800x32xf32, #tpu.memory_space<hbm>>
    tpu.wait_indirect_dma semaphore(%arg8 : memref<!tpu.dma_semaphore, #tpu.memory_space<semaphore_mem>>) src(%arg7 : memref<200x32xf32, #tpu.memory_space<vmem>>) dst(%dma_wait3A_283 : memref<3276800x32xf32, #tpu.memory_space<hbm>>)
    %dma_wait3A_284 = arith.constant 122 : i32
    %dma_wait3A_285 = arith.constant 0 : i32
    %dma_wait3A_286 = tpu.memref_slice %arg6[%dma_wait3A_284, %dma_wait3A_285] : memref<128x200xi32, #tpu.memory_space<vmem>> -> memref<1x200xi32, #tpu.memory_space<vmem>>
    %dma_wait3A_287 = tpu.memref_squeeze %dma_wait3A_286 : memref<1x200xi32, #tpu.memory_space<vmem>> -> memref<200xi32, #tpu.memory_space<vmem>>
    %dma_wait3A_288 = arith.constant 0 : i32
    %dma_wait3A_289 = arith.constant 0 : i32
    %dma_wait3A_290 = tpu.memref_slice %arg4[%dma_wait3A_288, %dma_wait3A_289] : memref<3276800x32xf32, #tpu.memory_space<hbm>> -> memref<3276800x32xf32, #tpu.memory_space<hbm>>
    tpu.wait_indirect_dma semaphore(%arg8 : memref<!tpu.dma_semaphore, #tpu.memory_space<semaphore_mem>>) src(%arg7 : memref<200x32xf32, #tpu.memory_space<vmem>>) dst(%dma_wait3A_290 : memref<3276800x32xf32, #tpu.memory_space<hbm>>)
    %dma_wait3A_291 = arith.constant 123 : i32
    %dma_wait3A_292 = arith.constant 0 : i32
    %dma_wait3A_293 = tpu.memref_slice %arg6[%dma_wait3A_291, %dma_wait3A_292] : memref<128x200xi32, #tpu.memory_space<vmem>> -> memref<1x200xi32, #tpu.memory_space<vmem>>
    %dma_wait3A_294 = tpu.memref_squeeze %dma_wait3A_293 : memref<1x200xi32, #tpu.memory_space<vmem>> -> memref<200xi32, #tpu.memory_space<vmem>>
    %dma_wait3A_295 = arith.constant 0 : i32
    %dma_wait3A_296 = arith.constant 0 : i32
    %dma_wait3A_297 = tpu.memref_slice %arg4[%dma_wait3A_295, %dma_wait3A_296] : memref<3276800x32xf32, #tpu.memory_space<hbm>> -> memref<3276800x32xf32, #tpu.memory_space<hbm>>
    tpu.wait_indirect_dma semaphore(%arg8 : memref<!tpu.dma_semaphore, #tpu.memory_space<semaphore_mem>>) src(%arg7 : memref<200x32xf32, #tpu.memory_space<vmem>>) dst(%dma_wait3A_297 : memref<3276800x32xf32, #tpu.memory_space<hbm>>)
    %dma_wait3A_298 = arith.constant 124 : i32
    %dma_wait3A_299 = arith.constant 0 : i32
    %dma_wait3A_300 = tpu.memref_slice %arg6[%dma_wait3A_298, %dma_wait3A_299] : memref<128x200xi32, #tpu.memory_space<vmem>> -> memref<1x200xi32, #tpu.memory_space<vmem>>
    %dma_wait3A_301 = tpu.memref_squeeze %dma_wait3A_300 : memref<1x200xi32, #tpu.memory_space<vmem>> -> memref<200xi32, #tpu.memory_space<vmem>>
    %dma_wait3A_302 = arith.constant 0 : i32
    %dma_wait3A_303 = arith.constant 0 : i32
    %dma_wait3A_304 = tpu.memref_slice %arg4[%dma_wait3A_302, %dma_wait3A_303] : memref<3276800x32xf32, #tpu.memory_space<hbm>> -> memref<3276800x32xf32, #tpu.memory_space<hbm>>
    tpu.wait_indirect_dma semaphore(%arg8 : memref<!tpu.dma_semaphore, #tpu.memory_space<semaphore_mem>>) src(%arg7 : memref<200x32xf32, #tpu.memory_space<vmem>>) dst(%dma_wait3A_304 : memref<3276800x32xf32, #tpu.memory_space<hbm>>)
    %dma_wait3A_305 = arith.constant 125 : i32
    %dma_wait3A_306 = arith.constant 0 : i32
    %dma_wait3A_307 = tpu.memref_slice %arg6[%dma_wait3A_305, %dma_wait3A_306] : memref<128x200xi32, #tpu.memory_space<vmem>> -> memref<1x200xi32, #tpu.memory_space<vmem>>
    %dma_wait3A_308 = tpu.memref_squeeze %dma_wait3A_307 : memref<1x200xi32, #tpu.memory_space<vmem>> -> memref<200xi32, #tpu.memory_space<vmem>>
    %dma_wait3A_309 = arith.constant 0 : i32
    %dma_wait3A_310 = arith.constant 0 : i32
    %dma_wait3A_311 = tpu.memref_slice %arg4[%dma_wait3A_309, %dma_wait3A_310] : memref<3276800x32xf32, #tpu.memory_space<hbm>> -> memref<3276800x32xf32, #tpu.memory_space<hbm>>
    tpu.wait_indirect_dma semaphore(%arg8 : memref<!tpu.dma_semaphore, #tpu.memory_space<semaphore_mem>>) src(%arg7 : memref<200x32xf32, #tpu.memory_space<vmem>>) dst(%dma_wait3A_311 : memref<3276800x32xf32, #tpu.memory_space<hbm>>)
    %dma_wait3A_312 = arith.constant 126 : i32
    %dma_wait3A_313 = arith.constant 0 : i32
    %dma_wait3A_314 = tpu.memref_slice %arg6[%dma_wait3A_312, %dma_wait3A_313] : memref<128x200xi32, #tpu.memory_space<vmem>> -> memref<1x200xi32, #tpu.memory_space<vmem>>
    %dma_wait3A_315 = tpu.memref_squeeze %dma_wait3A_314 : memref<1x200xi32, #tpu.memory_space<vmem>> -> memref<200xi32, #tpu.memory_space<vmem>>
    %dma_wait3A_316 = arith.constant 0 : i32
    %dma_wait3A_317 = arith.constant 0 : i32
    %dma_wait3A_318 = tpu.memref_slice %arg4[%dma_wait3A_316, %dma_wait3A_317] : memref<3276800x32xf32, #tpu.memory_space<hbm>> -> memref<3276800x32xf32, #tpu.memory_space<hbm>>
    tpu.wait_indirect_dma semaphore(%arg8 : memref<!tpu.dma_semaphore, #tpu.memory_space<semaphore_mem>>) src(%arg7 : memref<200x32xf32, #tpu.memory_space<vmem>>) dst(%dma_wait3A_318 : memref<3276800x32xf32, #tpu.memory_space<hbm>>)
    %dma_wait3A_319 = arith.constant 127 : i32
    %dma_wait3A_320 = arith.constant 0 : i32
    %dma_wait3A_321 = tpu.memref_slice %arg6[%dma_wait3A_319, %dma_wait3A_320] : memref<128x200xi32, #tpu.memory_space<vmem>> -> memref<1x200xi32, #tpu.memory_space<vmem>>
    %dma_wait3A_322 = tpu.memref_squeeze %dma_wait3A_321 : memref<1x200xi32, #tpu.memory_space<vmem>> -> memref<200xi32, #tpu.memory_space<vmem>>
    %dma_wait3A_323 = arith.constant 0 : i32
    %dma_wait3A_324 = arith.constant 0 : i32
    %dma_wait3A_325 = tpu.memref_slice %arg4[%dma_wait3A_323, %dma_wait3A_324] : memref<3276800x32xf32, #tpu.memory_space<hbm>> -> memref<3276800x32xf32, #tpu.memory_space<hbm>>
    tpu.wait_indirect_dma semaphore(%arg8 : memref<!tpu.dma_semaphore, #tpu.memory_space<semaphore_mem>>) src(%arg7 : memref<200x32xf32, #tpu.memory_space<vmem>>) dst(%dma_wait3A_325 : memref<3276800x32xf32, #tpu.memory_space<hbm>>)
    return
  }
}

module attributes {stable_mosaic.version = 14 : i64} {
  func.func @_rank_body(%arg0: i32, %arg1: memref<128x200xf32, #tpu.memory_space<vmem>>, %arg2: memref<128x200xi32, #tpu.memory_space<vmem>>) attributes {dimension_semantics = [#tpu.dimension_semantics<arbitrary>], iteration_bounds = array<i64: 128>, scalar_prefetch = 0 : i64, scratch_operands = 0 : i64, tpu.core_type = #tpu.core_type<tc>, window_params = [{transform_indices = @transform_0, window_bounds = array<i64: 128, 200>}, {transform_indices = @transform_1, window_bounds = array<i64: 128, 200>}]} {
    %get3A = arith.constant 0 : index
    %get3A_0 = arith.constant 0 : index
    %get3A_1 = vector.load %arg1[%get3A, %get3A_0] : memref<128x200xf32, #tpu.memory_space<vmem>>, vector<128x200xf32>
    %transpose3A = tpu.transpose %get3A_1, [1, 0] : vector<128x200xf32> -> vector<200x128xf32>
    %iota3A = tpu.iota {dimensions = array<i32: 0>} : vector<200x128xi32>
    %broadcast_in_dim3A = arith.constant 0.000000e+00 : f32
    %broadcast_in_dim3A_2 = vector.broadcast %broadcast_in_dim3A : f32 to vector<200x128xf32>
    %slice3A = vector.extract_strided_slice %transpose3A {offsets = [0, 0], sizes = [1, 128], strides = [1, 1]} : vector<200x128xf32> to vector<1x128xf32>
    %broadcast_in_dim3A_3 = vector.shape_cast %slice3A : vector<1x128xf32> to vector<1x128xf32>
    %broadcast_in_dim3A_4 = vector.broadcast %broadcast_in_dim3A_3 : vector<1x128xf32> to vector<200x128xf32>
    %lt3A = arith.cmpf olt, %broadcast_in_dim3A_4, %transpose3A : vector<200x128xf32>
    %eq3A = arith.cmpf oeq, %broadcast_in_dim3A_4, %transpose3A : vector<200x128xf32>
    %gt3A = arith.constant 0 : i32
    %gt3A_5 = vector.broadcast %gt3A : i32 to vector<200x128xi32>
    %gt3A_6 = arith.cmpi sgt, %iota3A, %gt3A_5 : vector<200x128xi32>
    %and3A = arith.andi %eq3A, %gt3A_6 : vector<200x128xi1>
    %or3A = arith.ori %lt3A, %and3A : vector<200x128xi1>
    %jit3A = arith.constant 1.000000e+00 : f32
    %jit3A_7 = arith.constant 0.000000e+00 : f32
    %broadcast_in_dim3A_8 = vector.broadcast %jit3A : f32 to vector<200x128xf32>
    %broadcast_in_dim3A_9 = vector.broadcast %jit3A_7 : f32 to vector<200x128xf32>
    %select_n3A = arith.select %or3A, %broadcast_in_dim3A_8, %broadcast_in_dim3A_9 : vector<200x128xi1>, vector<200x128xf32>
    %add3A = arith.addf %broadcast_in_dim3A_2, %select_n3A : vector<200x128xf32>
    %slice3A_10 = vector.extract_strided_slice %transpose3A {offsets = [1, 0], sizes = [1, 128], strides = [1, 1]} : vector<200x128xf32> to vector<1x128xf32>
    %broadcast_in_dim3A_11 = vector.shape_cast %slice3A_10 : vector<1x128xf32> to vector<1x128xf32>
    %broadcast_in_dim3A_12 = vector.broadcast %broadcast_in_dim3A_11 : vector<1x128xf32> to vector<200x128xf32>
    %lt3A_13 = arith.cmpf olt, %broadcast_in_dim3A_12, %transpose3A : vector<200x128xf32>
    %eq3A_14 = arith.cmpf oeq, %broadcast_in_dim3A_12, %transpose3A : vector<200x128xf32>
    %gt3A_15 = arith.constant 1 : i32
    %gt3A_16 = vector.broadcast %gt3A_15 : i32 to vector<200x128xi32>
    %gt3A_17 = arith.cmpi sgt, %iota3A, %gt3A_16 : vector<200x128xi32>
    %and3A_18 = arith.andi %eq3A_14, %gt3A_17 : vector<200x128xi1>
    %or3A_19 = arith.ori %lt3A_13, %and3A_18 : vector<200x128xi1>
    %jit3A_20 = arith.constant 1.000000e+00 : f32
    %jit3A_21 = arith.constant 0.000000e+00 : f32
    %broadcast_in_dim3A_22 = vector.broadcast %jit3A_20 : f32 to vector<200x128xf32>
    %broadcast_in_dim3A_23 = vector.broadcast %jit3A_21 : f32 to vector<200x128xf32>
    %select_n3A_24 = arith.select %or3A_19, %broadcast_in_dim3A_22, %broadcast_in_dim3A_23 : vector<200x128xi1>, vector<200x128xf32>
    %add3A_25 = arith.addf %add3A, %select_n3A_24 : vector<200x128xf32>
    %slice3A_26 = vector.extract_strided_slice %transpose3A {offsets = [2, 0], sizes = [1, 128], strides = [1, 1]} : vector<200x128xf32> to vector<1x128xf32>
    %broadcast_in_dim3A_27 = vector.shape_cast %slice3A_26 : vector<1x128xf32> to vector<1x128xf32>
    %broadcast_in_dim3A_28 = vector.broadcast %broadcast_in_dim3A_27 : vector<1x128xf32> to vector<200x128xf32>
    %lt3A_29 = arith.cmpf olt, %broadcast_in_dim3A_28, %transpose3A : vector<200x128xf32>
    %eq3A_30 = arith.cmpf oeq, %broadcast_in_dim3A_28, %transpose3A : vector<200x128xf32>
    %gt3A_31 = arith.constant 2 : i32
    %gt3A_32 = vector.broadcast %gt3A_31 : i32 to vector<200x128xi32>
    %gt3A_33 = arith.cmpi sgt, %iota3A, %gt3A_32 : vector<200x128xi32>
    %and3A_34 = arith.andi %eq3A_30, %gt3A_33 : vector<200x128xi1>
    %or3A_35 = arith.ori %lt3A_29, %and3A_34 : vector<200x128xi1>
    %jit3A_36 = arith.constant 1.000000e+00 : f32
    %jit3A_37 = arith.constant 0.000000e+00 : f32
    %broadcast_in_dim3A_38 = vector.broadcast %jit3A_36 : f32 to vector<200x128xf32>
    %broadcast_in_dim3A_39 = vector.broadcast %jit3A_37 : f32 to vector<200x128xf32>
    %select_n3A_40 = arith.select %or3A_35, %broadcast_in_dim3A_38, %broadcast_in_dim3A_39 : vector<200x128xi1>, vector<200x128xf32>
    %add3A_41 = arith.addf %add3A_25, %select_n3A_40 : vector<200x128xf32>
    %slice3A_42 = vector.extract_strided_slice %transpose3A {offsets = [3, 0], sizes = [1, 128], strides = [1, 1]} : vector<200x128xf32> to vector<1x128xf32>
    %broadcast_in_dim3A_43 = vector.shape_cast %slice3A_42 : vector<1x128xf32> to vector<1x128xf32>
    %broadcast_in_dim3A_44 = vector.broadcast %broadcast_in_dim3A_43 : vector<1x128xf32> to vector<200x128xf32>
    %lt3A_45 = arith.cmpf olt, %broadcast_in_dim3A_44, %transpose3A : vector<200x128xf32>
    %eq3A_46 = arith.cmpf oeq, %broadcast_in_dim3A_44, %transpose3A : vector<200x128xf32>
    %gt3A_47 = arith.constant 3 : i32
    %gt3A_48 = vector.broadcast %gt3A_47 : i32 to vector<200x128xi32>
    %gt3A_49 = arith.cmpi sgt, %iota3A, %gt3A_48 : vector<200x128xi32>
    %and3A_50 = arith.andi %eq3A_46, %gt3A_49 : vector<200x128xi1>
    %or3A_51 = arith.ori %lt3A_45, %and3A_50 : vector<200x128xi1>
    %jit3A_52 = arith.constant 1.000000e+00 : f32
    %jit3A_53 = arith.constant 0.000000e+00 : f32
    %broadcast_in_dim3A_54 = vector.broadcast %jit3A_52 : f32 to vector<200x128xf32>
    %broadcast_in_dim3A_55 = vector.broadcast %jit3A_53 : f32 to vector<200x128xf32>
    %select_n3A_56 = arith.select %or3A_51, %broadcast_in_dim3A_54, %broadcast_in_dim3A_55 : vector<200x128xi1>, vector<200x128xf32>
    %add3A_57 = arith.addf %add3A_41, %select_n3A_56 : vector<200x128xf32>
    %slice3A_58 = vector.extract_strided_slice %transpose3A {offsets = [4, 0], sizes = [1, 128], strides = [1, 1]} : vector<200x128xf32> to vector<1x128xf32>
    %broadcast_in_dim3A_59 = vector.shape_cast %slice3A_58 : vector<1x128xf32> to vector<1x128xf32>
    %broadcast_in_dim3A_60 = vector.broadcast %broadcast_in_dim3A_59 : vector<1x128xf32> to vector<200x128xf32>
    %lt3A_61 = arith.cmpf olt, %broadcast_in_dim3A_60, %transpose3A : vector<200x128xf32>
    %eq3A_62 = arith.cmpf oeq, %broadcast_in_dim3A_60, %transpose3A : vector<200x128xf32>
    %gt3A_63 = arith.constant 4 : i32
    %gt3A_64 = vector.broadcast %gt3A_63 : i32 to vector<200x128xi32>
    %gt3A_65 = arith.cmpi sgt, %iota3A, %gt3A_64 : vector<200x128xi32>
    %and3A_66 = arith.andi %eq3A_62, %gt3A_65 : vector<200x128xi1>
    %or3A_67 = arith.ori %lt3A_61, %and3A_66 : vector<200x128xi1>
    %jit3A_68 = arith.constant 1.000000e+00 : f32
    %jit3A_69 = arith.constant 0.000000e+00 : f32
    %broadcast_in_dim3A_70 = vector.broadcast %jit3A_68 : f32 to vector<200x128xf32>
    %broadcast_in_dim3A_71 = vector.broadcast %jit3A_69 : f32 to vector<200x128xf32>
    %select_n3A_72 = arith.select %or3A_67, %broadcast_in_dim3A_70, %broadcast_in_dim3A_71 : vector<200x128xi1>, vector<200x128xf32>
    %add3A_73 = arith.addf %add3A_57, %select_n3A_72 : vector<200x128xf32>
    %slice3A_74 = vector.extract_strided_slice %transpose3A {offsets = [5, 0], sizes = [1, 128], strides = [1, 1]} : vector<200x128xf32> to vector<1x128xf32>
    %broadcast_in_dim3A_75 = vector.shape_cast %slice3A_74 : vector<1x128xf32> to vector<1x128xf32>
    %broadcast_in_dim3A_76 = vector.broadcast %broadcast_in_dim3A_75 : vector<1x128xf32> to vector<200x128xf32>
    %lt3A_77 = arith.cmpf olt, %broadcast_in_dim3A_76, %transpose3A : vector<200x128xf32>
    %eq3A_78 = arith.cmpf oeq, %broadcast_in_dim3A_76, %transpose3A : vector<200x128xf32>
    %gt3A_79 = arith.constant 5 : i32
    %gt3A_80 = vector.broadcast %gt3A_79 : i32 to vector<200x128xi32>
    %gt3A_81 = arith.cmpi sgt, %iota3A, %gt3A_80 : vector<200x128xi32>
    %and3A_82 = arith.andi %eq3A_78, %gt3A_81 : vector<200x128xi1>
    %or3A_83 = arith.ori %lt3A_77, %and3A_82 : vector<200x128xi1>
    %jit3A_84 = arith.constant 1.000000e+00 : f32
    %jit3A_85 = arith.constant 0.000000e+00 : f32
    %broadcast_in_dim3A_86 = vector.broadcast %jit3A_84 : f32 to vector<200x128xf32>
    %broadcast_in_dim3A_87 = vector.broadcast %jit3A_85 : f32 to vector<200x128xf32>
    %select_n3A_88 = arith.select %or3A_83, %broadcast_in_dim3A_86, %broadcast_in_dim3A_87 : vector<200x128xi1>, vector<200x128xf32>
    %add3A_89 = arith.addf %add3A_73, %select_n3A_88 : vector<200x128xf32>
    %slice3A_90 = vector.extract_strided_slice %transpose3A {offsets = [6, 0], sizes = [1, 128], strides = [1, 1]} : vector<200x128xf32> to vector<1x128xf32>
    %broadcast_in_dim3A_91 = vector.shape_cast %slice3A_90 : vector<1x128xf32> to vector<1x128xf32>
    %broadcast_in_dim3A_92 = vector.broadcast %broadcast_in_dim3A_91 : vector<1x128xf32> to vector<200x128xf32>
    %lt3A_93 = arith.cmpf olt, %broadcast_in_dim3A_92, %transpose3A : vector<200x128xf32>
    %eq3A_94 = arith.cmpf oeq, %broadcast_in_dim3A_92, %transpose3A : vector<200x128xf32>
    %gt3A_95 = arith.constant 6 : i32
    %gt3A_96 = vector.broadcast %gt3A_95 : i32 to vector<200x128xi32>
    %gt3A_97 = arith.cmpi sgt, %iota3A, %gt3A_96 : vector<200x128xi32>
    %and3A_98 = arith.andi %eq3A_94, %gt3A_97 : vector<200x128xi1>
    %or3A_99 = arith.ori %lt3A_93, %and3A_98 : vector<200x128xi1>
    %jit3A_100 = arith.constant 1.000000e+00 : f32
    %jit3A_101 = arith.constant 0.000000e+00 : f32
    %broadcast_in_dim3A_102 = vector.broadcast %jit3A_100 : f32 to vector<200x128xf32>
    %broadcast_in_dim3A_103 = vector.broadcast %jit3A_101 : f32 to vector<200x128xf32>
    %select_n3A_104 = arith.select %or3A_99, %broadcast_in_dim3A_102, %broadcast_in_dim3A_103 : vector<200x128xi1>, vector<200x128xf32>
    %add3A_105 = arith.addf %add3A_89, %select_n3A_104 : vector<200x128xf32>
    %slice3A_106 = vector.extract_strided_slice %transpose3A {offsets = [7, 0], sizes = [1, 128], strides = [1, 1]} : vector<200x128xf32> to vector<1x128xf32>
    %broadcast_in_dim3A_107 = vector.shape_cast %slice3A_106 : vector<1x128xf32> to vector<1x128xf32>
    %broadcast_in_dim3A_108 = vector.broadcast %broadcast_in_dim3A_107 : vector<1x128xf32> to vector<200x128xf32>
    %lt3A_109 = arith.cmpf olt, %broadcast_in_dim3A_108, %transpose3A : vector<200x128xf32>
    %eq3A_110 = arith.cmpf oeq, %broadcast_in_dim3A_108, %transpose3A : vector<200x128xf32>
    %gt3A_111 = arith.constant 7 : i32
    %gt3A_112 = vector.broadcast %gt3A_111 : i32 to vector<200x128xi32>
    %gt3A_113 = arith.cmpi sgt, %iota3A, %gt3A_112 : vector<200x128xi32>
    %and3A_114 = arith.andi %eq3A_110, %gt3A_113 : vector<200x128xi1>
    %or3A_115 = arith.ori %lt3A_109, %and3A_114 : vector<200x128xi1>
    %jit3A_116 = arith.constant 1.000000e+00 : f32
    %jit3A_117 = arith.constant 0.000000e+00 : f32
    %broadcast_in_dim3A_118 = vector.broadcast %jit3A_116 : f32 to vector<200x128xf32>
    %broadcast_in_dim3A_119 = vector.broadcast %jit3A_117 : f32 to vector<200x128xf32>
    %select_n3A_120 = arith.select %or3A_115, %broadcast_in_dim3A_118, %broadcast_in_dim3A_119 : vector<200x128xi1>, vector<200x128xf32>
    %add3A_121 = arith.addf %add3A_105, %select_n3A_120 : vector<200x128xf32>
    %slice3A_122 = vector.extract_strided_slice %transpose3A {offsets = [8, 0], sizes = [1, 128], strides = [1, 1]} : vector<200x128xf32> to vector<1x128xf32>
    %broadcast_in_dim3A_123 = vector.shape_cast %slice3A_122 : vector<1x128xf32> to vector<1x128xf32>
    %broadcast_in_dim3A_124 = vector.broadcast %broadcast_in_dim3A_123 : vector<1x128xf32> to vector<200x128xf32>
    %lt3A_125 = arith.cmpf olt, %broadcast_in_dim3A_124, %transpose3A : vector<200x128xf32>
    %eq3A_126 = arith.cmpf oeq, %broadcast_in_dim3A_124, %transpose3A : vector<200x128xf32>
    %gt3A_127 = arith.constant 8 : i32
    %gt3A_128 = vector.broadcast %gt3A_127 : i32 to vector<200x128xi32>
    %gt3A_129 = arith.cmpi sgt, %iota3A, %gt3A_128 : vector<200x128xi32>
    %and3A_130 = arith.andi %eq3A_126, %gt3A_129 : vector<200x128xi1>
    %or3A_131 = arith.ori %lt3A_125, %and3A_130 : vector<200x128xi1>
    %jit3A_132 = arith.constant 1.000000e+00 : f32
    %jit3A_133 = arith.constant 0.000000e+00 : f32
    %broadcast_in_dim3A_134 = vector.broadcast %jit3A_132 : f32 to vector<200x128xf32>
    %broadcast_in_dim3A_135 = vector.broadcast %jit3A_133 : f32 to vector<200x128xf32>
    %select_n3A_136 = arith.select %or3A_131, %broadcast_in_dim3A_134, %broadcast_in_dim3A_135 : vector<200x128xi1>, vector<200x128xf32>
    %add3A_137 = arith.addf %add3A_121, %select_n3A_136 : vector<200x128xf32>
    %slice3A_138 = vector.extract_strided_slice %transpose3A {offsets = [9, 0], sizes = [1, 128], strides = [1, 1]} : vector<200x128xf32> to vector<1x128xf32>
    %broadcast_in_dim3A_139 = vector.shape_cast %slice3A_138 : vector<1x128xf32> to vector<1x128xf32>
    %broadcast_in_dim3A_140 = vector.broadcast %broadcast_in_dim3A_139 : vector<1x128xf32> to vector<200x128xf32>
    %lt3A_141 = arith.cmpf olt, %broadcast_in_dim3A_140, %transpose3A : vector<200x128xf32>
    %eq3A_142 = arith.cmpf oeq, %broadcast_in_dim3A_140, %transpose3A : vector<200x128xf32>
    %gt3A_143 = arith.constant 9 : i32
    %gt3A_144 = vector.broadcast %gt3A_143 : i32 to vector<200x128xi32>
    %gt3A_145 = arith.cmpi sgt, %iota3A, %gt3A_144 : vector<200x128xi32>
    %and3A_146 = arith.andi %eq3A_142, %gt3A_145 : vector<200x128xi1>
    %or3A_147 = arith.ori %lt3A_141, %and3A_146 : vector<200x128xi1>
    %jit3A_148 = arith.constant 1.000000e+00 : f32
    %jit3A_149 = arith.constant 0.000000e+00 : f32
    %broadcast_in_dim3A_150 = vector.broadcast %jit3A_148 : f32 to vector<200x128xf32>
    %broadcast_in_dim3A_151 = vector.broadcast %jit3A_149 : f32 to vector<200x128xf32>
    %select_n3A_152 = arith.select %or3A_147, %broadcast_in_dim3A_150, %broadcast_in_dim3A_151 : vector<200x128xi1>, vector<200x128xf32>
    %add3A_153 = arith.addf %add3A_137, %select_n3A_152 : vector<200x128xf32>
    %slice3A_154 = vector.extract_strided_slice %transpose3A {offsets = [10, 0], sizes = [1, 128], strides = [1, 1]} : vector<200x128xf32> to vector<1x128xf32>
    %broadcast_in_dim3A_155 = vector.shape_cast %slice3A_154 : vector<1x128xf32> to vector<1x128xf32>
    %broadcast_in_dim3A_156 = vector.broadcast %broadcast_in_dim3A_155 : vector<1x128xf32> to vector<200x128xf32>
    %lt3A_157 = arith.cmpf olt, %broadcast_in_dim3A_156, %transpose3A : vector<200x128xf32>
    %eq3A_158 = arith.cmpf oeq, %broadcast_in_dim3A_156, %transpose3A : vector<200x128xf32>
    %gt3A_159 = arith.constant 10 : i32
    %gt3A_160 = vector.broadcast %gt3A_159 : i32 to vector<200x128xi32>
    %gt3A_161 = arith.cmpi sgt, %iota3A, %gt3A_160 : vector<200x128xi32>
    %and3A_162 = arith.andi %eq3A_158, %gt3A_161 : vector<200x128xi1>
    %or3A_163 = arith.ori %lt3A_157, %and3A_162 : vector<200x128xi1>
    %jit3A_164 = arith.constant 1.000000e+00 : f32
    %jit3A_165 = arith.constant 0.000000e+00 : f32
    %broadcast_in_dim3A_166 = vector.broadcast %jit3A_164 : f32 to vector<200x128xf32>
    %broadcast_in_dim3A_167 = vector.broadcast %jit3A_165 : f32 to vector<200x128xf32>
    %select_n3A_168 = arith.select %or3A_163, %broadcast_in_dim3A_166, %broadcast_in_dim3A_167 : vector<200x128xi1>, vector<200x128xf32>
    %add3A_169 = arith.addf %add3A_153, %select_n3A_168 : vector<200x128xf32>
    %slice3A_170 = vector.extract_strided_slice %transpose3A {offsets = [11, 0], sizes = [1, 128], strides = [1, 1]} : vector<200x128xf32> to vector<1x128xf32>
    %broadcast_in_dim3A_171 = vector.shape_cast %slice3A_170 : vector<1x128xf32> to vector<1x128xf32>
    %broadcast_in_dim3A_172 = vector.broadcast %broadcast_in_dim3A_171 : vector<1x128xf32> to vector<200x128xf32>
    %lt3A_173 = arith.cmpf olt, %broadcast_in_dim3A_172, %transpose3A : vector<200x128xf32>
    %eq3A_174 = arith.cmpf oeq, %broadcast_in_dim3A_172, %transpose3A : vector<200x128xf32>
    %gt3A_175 = arith.constant 11 : i32
    %gt3A_176 = vector.broadcast %gt3A_175 : i32 to vector<200x128xi32>
    %gt3A_177 = arith.cmpi sgt, %iota3A, %gt3A_176 : vector<200x128xi32>
    %and3A_178 = arith.andi %eq3A_174, %gt3A_177 : vector<200x128xi1>
    %or3A_179 = arith.ori %lt3A_173, %and3A_178 : vector<200x128xi1>
    %jit3A_180 = arith.constant 1.000000e+00 : f32
    %jit3A_181 = arith.constant 0.000000e+00 : f32
    %broadcast_in_dim3A_182 = vector.broadcast %jit3A_180 : f32 to vector<200x128xf32>
    %broadcast_in_dim3A_183 = vector.broadcast %jit3A_181 : f32 to vector<200x128xf32>
    %select_n3A_184 = arith.select %or3A_179, %broadcast_in_dim3A_182, %broadcast_in_dim3A_183 : vector<200x128xi1>, vector<200x128xf32>
    %add3A_185 = arith.addf %add3A_169, %select_n3A_184 : vector<200x128xf32>
    %slice3A_186 = vector.extract_strided_slice %transpose3A {offsets = [12, 0], sizes = [1, 128], strides = [1, 1]} : vector<200x128xf32> to vector<1x128xf32>
    %broadcast_in_dim3A_187 = vector.shape_cast %slice3A_186 : vector<1x128xf32> to vector<1x128xf32>
    %broadcast_in_dim3A_188 = vector.broadcast %broadcast_in_dim3A_187 : vector<1x128xf32> to vector<200x128xf32>
    %lt3A_189 = arith.cmpf olt, %broadcast_in_dim3A_188, %transpose3A : vector<200x128xf32>
    %eq3A_190 = arith.cmpf oeq, %broadcast_in_dim3A_188, %transpose3A : vector<200x128xf32>
    %gt3A_191 = arith.constant 12 : i32
    %gt3A_192 = vector.broadcast %gt3A_191 : i32 to vector<200x128xi32>
    %gt3A_193 = arith.cmpi sgt, %iota3A, %gt3A_192 : vector<200x128xi32>
    %and3A_194 = arith.andi %eq3A_190, %gt3A_193 : vector<200x128xi1>
    %or3A_195 = arith.ori %lt3A_189, %and3A_194 : vector<200x128xi1>
    %jit3A_196 = arith.constant 1.000000e+00 : f32
    %jit3A_197 = arith.constant 0.000000e+00 : f32
    %broadcast_in_dim3A_198 = vector.broadcast %jit3A_196 : f32 to vector<200x128xf32>
    %broadcast_in_dim3A_199 = vector.broadcast %jit3A_197 : f32 to vector<200x128xf32>
    %select_n3A_200 = arith.select %or3A_195, %broadcast_in_dim3A_198, %broadcast_in_dim3A_199 : vector<200x128xi1>, vector<200x128xf32>
    %add3A_201 = arith.addf %add3A_185, %select_n3A_200 : vector<200x128xf32>
    %slice3A_202 = vector.extract_strided_slice %transpose3A {offsets = [13, 0], sizes = [1, 128], strides = [1, 1]} : vector<200x128xf32> to vector<1x128xf32>
    %broadcast_in_dim3A_203 = vector.shape_cast %slice3A_202 : vector<1x128xf32> to vector<1x128xf32>
    %broadcast_in_dim3A_204 = vector.broadcast %broadcast_in_dim3A_203 : vector<1x128xf32> to vector<200x128xf32>
    %lt3A_205 = arith.cmpf olt, %broadcast_in_dim3A_204, %transpose3A : vector<200x128xf32>
    %eq3A_206 = arith.cmpf oeq, %broadcast_in_dim3A_204, %transpose3A : vector<200x128xf32>
    %gt3A_207 = arith.constant 13 : i32
    %gt3A_208 = vector.broadcast %gt3A_207 : i32 to vector<200x128xi32>
    %gt3A_209 = arith.cmpi sgt, %iota3A, %gt3A_208 : vector<200x128xi32>
    %and3A_210 = arith.andi %eq3A_206, %gt3A_209 : vector<200x128xi1>
    %or3A_211 = arith.ori %lt3A_205, %and3A_210 : vector<200x128xi1>
    %jit3A_212 = arith.constant 1.000000e+00 : f32
    %jit3A_213 = arith.constant 0.000000e+00 : f32
    %broadcast_in_dim3A_214 = vector.broadcast %jit3A_212 : f32 to vector<200x128xf32>
    %broadcast_in_dim3A_215 = vector.broadcast %jit3A_213 : f32 to vector<200x128xf32>
    %select_n3A_216 = arith.select %or3A_211, %broadcast_in_dim3A_214, %broadcast_in_dim3A_215 : vector<200x128xi1>, vector<200x128xf32>
    %add3A_217 = arith.addf %add3A_201, %select_n3A_216 : vector<200x128xf32>
    %slice3A_218 = vector.extract_strided_slice %transpose3A {offsets = [14, 0], sizes = [1, 128], strides = [1, 1]} : vector<200x128xf32> to vector<1x128xf32>
    %broadcast_in_dim3A_219 = vector.shape_cast %slice3A_218 : vector<1x128xf32> to vector<1x128xf32>
    %broadcast_in_dim3A_220 = vector.broadcast %broadcast_in_dim3A_219 : vector<1x128xf32> to vector<200x128xf32>
    %lt3A_221 = arith.cmpf olt, %broadcast_in_dim3A_220, %transpose3A : vector<200x128xf32>
    %eq3A_222 = arith.cmpf oeq, %broadcast_in_dim3A_220, %transpose3A : vector<200x128xf32>
    %gt3A_223 = arith.constant 14 : i32
    %gt3A_224 = vector.broadcast %gt3A_223 : i32 to vector<200x128xi32>
    %gt3A_225 = arith.cmpi sgt, %iota3A, %gt3A_224 : vector<200x128xi32>
    %and3A_226 = arith.andi %eq3A_222, %gt3A_225 : vector<200x128xi1>
    %or3A_227 = arith.ori %lt3A_221, %and3A_226 : vector<200x128xi1>
    %jit3A_228 = arith.constant 1.000000e+00 : f32
    %jit3A_229 = arith.constant 0.000000e+00 : f32
    %broadcast_in_dim3A_230 = vector.broadcast %jit3A_228 : f32 to vector<200x128xf32>
    %broadcast_in_dim3A_231 = vector.broadcast %jit3A_229 : f32 to vector<200x128xf32>
    %select_n3A_232 = arith.select %or3A_227, %broadcast_in_dim3A_230, %broadcast_in_dim3A_231 : vector<200x128xi1>, vector<200x128xf32>
    %add3A_233 = arith.addf %add3A_217, %select_n3A_232 : vector<200x128xf32>
    %slice3A_234 = vector.extract_strided_slice %transpose3A {offsets = [15, 0], sizes = [1, 128], strides = [1, 1]} : vector<200x128xf32> to vector<1x128xf32>
    %broadcast_in_dim3A_235 = vector.shape_cast %slice3A_234 : vector<1x128xf32> to vector<1x128xf32>
    %broadcast_in_dim3A_236 = vector.broadcast %broadcast_in_dim3A_235 : vector<1x128xf32> to vector<200x128xf32>
    %lt3A_237 = arith.cmpf olt, %broadcast_in_dim3A_236, %transpose3A : vector<200x128xf32>
    %eq3A_238 = arith.cmpf oeq, %broadcast_in_dim3A_236, %transpose3A : vector<200x128xf32>
    %gt3A_239 = arith.constant 15 : i32
    %gt3A_240 = vector.broadcast %gt3A_239 : i32 to vector<200x128xi32>
    %gt3A_241 = arith.cmpi sgt, %iota3A, %gt3A_240 : vector<200x128xi32>
    %and3A_242 = arith.andi %eq3A_238, %gt3A_241 : vector<200x128xi1>
    %or3A_243 = arith.ori %lt3A_237, %and3A_242 : vector<200x128xi1>
    %jit3A_244 = arith.constant 1.000000e+00 : f32
    %jit3A_245 = arith.constant 0.000000e+00 : f32
    %broadcast_in_dim3A_246 = vector.broadcast %jit3A_244 : f32 to vector<200x128xf32>
    %broadcast_in_dim3A_247 = vector.broadcast %jit3A_245 : f32 to vector<200x128xf32>
    %select_n3A_248 = arith.select %or3A_243, %broadcast_in_dim3A_246, %broadcast_in_dim3A_247 : vector<200x128xi1>, vector<200x128xf32>
    %add3A_249 = arith.addf %add3A_233, %select_n3A_248 : vector<200x128xf32>
    %slice3A_250 = vector.extract_strided_slice %transpose3A {offsets = [16, 0], sizes = [1, 128], strides = [1, 1]} : vector<200x128xf32> to vector<1x128xf32>
    %broadcast_in_dim3A_251 = vector.shape_cast %slice3A_250 : vector<1x128xf32> to vector<1x128xf32>
    %broadcast_in_dim3A_252 = vector.broadcast %broadcast_in_dim3A_251 : vector<1x128xf32> to vector<200x128xf32>
    %lt3A_253 = arith.cmpf olt, %broadcast_in_dim3A_252, %transpose3A : vector<200x128xf32>
    %eq3A_254 = arith.cmpf oeq, %broadcast_in_dim3A_252, %transpose3A : vector<200x128xf32>
    %gt3A_255 = arith.constant 16 : i32
    %gt3A_256 = vector.broadcast %gt3A_255 : i32 to vector<200x128xi32>
    %gt3A_257 = arith.cmpi sgt, %iota3A, %gt3A_256 : vector<200x128xi32>
    %and3A_258 = arith.andi %eq3A_254, %gt3A_257 : vector<200x128xi1>
    %or3A_259 = arith.ori %lt3A_253, %and3A_258 : vector<200x128xi1>
    %jit3A_260 = arith.constant 1.000000e+00 : f32
    %jit3A_261 = arith.constant 0.000000e+00 : f32
    %broadcast_in_dim3A_262 = vector.broadcast %jit3A_260 : f32 to vector<200x128xf32>
    %broadcast_in_dim3A_263 = vector.broadcast %jit3A_261 : f32 to vector<200x128xf32>
    %select_n3A_264 = arith.select %or3A_259, %broadcast_in_dim3A_262, %broadcast_in_dim3A_263 : vector<200x128xi1>, vector<200x128xf32>
    %add3A_265 = arith.addf %add3A_249, %select_n3A_264 : vector<200x128xf32>
    %slice3A_266 = vector.extract_strided_slice %transpose3A {offsets = [17, 0], sizes = [1, 128], strides = [1, 1]} : vector<200x128xf32> to vector<1x128xf32>
    %broadcast_in_dim3A_267 = vector.shape_cast %slice3A_266 : vector<1x128xf32> to vector<1x128xf32>
    %broadcast_in_dim3A_268 = vector.broadcast %broadcast_in_dim3A_267 : vector<1x128xf32> to vector<200x128xf32>
    %lt3A_269 = arith.cmpf olt, %broadcast_in_dim3A_268, %transpose3A : vector<200x128xf32>
    %eq3A_270 = arith.cmpf oeq, %broadcast_in_dim3A_268, %transpose3A : vector<200x128xf32>
    %gt3A_271 = arith.constant 17 : i32
    %gt3A_272 = vector.broadcast %gt3A_271 : i32 to vector<200x128xi32>
    %gt3A_273 = arith.cmpi sgt, %iota3A, %gt3A_272 : vector<200x128xi32>
    %and3A_274 = arith.andi %eq3A_270, %gt3A_273 : vector<200x128xi1>
    %or3A_275 = arith.ori %lt3A_269, %and3A_274 : vector<200x128xi1>
    %jit3A_276 = arith.constant 1.000000e+00 : f32
    %jit3A_277 = arith.constant 0.000000e+00 : f32
    %broadcast_in_dim3A_278 = vector.broadcast %jit3A_276 : f32 to vector<200x128xf32>
    %broadcast_in_dim3A_279 = vector.broadcast %jit3A_277 : f32 to vector<200x128xf32>
    %select_n3A_280 = arith.select %or3A_275, %broadcast_in_dim3A_278, %broadcast_in_dim3A_279 : vector<200x128xi1>, vector<200x128xf32>
    %add3A_281 = arith.addf %add3A_265, %select_n3A_280 : vector<200x128xf32>
    %slice3A_282 = vector.extract_strided_slice %transpose3A {offsets = [18, 0], sizes = [1, 128], strides = [1, 1]} : vector<200x128xf32> to vector<1x128xf32>
    %broadcast_in_dim3A_283 = vector.shape_cast %slice3A_282 : vector<1x128xf32> to vector<1x128xf32>
    %broadcast_in_dim3A_284 = vector.broadcast %broadcast_in_dim3A_283 : vector<1x128xf32> to vector<200x128xf32>
    %lt3A_285 = arith.cmpf olt, %broadcast_in_dim3A_284, %transpose3A : vector<200x128xf32>
    %eq3A_286 = arith.cmpf oeq, %broadcast_in_dim3A_284, %transpose3A : vector<200x128xf32>
    %gt3A_287 = arith.constant 18 : i32
    %gt3A_288 = vector.broadcast %gt3A_287 : i32 to vector<200x128xi32>
    %gt3A_289 = arith.cmpi sgt, %iota3A, %gt3A_288 : vector<200x128xi32>
    %and3A_290 = arith.andi %eq3A_286, %gt3A_289 : vector<200x128xi1>
    %or3A_291 = arith.ori %lt3A_285, %and3A_290 : vector<200x128xi1>
    %jit3A_292 = arith.constant 1.000000e+00 : f32
    %jit3A_293 = arith.constant 0.000000e+00 : f32
    %broadcast_in_dim3A_294 = vector.broadcast %jit3A_292 : f32 to vector<200x128xf32>
    %broadcast_in_dim3A_295 = vector.broadcast %jit3A_293 : f32 to vector<200x128xf32>
    %select_n3A_296 = arith.select %or3A_291, %broadcast_in_dim3A_294, %broadcast_in_dim3A_295 : vector<200x128xi1>, vector<200x128xf32>
    %add3A_297 = arith.addf %add3A_281, %select_n3A_296 : vector<200x128xf32>
    %slice3A_298 = vector.extract_strided_slice %transpose3A {offsets = [19, 0], sizes = [1, 128], strides = [1, 1]} : vector<200x128xf32> to vector<1x128xf32>
    %broadcast_in_dim3A_299 = vector.shape_cast %slice3A_298 : vector<1x128xf32> to vector<1x128xf32>
    %broadcast_in_dim3A_300 = vector.broadcast %broadcast_in_dim3A_299 : vector<1x128xf32> to vector<200x128xf32>
    %lt3A_301 = arith.cmpf olt, %broadcast_in_dim3A_300, %transpose3A : vector<200x128xf32>
    %eq3A_302 = arith.cmpf oeq, %broadcast_in_dim3A_300, %transpose3A : vector<200x128xf32>
    %gt3A_303 = arith.constant 19 : i32
    %gt3A_304 = vector.broadcast %gt3A_303 : i32 to vector<200x128xi32>
    %gt3A_305 = arith.cmpi sgt, %iota3A, %gt3A_304 : vector<200x128xi32>
    %and3A_306 = arith.andi %eq3A_302, %gt3A_305 : vector<200x128xi1>
    %or3A_307 = arith.ori %lt3A_301, %and3A_306 : vector<200x128xi1>
    %jit3A_308 = arith.constant 1.000000e+00 : f32
    %jit3A_309 = arith.constant 0.000000e+00 : f32
    %broadcast_in_dim3A_310 = vector.broadcast %jit3A_308 : f32 to vector<200x128xf32>
    %broadcast_in_dim3A_311 = vector.broadcast %jit3A_309 : f32 to vector<200x128xf32>
    %select_n3A_312 = arith.select %or3A_307, %broadcast_in_dim3A_310, %broadcast_in_dim3A_311 : vector<200x128xi1>, vector<200x128xf32>
    %add3A_313 = arith.addf %add3A_297, %select_n3A_312 : vector<200x128xf32>
    %slice3A_314 = vector.extract_strided_slice %transpose3A {offsets = [20, 0], sizes = [1, 128], strides = [1, 1]} : vector<200x128xf32> to vector<1x128xf32>
    %broadcast_in_dim3A_315 = vector.shape_cast %slice3A_314 : vector<1x128xf32> to vector<1x128xf32>
    %broadcast_in_dim3A_316 = vector.broadcast %broadcast_in_dim3A_315 : vector<1x128xf32> to vector<200x128xf32>
    %lt3A_317 = arith.cmpf olt, %broadcast_in_dim3A_316, %transpose3A : vector<200x128xf32>
    %eq3A_318 = arith.cmpf oeq, %broadcast_in_dim3A_316, %transpose3A : vector<200x128xf32>
    %gt3A_319 = arith.constant 20 : i32
    %gt3A_320 = vector.broadcast %gt3A_319 : i32 to vector<200x128xi32>
    %gt3A_321 = arith.cmpi sgt, %iota3A, %gt3A_320 : vector<200x128xi32>
    %and3A_322 = arith.andi %eq3A_318, %gt3A_321 : vector<200x128xi1>
    %or3A_323 = arith.ori %lt3A_317, %and3A_322 : vector<200x128xi1>
    %jit3A_324 = arith.constant 1.000000e+00 : f32
    %jit3A_325 = arith.constant 0.000000e+00 : f32
    %broadcast_in_dim3A_326 = vector.broadcast %jit3A_324 : f32 to vector<200x128xf32>
    %broadcast_in_dim3A_327 = vector.broadcast %jit3A_325 : f32 to vector<200x128xf32>
    %select_n3A_328 = arith.select %or3A_323, %broadcast_in_dim3A_326, %broadcast_in_dim3A_327 : vector<200x128xi1>, vector<200x128xf32>
    %add3A_329 = arith.addf %add3A_313, %select_n3A_328 : vector<200x128xf32>
    %slice3A_330 = vector.extract_strided_slice %transpose3A {offsets = [21, 0], sizes = [1, 128], strides = [1, 1]} : vector<200x128xf32> to vector<1x128xf32>
    %broadcast_in_dim3A_331 = vector.shape_cast %slice3A_330 : vector<1x128xf32> to vector<1x128xf32>
    %broadcast_in_dim3A_332 = vector.broadcast %broadcast_in_dim3A_331 : vector<1x128xf32> to vector<200x128xf32>
    %lt3A_333 = arith.cmpf olt, %broadcast_in_dim3A_332, %transpose3A : vector<200x128xf32>
    %eq3A_334 = arith.cmpf oeq, %broadcast_in_dim3A_332, %transpose3A : vector<200x128xf32>
    %gt3A_335 = arith.constant 21 : i32
    %gt3A_336 = vector.broadcast %gt3A_335 : i32 to vector<200x128xi32>
    %gt3A_337 = arith.cmpi sgt, %iota3A, %gt3A_336 : vector<200x128xi32>
    %and3A_338 = arith.andi %eq3A_334, %gt3A_337 : vector<200x128xi1>
    %or3A_339 = arith.ori %lt3A_333, %and3A_338 : vector<200x128xi1>
    %jit3A_340 = arith.constant 1.000000e+00 : f32
    %jit3A_341 = arith.constant 0.000000e+00 : f32
    %broadcast_in_dim3A_342 = vector.broadcast %jit3A_340 : f32 to vector<200x128xf32>
    %broadcast_in_dim3A_343 = vector.broadcast %jit3A_341 : f32 to vector<200x128xf32>
    %select_n3A_344 = arith.select %or3A_339, %broadcast_in_dim3A_342, %broadcast_in_dim3A_343 : vector<200x128xi1>, vector<200x128xf32>
    %add3A_345 = arith.addf %add3A_329, %select_n3A_344 : vector<200x128xf32>
    %slice3A_346 = vector.extract_strided_slice %transpose3A {offsets = [22, 0], sizes = [1, 128], strides = [1, 1]} : vector<200x128xf32> to vector<1x128xf32>
    %broadcast_in_dim3A_347 = vector.shape_cast %slice3A_346 : vector<1x128xf32> to vector<1x128xf32>
    %broadcast_in_dim3A_348 = vector.broadcast %broadcast_in_dim3A_347 : vector<1x128xf32> to vector<200x128xf32>
    %lt3A_349 = arith.cmpf olt, %broadcast_in_dim3A_348, %transpose3A : vector<200x128xf32>
    %eq3A_350 = arith.cmpf oeq, %broadcast_in_dim3A_348, %transpose3A : vector<200x128xf32>
    %gt3A_351 = arith.constant 22 : i32
    %gt3A_352 = vector.broadcast %gt3A_351 : i32 to vector<200x128xi32>
    %gt3A_353 = arith.cmpi sgt, %iota3A, %gt3A_352 : vector<200x128xi32>
    %and3A_354 = arith.andi %eq3A_350, %gt3A_353 : vector<200x128xi1>
    %or3A_355 = arith.ori %lt3A_349, %and3A_354 : vector<200x128xi1>
    %jit3A_356 = arith.constant 1.000000e+00 : f32
    %jit3A_357 = arith.constant 0.000000e+00 : f32
    %broadcast_in_dim3A_358 = vector.broadcast %jit3A_356 : f32 to vector<200x128xf32>
    %broadcast_in_dim3A_359 = vector.broadcast %jit3A_357 : f32 to vector<200x128xf32>
    %select_n3A_360 = arith.select %or3A_355, %broadcast_in_dim3A_358, %broadcast_in_dim3A_359 : vector<200x128xi1>, vector<200x128xf32>
    %add3A_361 = arith.addf %add3A_345, %select_n3A_360 : vector<200x128xf32>
    %slice3A_362 = vector.extract_strided_slice %transpose3A {offsets = [23, 0], sizes = [1, 128], strides = [1, 1]} : vector<200x128xf32> to vector<1x128xf32>
    %broadcast_in_dim3A_363 = vector.shape_cast %slice3A_362 : vector<1x128xf32> to vector<1x128xf32>
    %broadcast_in_dim3A_364 = vector.broadcast %broadcast_in_dim3A_363 : vector<1x128xf32> to vector<200x128xf32>
    %lt3A_365 = arith.cmpf olt, %broadcast_in_dim3A_364, %transpose3A : vector<200x128xf32>
    %eq3A_366 = arith.cmpf oeq, %broadcast_in_dim3A_364, %transpose3A : vector<200x128xf32>
    %gt3A_367 = arith.constant 23 : i32
    %gt3A_368 = vector.broadcast %gt3A_367 : i32 to vector<200x128xi32>
    %gt3A_369 = arith.cmpi sgt, %iota3A, %gt3A_368 : vector<200x128xi32>
    %and3A_370 = arith.andi %eq3A_366, %gt3A_369 : vector<200x128xi1>
    %or3A_371 = arith.ori %lt3A_365, %and3A_370 : vector<200x128xi1>
    %jit3A_372 = arith.constant 1.000000e+00 : f32
    %jit3A_373 = arith.constant 0.000000e+00 : f32
    %broadcast_in_dim3A_374 = vector.broadcast %jit3A_372 : f32 to vector<200x128xf32>
    %broadcast_in_dim3A_375 = vector.broadcast %jit3A_373 : f32 to vector<200x128xf32>
    %select_n3A_376 = arith.select %or3A_371, %broadcast_in_dim3A_374, %broadcast_in_dim3A_375 : vector<200x128xi1>, vector<200x128xf32>
    %add3A_377 = arith.addf %add3A_361, %select_n3A_376 : vector<200x128xf32>
    %slice3A_378 = vector.extract_strided_slice %transpose3A {offsets = [24, 0], sizes = [1, 128], strides = [1, 1]} : vector<200x128xf32> to vector<1x128xf32>
    %broadcast_in_dim3A_379 = vector.shape_cast %slice3A_378 : vector<1x128xf32> to vector<1x128xf32>
    %broadcast_in_dim3A_380 = vector.broadcast %broadcast_in_dim3A_379 : vector<1x128xf32> to vector<200x128xf32>
    %lt3A_381 = arith.cmpf olt, %broadcast_in_dim3A_380, %transpose3A : vector<200x128xf32>
    %eq3A_382 = arith.cmpf oeq, %broadcast_in_dim3A_380, %transpose3A : vector<200x128xf32>
    %gt3A_383 = arith.constant 24 : i32
    %gt3A_384 = vector.broadcast %gt3A_383 : i32 to vector<200x128xi32>
    %gt3A_385 = arith.cmpi sgt, %iota3A, %gt3A_384 : vector<200x128xi32>
    %and3A_386 = arith.andi %eq3A_382, %gt3A_385 : vector<200x128xi1>
    %or3A_387 = arith.ori %lt3A_381, %and3A_386 : vector<200x128xi1>
    %jit3A_388 = arith.constant 1.000000e+00 : f32
    %jit3A_389 = arith.constant 0.000000e+00 : f32
    %broadcast_in_dim3A_390 = vector.broadcast %jit3A_388 : f32 to vector<200x128xf32>
    %broadcast_in_dim3A_391 = vector.broadcast %jit3A_389 : f32 to vector<200x128xf32>
    %select_n3A_392 = arith.select %or3A_387, %broadcast_in_dim3A_390, %broadcast_in_dim3A_391 : vector<200x128xi1>, vector<200x128xf32>
    %add3A_393 = arith.addf %add3A_377, %select_n3A_392 : vector<200x128xf32>
    %slice3A_394 = vector.extract_strided_slice %transpose3A {offsets = [25, 0], sizes = [1, 128], strides = [1, 1]} : vector<200x128xf32> to vector<1x128xf32>
    %broadcast_in_dim3A_395 = vector.shape_cast %slice3A_394 : vector<1x128xf32> to vector<1x128xf32>
    %broadcast_in_dim3A_396 = vector.broadcast %broadcast_in_dim3A_395 : vector<1x128xf32> to vector<200x128xf32>
    %lt3A_397 = arith.cmpf olt, %broadcast_in_dim3A_396, %transpose3A : vector<200x128xf32>
    %eq3A_398 = arith.cmpf oeq, %broadcast_in_dim3A_396, %transpose3A : vector<200x128xf32>
    %gt3A_399 = arith.constant 25 : i32
    %gt3A_400 = vector.broadcast %gt3A_399 : i32 to vector<200x128xi32>
    %gt3A_401 = arith.cmpi sgt, %iota3A, %gt3A_400 : vector<200x128xi32>
    %and3A_402 = arith.andi %eq3A_398, %gt3A_401 : vector<200x128xi1>
    %or3A_403 = arith.ori %lt3A_397, %and3A_402 : vector<200x128xi1>
    %jit3A_404 = arith.constant 1.000000e+00 : f32
    %jit3A_405 = arith.constant 0.000000e+00 : f32
    %broadcast_in_dim3A_406 = vector.broadcast %jit3A_404 : f32 to vector<200x128xf32>
    %broadcast_in_dim3A_407 = vector.broadcast %jit3A_405 : f32 to vector<200x128xf32>
    %select_n3A_408 = arith.select %or3A_403, %broadcast_in_dim3A_406, %broadcast_in_dim3A_407 : vector<200x128xi1>, vector<200x128xf32>
    %add3A_409 = arith.addf %add3A_393, %select_n3A_408 : vector<200x128xf32>
    %slice3A_410 = vector.extract_strided_slice %transpose3A {offsets = [26, 0], sizes = [1, 128], strides = [1, 1]} : vector<200x128xf32> to vector<1x128xf32>
    %broadcast_in_dim3A_411 = vector.shape_cast %slice3A_410 : vector<1x128xf32> to vector<1x128xf32>
    %broadcast_in_dim3A_412 = vector.broadcast %broadcast_in_dim3A_411 : vector<1x128xf32> to vector<200x128xf32>
    %lt3A_413 = arith.cmpf olt, %broadcast_in_dim3A_412, %transpose3A : vector<200x128xf32>
    %eq3A_414 = arith.cmpf oeq, %broadcast_in_dim3A_412, %transpose3A : vector<200x128xf32>
    %gt3A_415 = arith.constant 26 : i32
    %gt3A_416 = vector.broadcast %gt3A_415 : i32 to vector<200x128xi32>
    %gt3A_417 = arith.cmpi sgt, %iota3A, %gt3A_416 : vector<200x128xi32>
    %and3A_418 = arith.andi %eq3A_414, %gt3A_417 : vector<200x128xi1>
    %or3A_419 = arith.ori %lt3A_413, %and3A_418 : vector<200x128xi1>
    %jit3A_420 = arith.constant 1.000000e+00 : f32
    %jit3A_421 = arith.constant 0.000000e+00 : f32
    %broadcast_in_dim3A_422 = vector.broadcast %jit3A_420 : f32 to vector<200x128xf32>
    %broadcast_in_dim3A_423 = vector.broadcast %jit3A_421 : f32 to vector<200x128xf32>
    %select_n3A_424 = arith.select %or3A_419, %broadcast_in_dim3A_422, %broadcast_in_dim3A_423 : vector<200x128xi1>, vector<200x128xf32>
    %add3A_425 = arith.addf %add3A_409, %select_n3A_424 : vector<200x128xf32>
    %slice3A_426 = vector.extract_strided_slice %transpose3A {offsets = [27, 0], sizes = [1, 128], strides = [1, 1]} : vector<200x128xf32> to vector<1x128xf32>
    %broadcast_in_dim3A_427 = vector.shape_cast %slice3A_426 : vector<1x128xf32> to vector<1x128xf32>
    %broadcast_in_dim3A_428 = vector.broadcast %broadcast_in_dim3A_427 : vector<1x128xf32> to vector<200x128xf32>
    %lt3A_429 = arith.cmpf olt, %broadcast_in_dim3A_428, %transpose3A : vector<200x128xf32>
    %eq3A_430 = arith.cmpf oeq, %broadcast_in_dim3A_428, %transpose3A : vector<200x128xf32>
    %gt3A_431 = arith.constant 27 : i32
    %gt3A_432 = vector.broadcast %gt3A_431 : i32 to vector<200x128xi32>
    %gt3A_433 = arith.cmpi sgt, %iota3A, %gt3A_432 : vector<200x128xi32>
    %and3A_434 = arith.andi %eq3A_430, %gt3A_433 : vector<200x128xi1>
    %or3A_435 = arith.ori %lt3A_429, %and3A_434 : vector<200x128xi1>
    %jit3A_436 = arith.constant 1.000000e+00 : f32
    %jit3A_437 = arith.constant 0.000000e+00 : f32
    %broadcast_in_dim3A_438 = vector.broadcast %jit3A_436 : f32 to vector<200x128xf32>
    %broadcast_in_dim3A_439 = vector.broadcast %jit3A_437 : f32 to vector<200x128xf32>
    %select_n3A_440 = arith.select %or3A_435, %broadcast_in_dim3A_438, %broadcast_in_dim3A_439 : vector<200x128xi1>, vector<200x128xf32>
    %add3A_441 = arith.addf %add3A_425, %select_n3A_440 : vector<200x128xf32>
    %slice3A_442 = vector.extract_strided_slice %transpose3A {offsets = [28, 0], sizes = [1, 128], strides = [1, 1]} : vector<200x128xf32> to vector<1x128xf32>
    %broadcast_in_dim3A_443 = vector.shape_cast %slice3A_442 : vector<1x128xf32> to vector<1x128xf32>
    %broadcast_in_dim3A_444 = vector.broadcast %broadcast_in_dim3A_443 : vector<1x128xf32> to vector<200x128xf32>
    %lt3A_445 = arith.cmpf olt, %broadcast_in_dim3A_444, %transpose3A : vector<200x128xf32>
    %eq3A_446 = arith.cmpf oeq, %broadcast_in_dim3A_444, %transpose3A : vector<200x128xf32>
    %gt3A_447 = arith.constant 28 : i32
    %gt3A_448 = vector.broadcast %gt3A_447 : i32 to vector<200x128xi32>
    %gt3A_449 = arith.cmpi sgt, %iota3A, %gt3A_448 : vector<200x128xi32>
    %and3A_450 = arith.andi %eq3A_446, %gt3A_449 : vector<200x128xi1>
    %or3A_451 = arith.ori %lt3A_445, %and3A_450 : vector<200x128xi1>
    %jit3A_452 = arith.constant 1.000000e+00 : f32
    %jit3A_453 = arith.constant 0.000000e+00 : f32
    %broadcast_in_dim3A_454 = vector.broadcast %jit3A_452 : f32 to vector<200x128xf32>
    %broadcast_in_dim3A_455 = vector.broadcast %jit3A_453 : f32 to vector<200x128xf32>
    %select_n3A_456 = arith.select %or3A_451, %broadcast_in_dim3A_454, %broadcast_in_dim3A_455 : vector<200x128xi1>, vector<200x128xf32>
    %add3A_457 = arith.addf %add3A_441, %select_n3A_456 : vector<200x128xf32>
    %slice3A_458 = vector.extract_strided_slice %transpose3A {offsets = [29, 0], sizes = [1, 128], strides = [1, 1]} : vector<200x128xf32> to vector<1x128xf32>
    %broadcast_in_dim3A_459 = vector.shape_cast %slice3A_458 : vector<1x128xf32> to vector<1x128xf32>
    %broadcast_in_dim3A_460 = vector.broadcast %broadcast_in_dim3A_459 : vector<1x128xf32> to vector<200x128xf32>
    %lt3A_461 = arith.cmpf olt, %broadcast_in_dim3A_460, %transpose3A : vector<200x128xf32>
    %eq3A_462 = arith.cmpf oeq, %broadcast_in_dim3A_460, %transpose3A : vector<200x128xf32>
    %gt3A_463 = arith.constant 29 : i32
    %gt3A_464 = vector.broadcast %gt3A_463 : i32 to vector<200x128xi32>
    %gt3A_465 = arith.cmpi sgt, %iota3A, %gt3A_464 : vector<200x128xi32>
    %and3A_466 = arith.andi %eq3A_462, %gt3A_465 : vector<200x128xi1>
    %or3A_467 = arith.ori %lt3A_461, %and3A_466 : vector<200x128xi1>
    %jit3A_468 = arith.constant 1.000000e+00 : f32
    %jit3A_469 = arith.constant 0.000000e+00 : f32
    %broadcast_in_dim3A_470 = vector.broadcast %jit3A_468 : f32 to vector<200x128xf32>
    %broadcast_in_dim3A_471 = vector.broadcast %jit3A_469 : f32 to vector<200x128xf32>
    %select_n3A_472 = arith.select %or3A_467, %broadcast_in_dim3A_470, %broadcast_in_dim3A_471 : vector<200x128xi1>, vector<200x128xf32>
    %add3A_473 = arith.addf %add3A_457, %select_n3A_472 : vector<200x128xf32>
    %slice3A_474 = vector.extract_strided_slice %transpose3A {offsets = [30, 0], sizes = [1, 128], strides = [1, 1]} : vector<200x128xf32> to vector<1x128xf32>
    %broadcast_in_dim3A_475 = vector.shape_cast %slice3A_474 : vector<1x128xf32> to vector<1x128xf32>
    %broadcast_in_dim3A_476 = vector.broadcast %broadcast_in_dim3A_475 : vector<1x128xf32> to vector<200x128xf32>
    %lt3A_477 = arith.cmpf olt, %broadcast_in_dim3A_476, %transpose3A : vector<200x128xf32>
    %eq3A_478 = arith.cmpf oeq, %broadcast_in_dim3A_476, %transpose3A : vector<200x128xf32>
    %gt3A_479 = arith.constant 30 : i32
    %gt3A_480 = vector.broadcast %gt3A_479 : i32 to vector<200x128xi32>
    %gt3A_481 = arith.cmpi sgt, %iota3A, %gt3A_480 : vector<200x128xi32>
    %and3A_482 = arith.andi %eq3A_478, %gt3A_481 : vector<200x128xi1>
    %or3A_483 = arith.ori %lt3A_477, %and3A_482 : vector<200x128xi1>
    %jit3A_484 = arith.constant 1.000000e+00 : f32
    %jit3A_485 = arith.constant 0.000000e+00 : f32
    %broadcast_in_dim3A_486 = vector.broadcast %jit3A_484 : f32 to vector<200x128xf32>
    %broadcast_in_dim3A_487 = vector.broadcast %jit3A_485 : f32 to vector<200x128xf32>
    %select_n3A_488 = arith.select %or3A_483, %broadcast_in_dim3A_486, %broadcast_in_dim3A_487 : vector<200x128xi1>, vector<200x128xf32>
    %add3A_489 = arith.addf %add3A_473, %select_n3A_488 : vector<200x128xf32>
    %slice3A_490 = vector.extract_strided_slice %transpose3A {offsets = [31, 0], sizes = [1, 128], strides = [1, 1]} : vector<200x128xf32> to vector<1x128xf32>
    %broadcast_in_dim3A_491 = vector.shape_cast %slice3A_490 : vector<1x128xf32> to vector<1x128xf32>
    %broadcast_in_dim3A_492 = vector.broadcast %broadcast_in_dim3A_491 : vector<1x128xf32> to vector<200x128xf32>
    %lt3A_493 = arith.cmpf olt, %broadcast_in_dim3A_492, %transpose3A : vector<200x128xf32>
    %eq3A_494 = arith.cmpf oeq, %broadcast_in_dim3A_492, %transpose3A : vector<200x128xf32>
    %gt3A_495 = arith.constant 31 : i32
    %gt3A_496 = vector.broadcast %gt3A_495 : i32 to vector<200x128xi32>
    %gt3A_497 = arith.cmpi sgt, %iota3A, %gt3A_496 : vector<200x128xi32>
    %and3A_498 = arith.andi %eq3A_494, %gt3A_497 : vector<200x128xi1>
    %or3A_499 = arith.ori %lt3A_493, %and3A_498 : vector<200x128xi1>
    %jit3A_500 = arith.constant 1.000000e+00 : f32
    %jit3A_501 = arith.constant 0.000000e+00 : f32
    %broadcast_in_dim3A_502 = vector.broadcast %jit3A_500 : f32 to vector<200x128xf32>
    %broadcast_in_dim3A_503 = vector.broadcast %jit3A_501 : f32 to vector<200x128xf32>
    %select_n3A_504 = arith.select %or3A_499, %broadcast_in_dim3A_502, %broadcast_in_dim3A_503 : vector<200x128xi1>, vector<200x128xf32>
    %add3A_505 = arith.addf %add3A_489, %select_n3A_504 : vector<200x128xf32>
    %slice3A_506 = vector.extract_strided_slice %transpose3A {offsets = [32, 0], sizes = [1, 128], strides = [1, 1]} : vector<200x128xf32> to vector<1x128xf32>
    %broadcast_in_dim3A_507 = vector.shape_cast %slice3A_506 : vector<1x128xf32> to vector<1x128xf32>
    %broadcast_in_dim3A_508 = vector.broadcast %broadcast_in_dim3A_507 : vector<1x128xf32> to vector<200x128xf32>
    %lt3A_509 = arith.cmpf olt, %broadcast_in_dim3A_508, %transpose3A : vector<200x128xf32>
    %eq3A_510 = arith.cmpf oeq, %broadcast_in_dim3A_508, %transpose3A : vector<200x128xf32>
    %gt3A_511 = arith.constant 32 : i32
    %gt3A_512 = vector.broadcast %gt3A_511 : i32 to vector<200x128xi32>
    %gt3A_513 = arith.cmpi sgt, %iota3A, %gt3A_512 : vector<200x128xi32>
    %and3A_514 = arith.andi %eq3A_510, %gt3A_513 : vector<200x128xi1>
    %or3A_515 = arith.ori %lt3A_509, %and3A_514 : vector<200x128xi1>
    %jit3A_516 = arith.constant 1.000000e+00 : f32
    %jit3A_517 = arith.constant 0.000000e+00 : f32
    %broadcast_in_dim3A_518 = vector.broadcast %jit3A_516 : f32 to vector<200x128xf32>
    %broadcast_in_dim3A_519 = vector.broadcast %jit3A_517 : f32 to vector<200x128xf32>
    %select_n3A_520 = arith.select %or3A_515, %broadcast_in_dim3A_518, %broadcast_in_dim3A_519 : vector<200x128xi1>, vector<200x128xf32>
    %add3A_521 = arith.addf %add3A_505, %select_n3A_520 : vector<200x128xf32>
    %slice3A_522 = vector.extract_strided_slice %transpose3A {offsets = [33, 0], sizes = [1, 128], strides = [1, 1]} : vector<200x128xf32> to vector<1x128xf32>
    %broadcast_in_dim3A_523 = vector.shape_cast %slice3A_522 : vector<1x128xf32> to vector<1x128xf32>
    %broadcast_in_dim3A_524 = vector.broadcast %broadcast_in_dim3A_523 : vector<1x128xf32> to vector<200x128xf32>
    %lt3A_525 = arith.cmpf olt, %broadcast_in_dim3A_524, %transpose3A : vector<200x128xf32>
    %eq3A_526 = arith.cmpf oeq, %broadcast_in_dim3A_524, %transpose3A : vector<200x128xf32>
    %gt3A_527 = arith.constant 33 : i32
    %gt3A_528 = vector.broadcast %gt3A_527 : i32 to vector<200x128xi32>
    %gt3A_529 = arith.cmpi sgt, %iota3A, %gt3A_528 : vector<200x128xi32>
    %and3A_530 = arith.andi %eq3A_526, %gt3A_529 : vector<200x128xi1>
    %or3A_531 = arith.ori %lt3A_525, %and3A_530 : vector<200x128xi1>
    %jit3A_532 = arith.constant 1.000000e+00 : f32
    %jit3A_533 = arith.constant 0.000000e+00 : f32
    %broadcast_in_dim3A_534 = vector.broadcast %jit3A_532 : f32 to vector<200x128xf32>
    %broadcast_in_dim3A_535 = vector.broadcast %jit3A_533 : f32 to vector<200x128xf32>
    %select_n3A_536 = arith.select %or3A_531, %broadcast_in_dim3A_534, %broadcast_in_dim3A_535 : vector<200x128xi1>, vector<200x128xf32>
    %add3A_537 = arith.addf %add3A_521, %select_n3A_536 : vector<200x128xf32>
    %slice3A_538 = vector.extract_strided_slice %transpose3A {offsets = [34, 0], sizes = [1, 128], strides = [1, 1]} : vector<200x128xf32> to vector<1x128xf32>
    %broadcast_in_dim3A_539 = vector.shape_cast %slice3A_538 : vector<1x128xf32> to vector<1x128xf32>
    %broadcast_in_dim3A_540 = vector.broadcast %broadcast_in_dim3A_539 : vector<1x128xf32> to vector<200x128xf32>
    %lt3A_541 = arith.cmpf olt, %broadcast_in_dim3A_540, %transpose3A : vector<200x128xf32>
    %eq3A_542 = arith.cmpf oeq, %broadcast_in_dim3A_540, %transpose3A : vector<200x128xf32>
    %gt3A_543 = arith.constant 34 : i32
    %gt3A_544 = vector.broadcast %gt3A_543 : i32 to vector<200x128xi32>
    %gt3A_545 = arith.cmpi sgt, %iota3A, %gt3A_544 : vector<200x128xi32>
    %and3A_546 = arith.andi %eq3A_542, %gt3A_545 : vector<200x128xi1>
    %or3A_547 = arith.ori %lt3A_541, %and3A_546 : vector<200x128xi1>
    %jit3A_548 = arith.constant 1.000000e+00 : f32
    %jit3A_549 = arith.constant 0.000000e+00 : f32
    %broadcast_in_dim3A_550 = vector.broadcast %jit3A_548 : f32 to vector<200x128xf32>
    %broadcast_in_dim3A_551 = vector.broadcast %jit3A_549 : f32 to vector<200x128xf32>
    %select_n3A_552 = arith.select %or3A_547, %broadcast_in_dim3A_550, %broadcast_in_dim3A_551 : vector<200x128xi1>, vector<200x128xf32>
    %add3A_553 = arith.addf %add3A_537, %select_n3A_552 : vector<200x128xf32>
    %slice3A_554 = vector.extract_strided_slice %transpose3A {offsets = [35, 0], sizes = [1, 128], strides = [1, 1]} : vector<200x128xf32> to vector<1x128xf32>
    %broadcast_in_dim3A_555 = vector.shape_cast %slice3A_554 : vector<1x128xf32> to vector<1x128xf32>
    %broadcast_in_dim3A_556 = vector.broadcast %broadcast_in_dim3A_555 : vector<1x128xf32> to vector<200x128xf32>
    %lt3A_557 = arith.cmpf olt, %broadcast_in_dim3A_556, %transpose3A : vector<200x128xf32>
    %eq3A_558 = arith.cmpf oeq, %broadcast_in_dim3A_556, %transpose3A : vector<200x128xf32>
    %gt3A_559 = arith.constant 35 : i32
    %gt3A_560 = vector.broadcast %gt3A_559 : i32 to vector<200x128xi32>
    %gt3A_561 = arith.cmpi sgt, %iota3A, %gt3A_560 : vector<200x128xi32>
    %and3A_562 = arith.andi %eq3A_558, %gt3A_561 : vector<200x128xi1>
    %or3A_563 = arith.ori %lt3A_557, %and3A_562 : vector<200x128xi1>
    %jit3A_564 = arith.constant 1.000000e+00 : f32
    %jit3A_565 = arith.constant 0.000000e+00 : f32
    %broadcast_in_dim3A_566 = vector.broadcast %jit3A_564 : f32 to vector<200x128xf32>
    %broadcast_in_dim3A_567 = vector.broadcast %jit3A_565 : f32 to vector<200x128xf32>
    %select_n3A_568 = arith.select %or3A_563, %broadcast_in_dim3A_566, %broadcast_in_dim3A_567 : vector<200x128xi1>, vector<200x128xf32>
    %add3A_569 = arith.addf %add3A_553, %select_n3A_568 : vector<200x128xf32>
    %slice3A_570 = vector.extract_strided_slice %transpose3A {offsets = [36, 0], sizes = [1, 128], strides = [1, 1]} : vector<200x128xf32> to vector<1x128xf32>
    %broadcast_in_dim3A_571 = vector.shape_cast %slice3A_570 : vector<1x128xf32> to vector<1x128xf32>
    %broadcast_in_dim3A_572 = vector.broadcast %broadcast_in_dim3A_571 : vector<1x128xf32> to vector<200x128xf32>
    %lt3A_573 = arith.cmpf olt, %broadcast_in_dim3A_572, %transpose3A : vector<200x128xf32>
    %eq3A_574 = arith.cmpf oeq, %broadcast_in_dim3A_572, %transpose3A : vector<200x128xf32>
    %gt3A_575 = arith.constant 36 : i32
    %gt3A_576 = vector.broadcast %gt3A_575 : i32 to vector<200x128xi32>
    %gt3A_577 = arith.cmpi sgt, %iota3A, %gt3A_576 : vector<200x128xi32>
    %and3A_578 = arith.andi %eq3A_574, %gt3A_577 : vector<200x128xi1>
    %or3A_579 = arith.ori %lt3A_573, %and3A_578 : vector<200x128xi1>
    %jit3A_580 = arith.constant 1.000000e+00 : f32
    %jit3A_581 = arith.constant 0.000000e+00 : f32
    %broadcast_in_dim3A_582 = vector.broadcast %jit3A_580 : f32 to vector<200x128xf32>
    %broadcast_in_dim3A_583 = vector.broadcast %jit3A_581 : f32 to vector<200x128xf32>
    %select_n3A_584 = arith.select %or3A_579, %broadcast_in_dim3A_582, %broadcast_in_dim3A_583 : vector<200x128xi1>, vector<200x128xf32>
    %add3A_585 = arith.addf %add3A_569, %select_n3A_584 : vector<200x128xf32>
    %slice3A_586 = vector.extract_strided_slice %transpose3A {offsets = [37, 0], sizes = [1, 128], strides = [1, 1]} : vector<200x128xf32> to vector<1x128xf32>
    %broadcast_in_dim3A_587 = vector.shape_cast %slice3A_586 : vector<1x128xf32> to vector<1x128xf32>
    %broadcast_in_dim3A_588 = vector.broadcast %broadcast_in_dim3A_587 : vector<1x128xf32> to vector<200x128xf32>
    %lt3A_589 = arith.cmpf olt, %broadcast_in_dim3A_588, %transpose3A : vector<200x128xf32>
    %eq3A_590 = arith.cmpf oeq, %broadcast_in_dim3A_588, %transpose3A : vector<200x128xf32>
    %gt3A_591 = arith.constant 37 : i32
    %gt3A_592 = vector.broadcast %gt3A_591 : i32 to vector<200x128xi32>
    %gt3A_593 = arith.cmpi sgt, %iota3A, %gt3A_592 : vector<200x128xi32>
    %and3A_594 = arith.andi %eq3A_590, %gt3A_593 : vector<200x128xi1>
    %or3A_595 = arith.ori %lt3A_589, %and3A_594 : vector<200x128xi1>
    %jit3A_596 = arith.constant 1.000000e+00 : f32
    %jit3A_597 = arith.constant 0.000000e+00 : f32
    %broadcast_in_dim3A_598 = vector.broadcast %jit3A_596 : f32 to vector<200x128xf32>
    %broadcast_in_dim3A_599 = vector.broadcast %jit3A_597 : f32 to vector<200x128xf32>
    %select_n3A_600 = arith.select %or3A_595, %broadcast_in_dim3A_598, %broadcast_in_dim3A_599 : vector<200x128xi1>, vector<200x128xf32>
    %add3A_601 = arith.addf %add3A_585, %select_n3A_600 : vector<200x128xf32>
    %slice3A_602 = vector.extract_strided_slice %transpose3A {offsets = [38, 0], sizes = [1, 128], strides = [1, 1]} : vector<200x128xf32> to vector<1x128xf32>
    %broadcast_in_dim3A_603 = vector.shape_cast %slice3A_602 : vector<1x128xf32> to vector<1x128xf32>
    %broadcast_in_dim3A_604 = vector.broadcast %broadcast_in_dim3A_603 : vector<1x128xf32> to vector<200x128xf32>
    %lt3A_605 = arith.cmpf olt, %broadcast_in_dim3A_604, %transpose3A : vector<200x128xf32>
    %eq3A_606 = arith.cmpf oeq, %broadcast_in_dim3A_604, %transpose3A : vector<200x128xf32>
    %gt3A_607 = arith.constant 38 : i32
    %gt3A_608 = vector.broadcast %gt3A_607 : i32 to vector<200x128xi32>
    %gt3A_609 = arith.cmpi sgt, %iota3A, %gt3A_608 : vector<200x128xi32>
    %and3A_610 = arith.andi %eq3A_606, %gt3A_609 : vector<200x128xi1>
    %or3A_611 = arith.ori %lt3A_605, %and3A_610 : vector<200x128xi1>
    %jit3A_612 = arith.constant 1.000000e+00 : f32
    %jit3A_613 = arith.constant 0.000000e+00 : f32
    %broadcast_in_dim3A_614 = vector.broadcast %jit3A_612 : f32 to vector<200x128xf32>
    %broadcast_in_dim3A_615 = vector.broadcast %jit3A_613 : f32 to vector<200x128xf32>
    %select_n3A_616 = arith.select %or3A_611, %broadcast_in_dim3A_614, %broadcast_in_dim3A_615 : vector<200x128xi1>, vector<200x128xf32>
    %add3A_617 = arith.addf %add3A_601, %select_n3A_616 : vector<200x128xf32>
    %slice3A_618 = vector.extract_strided_slice %transpose3A {offsets = [39, 0], sizes = [1, 128], strides = [1, 1]} : vector<200x128xf32> to vector<1x128xf32>
    %broadcast_in_dim3A_619 = vector.shape_cast %slice3A_618 : vector<1x128xf32> to vector<1x128xf32>
    %broadcast_in_dim3A_620 = vector.broadcast %broadcast_in_dim3A_619 : vector<1x128xf32> to vector<200x128xf32>
    %lt3A_621 = arith.cmpf olt, %broadcast_in_dim3A_620, %transpose3A : vector<200x128xf32>
    %eq3A_622 = arith.cmpf oeq, %broadcast_in_dim3A_620, %transpose3A : vector<200x128xf32>
    %gt3A_623 = arith.constant 39 : i32
    %gt3A_624 = vector.broadcast %gt3A_623 : i32 to vector<200x128xi32>
    %gt3A_625 = arith.cmpi sgt, %iota3A, %gt3A_624 : vector<200x128xi32>
    %and3A_626 = arith.andi %eq3A_622, %gt3A_625 : vector<200x128xi1>
    %or3A_627 = arith.ori %lt3A_621, %and3A_626 : vector<200x128xi1>
    %jit3A_628 = arith.constant 1.000000e+00 : f32
    %jit3A_629 = arith.constant 0.000000e+00 : f32
    %broadcast_in_dim3A_630 = vector.broadcast %jit3A_628 : f32 to vector<200x128xf32>
    %broadcast_in_dim3A_631 = vector.broadcast %jit3A_629 : f32 to vector<200x128xf32>
    %select_n3A_632 = arith.select %or3A_627, %broadcast_in_dim3A_630, %broadcast_in_dim3A_631 : vector<200x128xi1>, vector<200x128xf32>
    %add3A_633 = arith.addf %add3A_617, %select_n3A_632 : vector<200x128xf32>
    %slice3A_634 = vector.extract_strided_slice %transpose3A {offsets = [40, 0], sizes = [1, 128], strides = [1, 1]} : vector<200x128xf32> to vector<1x128xf32>
    %broadcast_in_dim3A_635 = vector.shape_cast %slice3A_634 : vector<1x128xf32> to vector<1x128xf32>
    %broadcast_in_dim3A_636 = vector.broadcast %broadcast_in_dim3A_635 : vector<1x128xf32> to vector<200x128xf32>
    %lt3A_637 = arith.cmpf olt, %broadcast_in_dim3A_636, %transpose3A : vector<200x128xf32>
    %eq3A_638 = arith.cmpf oeq, %broadcast_in_dim3A_636, %transpose3A : vector<200x128xf32>
    %gt3A_639 = arith.constant 40 : i32
    %gt3A_640 = vector.broadcast %gt3A_639 : i32 to vector<200x128xi32>
    %gt3A_641 = arith.cmpi sgt, %iota3A, %gt3A_640 : vector<200x128xi32>
    %and3A_642 = arith.andi %eq3A_638, %gt3A_641 : vector<200x128xi1>
    %or3A_643 = arith.ori %lt3A_637, %and3A_642 : vector<200x128xi1>
    %jit3A_644 = arith.constant 1.000000e+00 : f32
    %jit3A_645 = arith.constant 0.000000e+00 : f32
    %broadcast_in_dim3A_646 = vector.broadcast %jit3A_644 : f32 to vector<200x128xf32>
    %broadcast_in_dim3A_647 = vector.broadcast %jit3A_645 : f32 to vector<200x128xf32>
    %select_n3A_648 = arith.select %or3A_643, %broadcast_in_dim3A_646, %broadcast_in_dim3A_647 : vector<200x128xi1>, vector<200x128xf32>
    %add3A_649 = arith.addf %add3A_633, %select_n3A_648 : vector<200x128xf32>
    %slice3A_650 = vector.extract_strided_slice %transpose3A {offsets = [41, 0], sizes = [1, 128], strides = [1, 1]} : vector<200x128xf32> to vector<1x128xf32>
    %broadcast_in_dim3A_651 = vector.shape_cast %slice3A_650 : vector<1x128xf32> to vector<1x128xf32>
    %broadcast_in_dim3A_652 = vector.broadcast %broadcast_in_dim3A_651 : vector<1x128xf32> to vector<200x128xf32>
    %lt3A_653 = arith.cmpf olt, %broadcast_in_dim3A_652, %transpose3A : vector<200x128xf32>
    %eq3A_654 = arith.cmpf oeq, %broadcast_in_dim3A_652, %transpose3A : vector<200x128xf32>
    %gt3A_655 = arith.constant 41 : i32
    %gt3A_656 = vector.broadcast %gt3A_655 : i32 to vector<200x128xi32>
    %gt3A_657 = arith.cmpi sgt, %iota3A, %gt3A_656 : vector<200x128xi32>
    %and3A_658 = arith.andi %eq3A_654, %gt3A_657 : vector<200x128xi1>
    %or3A_659 = arith.ori %lt3A_653, %and3A_658 : vector<200x128xi1>
    %jit3A_660 = arith.constant 1.000000e+00 : f32
    %jit3A_661 = arith.constant 0.000000e+00 : f32
    %broadcast_in_dim3A_662 = vector.broadcast %jit3A_660 : f32 to vector<200x128xf32>
    %broadcast_in_dim3A_663 = vector.broadcast %jit3A_661 : f32 to vector<200x128xf32>
    %select_n3A_664 = arith.select %or3A_659, %broadcast_in_dim3A_662, %broadcast_in_dim3A_663 : vector<200x128xi1>, vector<200x128xf32>
    %add3A_665 = arith.addf %add3A_649, %select_n3A_664 : vector<200x128xf32>
    %slice3A_666 = vector.extract_strided_slice %transpose3A {offsets = [42, 0], sizes = [1, 128], strides = [1, 1]} : vector<200x128xf32> to vector<1x128xf32>
    %broadcast_in_dim3A_667 = vector.shape_cast %slice3A_666 : vector<1x128xf32> to vector<1x128xf32>
    %broadcast_in_dim3A_668 = vector.broadcast %broadcast_in_dim3A_667 : vector<1x128xf32> to vector<200x128xf32>
    %lt3A_669 = arith.cmpf olt, %broadcast_in_dim3A_668, %transpose3A : vector<200x128xf32>
    %eq3A_670 = arith.cmpf oeq, %broadcast_in_dim3A_668, %transpose3A : vector<200x128xf32>
    %gt3A_671 = arith.constant 42 : i32
    %gt3A_672 = vector.broadcast %gt3A_671 : i32 to vector<200x128xi32>
    %gt3A_673 = arith.cmpi sgt, %iota3A, %gt3A_672 : vector<200x128xi32>
    %and3A_674 = arith.andi %eq3A_670, %gt3A_673 : vector<200x128xi1>
    %or3A_675 = arith.ori %lt3A_669, %and3A_674 : vector<200x128xi1>
    %jit3A_676 = arith.constant 1.000000e+00 : f32
    %jit3A_677 = arith.constant 0.000000e+00 : f32
    %broadcast_in_dim3A_678 = vector.broadcast %jit3A_676 : f32 to vector<200x128xf32>
    %broadcast_in_dim3A_679 = vector.broadcast %jit3A_677 : f32 to vector<200x128xf32>
    %select_n3A_680 = arith.select %or3A_675, %broadcast_in_dim3A_678, %broadcast_in_dim3A_679 : vector<200x128xi1>, vector<200x128xf32>
    %add3A_681 = arith.addf %add3A_665, %select_n3A_680 : vector<200x128xf32>
    %slice3A_682 = vector.extract_strided_slice %transpose3A {offsets = [43, 0], sizes = [1, 128], strides = [1, 1]} : vector<200x128xf32> to vector<1x128xf32>
    %broadcast_in_dim3A_683 = vector.shape_cast %slice3A_682 : vector<1x128xf32> to vector<1x128xf32>
    %broadcast_in_dim3A_684 = vector.broadcast %broadcast_in_dim3A_683 : vector<1x128xf32> to vector<200x128xf32>
    %lt3A_685 = arith.cmpf olt, %broadcast_in_dim3A_684, %transpose3A : vector<200x128xf32>
    %eq3A_686 = arith.cmpf oeq, %broadcast_in_dim3A_684, %transpose3A : vector<200x128xf32>
    %gt3A_687 = arith.constant 43 : i32
    %gt3A_688 = vector.broadcast %gt3A_687 : i32 to vector<200x128xi32>
    %gt3A_689 = arith.cmpi sgt, %iota3A, %gt3A_688 : vector<200x128xi32>
    %and3A_690 = arith.andi %eq3A_686, %gt3A_689 : vector<200x128xi1>
    %or3A_691 = arith.ori %lt3A_685, %and3A_690 : vector<200x128xi1>
    %jit3A_692 = arith.constant 1.000000e+00 : f32
    %jit3A_693 = arith.constant 0.000000e+00 : f32
    %broadcast_in_dim3A_694 = vector.broadcast %jit3A_692 : f32 to vector<200x128xf32>
    %broadcast_in_dim3A_695 = vector.broadcast %jit3A_693 : f32 to vector<200x128xf32>
    %select_n3A_696 = arith.select %or3A_691, %broadcast_in_dim3A_694, %broadcast_in_dim3A_695 : vector<200x128xi1>, vector<200x128xf32>
    %add3A_697 = arith.addf %add3A_681, %select_n3A_696 : vector<200x128xf32>
    %slice3A_698 = vector.extract_strided_slice %transpose3A {offsets = [44, 0], sizes = [1, 128], strides = [1, 1]} : vector<200x128xf32> to vector<1x128xf32>
    %broadcast_in_dim3A_699 = vector.shape_cast %slice3A_698 : vector<1x128xf32> to vector<1x128xf32>
    %broadcast_in_dim3A_700 = vector.broadcast %broadcast_in_dim3A_699 : vector<1x128xf32> to vector<200x128xf32>
    %lt3A_701 = arith.cmpf olt, %broadcast_in_dim3A_700, %transpose3A : vector<200x128xf32>
    %eq3A_702 = arith.cmpf oeq, %broadcast_in_dim3A_700, %transpose3A : vector<200x128xf32>
    %gt3A_703 = arith.constant 44 : i32
    %gt3A_704 = vector.broadcast %gt3A_703 : i32 to vector<200x128xi32>
    %gt3A_705 = arith.cmpi sgt, %iota3A, %gt3A_704 : vector<200x128xi32>
    %and3A_706 = arith.andi %eq3A_702, %gt3A_705 : vector<200x128xi1>
    %or3A_707 = arith.ori %lt3A_701, %and3A_706 : vector<200x128xi1>
    %jit3A_708 = arith.constant 1.000000e+00 : f32
    %jit3A_709 = arith.constant 0.000000e+00 : f32
    %broadcast_in_dim3A_710 = vector.broadcast %jit3A_708 : f32 to vector<200x128xf32>
    %broadcast_in_dim3A_711 = vector.broadcast %jit3A_709 : f32 to vector<200x128xf32>
    %select_n3A_712 = arith.select %or3A_707, %broadcast_in_dim3A_710, %broadcast_in_dim3A_711 : vector<200x128xi1>, vector<200x128xf32>
    %add3A_713 = arith.addf %add3A_697, %select_n3A_712 : vector<200x128xf32>
    %slice3A_714 = vector.extract_strided_slice %transpose3A {offsets = [45, 0], sizes = [1, 128], strides = [1, 1]} : vector<200x128xf32> to vector<1x128xf32>
    %broadcast_in_dim3A_715 = vector.shape_cast %slice3A_714 : vector<1x128xf32> to vector<1x128xf32>
    %broadcast_in_dim3A_716 = vector.broadcast %broadcast_in_dim3A_715 : vector<1x128xf32> to vector<200x128xf32>
    %lt3A_717 = arith.cmpf olt, %broadcast_in_dim3A_716, %transpose3A : vector<200x128xf32>
    %eq3A_718 = arith.cmpf oeq, %broadcast_in_dim3A_716, %transpose3A : vector<200x128xf32>
    %gt3A_719 = arith.constant 45 : i32
    %gt3A_720 = vector.broadcast %gt3A_719 : i32 to vector<200x128xi32>
    %gt3A_721 = arith.cmpi sgt, %iota3A, %gt3A_720 : vector<200x128xi32>
    %and3A_722 = arith.andi %eq3A_718, %gt3A_721 : vector<200x128xi1>
    %or3A_723 = arith.ori %lt3A_717, %and3A_722 : vector<200x128xi1>
    %jit3A_724 = arith.constant 1.000000e+00 : f32
    %jit3A_725 = arith.constant 0.000000e+00 : f32
    %broadcast_in_dim3A_726 = vector.broadcast %jit3A_724 : f32 to vector<200x128xf32>
    %broadcast_in_dim3A_727 = vector.broadcast %jit3A_725 : f32 to vector<200x128xf32>
    %select_n3A_728 = arith.select %or3A_723, %broadcast_in_dim3A_726, %broadcast_in_dim3A_727 : vector<200x128xi1>, vector<200x128xf32>
    %add3A_729 = arith.addf %add3A_713, %select_n3A_728 : vector<200x128xf32>
    %slice3A_730 = vector.extract_strided_slice %transpose3A {offsets = [46, 0], sizes = [1, 128], strides = [1, 1]} : vector<200x128xf32> to vector<1x128xf32>
    %broadcast_in_dim3A_731 = vector.shape_cast %slice3A_730 : vector<1x128xf32> to vector<1x128xf32>
    %broadcast_in_dim3A_732 = vector.broadcast %broadcast_in_dim3A_731 : vector<1x128xf32> to vector<200x128xf32>
    %lt3A_733 = arith.cmpf olt, %broadcast_in_dim3A_732, %transpose3A : vector<200x128xf32>
    %eq3A_734 = arith.cmpf oeq, %broadcast_in_dim3A_732, %transpose3A : vector<200x128xf32>
    %gt3A_735 = arith.constant 46 : i32
    %gt3A_736 = vector.broadcast %gt3A_735 : i32 to vector<200x128xi32>
    %gt3A_737 = arith.cmpi sgt, %iota3A, %gt3A_736 : vector<200x128xi32>
    %and3A_738 = arith.andi %eq3A_734, %gt3A_737 : vector<200x128xi1>
    %or3A_739 = arith.ori %lt3A_733, %and3A_738 : vector<200x128xi1>
    %jit3A_740 = arith.constant 1.000000e+00 : f32
    %jit3A_741 = arith.constant 0.000000e+00 : f32
    %broadcast_in_dim3A_742 = vector.broadcast %jit3A_740 : f32 to vector<200x128xf32>
    %broadcast_in_dim3A_743 = vector.broadcast %jit3A_741 : f32 to vector<200x128xf32>
    %select_n3A_744 = arith.select %or3A_739, %broadcast_in_dim3A_742, %broadcast_in_dim3A_743 : vector<200x128xi1>, vector<200x128xf32>
    %add3A_745 = arith.addf %add3A_729, %select_n3A_744 : vector<200x128xf32>
    %slice3A_746 = vector.extract_strided_slice %transpose3A {offsets = [47, 0], sizes = [1, 128], strides = [1, 1]} : vector<200x128xf32> to vector<1x128xf32>
    %broadcast_in_dim3A_747 = vector.shape_cast %slice3A_746 : vector<1x128xf32> to vector<1x128xf32>
    %broadcast_in_dim3A_748 = vector.broadcast %broadcast_in_dim3A_747 : vector<1x128xf32> to vector<200x128xf32>
    %lt3A_749 = arith.cmpf olt, %broadcast_in_dim3A_748, %transpose3A : vector<200x128xf32>
    %eq3A_750 = arith.cmpf oeq, %broadcast_in_dim3A_748, %transpose3A : vector<200x128xf32>
    %gt3A_751 = arith.constant 47 : i32
    %gt3A_752 = vector.broadcast %gt3A_751 : i32 to vector<200x128xi32>
    %gt3A_753 = arith.cmpi sgt, %iota3A, %gt3A_752 : vector<200x128xi32>
    %and3A_754 = arith.andi %eq3A_750, %gt3A_753 : vector<200x128xi1>
    %or3A_755 = arith.ori %lt3A_749, %and3A_754 : vector<200x128xi1>
    %jit3A_756 = arith.constant 1.000000e+00 : f32
    %jit3A_757 = arith.constant 0.000000e+00 : f32
    %broadcast_in_dim3A_758 = vector.broadcast %jit3A_756 : f32 to vector<200x128xf32>
    %broadcast_in_dim3A_759 = vector.broadcast %jit3A_757 : f32 to vector<200x128xf32>
    %select_n3A_760 = arith.select %or3A_755, %broadcast_in_dim3A_758, %broadcast_in_dim3A_759 : vector<200x128xi1>, vector<200x128xf32>
    %add3A_761 = arith.addf %add3A_745, %select_n3A_760 : vector<200x128xf32>
    %slice3A_762 = vector.extract_strided_slice %transpose3A {offsets = [48, 0], sizes = [1, 128], strides = [1, 1]} : vector<200x128xf32> to vector<1x128xf32>
    %broadcast_in_dim3A_763 = vector.shape_cast %slice3A_762 : vector<1x128xf32> to vector<1x128xf32>
    %broadcast_in_dim3A_764 = vector.broadcast %broadcast_in_dim3A_763 : vector<1x128xf32> to vector<200x128xf32>
    %lt3A_765 = arith.cmpf olt, %broadcast_in_dim3A_764, %transpose3A : vector<200x128xf32>
    %eq3A_766 = arith.cmpf oeq, %broadcast_in_dim3A_764, %transpose3A : vector<200x128xf32>
    %gt3A_767 = arith.constant 48 : i32
    %gt3A_768 = vector.broadcast %gt3A_767 : i32 to vector<200x128xi32>
    %gt3A_769 = arith.cmpi sgt, %iota3A, %gt3A_768 : vector<200x128xi32>
    %and3A_770 = arith.andi %eq3A_766, %gt3A_769 : vector<200x128xi1>
    %or3A_771 = arith.ori %lt3A_765, %and3A_770 : vector<200x128xi1>
    %jit3A_772 = arith.constant 1.000000e+00 : f32
    %jit3A_773 = arith.constant 0.000000e+00 : f32
    %broadcast_in_dim3A_774 = vector.broadcast %jit3A_772 : f32 to vector<200x128xf32>
    %broadcast_in_dim3A_775 = vector.broadcast %jit3A_773 : f32 to vector<200x128xf32>
    %select_n3A_776 = arith.select %or3A_771, %broadcast_in_dim3A_774, %broadcast_in_dim3A_775 : vector<200x128xi1>, vector<200x128xf32>
    %add3A_777 = arith.addf %add3A_761, %select_n3A_776 : vector<200x128xf32>
    %slice3A_778 = vector.extract_strided_slice %transpose3A {offsets = [49, 0], sizes = [1, 128], strides = [1, 1]} : vector<200x128xf32> to vector<1x128xf32>
    %broadcast_in_dim3A_779 = vector.shape_cast %slice3A_778 : vector<1x128xf32> to vector<1x128xf32>
    %broadcast_in_dim3A_780 = vector.broadcast %broadcast_in_dim3A_779 : vector<1x128xf32> to vector<200x128xf32>
    %lt3A_781 = arith.cmpf olt, %broadcast_in_dim3A_780, %transpose3A : vector<200x128xf32>
    %eq3A_782 = arith.cmpf oeq, %broadcast_in_dim3A_780, %transpose3A : vector<200x128xf32>
    %gt3A_783 = arith.constant 49 : i32
    %gt3A_784 = vector.broadcast %gt3A_783 : i32 to vector<200x128xi32>
    %gt3A_785 = arith.cmpi sgt, %iota3A, %gt3A_784 : vector<200x128xi32>
    %and3A_786 = arith.andi %eq3A_782, %gt3A_785 : vector<200x128xi1>
    %or3A_787 = arith.ori %lt3A_781, %and3A_786 : vector<200x128xi1>
    %jit3A_788 = arith.constant 1.000000e+00 : f32
    %jit3A_789 = arith.constant 0.000000e+00 : f32
    %broadcast_in_dim3A_790 = vector.broadcast %jit3A_788 : f32 to vector<200x128xf32>
    %broadcast_in_dim3A_791 = vector.broadcast %jit3A_789 : f32 to vector<200x128xf32>
    %select_n3A_792 = arith.select %or3A_787, %broadcast_in_dim3A_790, %broadcast_in_dim3A_791 : vector<200x128xi1>, vector<200x128xf32>
    %add3A_793 = arith.addf %add3A_777, %select_n3A_792 : vector<200x128xf32>
    %slice3A_794 = vector.extract_strided_slice %transpose3A {offsets = [50, 0], sizes = [1, 128], strides = [1, 1]} : vector<200x128xf32> to vector<1x128xf32>
    %broadcast_in_dim3A_795 = vector.shape_cast %slice3A_794 : vector<1x128xf32> to vector<1x128xf32>
    %broadcast_in_dim3A_796 = vector.broadcast %broadcast_in_dim3A_795 : vector<1x128xf32> to vector<200x128xf32>
    %lt3A_797 = arith.cmpf olt, %broadcast_in_dim3A_796, %transpose3A : vector<200x128xf32>
    %eq3A_798 = arith.cmpf oeq, %broadcast_in_dim3A_796, %transpose3A : vector<200x128xf32>
    %gt3A_799 = arith.constant 50 : i32
    %gt3A_800 = vector.broadcast %gt3A_799 : i32 to vector<200x128xi32>
    %gt3A_801 = arith.cmpi sgt, %iota3A, %gt3A_800 : vector<200x128xi32>
    %and3A_802 = arith.andi %eq3A_798, %gt3A_801 : vector<200x128xi1>
    %or3A_803 = arith.ori %lt3A_797, %and3A_802 : vector<200x128xi1>
    %jit3A_804 = arith.constant 1.000000e+00 : f32
    %jit3A_805 = arith.constant 0.000000e+00 : f32
    %broadcast_in_dim3A_806 = vector.broadcast %jit3A_804 : f32 to vector<200x128xf32>
    %broadcast_in_dim3A_807 = vector.broadcast %jit3A_805 : f32 to vector<200x128xf32>
    %select_n3A_808 = arith.select %or3A_803, %broadcast_in_dim3A_806, %broadcast_in_dim3A_807 : vector<200x128xi1>, vector<200x128xf32>
    %add3A_809 = arith.addf %add3A_793, %select_n3A_808 : vector<200x128xf32>
    %slice3A_810 = vector.extract_strided_slice %transpose3A {offsets = [51, 0], sizes = [1, 128], strides = [1, 1]} : vector<200x128xf32> to vector<1x128xf32>
    %broadcast_in_dim3A_811 = vector.shape_cast %slice3A_810 : vector<1x128xf32> to vector<1x128xf32>
    %broadcast_in_dim3A_812 = vector.broadcast %broadcast_in_dim3A_811 : vector<1x128xf32> to vector<200x128xf32>
    %lt3A_813 = arith.cmpf olt, %broadcast_in_dim3A_812, %transpose3A : vector<200x128xf32>
    %eq3A_814 = arith.cmpf oeq, %broadcast_in_dim3A_812, %transpose3A : vector<200x128xf32>
    %gt3A_815 = arith.constant 51 : i32
    %gt3A_816 = vector.broadcast %gt3A_815 : i32 to vector<200x128xi32>
    %gt3A_817 = arith.cmpi sgt, %iota3A, %gt3A_816 : vector<200x128xi32>
    %and3A_818 = arith.andi %eq3A_814, %gt3A_817 : vector<200x128xi1>
    %or3A_819 = arith.ori %lt3A_813, %and3A_818 : vector<200x128xi1>
    %jit3A_820 = arith.constant 1.000000e+00 : f32
    %jit3A_821 = arith.constant 0.000000e+00 : f32
    %broadcast_in_dim3A_822 = vector.broadcast %jit3A_820 : f32 to vector<200x128xf32>
    %broadcast_in_dim3A_823 = vector.broadcast %jit3A_821 : f32 to vector<200x128xf32>
    %select_n3A_824 = arith.select %or3A_819, %broadcast_in_dim3A_822, %broadcast_in_dim3A_823 : vector<200x128xi1>, vector<200x128xf32>
    %add3A_825 = arith.addf %add3A_809, %select_n3A_824 : vector<200x128xf32>
    %slice3A_826 = vector.extract_strided_slice %transpose3A {offsets = [52, 0], sizes = [1, 128], strides = [1, 1]} : vector<200x128xf32> to vector<1x128xf32>
    %broadcast_in_dim3A_827 = vector.shape_cast %slice3A_826 : vector<1x128xf32> to vector<1x128xf32>
    %broadcast_in_dim3A_828 = vector.broadcast %broadcast_in_dim3A_827 : vector<1x128xf32> to vector<200x128xf32>
    %lt3A_829 = arith.cmpf olt, %broadcast_in_dim3A_828, %transpose3A : vector<200x128xf32>
    %eq3A_830 = arith.cmpf oeq, %broadcast_in_dim3A_828, %transpose3A : vector<200x128xf32>
    %gt3A_831 = arith.constant 52 : i32
    %gt3A_832 = vector.broadcast %gt3A_831 : i32 to vector<200x128xi32>
    %gt3A_833 = arith.cmpi sgt, %iota3A, %gt3A_832 : vector<200x128xi32>
    %and3A_834 = arith.andi %eq3A_830, %gt3A_833 : vector<200x128xi1>
    %or3A_835 = arith.ori %lt3A_829, %and3A_834 : vector<200x128xi1>
    %jit3A_836 = arith.constant 1.000000e+00 : f32
    %jit3A_837 = arith.constant 0.000000e+00 : f32
    %broadcast_in_dim3A_838 = vector.broadcast %jit3A_836 : f32 to vector<200x128xf32>
    %broadcast_in_dim3A_839 = vector.broadcast %jit3A_837 : f32 to vector<200x128xf32>
    %select_n3A_840 = arith.select %or3A_835, %broadcast_in_dim3A_838, %broadcast_in_dim3A_839 : vector<200x128xi1>, vector<200x128xf32>
    %add3A_841 = arith.addf %add3A_825, %select_n3A_840 : vector<200x128xf32>
    %slice3A_842 = vector.extract_strided_slice %transpose3A {offsets = [53, 0], sizes = [1, 128], strides = [1, 1]} : vector<200x128xf32> to vector<1x128xf32>
    %broadcast_in_dim3A_843 = vector.shape_cast %slice3A_842 : vector<1x128xf32> to vector<1x128xf32>
    %broadcast_in_dim3A_844 = vector.broadcast %broadcast_in_dim3A_843 : vector<1x128xf32> to vector<200x128xf32>
    %lt3A_845 = arith.cmpf olt, %broadcast_in_dim3A_844, %transpose3A : vector<200x128xf32>
    %eq3A_846 = arith.cmpf oeq, %broadcast_in_dim3A_844, %transpose3A : vector<200x128xf32>
    %gt3A_847 = arith.constant 53 : i32
    %gt3A_848 = vector.broadcast %gt3A_847 : i32 to vector<200x128xi32>
    %gt3A_849 = arith.cmpi sgt, %iota3A, %gt3A_848 : vector<200x128xi32>
    %and3A_850 = arith.andi %eq3A_846, %gt3A_849 : vector<200x128xi1>
    %or3A_851 = arith.ori %lt3A_845, %and3A_850 : vector<200x128xi1>
    %jit3A_852 = arith.constant 1.000000e+00 : f32
    %jit3A_853 = arith.constant 0.000000e+00 : f32
    %broadcast_in_dim3A_854 = vector.broadcast %jit3A_852 : f32 to vector<200x128xf32>
    %broadcast_in_dim3A_855 = vector.broadcast %jit3A_853 : f32 to vector<200x128xf32>
    %select_n3A_856 = arith.select %or3A_851, %broadcast_in_dim3A_854, %broadcast_in_dim3A_855 : vector<200x128xi1>, vector<200x128xf32>
    %add3A_857 = arith.addf %add3A_841, %select_n3A_856 : vector<200x128xf32>
    %slice3A_858 = vector.extract_strided_slice %transpose3A {offsets = [54, 0], sizes = [1, 128], strides = [1, 1]} : vector<200x128xf32> to vector<1x128xf32>
    %broadcast_in_dim3A_859 = vector.shape_cast %slice3A_858 : vector<1x128xf32> to vector<1x128xf32>
    %broadcast_in_dim3A_860 = vector.broadcast %broadcast_in_dim3A_859 : vector<1x128xf32> to vector<200x128xf32>
    %lt3A_861 = arith.cmpf olt, %broadcast_in_dim3A_860, %transpose3A : vector<200x128xf32>
    %eq3A_862 = arith.cmpf oeq, %broadcast_in_dim3A_860, %transpose3A : vector<200x128xf32>
    %gt3A_863 = arith.constant 54 : i32
    %gt3A_864 = vector.broadcast %gt3A_863 : i32 to vector<200x128xi32>
    %gt3A_865 = arith.cmpi sgt, %iota3A, %gt3A_864 : vector<200x128xi32>
    %and3A_866 = arith.andi %eq3A_862, %gt3A_865 : vector<200x128xi1>
    %or3A_867 = arith.ori %lt3A_861, %and3A_866 : vector<200x128xi1>
    %jit3A_868 = arith.constant 1.000000e+00 : f32
    %jit3A_869 = arith.constant 0.000000e+00 : f32
    %broadcast_in_dim3A_870 = vector.broadcast %jit3A_868 : f32 to vector<200x128xf32>
    %broadcast_in_dim3A_871 = vector.broadcast %jit3A_869 : f32 to vector<200x128xf32>
    %select_n3A_872 = arith.select %or3A_867, %broadcast_in_dim3A_870, %broadcast_in_dim3A_871 : vector<200x128xi1>, vector<200x128xf32>
    %add3A_873 = arith.addf %add3A_857, %select_n3A_872 : vector<200x128xf32>
    %slice3A_874 = vector.extract_strided_slice %transpose3A {offsets = [55, 0], sizes = [1, 128], strides = [1, 1]} : vector<200x128xf32> to vector<1x128xf32>
    %broadcast_in_dim3A_875 = vector.shape_cast %slice3A_874 : vector<1x128xf32> to vector<1x128xf32>
    %broadcast_in_dim3A_876 = vector.broadcast %broadcast_in_dim3A_875 : vector<1x128xf32> to vector<200x128xf32>
    %lt3A_877 = arith.cmpf olt, %broadcast_in_dim3A_876, %transpose3A : vector<200x128xf32>
    %eq3A_878 = arith.cmpf oeq, %broadcast_in_dim3A_876, %transpose3A : vector<200x128xf32>
    %gt3A_879 = arith.constant 55 : i32
    %gt3A_880 = vector.broadcast %gt3A_879 : i32 to vector<200x128xi32>
    %gt3A_881 = arith.cmpi sgt, %iota3A, %gt3A_880 : vector<200x128xi32>
    %and3A_882 = arith.andi %eq3A_878, %gt3A_881 : vector<200x128xi1>
    %or3A_883 = arith.ori %lt3A_877, %and3A_882 : vector<200x128xi1>
    %jit3A_884 = arith.constant 1.000000e+00 : f32
    %jit3A_885 = arith.constant 0.000000e+00 : f32
    %broadcast_in_dim3A_886 = vector.broadcast %jit3A_884 : f32 to vector<200x128xf32>
    %broadcast_in_dim3A_887 = vector.broadcast %jit3A_885 : f32 to vector<200x128xf32>
    %select_n3A_888 = arith.select %or3A_883, %broadcast_in_dim3A_886, %broadcast_in_dim3A_887 : vector<200x128xi1>, vector<200x128xf32>
    %add3A_889 = arith.addf %add3A_873, %select_n3A_888 : vector<200x128xf32>
    %slice3A_890 = vector.extract_strided_slice %transpose3A {offsets = [56, 0], sizes = [1, 128], strides = [1, 1]} : vector<200x128xf32> to vector<1x128xf32>
    %broadcast_in_dim3A_891 = vector.shape_cast %slice3A_890 : vector<1x128xf32> to vector<1x128xf32>
    %broadcast_in_dim3A_892 = vector.broadcast %broadcast_in_dim3A_891 : vector<1x128xf32> to vector<200x128xf32>
    %lt3A_893 = arith.cmpf olt, %broadcast_in_dim3A_892, %transpose3A : vector<200x128xf32>
    %eq3A_894 = arith.cmpf oeq, %broadcast_in_dim3A_892, %transpose3A : vector<200x128xf32>
    %gt3A_895 = arith.constant 56 : i32
    %gt3A_896 = vector.broadcast %gt3A_895 : i32 to vector<200x128xi32>
    %gt3A_897 = arith.cmpi sgt, %iota3A, %gt3A_896 : vector<200x128xi32>
    %and3A_898 = arith.andi %eq3A_894, %gt3A_897 : vector<200x128xi1>
    %or3A_899 = arith.ori %lt3A_893, %and3A_898 : vector<200x128xi1>
    %jit3A_900 = arith.constant 1.000000e+00 : f32
    %jit3A_901 = arith.constant 0.000000e+00 : f32
    %broadcast_in_dim3A_902 = vector.broadcast %jit3A_900 : f32 to vector<200x128xf32>
    %broadcast_in_dim3A_903 = vector.broadcast %jit3A_901 : f32 to vector<200x128xf32>
    %select_n3A_904 = arith.select %or3A_899, %broadcast_in_dim3A_902, %broadcast_in_dim3A_903 : vector<200x128xi1>, vector<200x128xf32>
    %add3A_905 = arith.addf %add3A_889, %select_n3A_904 : vector<200x128xf32>
    %slice3A_906 = vector.extract_strided_slice %transpose3A {offsets = [57, 0], sizes = [1, 128], strides = [1, 1]} : vector<200x128xf32> to vector<1x128xf32>
    %broadcast_in_dim3A_907 = vector.shape_cast %slice3A_906 : vector<1x128xf32> to vector<1x128xf32>
    %broadcast_in_dim3A_908 = vector.broadcast %broadcast_in_dim3A_907 : vector<1x128xf32> to vector<200x128xf32>
    %lt3A_909 = arith.cmpf olt, %broadcast_in_dim3A_908, %transpose3A : vector<200x128xf32>
    %eq3A_910 = arith.cmpf oeq, %broadcast_in_dim3A_908, %transpose3A : vector<200x128xf32>
    %gt3A_911 = arith.constant 57 : i32
    %gt3A_912 = vector.broadcast %gt3A_911 : i32 to vector<200x128xi32>
    %gt3A_913 = arith.cmpi sgt, %iota3A, %gt3A_912 : vector<200x128xi32>
    %and3A_914 = arith.andi %eq3A_910, %gt3A_913 : vector<200x128xi1>
    %or3A_915 = arith.ori %lt3A_909, %and3A_914 : vector<200x128xi1>
    %jit3A_916 = arith.constant 1.000000e+00 : f32
    %jit3A_917 = arith.constant 0.000000e+00 : f32
    %broadcast_in_dim3A_918 = vector.broadcast %jit3A_916 : f32 to vector<200x128xf32>
    %broadcast_in_dim3A_919 = vector.broadcast %jit3A_917 : f32 to vector<200x128xf32>
    %select_n3A_920 = arith.select %or3A_915, %broadcast_in_dim3A_918, %broadcast_in_dim3A_919 : vector<200x128xi1>, vector<200x128xf32>
    %add3A_921 = arith.addf %add3A_905, %select_n3A_920 : vector<200x128xf32>
    %slice3A_922 = vector.extract_strided_slice %transpose3A {offsets = [58, 0], sizes = [1, 128], strides = [1, 1]} : vector<200x128xf32> to vector<1x128xf32>
    %broadcast_in_dim3A_923 = vector.shape_cast %slice3A_922 : vector<1x128xf32> to vector<1x128xf32>
    %broadcast_in_dim3A_924 = vector.broadcast %broadcast_in_dim3A_923 : vector<1x128xf32> to vector<200x128xf32>
    %lt3A_925 = arith.cmpf olt, %broadcast_in_dim3A_924, %transpose3A : vector<200x128xf32>
    %eq3A_926 = arith.cmpf oeq, %broadcast_in_dim3A_924, %transpose3A : vector<200x128xf32>
    %gt3A_927 = arith.constant 58 : i32
    %gt3A_928 = vector.broadcast %gt3A_927 : i32 to vector<200x128xi32>
    %gt3A_929 = arith.cmpi sgt, %iota3A, %gt3A_928 : vector<200x128xi32>
    %and3A_930 = arith.andi %eq3A_926, %gt3A_929 : vector<200x128xi1>
    %or3A_931 = arith.ori %lt3A_925, %and3A_930 : vector<200x128xi1>
    %jit3A_932 = arith.constant 1.000000e+00 : f32
    %jit3A_933 = arith.constant 0.000000e+00 : f32
    %broadcast_in_dim3A_934 = vector.broadcast %jit3A_932 : f32 to vector<200x128xf32>
    %broadcast_in_dim3A_935 = vector.broadcast %jit3A_933 : f32 to vector<200x128xf32>
    %select_n3A_936 = arith.select %or3A_931, %broadcast_in_dim3A_934, %broadcast_in_dim3A_935 : vector<200x128xi1>, vector<200x128xf32>
    %add3A_937 = arith.addf %add3A_921, %select_n3A_936 : vector<200x128xf32>
    %slice3A_938 = vector.extract_strided_slice %transpose3A {offsets = [59, 0], sizes = [1, 128], strides = [1, 1]} : vector<200x128xf32> to vector<1x128xf32>
    %broadcast_in_dim3A_939 = vector.shape_cast %slice3A_938 : vector<1x128xf32> to vector<1x128xf32>
    %broadcast_in_dim3A_940 = vector.broadcast %broadcast_in_dim3A_939 : vector<1x128xf32> to vector<200x128xf32>
    %lt3A_941 = arith.cmpf olt, %broadcast_in_dim3A_940, %transpose3A : vector<200x128xf32>
    %eq3A_942 = arith.cmpf oeq, %broadcast_in_dim3A_940, %transpose3A : vector<200x128xf32>
    %gt3A_943 = arith.constant 59 : i32
    %gt3A_944 = vector.broadcast %gt3A_943 : i32 to vector<200x128xi32>
    %gt3A_945 = arith.cmpi sgt, %iota3A, %gt3A_944 : vector<200x128xi32>
    %and3A_946 = arith.andi %eq3A_942, %gt3A_945 : vector<200x128xi1>
    %or3A_947 = arith.ori %lt3A_941, %and3A_946 : vector<200x128xi1>
    %jit3A_948 = arith.constant 1.000000e+00 : f32
    %jit3A_949 = arith.constant 0.000000e+00 : f32
    %broadcast_in_dim3A_950 = vector.broadcast %jit3A_948 : f32 to vector<200x128xf32>
    %broadcast_in_dim3A_951 = vector.broadcast %jit3A_949 : f32 to vector<200x128xf32>
    %select_n3A_952 = arith.select %or3A_947, %broadcast_in_dim3A_950, %broadcast_in_dim3A_951 : vector<200x128xi1>, vector<200x128xf32>
    %add3A_953 = arith.addf %add3A_937, %select_n3A_952 : vector<200x128xf32>
    %slice3A_954 = vector.extract_strided_slice %transpose3A {offsets = [60, 0], sizes = [1, 128], strides = [1, 1]} : vector<200x128xf32> to vector<1x128xf32>
    %broadcast_in_dim3A_955 = vector.shape_cast %slice3A_954 : vector<1x128xf32> to vector<1x128xf32>
    %broadcast_in_dim3A_956 = vector.broadcast %broadcast_in_dim3A_955 : vector<1x128xf32> to vector<200x128xf32>
    %lt3A_957 = arith.cmpf olt, %broadcast_in_dim3A_956, %transpose3A : vector<200x128xf32>
    %eq3A_958 = arith.cmpf oeq, %broadcast_in_dim3A_956, %transpose3A : vector<200x128xf32>
    %gt3A_959 = arith.constant 60 : i32
    %gt3A_960 = vector.broadcast %gt3A_959 : i32 to vector<200x128xi32>
    %gt3A_961 = arith.cmpi sgt, %iota3A, %gt3A_960 : vector<200x128xi32>
    %and3A_962 = arith.andi %eq3A_958, %gt3A_961 : vector<200x128xi1>
    %or3A_963 = arith.ori %lt3A_957, %and3A_962 : vector<200x128xi1>
    %jit3A_964 = arith.constant 1.000000e+00 : f32
    %jit3A_965 = arith.constant 0.000000e+00 : f32
    %broadcast_in_dim3A_966 = vector.broadcast %jit3A_964 : f32 to vector<200x128xf32>
    %broadcast_in_dim3A_967 = vector.broadcast %jit3A_965 : f32 to vector<200x128xf32>
    %select_n3A_968 = arith.select %or3A_963, %broadcast_in_dim3A_966, %broadcast_in_dim3A_967 : vector<200x128xi1>, vector<200x128xf32>
    %add3A_969 = arith.addf %add3A_953, %select_n3A_968 : vector<200x128xf32>
    %slice3A_970 = vector.extract_strided_slice %transpose3A {offsets = [61, 0], sizes = [1, 128], strides = [1, 1]} : vector<200x128xf32> to vector<1x128xf32>
    %broadcast_in_dim3A_971 = vector.shape_cast %slice3A_970 : vector<1x128xf32> to vector<1x128xf32>
    %broadcast_in_dim3A_972 = vector.broadcast %broadcast_in_dim3A_971 : vector<1x128xf32> to vector<200x128xf32>
    %lt3A_973 = arith.cmpf olt, %broadcast_in_dim3A_972, %transpose3A : vector<200x128xf32>
    %eq3A_974 = arith.cmpf oeq, %broadcast_in_dim3A_972, %transpose3A : vector<200x128xf32>
    %gt3A_975 = arith.constant 61 : i32
    %gt3A_976 = vector.broadcast %gt3A_975 : i32 to vector<200x128xi32>
    %gt3A_977 = arith.cmpi sgt, %iota3A, %gt3A_976 : vector<200x128xi32>
    %and3A_978 = arith.andi %eq3A_974, %gt3A_977 : vector<200x128xi1>
    %or3A_979 = arith.ori %lt3A_973, %and3A_978 : vector<200x128xi1>
    %jit3A_980 = arith.constant 1.000000e+00 : f32
    %jit3A_981 = arith.constant 0.000000e+00 : f32
    %broadcast_in_dim3A_982 = vector.broadcast %jit3A_980 : f32 to vector<200x128xf32>
    %broadcast_in_dim3A_983 = vector.broadcast %jit3A_981 : f32 to vector<200x128xf32>
    %select_n3A_984 = arith.select %or3A_979, %broadcast_in_dim3A_982, %broadcast_in_dim3A_983 : vector<200x128xi1>, vector<200x128xf32>
    %add3A_985 = arith.addf %add3A_969, %select_n3A_984 : vector<200x128xf32>
    %slice3A_986 = vector.extract_strided_slice %transpose3A {offsets = [62, 0], sizes = [1, 128], strides = [1, 1]} : vector<200x128xf32> to vector<1x128xf32>
    %broadcast_in_dim3A_987 = vector.shape_cast %slice3A_986 : vector<1x128xf32> to vector<1x128xf32>
    %broadcast_in_dim3A_988 = vector.broadcast %broadcast_in_dim3A_987 : vector<1x128xf32> to vector<200x128xf32>
    %lt3A_989 = arith.cmpf olt, %broadcast_in_dim3A_988, %transpose3A : vector<200x128xf32>
    %eq3A_990 = arith.cmpf oeq, %broadcast_in_dim3A_988, %transpose3A : vector<200x128xf32>
    %gt3A_991 = arith.constant 62 : i32
    %gt3A_992 = vector.broadcast %gt3A_991 : i32 to vector<200x128xi32>
    %gt3A_993 = arith.cmpi sgt, %iota3A, %gt3A_992 : vector<200x128xi32>
    %and3A_994 = arith.andi %eq3A_990, %gt3A_993 : vector<200x128xi1>
    %or3A_995 = arith.ori %lt3A_989, %and3A_994 : vector<200x128xi1>
    %jit3A_996 = arith.constant 1.000000e+00 : f32
    %jit3A_997 = arith.constant 0.000000e+00 : f32
    %broadcast_in_dim3A_998 = vector.broadcast %jit3A_996 : f32 to vector<200x128xf32>
    %broadcast_in_dim3A_999 = vector.broadcast %jit3A_997 : f32 to vector<200x128xf32>
    %select_n3A_1000 = arith.select %or3A_995, %broadcast_in_dim3A_998, %broadcast_in_dim3A_999 : vector<200x128xi1>, vector<200x128xf32>
    %add3A_1001 = arith.addf %add3A_985, %select_n3A_1000 : vector<200x128xf32>
    %slice3A_1002 = vector.extract_strided_slice %transpose3A {offsets = [63, 0], sizes = [1, 128], strides = [1, 1]} : vector<200x128xf32> to vector<1x128xf32>
    %broadcast_in_dim3A_1003 = vector.shape_cast %slice3A_1002 : vector<1x128xf32> to vector<1x128xf32>
    %broadcast_in_dim3A_1004 = vector.broadcast %broadcast_in_dim3A_1003 : vector<1x128xf32> to vector<200x128xf32>
    %lt3A_1005 = arith.cmpf olt, %broadcast_in_dim3A_1004, %transpose3A : vector<200x128xf32>
    %eq3A_1006 = arith.cmpf oeq, %broadcast_in_dim3A_1004, %transpose3A : vector<200x128xf32>
    %gt3A_1007 = arith.constant 63 : i32
    %gt3A_1008 = vector.broadcast %gt3A_1007 : i32 to vector<200x128xi32>
    %gt3A_1009 = arith.cmpi sgt, %iota3A, %gt3A_1008 : vector<200x128xi32>
    %and3A_1010 = arith.andi %eq3A_1006, %gt3A_1009 : vector<200x128xi1>
    %or3A_1011 = arith.ori %lt3A_1005, %and3A_1010 : vector<200x128xi1>
    %jit3A_1012 = arith.constant 1.000000e+00 : f32
    %jit3A_1013 = arith.constant 0.000000e+00 : f32
    %broadcast_in_dim3A_1014 = vector.broadcast %jit3A_1012 : f32 to vector<200x128xf32>
    %broadcast_in_dim3A_1015 = vector.broadcast %jit3A_1013 : f32 to vector<200x128xf32>
    %select_n3A_1016 = arith.select %or3A_1011, %broadcast_in_dim3A_1014, %broadcast_in_dim3A_1015 : vector<200x128xi1>, vector<200x128xf32>
    %add3A_1017 = arith.addf %add3A_1001, %select_n3A_1016 : vector<200x128xf32>
    %slice3A_1018 = vector.extract_strided_slice %transpose3A {offsets = [64, 0], sizes = [1, 128], strides = [1, 1]} : vector<200x128xf32> to vector<1x128xf32>
    %broadcast_in_dim3A_1019 = vector.shape_cast %slice3A_1018 : vector<1x128xf32> to vector<1x128xf32>
    %broadcast_in_dim3A_1020 = vector.broadcast %broadcast_in_dim3A_1019 : vector<1x128xf32> to vector<200x128xf32>
    %lt3A_1021 = arith.cmpf olt, %broadcast_in_dim3A_1020, %transpose3A : vector<200x128xf32>
    %eq3A_1022 = arith.cmpf oeq, %broadcast_in_dim3A_1020, %transpose3A : vector<200x128xf32>
    %gt3A_1023 = arith.constant 64 : i32
    %gt3A_1024 = vector.broadcast %gt3A_1023 : i32 to vector<200x128xi32>
    %gt3A_1025 = arith.cmpi sgt, %iota3A, %gt3A_1024 : vector<200x128xi32>
    %and3A_1026 = arith.andi %eq3A_1022, %gt3A_1025 : vector<200x128xi1>
    %or3A_1027 = arith.ori %lt3A_1021, %and3A_1026 : vector<200x128xi1>
    %jit3A_1028 = arith.constant 1.000000e+00 : f32
    %jit3A_1029 = arith.constant 0.000000e+00 : f32
    %broadcast_in_dim3A_1030 = vector.broadcast %jit3A_1028 : f32 to vector<200x128xf32>
    %broadcast_in_dim3A_1031 = vector.broadcast %jit3A_1029 : f32 to vector<200x128xf32>
    %select_n3A_1032 = arith.select %or3A_1027, %broadcast_in_dim3A_1030, %broadcast_in_dim3A_1031 : vector<200x128xi1>, vector<200x128xf32>
    %add3A_1033 = arith.addf %add3A_1017, %select_n3A_1032 : vector<200x128xf32>
    %slice3A_1034 = vector.extract_strided_slice %transpose3A {offsets = [65, 0], sizes = [1, 128], strides = [1, 1]} : vector<200x128xf32> to vector<1x128xf32>
    %broadcast_in_dim3A_1035 = vector.shape_cast %slice3A_1034 : vector<1x128xf32> to vector<1x128xf32>
    %broadcast_in_dim3A_1036 = vector.broadcast %broadcast_in_dim3A_1035 : vector<1x128xf32> to vector<200x128xf32>
    %lt3A_1037 = arith.cmpf olt, %broadcast_in_dim3A_1036, %transpose3A : vector<200x128xf32>
    %eq3A_1038 = arith.cmpf oeq, %broadcast_in_dim3A_1036, %transpose3A : vector<200x128xf32>
    %gt3A_1039 = arith.constant 65 : i32
    %gt3A_1040 = vector.broadcast %gt3A_1039 : i32 to vector<200x128xi32>
    %gt3A_1041 = arith.cmpi sgt, %iota3A, %gt3A_1040 : vector<200x128xi32>
    %and3A_1042 = arith.andi %eq3A_1038, %gt3A_1041 : vector<200x128xi1>
    %or3A_1043 = arith.ori %lt3A_1037, %and3A_1042 : vector<200x128xi1>
    %jit3A_1044 = arith.constant 1.000000e+00 : f32
    %jit3A_1045 = arith.constant 0.000000e+00 : f32
    %broadcast_in_dim3A_1046 = vector.broadcast %jit3A_1044 : f32 to vector<200x128xf32>
    %broadcast_in_dim3A_1047 = vector.broadcast %jit3A_1045 : f32 to vector<200x128xf32>
    %select_n3A_1048 = arith.select %or3A_1043, %broadcast_in_dim3A_1046, %broadcast_in_dim3A_1047 : vector<200x128xi1>, vector<200x128xf32>
    %add3A_1049 = arith.addf %add3A_1033, %select_n3A_1048 : vector<200x128xf32>
    %slice3A_1050 = vector.extract_strided_slice %transpose3A {offsets = [66, 0], sizes = [1, 128], strides = [1, 1]} : vector<200x128xf32> to vector<1x128xf32>
    %broadcast_in_dim3A_1051 = vector.shape_cast %slice3A_1050 : vector<1x128xf32> to vector<1x128xf32>
    %broadcast_in_dim3A_1052 = vector.broadcast %broadcast_in_dim3A_1051 : vector<1x128xf32> to vector<200x128xf32>
    %lt3A_1053 = arith.cmpf olt, %broadcast_in_dim3A_1052, %transpose3A : vector<200x128xf32>
    %eq3A_1054 = arith.cmpf oeq, %broadcast_in_dim3A_1052, %transpose3A : vector<200x128xf32>
    %gt3A_1055 = arith.constant 66 : i32
    %gt3A_1056 = vector.broadcast %gt3A_1055 : i32 to vector<200x128xi32>
    %gt3A_1057 = arith.cmpi sgt, %iota3A, %gt3A_1056 : vector<200x128xi32>
    %and3A_1058 = arith.andi %eq3A_1054, %gt3A_1057 : vector<200x128xi1>
    %or3A_1059 = arith.ori %lt3A_1053, %and3A_1058 : vector<200x128xi1>
    %jit3A_1060 = arith.constant 1.000000e+00 : f32
    %jit3A_1061 = arith.constant 0.000000e+00 : f32
    %broadcast_in_dim3A_1062 = vector.broadcast %jit3A_1060 : f32 to vector<200x128xf32>
    %broadcast_in_dim3A_1063 = vector.broadcast %jit3A_1061 : f32 to vector<200x128xf32>
    %select_n3A_1064 = arith.select %or3A_1059, %broadcast_in_dim3A_1062, %broadcast_in_dim3A_1063 : vector<200x128xi1>, vector<200x128xf32>
    %add3A_1065 = arith.addf %add3A_1049, %select_n3A_1064 : vector<200x128xf32>
    %slice3A_1066 = vector.extract_strided_slice %transpose3A {offsets = [67, 0], sizes = [1, 128], strides = [1, 1]} : vector<200x128xf32> to vector<1x128xf32>
    %broadcast_in_dim3A_1067 = vector.shape_cast %slice3A_1066 : vector<1x128xf32> to vector<1x128xf32>
    %broadcast_in_dim3A_1068 = vector.broadcast %broadcast_in_dim3A_1067 : vector<1x128xf32> to vector<200x128xf32>
    %lt3A_1069 = arith.cmpf olt, %broadcast_in_dim3A_1068, %transpose3A : vector<200x128xf32>
    %eq3A_1070 = arith.cmpf oeq, %broadcast_in_dim3A_1068, %transpose3A : vector<200x128xf32>
    %gt3A_1071 = arith.constant 67 : i32
    %gt3A_1072 = vector.broadcast %gt3A_1071 : i32 to vector<200x128xi32>
    %gt3A_1073 = arith.cmpi sgt, %iota3A, %gt3A_1072 : vector<200x128xi32>
    %and3A_1074 = arith.andi %eq3A_1070, %gt3A_1073 : vector<200x128xi1>
    %or3A_1075 = arith.ori %lt3A_1069, %and3A_1074 : vector<200x128xi1>
    %jit3A_1076 = arith.constant 1.000000e+00 : f32
    %jit3A_1077 = arith.constant 0.000000e+00 : f32
    %broadcast_in_dim3A_1078 = vector.broadcast %jit3A_1076 : f32 to vector<200x128xf32>
    %broadcast_in_dim3A_1079 = vector.broadcast %jit3A_1077 : f32 to vector<200x128xf32>
    %select_n3A_1080 = arith.select %or3A_1075, %broadcast_in_dim3A_1078, %broadcast_in_dim3A_1079 : vector<200x128xi1>, vector<200x128xf32>
    %add3A_1081 = arith.addf %add3A_1065, %select_n3A_1080 : vector<200x128xf32>
    %slice3A_1082 = vector.extract_strided_slice %transpose3A {offsets = [68, 0], sizes = [1, 128], strides = [1, 1]} : vector<200x128xf32> to vector<1x128xf32>
    %broadcast_in_dim3A_1083 = vector.shape_cast %slice3A_1082 : vector<1x128xf32> to vector<1x128xf32>
    %broadcast_in_dim3A_1084 = vector.broadcast %broadcast_in_dim3A_1083 : vector<1x128xf32> to vector<200x128xf32>
    %lt3A_1085 = arith.cmpf olt, %broadcast_in_dim3A_1084, %transpose3A : vector<200x128xf32>
    %eq3A_1086 = arith.cmpf oeq, %broadcast_in_dim3A_1084, %transpose3A : vector<200x128xf32>
    %gt3A_1087 = arith.constant 68 : i32
    %gt3A_1088 = vector.broadcast %gt3A_1087 : i32 to vector<200x128xi32>
    %gt3A_1089 = arith.cmpi sgt, %iota3A, %gt3A_1088 : vector<200x128xi32>
    %and3A_1090 = arith.andi %eq3A_1086, %gt3A_1089 : vector<200x128xi1>
    %or3A_1091 = arith.ori %lt3A_1085, %and3A_1090 : vector<200x128xi1>
    %jit3A_1092 = arith.constant 1.000000e+00 : f32
    %jit3A_1093 = arith.constant 0.000000e+00 : f32
    %broadcast_in_dim3A_1094 = vector.broadcast %jit3A_1092 : f32 to vector<200x128xf32>
    %broadcast_in_dim3A_1095 = vector.broadcast %jit3A_1093 : f32 to vector<200x128xf32>
    %select_n3A_1096 = arith.select %or3A_1091, %broadcast_in_dim3A_1094, %broadcast_in_dim3A_1095 : vector<200x128xi1>, vector<200x128xf32>
    %add3A_1097 = arith.addf %add3A_1081, %select_n3A_1096 : vector<200x128xf32>
    %slice3A_1098 = vector.extract_strided_slice %transpose3A {offsets = [69, 0], sizes = [1, 128], strides = [1, 1]} : vector<200x128xf32> to vector<1x128xf32>
    %broadcast_in_dim3A_1099 = vector.shape_cast %slice3A_1098 : vector<1x128xf32> to vector<1x128xf32>
    %broadcast_in_dim3A_1100 = vector.broadcast %broadcast_in_dim3A_1099 : vector<1x128xf32> to vector<200x128xf32>
    %lt3A_1101 = arith.cmpf olt, %broadcast_in_dim3A_1100, %transpose3A : vector<200x128xf32>
    %eq3A_1102 = arith.cmpf oeq, %broadcast_in_dim3A_1100, %transpose3A : vector<200x128xf32>
    %gt3A_1103 = arith.constant 69 : i32
    %gt3A_1104 = vector.broadcast %gt3A_1103 : i32 to vector<200x128xi32>
    %gt3A_1105 = arith.cmpi sgt, %iota3A, %gt3A_1104 : vector<200x128xi32>
    %and3A_1106 = arith.andi %eq3A_1102, %gt3A_1105 : vector<200x128xi1>
    %or3A_1107 = arith.ori %lt3A_1101, %and3A_1106 : vector<200x128xi1>
    %jit3A_1108 = arith.constant 1.000000e+00 : f32
    %jit3A_1109 = arith.constant 0.000000e+00 : f32
    %broadcast_in_dim3A_1110 = vector.broadcast %jit3A_1108 : f32 to vector<200x128xf32>
    %broadcast_in_dim3A_1111 = vector.broadcast %jit3A_1109 : f32 to vector<200x128xf32>
    %select_n3A_1112 = arith.select %or3A_1107, %broadcast_in_dim3A_1110, %broadcast_in_dim3A_1111 : vector<200x128xi1>, vector<200x128xf32>
    %add3A_1113 = arith.addf %add3A_1097, %select_n3A_1112 : vector<200x128xf32>
    %slice3A_1114 = vector.extract_strided_slice %transpose3A {offsets = [70, 0], sizes = [1, 128], strides = [1, 1]} : vector<200x128xf32> to vector<1x128xf32>
    %broadcast_in_dim3A_1115 = vector.shape_cast %slice3A_1114 : vector<1x128xf32> to vector<1x128xf32>
    %broadcast_in_dim3A_1116 = vector.broadcast %broadcast_in_dim3A_1115 : vector<1x128xf32> to vector<200x128xf32>
    %lt3A_1117 = arith.cmpf olt, %broadcast_in_dim3A_1116, %transpose3A : vector<200x128xf32>
    %eq3A_1118 = arith.cmpf oeq, %broadcast_in_dim3A_1116, %transpose3A : vector<200x128xf32>
    %gt3A_1119 = arith.constant 70 : i32
    %gt3A_1120 = vector.broadcast %gt3A_1119 : i32 to vector<200x128xi32>
    %gt3A_1121 = arith.cmpi sgt, %iota3A, %gt3A_1120 : vector<200x128xi32>
    %and3A_1122 = arith.andi %eq3A_1118, %gt3A_1121 : vector<200x128xi1>
    %or3A_1123 = arith.ori %lt3A_1117, %and3A_1122 : vector<200x128xi1>
    %jit3A_1124 = arith.constant 1.000000e+00 : f32
    %jit3A_1125 = arith.constant 0.000000e+00 : f32
    %broadcast_in_dim3A_1126 = vector.broadcast %jit3A_1124 : f32 to vector<200x128xf32>
    %broadcast_in_dim3A_1127 = vector.broadcast %jit3A_1125 : f32 to vector<200x128xf32>
    %select_n3A_1128 = arith.select %or3A_1123, %broadcast_in_dim3A_1126, %broadcast_in_dim3A_1127 : vector<200x128xi1>, vector<200x128xf32>
    %add3A_1129 = arith.addf %add3A_1113, %select_n3A_1128 : vector<200x128xf32>
    %slice3A_1130 = vector.extract_strided_slice %transpose3A {offsets = [71, 0], sizes = [1, 128], strides = [1, 1]} : vector<200x128xf32> to vector<1x128xf32>
    %broadcast_in_dim3A_1131 = vector.shape_cast %slice3A_1130 : vector<1x128xf32> to vector<1x128xf32>
    %broadcast_in_dim3A_1132 = vector.broadcast %broadcast_in_dim3A_1131 : vector<1x128xf32> to vector<200x128xf32>
    %lt3A_1133 = arith.cmpf olt, %broadcast_in_dim3A_1132, %transpose3A : vector<200x128xf32>
    %eq3A_1134 = arith.cmpf oeq, %broadcast_in_dim3A_1132, %transpose3A : vector<200x128xf32>
    %gt3A_1135 = arith.constant 71 : i32
    %gt3A_1136 = vector.broadcast %gt3A_1135 : i32 to vector<200x128xi32>
    %gt3A_1137 = arith.cmpi sgt, %iota3A, %gt3A_1136 : vector<200x128xi32>
    %and3A_1138 = arith.andi %eq3A_1134, %gt3A_1137 : vector<200x128xi1>
    %or3A_1139 = arith.ori %lt3A_1133, %and3A_1138 : vector<200x128xi1>
    %jit3A_1140 = arith.constant 1.000000e+00 : f32
    %jit3A_1141 = arith.constant 0.000000e+00 : f32
    %broadcast_in_dim3A_1142 = vector.broadcast %jit3A_1140 : f32 to vector<200x128xf32>
    %broadcast_in_dim3A_1143 = vector.broadcast %jit3A_1141 : f32 to vector<200x128xf32>
    %select_n3A_1144 = arith.select %or3A_1139, %broadcast_in_dim3A_1142, %broadcast_in_dim3A_1143 : vector<200x128xi1>, vector<200x128xf32>
    %add3A_1145 = arith.addf %add3A_1129, %select_n3A_1144 : vector<200x128xf32>
    %slice3A_1146 = vector.extract_strided_slice %transpose3A {offsets = [72, 0], sizes = [1, 128], strides = [1, 1]} : vector<200x128xf32> to vector<1x128xf32>
    %broadcast_in_dim3A_1147 = vector.shape_cast %slice3A_1146 : vector<1x128xf32> to vector<1x128xf32>
    %broadcast_in_dim3A_1148 = vector.broadcast %broadcast_in_dim3A_1147 : vector<1x128xf32> to vector<200x128xf32>
    %lt3A_1149 = arith.cmpf olt, %broadcast_in_dim3A_1148, %transpose3A : vector<200x128xf32>
    %eq3A_1150 = arith.cmpf oeq, %broadcast_in_dim3A_1148, %transpose3A : vector<200x128xf32>
    %gt3A_1151 = arith.constant 72 : i32
    %gt3A_1152 = vector.broadcast %gt3A_1151 : i32 to vector<200x128xi32>
    %gt3A_1153 = arith.cmpi sgt, %iota3A, %gt3A_1152 : vector<200x128xi32>
    %and3A_1154 = arith.andi %eq3A_1150, %gt3A_1153 : vector<200x128xi1>
    %or3A_1155 = arith.ori %lt3A_1149, %and3A_1154 : vector<200x128xi1>
    %jit3A_1156 = arith.constant 1.000000e+00 : f32
    %jit3A_1157 = arith.constant 0.000000e+00 : f32
    %broadcast_in_dim3A_1158 = vector.broadcast %jit3A_1156 : f32 to vector<200x128xf32>
    %broadcast_in_dim3A_1159 = vector.broadcast %jit3A_1157 : f32 to vector<200x128xf32>
    %select_n3A_1160 = arith.select %or3A_1155, %broadcast_in_dim3A_1158, %broadcast_in_dim3A_1159 : vector<200x128xi1>, vector<200x128xf32>
    %add3A_1161 = arith.addf %add3A_1145, %select_n3A_1160 : vector<200x128xf32>
    %slice3A_1162 = vector.extract_strided_slice %transpose3A {offsets = [73, 0], sizes = [1, 128], strides = [1, 1]} : vector<200x128xf32> to vector<1x128xf32>
    %broadcast_in_dim3A_1163 = vector.shape_cast %slice3A_1162 : vector<1x128xf32> to vector<1x128xf32>
    %broadcast_in_dim3A_1164 = vector.broadcast %broadcast_in_dim3A_1163 : vector<1x128xf32> to vector<200x128xf32>
    %lt3A_1165 = arith.cmpf olt, %broadcast_in_dim3A_1164, %transpose3A : vector<200x128xf32>
    %eq3A_1166 = arith.cmpf oeq, %broadcast_in_dim3A_1164, %transpose3A : vector<200x128xf32>
    %gt3A_1167 = arith.constant 73 : i32
    %gt3A_1168 = vector.broadcast %gt3A_1167 : i32 to vector<200x128xi32>
    %gt3A_1169 = arith.cmpi sgt, %iota3A, %gt3A_1168 : vector<200x128xi32>
    %and3A_1170 = arith.andi %eq3A_1166, %gt3A_1169 : vector<200x128xi1>
    %or3A_1171 = arith.ori %lt3A_1165, %and3A_1170 : vector<200x128xi1>
    %jit3A_1172 = arith.constant 1.000000e+00 : f32
    %jit3A_1173 = arith.constant 0.000000e+00 : f32
    %broadcast_in_dim3A_1174 = vector.broadcast %jit3A_1172 : f32 to vector<200x128xf32>
    %broadcast_in_dim3A_1175 = vector.broadcast %jit3A_1173 : f32 to vector<200x128xf32>
    %select_n3A_1176 = arith.select %or3A_1171, %broadcast_in_dim3A_1174, %broadcast_in_dim3A_1175 : vector<200x128xi1>, vector<200x128xf32>
    %add3A_1177 = arith.addf %add3A_1161, %select_n3A_1176 : vector<200x128xf32>
    %slice3A_1178 = vector.extract_strided_slice %transpose3A {offsets = [74, 0], sizes = [1, 128], strides = [1, 1]} : vector<200x128xf32> to vector<1x128xf32>
    %broadcast_in_dim3A_1179 = vector.shape_cast %slice3A_1178 : vector<1x128xf32> to vector<1x128xf32>
    %broadcast_in_dim3A_1180 = vector.broadcast %broadcast_in_dim3A_1179 : vector<1x128xf32> to vector<200x128xf32>
    %lt3A_1181 = arith.cmpf olt, %broadcast_in_dim3A_1180, %transpose3A : vector<200x128xf32>
    %eq3A_1182 = arith.cmpf oeq, %broadcast_in_dim3A_1180, %transpose3A : vector<200x128xf32>
    %gt3A_1183 = arith.constant 74 : i32
    %gt3A_1184 = vector.broadcast %gt3A_1183 : i32 to vector<200x128xi32>
    %gt3A_1185 = arith.cmpi sgt, %iota3A, %gt3A_1184 : vector<200x128xi32>
    %and3A_1186 = arith.andi %eq3A_1182, %gt3A_1185 : vector<200x128xi1>
    %or3A_1187 = arith.ori %lt3A_1181, %and3A_1186 : vector<200x128xi1>
    %jit3A_1188 = arith.constant 1.000000e+00 : f32
    %jit3A_1189 = arith.constant 0.000000e+00 : f32
    %broadcast_in_dim3A_1190 = vector.broadcast %jit3A_1188 : f32 to vector<200x128xf32>
    %broadcast_in_dim3A_1191 = vector.broadcast %jit3A_1189 : f32 to vector<200x128xf32>
    %select_n3A_1192 = arith.select %or3A_1187, %broadcast_in_dim3A_1190, %broadcast_in_dim3A_1191 : vector<200x128xi1>, vector<200x128xf32>
    %add3A_1193 = arith.addf %add3A_1177, %select_n3A_1192 : vector<200x128xf32>
    %slice3A_1194 = vector.extract_strided_slice %transpose3A {offsets = [75, 0], sizes = [1, 128], strides = [1, 1]} : vector<200x128xf32> to vector<1x128xf32>
    %broadcast_in_dim3A_1195 = vector.shape_cast %slice3A_1194 : vector<1x128xf32> to vector<1x128xf32>
    %broadcast_in_dim3A_1196 = vector.broadcast %broadcast_in_dim3A_1195 : vector<1x128xf32> to vector<200x128xf32>
    %lt3A_1197 = arith.cmpf olt, %broadcast_in_dim3A_1196, %transpose3A : vector<200x128xf32>
    %eq3A_1198 = arith.cmpf oeq, %broadcast_in_dim3A_1196, %transpose3A : vector<200x128xf32>
    %gt3A_1199 = arith.constant 75 : i32
    %gt3A_1200 = vector.broadcast %gt3A_1199 : i32 to vector<200x128xi32>
    %gt3A_1201 = arith.cmpi sgt, %iota3A, %gt3A_1200 : vector<200x128xi32>
    %and3A_1202 = arith.andi %eq3A_1198, %gt3A_1201 : vector<200x128xi1>
    %or3A_1203 = arith.ori %lt3A_1197, %and3A_1202 : vector<200x128xi1>
    %jit3A_1204 = arith.constant 1.000000e+00 : f32
    %jit3A_1205 = arith.constant 0.000000e+00 : f32
    %broadcast_in_dim3A_1206 = vector.broadcast %jit3A_1204 : f32 to vector<200x128xf32>
    %broadcast_in_dim3A_1207 = vector.broadcast %jit3A_1205 : f32 to vector<200x128xf32>
    %select_n3A_1208 = arith.select %or3A_1203, %broadcast_in_dim3A_1206, %broadcast_in_dim3A_1207 : vector<200x128xi1>, vector<200x128xf32>
    %add3A_1209 = arith.addf %add3A_1193, %select_n3A_1208 : vector<200x128xf32>
    %slice3A_1210 = vector.extract_strided_slice %transpose3A {offsets = [76, 0], sizes = [1, 128], strides = [1, 1]} : vector<200x128xf32> to vector<1x128xf32>
    %broadcast_in_dim3A_1211 = vector.shape_cast %slice3A_1210 : vector<1x128xf32> to vector<1x128xf32>
    %broadcast_in_dim3A_1212 = vector.broadcast %broadcast_in_dim3A_1211 : vector<1x128xf32> to vector<200x128xf32>
    %lt3A_1213 = arith.cmpf olt, %broadcast_in_dim3A_1212, %transpose3A : vector<200x128xf32>
    %eq3A_1214 = arith.cmpf oeq, %broadcast_in_dim3A_1212, %transpose3A : vector<200x128xf32>
    %gt3A_1215 = arith.constant 76 : i32
    %gt3A_1216 = vector.broadcast %gt3A_1215 : i32 to vector<200x128xi32>
    %gt3A_1217 = arith.cmpi sgt, %iota3A, %gt3A_1216 : vector<200x128xi32>
    %and3A_1218 = arith.andi %eq3A_1214, %gt3A_1217 : vector<200x128xi1>
    %or3A_1219 = arith.ori %lt3A_1213, %and3A_1218 : vector<200x128xi1>
    %jit3A_1220 = arith.constant 1.000000e+00 : f32
    %jit3A_1221 = arith.constant 0.000000e+00 : f32
    %broadcast_in_dim3A_1222 = vector.broadcast %jit3A_1220 : f32 to vector<200x128xf32>
    %broadcast_in_dim3A_1223 = vector.broadcast %jit3A_1221 : f32 to vector<200x128xf32>
    %select_n3A_1224 = arith.select %or3A_1219, %broadcast_in_dim3A_1222, %broadcast_in_dim3A_1223 : vector<200x128xi1>, vector<200x128xf32>
    %add3A_1225 = arith.addf %add3A_1209, %select_n3A_1224 : vector<200x128xf32>
    %slice3A_1226 = vector.extract_strided_slice %transpose3A {offsets = [77, 0], sizes = [1, 128], strides = [1, 1]} : vector<200x128xf32> to vector<1x128xf32>
    %broadcast_in_dim3A_1227 = vector.shape_cast %slice3A_1226 : vector<1x128xf32> to vector<1x128xf32>
    %broadcast_in_dim3A_1228 = vector.broadcast %broadcast_in_dim3A_1227 : vector<1x128xf32> to vector<200x128xf32>
    %lt3A_1229 = arith.cmpf olt, %broadcast_in_dim3A_1228, %transpose3A : vector<200x128xf32>
    %eq3A_1230 = arith.cmpf oeq, %broadcast_in_dim3A_1228, %transpose3A : vector<200x128xf32>
    %gt3A_1231 = arith.constant 77 : i32
    %gt3A_1232 = vector.broadcast %gt3A_1231 : i32 to vector<200x128xi32>
    %gt3A_1233 = arith.cmpi sgt, %iota3A, %gt3A_1232 : vector<200x128xi32>
    %and3A_1234 = arith.andi %eq3A_1230, %gt3A_1233 : vector<200x128xi1>
    %or3A_1235 = arith.ori %lt3A_1229, %and3A_1234 : vector<200x128xi1>
    %jit3A_1236 = arith.constant 1.000000e+00 : f32
    %jit3A_1237 = arith.constant 0.000000e+00 : f32
    %broadcast_in_dim3A_1238 = vector.broadcast %jit3A_1236 : f32 to vector<200x128xf32>
    %broadcast_in_dim3A_1239 = vector.broadcast %jit3A_1237 : f32 to vector<200x128xf32>
    %select_n3A_1240 = arith.select %or3A_1235, %broadcast_in_dim3A_1238, %broadcast_in_dim3A_1239 : vector<200x128xi1>, vector<200x128xf32>
    %add3A_1241 = arith.addf %add3A_1225, %select_n3A_1240 : vector<200x128xf32>
    %slice3A_1242 = vector.extract_strided_slice %transpose3A {offsets = [78, 0], sizes = [1, 128], strides = [1, 1]} : vector<200x128xf32> to vector<1x128xf32>
    %broadcast_in_dim3A_1243 = vector.shape_cast %slice3A_1242 : vector<1x128xf32> to vector<1x128xf32>
    %broadcast_in_dim3A_1244 = vector.broadcast %broadcast_in_dim3A_1243 : vector<1x128xf32> to vector<200x128xf32>
    %lt3A_1245 = arith.cmpf olt, %broadcast_in_dim3A_1244, %transpose3A : vector<200x128xf32>
    %eq3A_1246 = arith.cmpf oeq, %broadcast_in_dim3A_1244, %transpose3A : vector<200x128xf32>
    %gt3A_1247 = arith.constant 78 : i32
    %gt3A_1248 = vector.broadcast %gt3A_1247 : i32 to vector<200x128xi32>
    %gt3A_1249 = arith.cmpi sgt, %iota3A, %gt3A_1248 : vector<200x128xi32>
    %and3A_1250 = arith.andi %eq3A_1246, %gt3A_1249 : vector<200x128xi1>
    %or3A_1251 = arith.ori %lt3A_1245, %and3A_1250 : vector<200x128xi1>
    %jit3A_1252 = arith.constant 1.000000e+00 : f32
    %jit3A_1253 = arith.constant 0.000000e+00 : f32
    %broadcast_in_dim3A_1254 = vector.broadcast %jit3A_1252 : f32 to vector<200x128xf32>
    %broadcast_in_dim3A_1255 = vector.broadcast %jit3A_1253 : f32 to vector<200x128xf32>
    %select_n3A_1256 = arith.select %or3A_1251, %broadcast_in_dim3A_1254, %broadcast_in_dim3A_1255 : vector<200x128xi1>, vector<200x128xf32>
    %add3A_1257 = arith.addf %add3A_1241, %select_n3A_1256 : vector<200x128xf32>
    %slice3A_1258 = vector.extract_strided_slice %transpose3A {offsets = [79, 0], sizes = [1, 128], strides = [1, 1]} : vector<200x128xf32> to vector<1x128xf32>
    %broadcast_in_dim3A_1259 = vector.shape_cast %slice3A_1258 : vector<1x128xf32> to vector<1x128xf32>
    %broadcast_in_dim3A_1260 = vector.broadcast %broadcast_in_dim3A_1259 : vector<1x128xf32> to vector<200x128xf32>
    %lt3A_1261 = arith.cmpf olt, %broadcast_in_dim3A_1260, %transpose3A : vector<200x128xf32>
    %eq3A_1262 = arith.cmpf oeq, %broadcast_in_dim3A_1260, %transpose3A : vector<200x128xf32>
    %gt3A_1263 = arith.constant 79 : i32
    %gt3A_1264 = vector.broadcast %gt3A_1263 : i32 to vector<200x128xi32>
    %gt3A_1265 = arith.cmpi sgt, %iota3A, %gt3A_1264 : vector<200x128xi32>
    %and3A_1266 = arith.andi %eq3A_1262, %gt3A_1265 : vector<200x128xi1>
    %or3A_1267 = arith.ori %lt3A_1261, %and3A_1266 : vector<200x128xi1>
    %jit3A_1268 = arith.constant 1.000000e+00 : f32
    %jit3A_1269 = arith.constant 0.000000e+00 : f32
    %broadcast_in_dim3A_1270 = vector.broadcast %jit3A_1268 : f32 to vector<200x128xf32>
    %broadcast_in_dim3A_1271 = vector.broadcast %jit3A_1269 : f32 to vector<200x128xf32>
    %select_n3A_1272 = arith.select %or3A_1267, %broadcast_in_dim3A_1270, %broadcast_in_dim3A_1271 : vector<200x128xi1>, vector<200x128xf32>
    %add3A_1273 = arith.addf %add3A_1257, %select_n3A_1272 : vector<200x128xf32>
    %slice3A_1274 = vector.extract_strided_slice %transpose3A {offsets = [80, 0], sizes = [1, 128], strides = [1, 1]} : vector<200x128xf32> to vector<1x128xf32>
    %broadcast_in_dim3A_1275 = vector.shape_cast %slice3A_1274 : vector<1x128xf32> to vector<1x128xf32>
    %broadcast_in_dim3A_1276 = vector.broadcast %broadcast_in_dim3A_1275 : vector<1x128xf32> to vector<200x128xf32>
    %lt3A_1277 = arith.cmpf olt, %broadcast_in_dim3A_1276, %transpose3A : vector<200x128xf32>
    %eq3A_1278 = arith.cmpf oeq, %broadcast_in_dim3A_1276, %transpose3A : vector<200x128xf32>
    %gt3A_1279 = arith.constant 80 : i32
    %gt3A_1280 = vector.broadcast %gt3A_1279 : i32 to vector<200x128xi32>
    %gt3A_1281 = arith.cmpi sgt, %iota3A, %gt3A_1280 : vector<200x128xi32>
    %and3A_1282 = arith.andi %eq3A_1278, %gt3A_1281 : vector<200x128xi1>
    %or3A_1283 = arith.ori %lt3A_1277, %and3A_1282 : vector<200x128xi1>
    %jit3A_1284 = arith.constant 1.000000e+00 : f32
    %jit3A_1285 = arith.constant 0.000000e+00 : f32
    %broadcast_in_dim3A_1286 = vector.broadcast %jit3A_1284 : f32 to vector<200x128xf32>
    %broadcast_in_dim3A_1287 = vector.broadcast %jit3A_1285 : f32 to vector<200x128xf32>
    %select_n3A_1288 = arith.select %or3A_1283, %broadcast_in_dim3A_1286, %broadcast_in_dim3A_1287 : vector<200x128xi1>, vector<200x128xf32>
    %add3A_1289 = arith.addf %add3A_1273, %select_n3A_1288 : vector<200x128xf32>
    %slice3A_1290 = vector.extract_strided_slice %transpose3A {offsets = [81, 0], sizes = [1, 128], strides = [1, 1]} : vector<200x128xf32> to vector<1x128xf32>
    %broadcast_in_dim3A_1291 = vector.shape_cast %slice3A_1290 : vector<1x128xf32> to vector<1x128xf32>
    %broadcast_in_dim3A_1292 = vector.broadcast %broadcast_in_dim3A_1291 : vector<1x128xf32> to vector<200x128xf32>
    %lt3A_1293 = arith.cmpf olt, %broadcast_in_dim3A_1292, %transpose3A : vector<200x128xf32>
    %eq3A_1294 = arith.cmpf oeq, %broadcast_in_dim3A_1292, %transpose3A : vector<200x128xf32>
    %gt3A_1295 = arith.constant 81 : i32
    %gt3A_1296 = vector.broadcast %gt3A_1295 : i32 to vector<200x128xi32>
    %gt3A_1297 = arith.cmpi sgt, %iota3A, %gt3A_1296 : vector<200x128xi32>
    %and3A_1298 = arith.andi %eq3A_1294, %gt3A_1297 : vector<200x128xi1>
    %or3A_1299 = arith.ori %lt3A_1293, %and3A_1298 : vector<200x128xi1>
    %jit3A_1300 = arith.constant 1.000000e+00 : f32
    %jit3A_1301 = arith.constant 0.000000e+00 : f32
    %broadcast_in_dim3A_1302 = vector.broadcast %jit3A_1300 : f32 to vector<200x128xf32>
    %broadcast_in_dim3A_1303 = vector.broadcast %jit3A_1301 : f32 to vector<200x128xf32>
    %select_n3A_1304 = arith.select %or3A_1299, %broadcast_in_dim3A_1302, %broadcast_in_dim3A_1303 : vector<200x128xi1>, vector<200x128xf32>
    %add3A_1305 = arith.addf %add3A_1289, %select_n3A_1304 : vector<200x128xf32>
    %slice3A_1306 = vector.extract_strided_slice %transpose3A {offsets = [82, 0], sizes = [1, 128], strides = [1, 1]} : vector<200x128xf32> to vector<1x128xf32>
    %broadcast_in_dim3A_1307 = vector.shape_cast %slice3A_1306 : vector<1x128xf32> to vector<1x128xf32>
    %broadcast_in_dim3A_1308 = vector.broadcast %broadcast_in_dim3A_1307 : vector<1x128xf32> to vector<200x128xf32>
    %lt3A_1309 = arith.cmpf olt, %broadcast_in_dim3A_1308, %transpose3A : vector<200x128xf32>
    %eq3A_1310 = arith.cmpf oeq, %broadcast_in_dim3A_1308, %transpose3A : vector<200x128xf32>
    %gt3A_1311 = arith.constant 82 : i32
    %gt3A_1312 = vector.broadcast %gt3A_1311 : i32 to vector<200x128xi32>
    %gt3A_1313 = arith.cmpi sgt, %iota3A, %gt3A_1312 : vector<200x128xi32>
    %and3A_1314 = arith.andi %eq3A_1310, %gt3A_1313 : vector<200x128xi1>
    %or3A_1315 = arith.ori %lt3A_1309, %and3A_1314 : vector<200x128xi1>
    %jit3A_1316 = arith.constant 1.000000e+00 : f32
    %jit3A_1317 = arith.constant 0.000000e+00 : f32
    %broadcast_in_dim3A_1318 = vector.broadcast %jit3A_1316 : f32 to vector<200x128xf32>
    %broadcast_in_dim3A_1319 = vector.broadcast %jit3A_1317 : f32 to vector<200x128xf32>
    %select_n3A_1320 = arith.select %or3A_1315, %broadcast_in_dim3A_1318, %broadcast_in_dim3A_1319 : vector<200x128xi1>, vector<200x128xf32>
    %add3A_1321 = arith.addf %add3A_1305, %select_n3A_1320 : vector<200x128xf32>
    %slice3A_1322 = vector.extract_strided_slice %transpose3A {offsets = [83, 0], sizes = [1, 128], strides = [1, 1]} : vector<200x128xf32> to vector<1x128xf32>
    %broadcast_in_dim3A_1323 = vector.shape_cast %slice3A_1322 : vector<1x128xf32> to vector<1x128xf32>
    %broadcast_in_dim3A_1324 = vector.broadcast %broadcast_in_dim3A_1323 : vector<1x128xf32> to vector<200x128xf32>
    %lt3A_1325 = arith.cmpf olt, %broadcast_in_dim3A_1324, %transpose3A : vector<200x128xf32>
    %eq3A_1326 = arith.cmpf oeq, %broadcast_in_dim3A_1324, %transpose3A : vector<200x128xf32>
    %gt3A_1327 = arith.constant 83 : i32
    %gt3A_1328 = vector.broadcast %gt3A_1327 : i32 to vector<200x128xi32>
    %gt3A_1329 = arith.cmpi sgt, %iota3A, %gt3A_1328 : vector<200x128xi32>
    %and3A_1330 = arith.andi %eq3A_1326, %gt3A_1329 : vector<200x128xi1>
    %or3A_1331 = arith.ori %lt3A_1325, %and3A_1330 : vector<200x128xi1>
    %jit3A_1332 = arith.constant 1.000000e+00 : f32
    %jit3A_1333 = arith.constant 0.000000e+00 : f32
    %broadcast_in_dim3A_1334 = vector.broadcast %jit3A_1332 : f32 to vector<200x128xf32>
    %broadcast_in_dim3A_1335 = vector.broadcast %jit3A_1333 : f32 to vector<200x128xf32>
    %select_n3A_1336 = arith.select %or3A_1331, %broadcast_in_dim3A_1334, %broadcast_in_dim3A_1335 : vector<200x128xi1>, vector<200x128xf32>
    %add3A_1337 = arith.addf %add3A_1321, %select_n3A_1336 : vector<200x128xf32>
    %slice3A_1338 = vector.extract_strided_slice %transpose3A {offsets = [84, 0], sizes = [1, 128], strides = [1, 1]} : vector<200x128xf32> to vector<1x128xf32>
    %broadcast_in_dim3A_1339 = vector.shape_cast %slice3A_1338 : vector<1x128xf32> to vector<1x128xf32>
    %broadcast_in_dim3A_1340 = vector.broadcast %broadcast_in_dim3A_1339 : vector<1x128xf32> to vector<200x128xf32>
    %lt3A_1341 = arith.cmpf olt, %broadcast_in_dim3A_1340, %transpose3A : vector<200x128xf32>
    %eq3A_1342 = arith.cmpf oeq, %broadcast_in_dim3A_1340, %transpose3A : vector<200x128xf32>
    %gt3A_1343 = arith.constant 84 : i32
    %gt3A_1344 = vector.broadcast %gt3A_1343 : i32 to vector<200x128xi32>
    %gt3A_1345 = arith.cmpi sgt, %iota3A, %gt3A_1344 : vector<200x128xi32>
    %and3A_1346 = arith.andi %eq3A_1342, %gt3A_1345 : vector<200x128xi1>
    %or3A_1347 = arith.ori %lt3A_1341, %and3A_1346 : vector<200x128xi1>
    %jit3A_1348 = arith.constant 1.000000e+00 : f32
    %jit3A_1349 = arith.constant 0.000000e+00 : f32
    %broadcast_in_dim3A_1350 = vector.broadcast %jit3A_1348 : f32 to vector<200x128xf32>
    %broadcast_in_dim3A_1351 = vector.broadcast %jit3A_1349 : f32 to vector<200x128xf32>
    %select_n3A_1352 = arith.select %or3A_1347, %broadcast_in_dim3A_1350, %broadcast_in_dim3A_1351 : vector<200x128xi1>, vector<200x128xf32>
    %add3A_1353 = arith.addf %add3A_1337, %select_n3A_1352 : vector<200x128xf32>
    %slice3A_1354 = vector.extract_strided_slice %transpose3A {offsets = [85, 0], sizes = [1, 128], strides = [1, 1]} : vector<200x128xf32> to vector<1x128xf32>
    %broadcast_in_dim3A_1355 = vector.shape_cast %slice3A_1354 : vector<1x128xf32> to vector<1x128xf32>
    %broadcast_in_dim3A_1356 = vector.broadcast %broadcast_in_dim3A_1355 : vector<1x128xf32> to vector<200x128xf32>
    %lt3A_1357 = arith.cmpf olt, %broadcast_in_dim3A_1356, %transpose3A : vector<200x128xf32>
    %eq3A_1358 = arith.cmpf oeq, %broadcast_in_dim3A_1356, %transpose3A : vector<200x128xf32>
    %gt3A_1359 = arith.constant 85 : i32
    %gt3A_1360 = vector.broadcast %gt3A_1359 : i32 to vector<200x128xi32>
    %gt3A_1361 = arith.cmpi sgt, %iota3A, %gt3A_1360 : vector<200x128xi32>
    %and3A_1362 = arith.andi %eq3A_1358, %gt3A_1361 : vector<200x128xi1>
    %or3A_1363 = arith.ori %lt3A_1357, %and3A_1362 : vector<200x128xi1>
    %jit3A_1364 = arith.constant 1.000000e+00 : f32
    %jit3A_1365 = arith.constant 0.000000e+00 : f32
    %broadcast_in_dim3A_1366 = vector.broadcast %jit3A_1364 : f32 to vector<200x128xf32>
    %broadcast_in_dim3A_1367 = vector.broadcast %jit3A_1365 : f32 to vector<200x128xf32>
    %select_n3A_1368 = arith.select %or3A_1363, %broadcast_in_dim3A_1366, %broadcast_in_dim3A_1367 : vector<200x128xi1>, vector<200x128xf32>
    %add3A_1369 = arith.addf %add3A_1353, %select_n3A_1368 : vector<200x128xf32>
    %slice3A_1370 = vector.extract_strided_slice %transpose3A {offsets = [86, 0], sizes = [1, 128], strides = [1, 1]} : vector<200x128xf32> to vector<1x128xf32>
    %broadcast_in_dim3A_1371 = vector.shape_cast %slice3A_1370 : vector<1x128xf32> to vector<1x128xf32>
    %broadcast_in_dim3A_1372 = vector.broadcast %broadcast_in_dim3A_1371 : vector<1x128xf32> to vector<200x128xf32>
    %lt3A_1373 = arith.cmpf olt, %broadcast_in_dim3A_1372, %transpose3A : vector<200x128xf32>
    %eq3A_1374 = arith.cmpf oeq, %broadcast_in_dim3A_1372, %transpose3A : vector<200x128xf32>
    %gt3A_1375 = arith.constant 86 : i32
    %gt3A_1376 = vector.broadcast %gt3A_1375 : i32 to vector<200x128xi32>
    %gt3A_1377 = arith.cmpi sgt, %iota3A, %gt3A_1376 : vector<200x128xi32>
    %and3A_1378 = arith.andi %eq3A_1374, %gt3A_1377 : vector<200x128xi1>
    %or3A_1379 = arith.ori %lt3A_1373, %and3A_1378 : vector<200x128xi1>
    %jit3A_1380 = arith.constant 1.000000e+00 : f32
    %jit3A_1381 = arith.constant 0.000000e+00 : f32
    %broadcast_in_dim3A_1382 = vector.broadcast %jit3A_1380 : f32 to vector<200x128xf32>
    %broadcast_in_dim3A_1383 = vector.broadcast %jit3A_1381 : f32 to vector<200x128xf32>
    %select_n3A_1384 = arith.select %or3A_1379, %broadcast_in_dim3A_1382, %broadcast_in_dim3A_1383 : vector<200x128xi1>, vector<200x128xf32>
    %add3A_1385 = arith.addf %add3A_1369, %select_n3A_1384 : vector<200x128xf32>
    %slice3A_1386 = vector.extract_strided_slice %transpose3A {offsets = [87, 0], sizes = [1, 128], strides = [1, 1]} : vector<200x128xf32> to vector<1x128xf32>
    %broadcast_in_dim3A_1387 = vector.shape_cast %slice3A_1386 : vector<1x128xf32> to vector<1x128xf32>
    %broadcast_in_dim3A_1388 = vector.broadcast %broadcast_in_dim3A_1387 : vector<1x128xf32> to vector<200x128xf32>
    %lt3A_1389 = arith.cmpf olt, %broadcast_in_dim3A_1388, %transpose3A : vector<200x128xf32>
    %eq3A_1390 = arith.cmpf oeq, %broadcast_in_dim3A_1388, %transpose3A : vector<200x128xf32>
    %gt3A_1391 = arith.constant 87 : i32
    %gt3A_1392 = vector.broadcast %gt3A_1391 : i32 to vector<200x128xi32>
    %gt3A_1393 = arith.cmpi sgt, %iota3A, %gt3A_1392 : vector<200x128xi32>
    %and3A_1394 = arith.andi %eq3A_1390, %gt3A_1393 : vector<200x128xi1>
    %or3A_1395 = arith.ori %lt3A_1389, %and3A_1394 : vector<200x128xi1>
    %jit3A_1396 = arith.constant 1.000000e+00 : f32
    %jit3A_1397 = arith.constant 0.000000e+00 : f32
    %broadcast_in_dim3A_1398 = vector.broadcast %jit3A_1396 : f32 to vector<200x128xf32>
    %broadcast_in_dim3A_1399 = vector.broadcast %jit3A_1397 : f32 to vector<200x128xf32>
    %select_n3A_1400 = arith.select %or3A_1395, %broadcast_in_dim3A_1398, %broadcast_in_dim3A_1399 : vector<200x128xi1>, vector<200x128xf32>
    %add3A_1401 = arith.addf %add3A_1385, %select_n3A_1400 : vector<200x128xf32>
    %slice3A_1402 = vector.extract_strided_slice %transpose3A {offsets = [88, 0], sizes = [1, 128], strides = [1, 1]} : vector<200x128xf32> to vector<1x128xf32>
    %broadcast_in_dim3A_1403 = vector.shape_cast %slice3A_1402 : vector<1x128xf32> to vector<1x128xf32>
    %broadcast_in_dim3A_1404 = vector.broadcast %broadcast_in_dim3A_1403 : vector<1x128xf32> to vector<200x128xf32>
    %lt3A_1405 = arith.cmpf olt, %broadcast_in_dim3A_1404, %transpose3A : vector<200x128xf32>
    %eq3A_1406 = arith.cmpf oeq, %broadcast_in_dim3A_1404, %transpose3A : vector<200x128xf32>
    %gt3A_1407 = arith.constant 88 : i32
    %gt3A_1408 = vector.broadcast %gt3A_1407 : i32 to vector<200x128xi32>
    %gt3A_1409 = arith.cmpi sgt, %iota3A, %gt3A_1408 : vector<200x128xi32>
    %and3A_1410 = arith.andi %eq3A_1406, %gt3A_1409 : vector<200x128xi1>
    %or3A_1411 = arith.ori %lt3A_1405, %and3A_1410 : vector<200x128xi1>
    %jit3A_1412 = arith.constant 1.000000e+00 : f32
    %jit3A_1413 = arith.constant 0.000000e+00 : f32
    %broadcast_in_dim3A_1414 = vector.broadcast %jit3A_1412 : f32 to vector<200x128xf32>
    %broadcast_in_dim3A_1415 = vector.broadcast %jit3A_1413 : f32 to vector<200x128xf32>
    %select_n3A_1416 = arith.select %or3A_1411, %broadcast_in_dim3A_1414, %broadcast_in_dim3A_1415 : vector<200x128xi1>, vector<200x128xf32>
    %add3A_1417 = arith.addf %add3A_1401, %select_n3A_1416 : vector<200x128xf32>
    %slice3A_1418 = vector.extract_strided_slice %transpose3A {offsets = [89, 0], sizes = [1, 128], strides = [1, 1]} : vector<200x128xf32> to vector<1x128xf32>
    %broadcast_in_dim3A_1419 = vector.shape_cast %slice3A_1418 : vector<1x128xf32> to vector<1x128xf32>
    %broadcast_in_dim3A_1420 = vector.broadcast %broadcast_in_dim3A_1419 : vector<1x128xf32> to vector<200x128xf32>
    %lt3A_1421 = arith.cmpf olt, %broadcast_in_dim3A_1420, %transpose3A : vector<200x128xf32>
    %eq3A_1422 = arith.cmpf oeq, %broadcast_in_dim3A_1420, %transpose3A : vector<200x128xf32>
    %gt3A_1423 = arith.constant 89 : i32
    %gt3A_1424 = vector.broadcast %gt3A_1423 : i32 to vector<200x128xi32>
    %gt3A_1425 = arith.cmpi sgt, %iota3A, %gt3A_1424 : vector<200x128xi32>
    %and3A_1426 = arith.andi %eq3A_1422, %gt3A_1425 : vector<200x128xi1>
    %or3A_1427 = arith.ori %lt3A_1421, %and3A_1426 : vector<200x128xi1>
    %jit3A_1428 = arith.constant 1.000000e+00 : f32
    %jit3A_1429 = arith.constant 0.000000e+00 : f32
    %broadcast_in_dim3A_1430 = vector.broadcast %jit3A_1428 : f32 to vector<200x128xf32>
    %broadcast_in_dim3A_1431 = vector.broadcast %jit3A_1429 : f32 to vector<200x128xf32>
    %select_n3A_1432 = arith.select %or3A_1427, %broadcast_in_dim3A_1430, %broadcast_in_dim3A_1431 : vector<200x128xi1>, vector<200x128xf32>
    %add3A_1433 = arith.addf %add3A_1417, %select_n3A_1432 : vector<200x128xf32>
    %slice3A_1434 = vector.extract_strided_slice %transpose3A {offsets = [90, 0], sizes = [1, 128], strides = [1, 1]} : vector<200x128xf32> to vector<1x128xf32>
    %broadcast_in_dim3A_1435 = vector.shape_cast %slice3A_1434 : vector<1x128xf32> to vector<1x128xf32>
    %broadcast_in_dim3A_1436 = vector.broadcast %broadcast_in_dim3A_1435 : vector<1x128xf32> to vector<200x128xf32>
    %lt3A_1437 = arith.cmpf olt, %broadcast_in_dim3A_1436, %transpose3A : vector<200x128xf32>
    %eq3A_1438 = arith.cmpf oeq, %broadcast_in_dim3A_1436, %transpose3A : vector<200x128xf32>
    %gt3A_1439 = arith.constant 90 : i32
    %gt3A_1440 = vector.broadcast %gt3A_1439 : i32 to vector<200x128xi32>
    %gt3A_1441 = arith.cmpi sgt, %iota3A, %gt3A_1440 : vector<200x128xi32>
    %and3A_1442 = arith.andi %eq3A_1438, %gt3A_1441 : vector<200x128xi1>
    %or3A_1443 = arith.ori %lt3A_1437, %and3A_1442 : vector<200x128xi1>
    %jit3A_1444 = arith.constant 1.000000e+00 : f32
    %jit3A_1445 = arith.constant 0.000000e+00 : f32
    %broadcast_in_dim3A_1446 = vector.broadcast %jit3A_1444 : f32 to vector<200x128xf32>
    %broadcast_in_dim3A_1447 = vector.broadcast %jit3A_1445 : f32 to vector<200x128xf32>
    %select_n3A_1448 = arith.select %or3A_1443, %broadcast_in_dim3A_1446, %broadcast_in_dim3A_1447 : vector<200x128xi1>, vector<200x128xf32>
    %add3A_1449 = arith.addf %add3A_1433, %select_n3A_1448 : vector<200x128xf32>
    %slice3A_1450 = vector.extract_strided_slice %transpose3A {offsets = [91, 0], sizes = [1, 128], strides = [1, 1]} : vector<200x128xf32> to vector<1x128xf32>
    %broadcast_in_dim3A_1451 = vector.shape_cast %slice3A_1450 : vector<1x128xf32> to vector<1x128xf32>
    %broadcast_in_dim3A_1452 = vector.broadcast %broadcast_in_dim3A_1451 : vector<1x128xf32> to vector<200x128xf32>
    %lt3A_1453 = arith.cmpf olt, %broadcast_in_dim3A_1452, %transpose3A : vector<200x128xf32>
    %eq3A_1454 = arith.cmpf oeq, %broadcast_in_dim3A_1452, %transpose3A : vector<200x128xf32>
    %gt3A_1455 = arith.constant 91 : i32
    %gt3A_1456 = vector.broadcast %gt3A_1455 : i32 to vector<200x128xi32>
    %gt3A_1457 = arith.cmpi sgt, %iota3A, %gt3A_1456 : vector<200x128xi32>
    %and3A_1458 = arith.andi %eq3A_1454, %gt3A_1457 : vector<200x128xi1>
    %or3A_1459 = arith.ori %lt3A_1453, %and3A_1458 : vector<200x128xi1>
    %jit3A_1460 = arith.constant 1.000000e+00 : f32
    %jit3A_1461 = arith.constant 0.000000e+00 : f32
    %broadcast_in_dim3A_1462 = vector.broadcast %jit3A_1460 : f32 to vector<200x128xf32>
    %broadcast_in_dim3A_1463 = vector.broadcast %jit3A_1461 : f32 to vector<200x128xf32>
    %select_n3A_1464 = arith.select %or3A_1459, %broadcast_in_dim3A_1462, %broadcast_in_dim3A_1463 : vector<200x128xi1>, vector<200x128xf32>
    %add3A_1465 = arith.addf %add3A_1449, %select_n3A_1464 : vector<200x128xf32>
    %slice3A_1466 = vector.extract_strided_slice %transpose3A {offsets = [92, 0], sizes = [1, 128], strides = [1, 1]} : vector<200x128xf32> to vector<1x128xf32>
    %broadcast_in_dim3A_1467 = vector.shape_cast %slice3A_1466 : vector<1x128xf32> to vector<1x128xf32>
    %broadcast_in_dim3A_1468 = vector.broadcast %broadcast_in_dim3A_1467 : vector<1x128xf32> to vector<200x128xf32>
    %lt3A_1469 = arith.cmpf olt, %broadcast_in_dim3A_1468, %transpose3A : vector<200x128xf32>
    %eq3A_1470 = arith.cmpf oeq, %broadcast_in_dim3A_1468, %transpose3A : vector<200x128xf32>
    %gt3A_1471 = arith.constant 92 : i32
    %gt3A_1472 = vector.broadcast %gt3A_1471 : i32 to vector<200x128xi32>
    %gt3A_1473 = arith.cmpi sgt, %iota3A, %gt3A_1472 : vector<200x128xi32>
    %and3A_1474 = arith.andi %eq3A_1470, %gt3A_1473 : vector<200x128xi1>
    %or3A_1475 = arith.ori %lt3A_1469, %and3A_1474 : vector<200x128xi1>
    %jit3A_1476 = arith.constant 1.000000e+00 : f32
    %jit3A_1477 = arith.constant 0.000000e+00 : f32
    %broadcast_in_dim3A_1478 = vector.broadcast %jit3A_1476 : f32 to vector<200x128xf32>
    %broadcast_in_dim3A_1479 = vector.broadcast %jit3A_1477 : f32 to vector<200x128xf32>
    %select_n3A_1480 = arith.select %or3A_1475, %broadcast_in_dim3A_1478, %broadcast_in_dim3A_1479 : vector<200x128xi1>, vector<200x128xf32>
    %add3A_1481 = arith.addf %add3A_1465, %select_n3A_1480 : vector<200x128xf32>
    %slice3A_1482 = vector.extract_strided_slice %transpose3A {offsets = [93, 0], sizes = [1, 128], strides = [1, 1]} : vector<200x128xf32> to vector<1x128xf32>
    %broadcast_in_dim3A_1483 = vector.shape_cast %slice3A_1482 : vector<1x128xf32> to vector<1x128xf32>
    %broadcast_in_dim3A_1484 = vector.broadcast %broadcast_in_dim3A_1483 : vector<1x128xf32> to vector<200x128xf32>
    %lt3A_1485 = arith.cmpf olt, %broadcast_in_dim3A_1484, %transpose3A : vector<200x128xf32>
    %eq3A_1486 = arith.cmpf oeq, %broadcast_in_dim3A_1484, %transpose3A : vector<200x128xf32>
    %gt3A_1487 = arith.constant 93 : i32
    %gt3A_1488 = vector.broadcast %gt3A_1487 : i32 to vector<200x128xi32>
    %gt3A_1489 = arith.cmpi sgt, %iota3A, %gt3A_1488 : vector<200x128xi32>
    %and3A_1490 = arith.andi %eq3A_1486, %gt3A_1489 : vector<200x128xi1>
    %or3A_1491 = arith.ori %lt3A_1485, %and3A_1490 : vector<200x128xi1>
    %jit3A_1492 = arith.constant 1.000000e+00 : f32
    %jit3A_1493 = arith.constant 0.000000e+00 : f32
    %broadcast_in_dim3A_1494 = vector.broadcast %jit3A_1492 : f32 to vector<200x128xf32>
    %broadcast_in_dim3A_1495 = vector.broadcast %jit3A_1493 : f32 to vector<200x128xf32>
    %select_n3A_1496 = arith.select %or3A_1491, %broadcast_in_dim3A_1494, %broadcast_in_dim3A_1495 : vector<200x128xi1>, vector<200x128xf32>
    %add3A_1497 = arith.addf %add3A_1481, %select_n3A_1496 : vector<200x128xf32>
    %slice3A_1498 = vector.extract_strided_slice %transpose3A {offsets = [94, 0], sizes = [1, 128], strides = [1, 1]} : vector<200x128xf32> to vector<1x128xf32>
    %broadcast_in_dim3A_1499 = vector.shape_cast %slice3A_1498 : vector<1x128xf32> to vector<1x128xf32>
    %broadcast_in_dim3A_1500 = vector.broadcast %broadcast_in_dim3A_1499 : vector<1x128xf32> to vector<200x128xf32>
    %lt3A_1501 = arith.cmpf olt, %broadcast_in_dim3A_1500, %transpose3A : vector<200x128xf32>
    %eq3A_1502 = arith.cmpf oeq, %broadcast_in_dim3A_1500, %transpose3A : vector<200x128xf32>
    %gt3A_1503 = arith.constant 94 : i32
    %gt3A_1504 = vector.broadcast %gt3A_1503 : i32 to vector<200x128xi32>
    %gt3A_1505 = arith.cmpi sgt, %iota3A, %gt3A_1504 : vector<200x128xi32>
    %and3A_1506 = arith.andi %eq3A_1502, %gt3A_1505 : vector<200x128xi1>
    %or3A_1507 = arith.ori %lt3A_1501, %and3A_1506 : vector<200x128xi1>
    %jit3A_1508 = arith.constant 1.000000e+00 : f32
    %jit3A_1509 = arith.constant 0.000000e+00 : f32
    %broadcast_in_dim3A_1510 = vector.broadcast %jit3A_1508 : f32 to vector<200x128xf32>
    %broadcast_in_dim3A_1511 = vector.broadcast %jit3A_1509 : f32 to vector<200x128xf32>
    %select_n3A_1512 = arith.select %or3A_1507, %broadcast_in_dim3A_1510, %broadcast_in_dim3A_1511 : vector<200x128xi1>, vector<200x128xf32>
    %add3A_1513 = arith.addf %add3A_1497, %select_n3A_1512 : vector<200x128xf32>
    %slice3A_1514 = vector.extract_strided_slice %transpose3A {offsets = [95, 0], sizes = [1, 128], strides = [1, 1]} : vector<200x128xf32> to vector<1x128xf32>
    %broadcast_in_dim3A_1515 = vector.shape_cast %slice3A_1514 : vector<1x128xf32> to vector<1x128xf32>
    %broadcast_in_dim3A_1516 = vector.broadcast %broadcast_in_dim3A_1515 : vector<1x128xf32> to vector<200x128xf32>
    %lt3A_1517 = arith.cmpf olt, %broadcast_in_dim3A_1516, %transpose3A : vector<200x128xf32>
    %eq3A_1518 = arith.cmpf oeq, %broadcast_in_dim3A_1516, %transpose3A : vector<200x128xf32>
    %gt3A_1519 = arith.constant 95 : i32
    %gt3A_1520 = vector.broadcast %gt3A_1519 : i32 to vector<200x128xi32>
    %gt3A_1521 = arith.cmpi sgt, %iota3A, %gt3A_1520 : vector<200x128xi32>
    %and3A_1522 = arith.andi %eq3A_1518, %gt3A_1521 : vector<200x128xi1>
    %or3A_1523 = arith.ori %lt3A_1517, %and3A_1522 : vector<200x128xi1>
    %jit3A_1524 = arith.constant 1.000000e+00 : f32
    %jit3A_1525 = arith.constant 0.000000e+00 : f32
    %broadcast_in_dim3A_1526 = vector.broadcast %jit3A_1524 : f32 to vector<200x128xf32>
    %broadcast_in_dim3A_1527 = vector.broadcast %jit3A_1525 : f32 to vector<200x128xf32>
    %select_n3A_1528 = arith.select %or3A_1523, %broadcast_in_dim3A_1526, %broadcast_in_dim3A_1527 : vector<200x128xi1>, vector<200x128xf32>
    %add3A_1529 = arith.addf %add3A_1513, %select_n3A_1528 : vector<200x128xf32>
    %slice3A_1530 = vector.extract_strided_slice %transpose3A {offsets = [96, 0], sizes = [1, 128], strides = [1, 1]} : vector<200x128xf32> to vector<1x128xf32>
    %broadcast_in_dim3A_1531 = vector.shape_cast %slice3A_1530 : vector<1x128xf32> to vector<1x128xf32>
    %broadcast_in_dim3A_1532 = vector.broadcast %broadcast_in_dim3A_1531 : vector<1x128xf32> to vector<200x128xf32>
    %lt3A_1533 = arith.cmpf olt, %broadcast_in_dim3A_1532, %transpose3A : vector<200x128xf32>
    %eq3A_1534 = arith.cmpf oeq, %broadcast_in_dim3A_1532, %transpose3A : vector<200x128xf32>
    %gt3A_1535 = arith.constant 96 : i32
    %gt3A_1536 = vector.broadcast %gt3A_1535 : i32 to vector<200x128xi32>
    %gt3A_1537 = arith.cmpi sgt, %iota3A, %gt3A_1536 : vector<200x128xi32>
    %and3A_1538 = arith.andi %eq3A_1534, %gt3A_1537 : vector<200x128xi1>
    %or3A_1539 = arith.ori %lt3A_1533, %and3A_1538 : vector<200x128xi1>
    %jit3A_1540 = arith.constant 1.000000e+00 : f32
    %jit3A_1541 = arith.constant 0.000000e+00 : f32
    %broadcast_in_dim3A_1542 = vector.broadcast %jit3A_1540 : f32 to vector<200x128xf32>
    %broadcast_in_dim3A_1543 = vector.broadcast %jit3A_1541 : f32 to vector<200x128xf32>
    %select_n3A_1544 = arith.select %or3A_1539, %broadcast_in_dim3A_1542, %broadcast_in_dim3A_1543 : vector<200x128xi1>, vector<200x128xf32>
    %add3A_1545 = arith.addf %add3A_1529, %select_n3A_1544 : vector<200x128xf32>
    %slice3A_1546 = vector.extract_strided_slice %transpose3A {offsets = [97, 0], sizes = [1, 128], strides = [1, 1]} : vector<200x128xf32> to vector<1x128xf32>
    %broadcast_in_dim3A_1547 = vector.shape_cast %slice3A_1546 : vector<1x128xf32> to vector<1x128xf32>
    %broadcast_in_dim3A_1548 = vector.broadcast %broadcast_in_dim3A_1547 : vector<1x128xf32> to vector<200x128xf32>
    %lt3A_1549 = arith.cmpf olt, %broadcast_in_dim3A_1548, %transpose3A : vector<200x128xf32>
    %eq3A_1550 = arith.cmpf oeq, %broadcast_in_dim3A_1548, %transpose3A : vector<200x128xf32>
    %gt3A_1551 = arith.constant 97 : i32
    %gt3A_1552 = vector.broadcast %gt3A_1551 : i32 to vector<200x128xi32>
    %gt3A_1553 = arith.cmpi sgt, %iota3A, %gt3A_1552 : vector<200x128xi32>
    %and3A_1554 = arith.andi %eq3A_1550, %gt3A_1553 : vector<200x128xi1>
    %or3A_1555 = arith.ori %lt3A_1549, %and3A_1554 : vector<200x128xi1>
    %jit3A_1556 = arith.constant 1.000000e+00 : f32
    %jit3A_1557 = arith.constant 0.000000e+00 : f32
    %broadcast_in_dim3A_1558 = vector.broadcast %jit3A_1556 : f32 to vector<200x128xf32>
    %broadcast_in_dim3A_1559 = vector.broadcast %jit3A_1557 : f32 to vector<200x128xf32>
    %select_n3A_1560 = arith.select %or3A_1555, %broadcast_in_dim3A_1558, %broadcast_in_dim3A_1559 : vector<200x128xi1>, vector<200x128xf32>
    %add3A_1561 = arith.addf %add3A_1545, %select_n3A_1560 : vector<200x128xf32>
    %slice3A_1562 = vector.extract_strided_slice %transpose3A {offsets = [98, 0], sizes = [1, 128], strides = [1, 1]} : vector<200x128xf32> to vector<1x128xf32>
    %broadcast_in_dim3A_1563 = vector.shape_cast %slice3A_1562 : vector<1x128xf32> to vector<1x128xf32>
    %broadcast_in_dim3A_1564 = vector.broadcast %broadcast_in_dim3A_1563 : vector<1x128xf32> to vector<200x128xf32>
    %lt3A_1565 = arith.cmpf olt, %broadcast_in_dim3A_1564, %transpose3A : vector<200x128xf32>
    %eq3A_1566 = arith.cmpf oeq, %broadcast_in_dim3A_1564, %transpose3A : vector<200x128xf32>
    %gt3A_1567 = arith.constant 98 : i32
    %gt3A_1568 = vector.broadcast %gt3A_1567 : i32 to vector<200x128xi32>
    %gt3A_1569 = arith.cmpi sgt, %iota3A, %gt3A_1568 : vector<200x128xi32>
    %and3A_1570 = arith.andi %eq3A_1566, %gt3A_1569 : vector<200x128xi1>
    %or3A_1571 = arith.ori %lt3A_1565, %and3A_1570 : vector<200x128xi1>
    %jit3A_1572 = arith.constant 1.000000e+00 : f32
    %jit3A_1573 = arith.constant 0.000000e+00 : f32
    %broadcast_in_dim3A_1574 = vector.broadcast %jit3A_1572 : f32 to vector<200x128xf32>
    %broadcast_in_dim3A_1575 = vector.broadcast %jit3A_1573 : f32 to vector<200x128xf32>
    %select_n3A_1576 = arith.select %or3A_1571, %broadcast_in_dim3A_1574, %broadcast_in_dim3A_1575 : vector<200x128xi1>, vector<200x128xf32>
    %add3A_1577 = arith.addf %add3A_1561, %select_n3A_1576 : vector<200x128xf32>
    %slice3A_1578 = vector.extract_strided_slice %transpose3A {offsets = [99, 0], sizes = [1, 128], strides = [1, 1]} : vector<200x128xf32> to vector<1x128xf32>
    %broadcast_in_dim3A_1579 = vector.shape_cast %slice3A_1578 : vector<1x128xf32> to vector<1x128xf32>
    %broadcast_in_dim3A_1580 = vector.broadcast %broadcast_in_dim3A_1579 : vector<1x128xf32> to vector<200x128xf32>
    %lt3A_1581 = arith.cmpf olt, %broadcast_in_dim3A_1580, %transpose3A : vector<200x128xf32>
    %eq3A_1582 = arith.cmpf oeq, %broadcast_in_dim3A_1580, %transpose3A : vector<200x128xf32>
    %gt3A_1583 = arith.constant 99 : i32
    %gt3A_1584 = vector.broadcast %gt3A_1583 : i32 to vector<200x128xi32>
    %gt3A_1585 = arith.cmpi sgt, %iota3A, %gt3A_1584 : vector<200x128xi32>
    %and3A_1586 = arith.andi %eq3A_1582, %gt3A_1585 : vector<200x128xi1>
    %or3A_1587 = arith.ori %lt3A_1581, %and3A_1586 : vector<200x128xi1>
    %jit3A_1588 = arith.constant 1.000000e+00 : f32
    %jit3A_1589 = arith.constant 0.000000e+00 : f32
    %broadcast_in_dim3A_1590 = vector.broadcast %jit3A_1588 : f32 to vector<200x128xf32>
    %broadcast_in_dim3A_1591 = vector.broadcast %jit3A_1589 : f32 to vector<200x128xf32>
    %select_n3A_1592 = arith.select %or3A_1587, %broadcast_in_dim3A_1590, %broadcast_in_dim3A_1591 : vector<200x128xi1>, vector<200x128xf32>
    %add3A_1593 = arith.addf %add3A_1577, %select_n3A_1592 : vector<200x128xf32>
    %slice3A_1594 = vector.extract_strided_slice %transpose3A {offsets = [100, 0], sizes = [1, 128], strides = [1, 1]} : vector<200x128xf32> to vector<1x128xf32>
    %broadcast_in_dim3A_1595 = vector.shape_cast %slice3A_1594 : vector<1x128xf32> to vector<1x128xf32>
    %broadcast_in_dim3A_1596 = vector.broadcast %broadcast_in_dim3A_1595 : vector<1x128xf32> to vector<200x128xf32>
    %lt3A_1597 = arith.cmpf olt, %broadcast_in_dim3A_1596, %transpose3A : vector<200x128xf32>
    %eq3A_1598 = arith.cmpf oeq, %broadcast_in_dim3A_1596, %transpose3A : vector<200x128xf32>
    %gt3A_1599 = arith.constant 100 : i32
    %gt3A_1600 = vector.broadcast %gt3A_1599 : i32 to vector<200x128xi32>
    %gt3A_1601 = arith.cmpi sgt, %iota3A, %gt3A_1600 : vector<200x128xi32>
    %and3A_1602 = arith.andi %eq3A_1598, %gt3A_1601 : vector<200x128xi1>
    %or3A_1603 = arith.ori %lt3A_1597, %and3A_1602 : vector<200x128xi1>
    %jit3A_1604 = arith.constant 1.000000e+00 : f32
    %jit3A_1605 = arith.constant 0.000000e+00 : f32
    %broadcast_in_dim3A_1606 = vector.broadcast %jit3A_1604 : f32 to vector<200x128xf32>
    %broadcast_in_dim3A_1607 = vector.broadcast %jit3A_1605 : f32 to vector<200x128xf32>
    %select_n3A_1608 = arith.select %or3A_1603, %broadcast_in_dim3A_1606, %broadcast_in_dim3A_1607 : vector<200x128xi1>, vector<200x128xf32>
    %add3A_1609 = arith.addf %add3A_1593, %select_n3A_1608 : vector<200x128xf32>
    %slice3A_1610 = vector.extract_strided_slice %transpose3A {offsets = [101, 0], sizes = [1, 128], strides = [1, 1]} : vector<200x128xf32> to vector<1x128xf32>
    %broadcast_in_dim3A_1611 = vector.shape_cast %slice3A_1610 : vector<1x128xf32> to vector<1x128xf32>
    %broadcast_in_dim3A_1612 = vector.broadcast %broadcast_in_dim3A_1611 : vector<1x128xf32> to vector<200x128xf32>
    %lt3A_1613 = arith.cmpf olt, %broadcast_in_dim3A_1612, %transpose3A : vector<200x128xf32>
    %eq3A_1614 = arith.cmpf oeq, %broadcast_in_dim3A_1612, %transpose3A : vector<200x128xf32>
    %gt3A_1615 = arith.constant 101 : i32
    %gt3A_1616 = vector.broadcast %gt3A_1615 : i32 to vector<200x128xi32>
    %gt3A_1617 = arith.cmpi sgt, %iota3A, %gt3A_1616 : vector<200x128xi32>
    %and3A_1618 = arith.andi %eq3A_1614, %gt3A_1617 : vector<200x128xi1>
    %or3A_1619 = arith.ori %lt3A_1613, %and3A_1618 : vector<200x128xi1>
    %jit3A_1620 = arith.constant 1.000000e+00 : f32
    %jit3A_1621 = arith.constant 0.000000e+00 : f32
    %broadcast_in_dim3A_1622 = vector.broadcast %jit3A_1620 : f32 to vector<200x128xf32>
    %broadcast_in_dim3A_1623 = vector.broadcast %jit3A_1621 : f32 to vector<200x128xf32>
    %select_n3A_1624 = arith.select %or3A_1619, %broadcast_in_dim3A_1622, %broadcast_in_dim3A_1623 : vector<200x128xi1>, vector<200x128xf32>
    %add3A_1625 = arith.addf %add3A_1609, %select_n3A_1624 : vector<200x128xf32>
    %slice3A_1626 = vector.extract_strided_slice %transpose3A {offsets = [102, 0], sizes = [1, 128], strides = [1, 1]} : vector<200x128xf32> to vector<1x128xf32>
    %broadcast_in_dim3A_1627 = vector.shape_cast %slice3A_1626 : vector<1x128xf32> to vector<1x128xf32>
    %broadcast_in_dim3A_1628 = vector.broadcast %broadcast_in_dim3A_1627 : vector<1x128xf32> to vector<200x128xf32>
    %lt3A_1629 = arith.cmpf olt, %broadcast_in_dim3A_1628, %transpose3A : vector<200x128xf32>
    %eq3A_1630 = arith.cmpf oeq, %broadcast_in_dim3A_1628, %transpose3A : vector<200x128xf32>
    %gt3A_1631 = arith.constant 102 : i32
    %gt3A_1632 = vector.broadcast %gt3A_1631 : i32 to vector<200x128xi32>
    %gt3A_1633 = arith.cmpi sgt, %iota3A, %gt3A_1632 : vector<200x128xi32>
    %and3A_1634 = arith.andi %eq3A_1630, %gt3A_1633 : vector<200x128xi1>
    %or3A_1635 = arith.ori %lt3A_1629, %and3A_1634 : vector<200x128xi1>
    %jit3A_1636 = arith.constant 1.000000e+00 : f32
    %jit3A_1637 = arith.constant 0.000000e+00 : f32
    %broadcast_in_dim3A_1638 = vector.broadcast %jit3A_1636 : f32 to vector<200x128xf32>
    %broadcast_in_dim3A_1639 = vector.broadcast %jit3A_1637 : f32 to vector<200x128xf32>
    %select_n3A_1640 = arith.select %or3A_1635, %broadcast_in_dim3A_1638, %broadcast_in_dim3A_1639 : vector<200x128xi1>, vector<200x128xf32>
    %add3A_1641 = arith.addf %add3A_1625, %select_n3A_1640 : vector<200x128xf32>
    %slice3A_1642 = vector.extract_strided_slice %transpose3A {offsets = [103, 0], sizes = [1, 128], strides = [1, 1]} : vector<200x128xf32> to vector<1x128xf32>
    %broadcast_in_dim3A_1643 = vector.shape_cast %slice3A_1642 : vector<1x128xf32> to vector<1x128xf32>
    %broadcast_in_dim3A_1644 = vector.broadcast %broadcast_in_dim3A_1643 : vector<1x128xf32> to vector<200x128xf32>
    %lt3A_1645 = arith.cmpf olt, %broadcast_in_dim3A_1644, %transpose3A : vector<200x128xf32>
    %eq3A_1646 = arith.cmpf oeq, %broadcast_in_dim3A_1644, %transpose3A : vector<200x128xf32>
    %gt3A_1647 = arith.constant 103 : i32
    %gt3A_1648 = vector.broadcast %gt3A_1647 : i32 to vector<200x128xi32>
    %gt3A_1649 = arith.cmpi sgt, %iota3A, %gt3A_1648 : vector<200x128xi32>
    %and3A_1650 = arith.andi %eq3A_1646, %gt3A_1649 : vector<200x128xi1>
    %or3A_1651 = arith.ori %lt3A_1645, %and3A_1650 : vector<200x128xi1>
    %jit3A_1652 = arith.constant 1.000000e+00 : f32
    %jit3A_1653 = arith.constant 0.000000e+00 : f32
    %broadcast_in_dim3A_1654 = vector.broadcast %jit3A_1652 : f32 to vector<200x128xf32>
    %broadcast_in_dim3A_1655 = vector.broadcast %jit3A_1653 : f32 to vector<200x128xf32>
    %select_n3A_1656 = arith.select %or3A_1651, %broadcast_in_dim3A_1654, %broadcast_in_dim3A_1655 : vector<200x128xi1>, vector<200x128xf32>
    %add3A_1657 = arith.addf %add3A_1641, %select_n3A_1656 : vector<200x128xf32>
    %slice3A_1658 = vector.extract_strided_slice %transpose3A {offsets = [104, 0], sizes = [1, 128], strides = [1, 1]} : vector<200x128xf32> to vector<1x128xf32>
    %broadcast_in_dim3A_1659 = vector.shape_cast %slice3A_1658 : vector<1x128xf32> to vector<1x128xf32>
    %broadcast_in_dim3A_1660 = vector.broadcast %broadcast_in_dim3A_1659 : vector<1x128xf32> to vector<200x128xf32>
    %lt3A_1661 = arith.cmpf olt, %broadcast_in_dim3A_1660, %transpose3A : vector<200x128xf32>
    %eq3A_1662 = arith.cmpf oeq, %broadcast_in_dim3A_1660, %transpose3A : vector<200x128xf32>
    %gt3A_1663 = arith.constant 104 : i32
    %gt3A_1664 = vector.broadcast %gt3A_1663 : i32 to vector<200x128xi32>
    %gt3A_1665 = arith.cmpi sgt, %iota3A, %gt3A_1664 : vector<200x128xi32>
    %and3A_1666 = arith.andi %eq3A_1662, %gt3A_1665 : vector<200x128xi1>
    %or3A_1667 = arith.ori %lt3A_1661, %and3A_1666 : vector<200x128xi1>
    %jit3A_1668 = arith.constant 1.000000e+00 : f32
    %jit3A_1669 = arith.constant 0.000000e+00 : f32
    %broadcast_in_dim3A_1670 = vector.broadcast %jit3A_1668 : f32 to vector<200x128xf32>
    %broadcast_in_dim3A_1671 = vector.broadcast %jit3A_1669 : f32 to vector<200x128xf32>
    %select_n3A_1672 = arith.select %or3A_1667, %broadcast_in_dim3A_1670, %broadcast_in_dim3A_1671 : vector<200x128xi1>, vector<200x128xf32>
    %add3A_1673 = arith.addf %add3A_1657, %select_n3A_1672 : vector<200x128xf32>
    %slice3A_1674 = vector.extract_strided_slice %transpose3A {offsets = [105, 0], sizes = [1, 128], strides = [1, 1]} : vector<200x128xf32> to vector<1x128xf32>
    %broadcast_in_dim3A_1675 = vector.shape_cast %slice3A_1674 : vector<1x128xf32> to vector<1x128xf32>
    %broadcast_in_dim3A_1676 = vector.broadcast %broadcast_in_dim3A_1675 : vector<1x128xf32> to vector<200x128xf32>
    %lt3A_1677 = arith.cmpf olt, %broadcast_in_dim3A_1676, %transpose3A : vector<200x128xf32>
    %eq3A_1678 = arith.cmpf oeq, %broadcast_in_dim3A_1676, %transpose3A : vector<200x128xf32>
    %gt3A_1679 = arith.constant 105 : i32
    %gt3A_1680 = vector.broadcast %gt3A_1679 : i32 to vector<200x128xi32>
    %gt3A_1681 = arith.cmpi sgt, %iota3A, %gt3A_1680 : vector<200x128xi32>
    %and3A_1682 = arith.andi %eq3A_1678, %gt3A_1681 : vector<200x128xi1>
    %or3A_1683 = arith.ori %lt3A_1677, %and3A_1682 : vector<200x128xi1>
    %jit3A_1684 = arith.constant 1.000000e+00 : f32
    %jit3A_1685 = arith.constant 0.000000e+00 : f32
    %broadcast_in_dim3A_1686 = vector.broadcast %jit3A_1684 : f32 to vector<200x128xf32>
    %broadcast_in_dim3A_1687 = vector.broadcast %jit3A_1685 : f32 to vector<200x128xf32>
    %select_n3A_1688 = arith.select %or3A_1683, %broadcast_in_dim3A_1686, %broadcast_in_dim3A_1687 : vector<200x128xi1>, vector<200x128xf32>
    %add3A_1689 = arith.addf %add3A_1673, %select_n3A_1688 : vector<200x128xf32>
    %slice3A_1690 = vector.extract_strided_slice %transpose3A {offsets = [106, 0], sizes = [1, 128], strides = [1, 1]} : vector<200x128xf32> to vector<1x128xf32>
    %broadcast_in_dim3A_1691 = vector.shape_cast %slice3A_1690 : vector<1x128xf32> to vector<1x128xf32>
    %broadcast_in_dim3A_1692 = vector.broadcast %broadcast_in_dim3A_1691 : vector<1x128xf32> to vector<200x128xf32>
    %lt3A_1693 = arith.cmpf olt, %broadcast_in_dim3A_1692, %transpose3A : vector<200x128xf32>
    %eq3A_1694 = arith.cmpf oeq, %broadcast_in_dim3A_1692, %transpose3A : vector<200x128xf32>
    %gt3A_1695 = arith.constant 106 : i32
    %gt3A_1696 = vector.broadcast %gt3A_1695 : i32 to vector<200x128xi32>
    %gt3A_1697 = arith.cmpi sgt, %iota3A, %gt3A_1696 : vector<200x128xi32>
    %and3A_1698 = arith.andi %eq3A_1694, %gt3A_1697 : vector<200x128xi1>
    %or3A_1699 = arith.ori %lt3A_1693, %and3A_1698 : vector<200x128xi1>
    %jit3A_1700 = arith.constant 1.000000e+00 : f32
    %jit3A_1701 = arith.constant 0.000000e+00 : f32
    %broadcast_in_dim3A_1702 = vector.broadcast %jit3A_1700 : f32 to vector<200x128xf32>
    %broadcast_in_dim3A_1703 = vector.broadcast %jit3A_1701 : f32 to vector<200x128xf32>
    %select_n3A_1704 = arith.select %or3A_1699, %broadcast_in_dim3A_1702, %broadcast_in_dim3A_1703 : vector<200x128xi1>, vector<200x128xf32>
    %add3A_1705 = arith.addf %add3A_1689, %select_n3A_1704 : vector<200x128xf32>
    %slice3A_1706 = vector.extract_strided_slice %transpose3A {offsets = [107, 0], sizes = [1, 128], strides = [1, 1]} : vector<200x128xf32> to vector<1x128xf32>
    %broadcast_in_dim3A_1707 = vector.shape_cast %slice3A_1706 : vector<1x128xf32> to vector<1x128xf32>
    %broadcast_in_dim3A_1708 = vector.broadcast %broadcast_in_dim3A_1707 : vector<1x128xf32> to vector<200x128xf32>
    %lt3A_1709 = arith.cmpf olt, %broadcast_in_dim3A_1708, %transpose3A : vector<200x128xf32>
    %eq3A_1710 = arith.cmpf oeq, %broadcast_in_dim3A_1708, %transpose3A : vector<200x128xf32>
    %gt3A_1711 = arith.constant 107 : i32
    %gt3A_1712 = vector.broadcast %gt3A_1711 : i32 to vector<200x128xi32>
    %gt3A_1713 = arith.cmpi sgt, %iota3A, %gt3A_1712 : vector<200x128xi32>
    %and3A_1714 = arith.andi %eq3A_1710, %gt3A_1713 : vector<200x128xi1>
    %or3A_1715 = arith.ori %lt3A_1709, %and3A_1714 : vector<200x128xi1>
    %jit3A_1716 = arith.constant 1.000000e+00 : f32
    %jit3A_1717 = arith.constant 0.000000e+00 : f32
    %broadcast_in_dim3A_1718 = vector.broadcast %jit3A_1716 : f32 to vector<200x128xf32>
    %broadcast_in_dim3A_1719 = vector.broadcast %jit3A_1717 : f32 to vector<200x128xf32>
    %select_n3A_1720 = arith.select %or3A_1715, %broadcast_in_dim3A_1718, %broadcast_in_dim3A_1719 : vector<200x128xi1>, vector<200x128xf32>
    %add3A_1721 = arith.addf %add3A_1705, %select_n3A_1720 : vector<200x128xf32>
    %slice3A_1722 = vector.extract_strided_slice %transpose3A {offsets = [108, 0], sizes = [1, 128], strides = [1, 1]} : vector<200x128xf32> to vector<1x128xf32>
    %broadcast_in_dim3A_1723 = vector.shape_cast %slice3A_1722 : vector<1x128xf32> to vector<1x128xf32>
    %broadcast_in_dim3A_1724 = vector.broadcast %broadcast_in_dim3A_1723 : vector<1x128xf32> to vector<200x128xf32>
    %lt3A_1725 = arith.cmpf olt, %broadcast_in_dim3A_1724, %transpose3A : vector<200x128xf32>
    %eq3A_1726 = arith.cmpf oeq, %broadcast_in_dim3A_1724, %transpose3A : vector<200x128xf32>
    %gt3A_1727 = arith.constant 108 : i32
    %gt3A_1728 = vector.broadcast %gt3A_1727 : i32 to vector<200x128xi32>
    %gt3A_1729 = arith.cmpi sgt, %iota3A, %gt3A_1728 : vector<200x128xi32>
    %and3A_1730 = arith.andi %eq3A_1726, %gt3A_1729 : vector<200x128xi1>
    %or3A_1731 = arith.ori %lt3A_1725, %and3A_1730 : vector<200x128xi1>
    %jit3A_1732 = arith.constant 1.000000e+00 : f32
    %jit3A_1733 = arith.constant 0.000000e+00 : f32
    %broadcast_in_dim3A_1734 = vector.broadcast %jit3A_1732 : f32 to vector<200x128xf32>
    %broadcast_in_dim3A_1735 = vector.broadcast %jit3A_1733 : f32 to vector<200x128xf32>
    %select_n3A_1736 = arith.select %or3A_1731, %broadcast_in_dim3A_1734, %broadcast_in_dim3A_1735 : vector<200x128xi1>, vector<200x128xf32>
    %add3A_1737 = arith.addf %add3A_1721, %select_n3A_1736 : vector<200x128xf32>
    %slice3A_1738 = vector.extract_strided_slice %transpose3A {offsets = [109, 0], sizes = [1, 128], strides = [1, 1]} : vector<200x128xf32> to vector<1x128xf32>
    %broadcast_in_dim3A_1739 = vector.shape_cast %slice3A_1738 : vector<1x128xf32> to vector<1x128xf32>
    %broadcast_in_dim3A_1740 = vector.broadcast %broadcast_in_dim3A_1739 : vector<1x128xf32> to vector<200x128xf32>
    %lt3A_1741 = arith.cmpf olt, %broadcast_in_dim3A_1740, %transpose3A : vector<200x128xf32>
    %eq3A_1742 = arith.cmpf oeq, %broadcast_in_dim3A_1740, %transpose3A : vector<200x128xf32>
    %gt3A_1743 = arith.constant 109 : i32
    %gt3A_1744 = vector.broadcast %gt3A_1743 : i32 to vector<200x128xi32>
    %gt3A_1745 = arith.cmpi sgt, %iota3A, %gt3A_1744 : vector<200x128xi32>
    %and3A_1746 = arith.andi %eq3A_1742, %gt3A_1745 : vector<200x128xi1>
    %or3A_1747 = arith.ori %lt3A_1741, %and3A_1746 : vector<200x128xi1>
    %jit3A_1748 = arith.constant 1.000000e+00 : f32
    %jit3A_1749 = arith.constant 0.000000e+00 : f32
    %broadcast_in_dim3A_1750 = vector.broadcast %jit3A_1748 : f32 to vector<200x128xf32>
    %broadcast_in_dim3A_1751 = vector.broadcast %jit3A_1749 : f32 to vector<200x128xf32>
    %select_n3A_1752 = arith.select %or3A_1747, %broadcast_in_dim3A_1750, %broadcast_in_dim3A_1751 : vector<200x128xi1>, vector<200x128xf32>
    %add3A_1753 = arith.addf %add3A_1737, %select_n3A_1752 : vector<200x128xf32>
    %slice3A_1754 = vector.extract_strided_slice %transpose3A {offsets = [110, 0], sizes = [1, 128], strides = [1, 1]} : vector<200x128xf32> to vector<1x128xf32>
    %broadcast_in_dim3A_1755 = vector.shape_cast %slice3A_1754 : vector<1x128xf32> to vector<1x128xf32>
    %broadcast_in_dim3A_1756 = vector.broadcast %broadcast_in_dim3A_1755 : vector<1x128xf32> to vector<200x128xf32>
    %lt3A_1757 = arith.cmpf olt, %broadcast_in_dim3A_1756, %transpose3A : vector<200x128xf32>
    %eq3A_1758 = arith.cmpf oeq, %broadcast_in_dim3A_1756, %transpose3A : vector<200x128xf32>
    %gt3A_1759 = arith.constant 110 : i32
    %gt3A_1760 = vector.broadcast %gt3A_1759 : i32 to vector<200x128xi32>
    %gt3A_1761 = arith.cmpi sgt, %iota3A, %gt3A_1760 : vector<200x128xi32>
    %and3A_1762 = arith.andi %eq3A_1758, %gt3A_1761 : vector<200x128xi1>
    %or3A_1763 = arith.ori %lt3A_1757, %and3A_1762 : vector<200x128xi1>
    %jit3A_1764 = arith.constant 1.000000e+00 : f32
    %jit3A_1765 = arith.constant 0.000000e+00 : f32
    %broadcast_in_dim3A_1766 = vector.broadcast %jit3A_1764 : f32 to vector<200x128xf32>
    %broadcast_in_dim3A_1767 = vector.broadcast %jit3A_1765 : f32 to vector<200x128xf32>
    %select_n3A_1768 = arith.select %or3A_1763, %broadcast_in_dim3A_1766, %broadcast_in_dim3A_1767 : vector<200x128xi1>, vector<200x128xf32>
    %add3A_1769 = arith.addf %add3A_1753, %select_n3A_1768 : vector<200x128xf32>
    %slice3A_1770 = vector.extract_strided_slice %transpose3A {offsets = [111, 0], sizes = [1, 128], strides = [1, 1]} : vector<200x128xf32> to vector<1x128xf32>
    %broadcast_in_dim3A_1771 = vector.shape_cast %slice3A_1770 : vector<1x128xf32> to vector<1x128xf32>
    %broadcast_in_dim3A_1772 = vector.broadcast %broadcast_in_dim3A_1771 : vector<1x128xf32> to vector<200x128xf32>
    %lt3A_1773 = arith.cmpf olt, %broadcast_in_dim3A_1772, %transpose3A : vector<200x128xf32>
    %eq3A_1774 = arith.cmpf oeq, %broadcast_in_dim3A_1772, %transpose3A : vector<200x128xf32>
    %gt3A_1775 = arith.constant 111 : i32
    %gt3A_1776 = vector.broadcast %gt3A_1775 : i32 to vector<200x128xi32>
    %gt3A_1777 = arith.cmpi sgt, %iota3A, %gt3A_1776 : vector<200x128xi32>
    %and3A_1778 = arith.andi %eq3A_1774, %gt3A_1777 : vector<200x128xi1>
    %or3A_1779 = arith.ori %lt3A_1773, %and3A_1778 : vector<200x128xi1>
    %jit3A_1780 = arith.constant 1.000000e+00 : f32
    %jit3A_1781 = arith.constant 0.000000e+00 : f32
    %broadcast_in_dim3A_1782 = vector.broadcast %jit3A_1780 : f32 to vector<200x128xf32>
    %broadcast_in_dim3A_1783 = vector.broadcast %jit3A_1781 : f32 to vector<200x128xf32>
    %select_n3A_1784 = arith.select %or3A_1779, %broadcast_in_dim3A_1782, %broadcast_in_dim3A_1783 : vector<200x128xi1>, vector<200x128xf32>
    %add3A_1785 = arith.addf %add3A_1769, %select_n3A_1784 : vector<200x128xf32>
    %slice3A_1786 = vector.extract_strided_slice %transpose3A {offsets = [112, 0], sizes = [1, 128], strides = [1, 1]} : vector<200x128xf32> to vector<1x128xf32>
    %broadcast_in_dim3A_1787 = vector.shape_cast %slice3A_1786 : vector<1x128xf32> to vector<1x128xf32>
    %broadcast_in_dim3A_1788 = vector.broadcast %broadcast_in_dim3A_1787 : vector<1x128xf32> to vector<200x128xf32>
    %lt3A_1789 = arith.cmpf olt, %broadcast_in_dim3A_1788, %transpose3A : vector<200x128xf32>
    %eq3A_1790 = arith.cmpf oeq, %broadcast_in_dim3A_1788, %transpose3A : vector<200x128xf32>
    %gt3A_1791 = arith.constant 112 : i32
    %gt3A_1792 = vector.broadcast %gt3A_1791 : i32 to vector<200x128xi32>
    %gt3A_1793 = arith.cmpi sgt, %iota3A, %gt3A_1792 : vector<200x128xi32>
    %and3A_1794 = arith.andi %eq3A_1790, %gt3A_1793 : vector<200x128xi1>
    %or3A_1795 = arith.ori %lt3A_1789, %and3A_1794 : vector<200x128xi1>
    %jit3A_1796 = arith.constant 1.000000e+00 : f32
    %jit3A_1797 = arith.constant 0.000000e+00 : f32
    %broadcast_in_dim3A_1798 = vector.broadcast %jit3A_1796 : f32 to vector<200x128xf32>
    %broadcast_in_dim3A_1799 = vector.broadcast %jit3A_1797 : f32 to vector<200x128xf32>
    %select_n3A_1800 = arith.select %or3A_1795, %broadcast_in_dim3A_1798, %broadcast_in_dim3A_1799 : vector<200x128xi1>, vector<200x128xf32>
    %add3A_1801 = arith.addf %add3A_1785, %select_n3A_1800 : vector<200x128xf32>
    %slice3A_1802 = vector.extract_strided_slice %transpose3A {offsets = [113, 0], sizes = [1, 128], strides = [1, 1]} : vector<200x128xf32> to vector<1x128xf32>
    %broadcast_in_dim3A_1803 = vector.shape_cast %slice3A_1802 : vector<1x128xf32> to vector<1x128xf32>
    %broadcast_in_dim3A_1804 = vector.broadcast %broadcast_in_dim3A_1803 : vector<1x128xf32> to vector<200x128xf32>
    %lt3A_1805 = arith.cmpf olt, %broadcast_in_dim3A_1804, %transpose3A : vector<200x128xf32>
    %eq3A_1806 = arith.cmpf oeq, %broadcast_in_dim3A_1804, %transpose3A : vector<200x128xf32>
    %gt3A_1807 = arith.constant 113 : i32
    %gt3A_1808 = vector.broadcast %gt3A_1807 : i32 to vector<200x128xi32>
    %gt3A_1809 = arith.cmpi sgt, %iota3A, %gt3A_1808 : vector<200x128xi32>
    %and3A_1810 = arith.andi %eq3A_1806, %gt3A_1809 : vector<200x128xi1>
    %or3A_1811 = arith.ori %lt3A_1805, %and3A_1810 : vector<200x128xi1>
    %jit3A_1812 = arith.constant 1.000000e+00 : f32
    %jit3A_1813 = arith.constant 0.000000e+00 : f32
    %broadcast_in_dim3A_1814 = vector.broadcast %jit3A_1812 : f32 to vector<200x128xf32>
    %broadcast_in_dim3A_1815 = vector.broadcast %jit3A_1813 : f32 to vector<200x128xf32>
    %select_n3A_1816 = arith.select %or3A_1811, %broadcast_in_dim3A_1814, %broadcast_in_dim3A_1815 : vector<200x128xi1>, vector<200x128xf32>
    %add3A_1817 = arith.addf %add3A_1801, %select_n3A_1816 : vector<200x128xf32>
    %slice3A_1818 = vector.extract_strided_slice %transpose3A {offsets = [114, 0], sizes = [1, 128], strides = [1, 1]} : vector<200x128xf32> to vector<1x128xf32>
    %broadcast_in_dim3A_1819 = vector.shape_cast %slice3A_1818 : vector<1x128xf32> to vector<1x128xf32>
    %broadcast_in_dim3A_1820 = vector.broadcast %broadcast_in_dim3A_1819 : vector<1x128xf32> to vector<200x128xf32>
    %lt3A_1821 = arith.cmpf olt, %broadcast_in_dim3A_1820, %transpose3A : vector<200x128xf32>
    %eq3A_1822 = arith.cmpf oeq, %broadcast_in_dim3A_1820, %transpose3A : vector<200x128xf32>
    %gt3A_1823 = arith.constant 114 : i32
    %gt3A_1824 = vector.broadcast %gt3A_1823 : i32 to vector<200x128xi32>
    %gt3A_1825 = arith.cmpi sgt, %iota3A, %gt3A_1824 : vector<200x128xi32>
    %and3A_1826 = arith.andi %eq3A_1822, %gt3A_1825 : vector<200x128xi1>
    %or3A_1827 = arith.ori %lt3A_1821, %and3A_1826 : vector<200x128xi1>
    %jit3A_1828 = arith.constant 1.000000e+00 : f32
    %jit3A_1829 = arith.constant 0.000000e+00 : f32
    %broadcast_in_dim3A_1830 = vector.broadcast %jit3A_1828 : f32 to vector<200x128xf32>
    %broadcast_in_dim3A_1831 = vector.broadcast %jit3A_1829 : f32 to vector<200x128xf32>
    %select_n3A_1832 = arith.select %or3A_1827, %broadcast_in_dim3A_1830, %broadcast_in_dim3A_1831 : vector<200x128xi1>, vector<200x128xf32>
    %add3A_1833 = arith.addf %add3A_1817, %select_n3A_1832 : vector<200x128xf32>
    %slice3A_1834 = vector.extract_strided_slice %transpose3A {offsets = [115, 0], sizes = [1, 128], strides = [1, 1]} : vector<200x128xf32> to vector<1x128xf32>
    %broadcast_in_dim3A_1835 = vector.shape_cast %slice3A_1834 : vector<1x128xf32> to vector<1x128xf32>
    %broadcast_in_dim3A_1836 = vector.broadcast %broadcast_in_dim3A_1835 : vector<1x128xf32> to vector<200x128xf32>
    %lt3A_1837 = arith.cmpf olt, %broadcast_in_dim3A_1836, %transpose3A : vector<200x128xf32>
    %eq3A_1838 = arith.cmpf oeq, %broadcast_in_dim3A_1836, %transpose3A : vector<200x128xf32>
    %gt3A_1839 = arith.constant 115 : i32
    %gt3A_1840 = vector.broadcast %gt3A_1839 : i32 to vector<200x128xi32>
    %gt3A_1841 = arith.cmpi sgt, %iota3A, %gt3A_1840 : vector<200x128xi32>
    %and3A_1842 = arith.andi %eq3A_1838, %gt3A_1841 : vector<200x128xi1>
    %or3A_1843 = arith.ori %lt3A_1837, %and3A_1842 : vector<200x128xi1>
    %jit3A_1844 = arith.constant 1.000000e+00 : f32
    %jit3A_1845 = arith.constant 0.000000e+00 : f32
    %broadcast_in_dim3A_1846 = vector.broadcast %jit3A_1844 : f32 to vector<200x128xf32>
    %broadcast_in_dim3A_1847 = vector.broadcast %jit3A_1845 : f32 to vector<200x128xf32>
    %select_n3A_1848 = arith.select %or3A_1843, %broadcast_in_dim3A_1846, %broadcast_in_dim3A_1847 : vector<200x128xi1>, vector<200x128xf32>
    %add3A_1849 = arith.addf %add3A_1833, %select_n3A_1848 : vector<200x128xf32>
    %slice3A_1850 = vector.extract_strided_slice %transpose3A {offsets = [116, 0], sizes = [1, 128], strides = [1, 1]} : vector<200x128xf32> to vector<1x128xf32>
    %broadcast_in_dim3A_1851 = vector.shape_cast %slice3A_1850 : vector<1x128xf32> to vector<1x128xf32>
    %broadcast_in_dim3A_1852 = vector.broadcast %broadcast_in_dim3A_1851 : vector<1x128xf32> to vector<200x128xf32>
    %lt3A_1853 = arith.cmpf olt, %broadcast_in_dim3A_1852, %transpose3A : vector<200x128xf32>
    %eq3A_1854 = arith.cmpf oeq, %broadcast_in_dim3A_1852, %transpose3A : vector<200x128xf32>
    %gt3A_1855 = arith.constant 116 : i32
    %gt3A_1856 = vector.broadcast %gt3A_1855 : i32 to vector<200x128xi32>
    %gt3A_1857 = arith.cmpi sgt, %iota3A, %gt3A_1856 : vector<200x128xi32>
    %and3A_1858 = arith.andi %eq3A_1854, %gt3A_1857 : vector<200x128xi1>
    %or3A_1859 = arith.ori %lt3A_1853, %and3A_1858 : vector<200x128xi1>
    %jit3A_1860 = arith.constant 1.000000e+00 : f32
    %jit3A_1861 = arith.constant 0.000000e+00 : f32
    %broadcast_in_dim3A_1862 = vector.broadcast %jit3A_1860 : f32 to vector<200x128xf32>
    %broadcast_in_dim3A_1863 = vector.broadcast %jit3A_1861 : f32 to vector<200x128xf32>
    %select_n3A_1864 = arith.select %or3A_1859, %broadcast_in_dim3A_1862, %broadcast_in_dim3A_1863 : vector<200x128xi1>, vector<200x128xf32>
    %add3A_1865 = arith.addf %add3A_1849, %select_n3A_1864 : vector<200x128xf32>
    %slice3A_1866 = vector.extract_strided_slice %transpose3A {offsets = [117, 0], sizes = [1, 128], strides = [1, 1]} : vector<200x128xf32> to vector<1x128xf32>
    %broadcast_in_dim3A_1867 = vector.shape_cast %slice3A_1866 : vector<1x128xf32> to vector<1x128xf32>
    %broadcast_in_dim3A_1868 = vector.broadcast %broadcast_in_dim3A_1867 : vector<1x128xf32> to vector<200x128xf32>
    %lt3A_1869 = arith.cmpf olt, %broadcast_in_dim3A_1868, %transpose3A : vector<200x128xf32>
    %eq3A_1870 = arith.cmpf oeq, %broadcast_in_dim3A_1868, %transpose3A : vector<200x128xf32>
    %gt3A_1871 = arith.constant 117 : i32
    %gt3A_1872 = vector.broadcast %gt3A_1871 : i32 to vector<200x128xi32>
    %gt3A_1873 = arith.cmpi sgt, %iota3A, %gt3A_1872 : vector<200x128xi32>
    %and3A_1874 = arith.andi %eq3A_1870, %gt3A_1873 : vector<200x128xi1>
    %or3A_1875 = arith.ori %lt3A_1869, %and3A_1874 : vector<200x128xi1>
    %jit3A_1876 = arith.constant 1.000000e+00 : f32
    %jit3A_1877 = arith.constant 0.000000e+00 : f32
    %broadcast_in_dim3A_1878 = vector.broadcast %jit3A_1876 : f32 to vector<200x128xf32>
    %broadcast_in_dim3A_1879 = vector.broadcast %jit3A_1877 : f32 to vector<200x128xf32>
    %select_n3A_1880 = arith.select %or3A_1875, %broadcast_in_dim3A_1878, %broadcast_in_dim3A_1879 : vector<200x128xi1>, vector<200x128xf32>
    %add3A_1881 = arith.addf %add3A_1865, %select_n3A_1880 : vector<200x128xf32>
    %slice3A_1882 = vector.extract_strided_slice %transpose3A {offsets = [118, 0], sizes = [1, 128], strides = [1, 1]} : vector<200x128xf32> to vector<1x128xf32>
    %broadcast_in_dim3A_1883 = vector.shape_cast %slice3A_1882 : vector<1x128xf32> to vector<1x128xf32>
    %broadcast_in_dim3A_1884 = vector.broadcast %broadcast_in_dim3A_1883 : vector<1x128xf32> to vector<200x128xf32>
    %lt3A_1885 = arith.cmpf olt, %broadcast_in_dim3A_1884, %transpose3A : vector<200x128xf32>
    %eq3A_1886 = arith.cmpf oeq, %broadcast_in_dim3A_1884, %transpose3A : vector<200x128xf32>
    %gt3A_1887 = arith.constant 118 : i32
    %gt3A_1888 = vector.broadcast %gt3A_1887 : i32 to vector<200x128xi32>
    %gt3A_1889 = arith.cmpi sgt, %iota3A, %gt3A_1888 : vector<200x128xi32>
    %and3A_1890 = arith.andi %eq3A_1886, %gt3A_1889 : vector<200x128xi1>
    %or3A_1891 = arith.ori %lt3A_1885, %and3A_1890 : vector<200x128xi1>
    %jit3A_1892 = arith.constant 1.000000e+00 : f32
    %jit3A_1893 = arith.constant 0.000000e+00 : f32
    %broadcast_in_dim3A_1894 = vector.broadcast %jit3A_1892 : f32 to vector<200x128xf32>
    %broadcast_in_dim3A_1895 = vector.broadcast %jit3A_1893 : f32 to vector<200x128xf32>
    %select_n3A_1896 = arith.select %or3A_1891, %broadcast_in_dim3A_1894, %broadcast_in_dim3A_1895 : vector<200x128xi1>, vector<200x128xf32>
    %add3A_1897 = arith.addf %add3A_1881, %select_n3A_1896 : vector<200x128xf32>
    %slice3A_1898 = vector.extract_strided_slice %transpose3A {offsets = [119, 0], sizes = [1, 128], strides = [1, 1]} : vector<200x128xf32> to vector<1x128xf32>
    %broadcast_in_dim3A_1899 = vector.shape_cast %slice3A_1898 : vector<1x128xf32> to vector<1x128xf32>
    %broadcast_in_dim3A_1900 = vector.broadcast %broadcast_in_dim3A_1899 : vector<1x128xf32> to vector<200x128xf32>
    %lt3A_1901 = arith.cmpf olt, %broadcast_in_dim3A_1900, %transpose3A : vector<200x128xf32>
    %eq3A_1902 = arith.cmpf oeq, %broadcast_in_dim3A_1900, %transpose3A : vector<200x128xf32>
    %gt3A_1903 = arith.constant 119 : i32
    %gt3A_1904 = vector.broadcast %gt3A_1903 : i32 to vector<200x128xi32>
    %gt3A_1905 = arith.cmpi sgt, %iota3A, %gt3A_1904 : vector<200x128xi32>
    %and3A_1906 = arith.andi %eq3A_1902, %gt3A_1905 : vector<200x128xi1>
    %or3A_1907 = arith.ori %lt3A_1901, %and3A_1906 : vector<200x128xi1>
    %jit3A_1908 = arith.constant 1.000000e+00 : f32
    %jit3A_1909 = arith.constant 0.000000e+00 : f32
    %broadcast_in_dim3A_1910 = vector.broadcast %jit3A_1908 : f32 to vector<200x128xf32>
    %broadcast_in_dim3A_1911 = vector.broadcast %jit3A_1909 : f32 to vector<200x128xf32>
    %select_n3A_1912 = arith.select %or3A_1907, %broadcast_in_dim3A_1910, %broadcast_in_dim3A_1911 : vector<200x128xi1>, vector<200x128xf32>
    %add3A_1913 = arith.addf %add3A_1897, %select_n3A_1912 : vector<200x128xf32>
    %slice3A_1914 = vector.extract_strided_slice %transpose3A {offsets = [120, 0], sizes = [1, 128], strides = [1, 1]} : vector<200x128xf32> to vector<1x128xf32>
    %broadcast_in_dim3A_1915 = vector.shape_cast %slice3A_1914 : vector<1x128xf32> to vector<1x128xf32>
    %broadcast_in_dim3A_1916 = vector.broadcast %broadcast_in_dim3A_1915 : vector<1x128xf32> to vector<200x128xf32>
    %lt3A_1917 = arith.cmpf olt, %broadcast_in_dim3A_1916, %transpose3A : vector<200x128xf32>
    %eq3A_1918 = arith.cmpf oeq, %broadcast_in_dim3A_1916, %transpose3A : vector<200x128xf32>
    %gt3A_1919 = arith.constant 120 : i32
    %gt3A_1920 = vector.broadcast %gt3A_1919 : i32 to vector<200x128xi32>
    %gt3A_1921 = arith.cmpi sgt, %iota3A, %gt3A_1920 : vector<200x128xi32>
    %and3A_1922 = arith.andi %eq3A_1918, %gt3A_1921 : vector<200x128xi1>
    %or3A_1923 = arith.ori %lt3A_1917, %and3A_1922 : vector<200x128xi1>
    %jit3A_1924 = arith.constant 1.000000e+00 : f32
    %jit3A_1925 = arith.constant 0.000000e+00 : f32
    %broadcast_in_dim3A_1926 = vector.broadcast %jit3A_1924 : f32 to vector<200x128xf32>
    %broadcast_in_dim3A_1927 = vector.broadcast %jit3A_1925 : f32 to vector<200x128xf32>
    %select_n3A_1928 = arith.select %or3A_1923, %broadcast_in_dim3A_1926, %broadcast_in_dim3A_1927 : vector<200x128xi1>, vector<200x128xf32>
    %add3A_1929 = arith.addf %add3A_1913, %select_n3A_1928 : vector<200x128xf32>
    %slice3A_1930 = vector.extract_strided_slice %transpose3A {offsets = [121, 0], sizes = [1, 128], strides = [1, 1]} : vector<200x128xf32> to vector<1x128xf32>
    %broadcast_in_dim3A_1931 = vector.shape_cast %slice3A_1930 : vector<1x128xf32> to vector<1x128xf32>
    %broadcast_in_dim3A_1932 = vector.broadcast %broadcast_in_dim3A_1931 : vector<1x128xf32> to vector<200x128xf32>
    %lt3A_1933 = arith.cmpf olt, %broadcast_in_dim3A_1932, %transpose3A : vector<200x128xf32>
    %eq3A_1934 = arith.cmpf oeq, %broadcast_in_dim3A_1932, %transpose3A : vector<200x128xf32>
    %gt3A_1935 = arith.constant 121 : i32
    %gt3A_1936 = vector.broadcast %gt3A_1935 : i32 to vector<200x128xi32>
    %gt3A_1937 = arith.cmpi sgt, %iota3A, %gt3A_1936 : vector<200x128xi32>
    %and3A_1938 = arith.andi %eq3A_1934, %gt3A_1937 : vector<200x128xi1>
    %or3A_1939 = arith.ori %lt3A_1933, %and3A_1938 : vector<200x128xi1>
    %jit3A_1940 = arith.constant 1.000000e+00 : f32
    %jit3A_1941 = arith.constant 0.000000e+00 : f32
    %broadcast_in_dim3A_1942 = vector.broadcast %jit3A_1940 : f32 to vector<200x128xf32>
    %broadcast_in_dim3A_1943 = vector.broadcast %jit3A_1941 : f32 to vector<200x128xf32>
    %select_n3A_1944 = arith.select %or3A_1939, %broadcast_in_dim3A_1942, %broadcast_in_dim3A_1943 : vector<200x128xi1>, vector<200x128xf32>
    %add3A_1945 = arith.addf %add3A_1929, %select_n3A_1944 : vector<200x128xf32>
    %slice3A_1946 = vector.extract_strided_slice %transpose3A {offsets = [122, 0], sizes = [1, 128], strides = [1, 1]} : vector<200x128xf32> to vector<1x128xf32>
    %broadcast_in_dim3A_1947 = vector.shape_cast %slice3A_1946 : vector<1x128xf32> to vector<1x128xf32>
    %broadcast_in_dim3A_1948 = vector.broadcast %broadcast_in_dim3A_1947 : vector<1x128xf32> to vector<200x128xf32>
    %lt3A_1949 = arith.cmpf olt, %broadcast_in_dim3A_1948, %transpose3A : vector<200x128xf32>
    %eq3A_1950 = arith.cmpf oeq, %broadcast_in_dim3A_1948, %transpose3A : vector<200x128xf32>
    %gt3A_1951 = arith.constant 122 : i32
    %gt3A_1952 = vector.broadcast %gt3A_1951 : i32 to vector<200x128xi32>
    %gt3A_1953 = arith.cmpi sgt, %iota3A, %gt3A_1952 : vector<200x128xi32>
    %and3A_1954 = arith.andi %eq3A_1950, %gt3A_1953 : vector<200x128xi1>
    %or3A_1955 = arith.ori %lt3A_1949, %and3A_1954 : vector<200x128xi1>
    %jit3A_1956 = arith.constant 1.000000e+00 : f32
    %jit3A_1957 = arith.constant 0.000000e+00 : f32
    %broadcast_in_dim3A_1958 = vector.broadcast %jit3A_1956 : f32 to vector<200x128xf32>
    %broadcast_in_dim3A_1959 = vector.broadcast %jit3A_1957 : f32 to vector<200x128xf32>
    %select_n3A_1960 = arith.select %or3A_1955, %broadcast_in_dim3A_1958, %broadcast_in_dim3A_1959 : vector<200x128xi1>, vector<200x128xf32>
    %add3A_1961 = arith.addf %add3A_1945, %select_n3A_1960 : vector<200x128xf32>
    %slice3A_1962 = vector.extract_strided_slice %transpose3A {offsets = [123, 0], sizes = [1, 128], strides = [1, 1]} : vector<200x128xf32> to vector<1x128xf32>
    %broadcast_in_dim3A_1963 = vector.shape_cast %slice3A_1962 : vector<1x128xf32> to vector<1x128xf32>
    %broadcast_in_dim3A_1964 = vector.broadcast %broadcast_in_dim3A_1963 : vector<1x128xf32> to vector<200x128xf32>
    %lt3A_1965 = arith.cmpf olt, %broadcast_in_dim3A_1964, %transpose3A : vector<200x128xf32>
    %eq3A_1966 = arith.cmpf oeq, %broadcast_in_dim3A_1964, %transpose3A : vector<200x128xf32>
    %gt3A_1967 = arith.constant 123 : i32
    %gt3A_1968 = vector.broadcast %gt3A_1967 : i32 to vector<200x128xi32>
    %gt3A_1969 = arith.cmpi sgt, %iota3A, %gt3A_1968 : vector<200x128xi32>
    %and3A_1970 = arith.andi %eq3A_1966, %gt3A_1969 : vector<200x128xi1>
    %or3A_1971 = arith.ori %lt3A_1965, %and3A_1970 : vector<200x128xi1>
    %jit3A_1972 = arith.constant 1.000000e+00 : f32
    %jit3A_1973 = arith.constant 0.000000e+00 : f32
    %broadcast_in_dim3A_1974 = vector.broadcast %jit3A_1972 : f32 to vector<200x128xf32>
    %broadcast_in_dim3A_1975 = vector.broadcast %jit3A_1973 : f32 to vector<200x128xf32>
    %select_n3A_1976 = arith.select %or3A_1971, %broadcast_in_dim3A_1974, %broadcast_in_dim3A_1975 : vector<200x128xi1>, vector<200x128xf32>
    %add3A_1977 = arith.addf %add3A_1961, %select_n3A_1976 : vector<200x128xf32>
    %slice3A_1978 = vector.extract_strided_slice %transpose3A {offsets = [124, 0], sizes = [1, 128], strides = [1, 1]} : vector<200x128xf32> to vector<1x128xf32>
    %broadcast_in_dim3A_1979 = vector.shape_cast %slice3A_1978 : vector<1x128xf32> to vector<1x128xf32>
    %broadcast_in_dim3A_1980 = vector.broadcast %broadcast_in_dim3A_1979 : vector<1x128xf32> to vector<200x128xf32>
    %lt3A_1981 = arith.cmpf olt, %broadcast_in_dim3A_1980, %transpose3A : vector<200x128xf32>
    %eq3A_1982 = arith.cmpf oeq, %broadcast_in_dim3A_1980, %transpose3A : vector<200x128xf32>
    %gt3A_1983 = arith.constant 124 : i32
    %gt3A_1984 = vector.broadcast %gt3A_1983 : i32 to vector<200x128xi32>
    %gt3A_1985 = arith.cmpi sgt, %iota3A, %gt3A_1984 : vector<200x128xi32>
    %and3A_1986 = arith.andi %eq3A_1982, %gt3A_1985 : vector<200x128xi1>
    %or3A_1987 = arith.ori %lt3A_1981, %and3A_1986 : vector<200x128xi1>
    %jit3A_1988 = arith.constant 1.000000e+00 : f32
    %jit3A_1989 = arith.constant 0.000000e+00 : f32
    %broadcast_in_dim3A_1990 = vector.broadcast %jit3A_1988 : f32 to vector<200x128xf32>
    %broadcast_in_dim3A_1991 = vector.broadcast %jit3A_1989 : f32 to vector<200x128xf32>
    %select_n3A_1992 = arith.select %or3A_1987, %broadcast_in_dim3A_1990, %broadcast_in_dim3A_1991 : vector<200x128xi1>, vector<200x128xf32>
    %add3A_1993 = arith.addf %add3A_1977, %select_n3A_1992 : vector<200x128xf32>
    %slice3A_1994 = vector.extract_strided_slice %transpose3A {offsets = [125, 0], sizes = [1, 128], strides = [1, 1]} : vector<200x128xf32> to vector<1x128xf32>
    %broadcast_in_dim3A_1995 = vector.shape_cast %slice3A_1994 : vector<1x128xf32> to vector<1x128xf32>
    %broadcast_in_dim3A_1996 = vector.broadcast %broadcast_in_dim3A_1995 : vector<1x128xf32> to vector<200x128xf32>
    %lt3A_1997 = arith.cmpf olt, %broadcast_in_dim3A_1996, %transpose3A : vector<200x128xf32>
    %eq3A_1998 = arith.cmpf oeq, %broadcast_in_dim3A_1996, %transpose3A : vector<200x128xf32>
    %gt3A_1999 = arith.constant 125 : i32
    %gt3A_2000 = vector.broadcast %gt3A_1999 : i32 to vector<200x128xi32>
    %gt3A_2001 = arith.cmpi sgt, %iota3A, %gt3A_2000 : vector<200x128xi32>
    %and3A_2002 = arith.andi %eq3A_1998, %gt3A_2001 : vector<200x128xi1>
    %or3A_2003 = arith.ori %lt3A_1997, %and3A_2002 : vector<200x128xi1>
    %jit3A_2004 = arith.constant 1.000000e+00 : f32
    %jit3A_2005 = arith.constant 0.000000e+00 : f32
    %broadcast_in_dim3A_2006 = vector.broadcast %jit3A_2004 : f32 to vector<200x128xf32>
    %broadcast_in_dim3A_2007 = vector.broadcast %jit3A_2005 : f32 to vector<200x128xf32>
    %select_n3A_2008 = arith.select %or3A_2003, %broadcast_in_dim3A_2006, %broadcast_in_dim3A_2007 : vector<200x128xi1>, vector<200x128xf32>
    %add3A_2009 = arith.addf %add3A_1993, %select_n3A_2008 : vector<200x128xf32>
    %slice3A_2010 = vector.extract_strided_slice %transpose3A {offsets = [126, 0], sizes = [1, 128], strides = [1, 1]} : vector<200x128xf32> to vector<1x128xf32>
    %broadcast_in_dim3A_2011 = vector.shape_cast %slice3A_2010 : vector<1x128xf32> to vector<1x128xf32>
    %broadcast_in_dim3A_2012 = vector.broadcast %broadcast_in_dim3A_2011 : vector<1x128xf32> to vector<200x128xf32>
    %lt3A_2013 = arith.cmpf olt, %broadcast_in_dim3A_2012, %transpose3A : vector<200x128xf32>
    %eq3A_2014 = arith.cmpf oeq, %broadcast_in_dim3A_2012, %transpose3A : vector<200x128xf32>
    %gt3A_2015 = arith.constant 126 : i32
    %gt3A_2016 = vector.broadcast %gt3A_2015 : i32 to vector<200x128xi32>
    %gt3A_2017 = arith.cmpi sgt, %iota3A, %gt3A_2016 : vector<200x128xi32>
    %and3A_2018 = arith.andi %eq3A_2014, %gt3A_2017 : vector<200x128xi1>
    %or3A_2019 = arith.ori %lt3A_2013, %and3A_2018 : vector<200x128xi1>
    %jit3A_2020 = arith.constant 1.000000e+00 : f32
    %jit3A_2021 = arith.constant 0.000000e+00 : f32
    %broadcast_in_dim3A_2022 = vector.broadcast %jit3A_2020 : f32 to vector<200x128xf32>
    %broadcast_in_dim3A_2023 = vector.broadcast %jit3A_2021 : f32 to vector<200x128xf32>
    %select_n3A_2024 = arith.select %or3A_2019, %broadcast_in_dim3A_2022, %broadcast_in_dim3A_2023 : vector<200x128xi1>, vector<200x128xf32>
    %add3A_2025 = arith.addf %add3A_2009, %select_n3A_2024 : vector<200x128xf32>
    %slice3A_2026 = vector.extract_strided_slice %transpose3A {offsets = [127, 0], sizes = [1, 128], strides = [1, 1]} : vector<200x128xf32> to vector<1x128xf32>
    %broadcast_in_dim3A_2027 = vector.shape_cast %slice3A_2026 : vector<1x128xf32> to vector<1x128xf32>
    %broadcast_in_dim3A_2028 = vector.broadcast %broadcast_in_dim3A_2027 : vector<1x128xf32> to vector<200x128xf32>
    %lt3A_2029 = arith.cmpf olt, %broadcast_in_dim3A_2028, %transpose3A : vector<200x128xf32>
    %eq3A_2030 = arith.cmpf oeq, %broadcast_in_dim3A_2028, %transpose3A : vector<200x128xf32>
    %gt3A_2031 = arith.constant 127 : i32
    %gt3A_2032 = vector.broadcast %gt3A_2031 : i32 to vector<200x128xi32>
    %gt3A_2033 = arith.cmpi sgt, %iota3A, %gt3A_2032 : vector<200x128xi32>
    %and3A_2034 = arith.andi %eq3A_2030, %gt3A_2033 : vector<200x128xi1>
    %or3A_2035 = arith.ori %lt3A_2029, %and3A_2034 : vector<200x128xi1>
    %jit3A_2036 = arith.constant 1.000000e+00 : f32
    %jit3A_2037 = arith.constant 0.000000e+00 : f32
    %broadcast_in_dim3A_2038 = vector.broadcast %jit3A_2036 : f32 to vector<200x128xf32>
    %broadcast_in_dim3A_2039 = vector.broadcast %jit3A_2037 : f32 to vector<200x128xf32>
    %select_n3A_2040 = arith.select %or3A_2035, %broadcast_in_dim3A_2038, %broadcast_in_dim3A_2039 : vector<200x128xi1>, vector<200x128xf32>
    %add3A_2041 = arith.addf %add3A_2025, %select_n3A_2040 : vector<200x128xf32>
    %slice3A_2042 = vector.extract_strided_slice %transpose3A {offsets = [128, 0], sizes = [1, 128], strides = [1, 1]} : vector<200x128xf32> to vector<1x128xf32>
    %broadcast_in_dim3A_2043 = vector.shape_cast %slice3A_2042 : vector<1x128xf32> to vector<1x128xf32>
    %broadcast_in_dim3A_2044 = vector.broadcast %broadcast_in_dim3A_2043 : vector<1x128xf32> to vector<200x128xf32>
    %lt3A_2045 = arith.cmpf olt, %broadcast_in_dim3A_2044, %transpose3A : vector<200x128xf32>
    %eq3A_2046 = arith.cmpf oeq, %broadcast_in_dim3A_2044, %transpose3A : vector<200x128xf32>
    %gt3A_2047 = arith.constant 128 : i32
    %gt3A_2048 = vector.broadcast %gt3A_2047 : i32 to vector<200x128xi32>
    %gt3A_2049 = arith.cmpi sgt, %iota3A, %gt3A_2048 : vector<200x128xi32>
    %and3A_2050 = arith.andi %eq3A_2046, %gt3A_2049 : vector<200x128xi1>
    %or3A_2051 = arith.ori %lt3A_2045, %and3A_2050 : vector<200x128xi1>
    %jit3A_2052 = arith.constant 1.000000e+00 : f32
    %jit3A_2053 = arith.constant 0.000000e+00 : f32
    %broadcast_in_dim3A_2054 = vector.broadcast %jit3A_2052 : f32 to vector<200x128xf32>
    %broadcast_in_dim3A_2055 = vector.broadcast %jit3A_2053 : f32 to vector<200x128xf32>
    %select_n3A_2056 = arith.select %or3A_2051, %broadcast_in_dim3A_2054, %broadcast_in_dim3A_2055 : vector<200x128xi1>, vector<200x128xf32>
    %add3A_2057 = arith.addf %add3A_2041, %select_n3A_2056 : vector<200x128xf32>
    %slice3A_2058 = vector.extract_strided_slice %transpose3A {offsets = [129, 0], sizes = [1, 128], strides = [1, 1]} : vector<200x128xf32> to vector<1x128xf32>
    %broadcast_in_dim3A_2059 = vector.shape_cast %slice3A_2058 : vector<1x128xf32> to vector<1x128xf32>
    %broadcast_in_dim3A_2060 = vector.broadcast %broadcast_in_dim3A_2059 : vector<1x128xf32> to vector<200x128xf32>
    %lt3A_2061 = arith.cmpf olt, %broadcast_in_dim3A_2060, %transpose3A : vector<200x128xf32>
    %eq3A_2062 = arith.cmpf oeq, %broadcast_in_dim3A_2060, %transpose3A : vector<200x128xf32>
    %gt3A_2063 = arith.constant 129 : i32
    %gt3A_2064 = vector.broadcast %gt3A_2063 : i32 to vector<200x128xi32>
    %gt3A_2065 = arith.cmpi sgt, %iota3A, %gt3A_2064 : vector<200x128xi32>
    %and3A_2066 = arith.andi %eq3A_2062, %gt3A_2065 : vector<200x128xi1>
    %or3A_2067 = arith.ori %lt3A_2061, %and3A_2066 : vector<200x128xi1>
    %jit3A_2068 = arith.constant 1.000000e+00 : f32
    %jit3A_2069 = arith.constant 0.000000e+00 : f32
    %broadcast_in_dim3A_2070 = vector.broadcast %jit3A_2068 : f32 to vector<200x128xf32>
    %broadcast_in_dim3A_2071 = vector.broadcast %jit3A_2069 : f32 to vector<200x128xf32>
    %select_n3A_2072 = arith.select %or3A_2067, %broadcast_in_dim3A_2070, %broadcast_in_dim3A_2071 : vector<200x128xi1>, vector<200x128xf32>
    %add3A_2073 = arith.addf %add3A_2057, %select_n3A_2072 : vector<200x128xf32>
    %slice3A_2074 = vector.extract_strided_slice %transpose3A {offsets = [130, 0], sizes = [1, 128], strides = [1, 1]} : vector<200x128xf32> to vector<1x128xf32>
    %broadcast_in_dim3A_2075 = vector.shape_cast %slice3A_2074 : vector<1x128xf32> to vector<1x128xf32>
    %broadcast_in_dim3A_2076 = vector.broadcast %broadcast_in_dim3A_2075 : vector<1x128xf32> to vector<200x128xf32>
    %lt3A_2077 = arith.cmpf olt, %broadcast_in_dim3A_2076, %transpose3A : vector<200x128xf32>
    %eq3A_2078 = arith.cmpf oeq, %broadcast_in_dim3A_2076, %transpose3A : vector<200x128xf32>
    %gt3A_2079 = arith.constant 130 : i32
    %gt3A_2080 = vector.broadcast %gt3A_2079 : i32 to vector<200x128xi32>
    %gt3A_2081 = arith.cmpi sgt, %iota3A, %gt3A_2080 : vector<200x128xi32>
    %and3A_2082 = arith.andi %eq3A_2078, %gt3A_2081 : vector<200x128xi1>
    %or3A_2083 = arith.ori %lt3A_2077, %and3A_2082 : vector<200x128xi1>
    %jit3A_2084 = arith.constant 1.000000e+00 : f32
    %jit3A_2085 = arith.constant 0.000000e+00 : f32
    %broadcast_in_dim3A_2086 = vector.broadcast %jit3A_2084 : f32 to vector<200x128xf32>
    %broadcast_in_dim3A_2087 = vector.broadcast %jit3A_2085 : f32 to vector<200x128xf32>
    %select_n3A_2088 = arith.select %or3A_2083, %broadcast_in_dim3A_2086, %broadcast_in_dim3A_2087 : vector<200x128xi1>, vector<200x128xf32>
    %add3A_2089 = arith.addf %add3A_2073, %select_n3A_2088 : vector<200x128xf32>
    %slice3A_2090 = vector.extract_strided_slice %transpose3A {offsets = [131, 0], sizes = [1, 128], strides = [1, 1]} : vector<200x128xf32> to vector<1x128xf32>
    %broadcast_in_dim3A_2091 = vector.shape_cast %slice3A_2090 : vector<1x128xf32> to vector<1x128xf32>
    %broadcast_in_dim3A_2092 = vector.broadcast %broadcast_in_dim3A_2091 : vector<1x128xf32> to vector<200x128xf32>
    %lt3A_2093 = arith.cmpf olt, %broadcast_in_dim3A_2092, %transpose3A : vector<200x128xf32>
    %eq3A_2094 = arith.cmpf oeq, %broadcast_in_dim3A_2092, %transpose3A : vector<200x128xf32>
    %gt3A_2095 = arith.constant 131 : i32
    %gt3A_2096 = vector.broadcast %gt3A_2095 : i32 to vector<200x128xi32>
    %gt3A_2097 = arith.cmpi sgt, %iota3A, %gt3A_2096 : vector<200x128xi32>
    %and3A_2098 = arith.andi %eq3A_2094, %gt3A_2097 : vector<200x128xi1>
    %or3A_2099 = arith.ori %lt3A_2093, %and3A_2098 : vector<200x128xi1>
    %jit3A_2100 = arith.constant 1.000000e+00 : f32
    %jit3A_2101 = arith.constant 0.000000e+00 : f32
    %broadcast_in_dim3A_2102 = vector.broadcast %jit3A_2100 : f32 to vector<200x128xf32>
    %broadcast_in_dim3A_2103 = vector.broadcast %jit3A_2101 : f32 to vector<200x128xf32>
    %select_n3A_2104 = arith.select %or3A_2099, %broadcast_in_dim3A_2102, %broadcast_in_dim3A_2103 : vector<200x128xi1>, vector<200x128xf32>
    %add3A_2105 = arith.addf %add3A_2089, %select_n3A_2104 : vector<200x128xf32>
    %slice3A_2106 = vector.extract_strided_slice %transpose3A {offsets = [132, 0], sizes = [1, 128], strides = [1, 1]} : vector<200x128xf32> to vector<1x128xf32>
    %broadcast_in_dim3A_2107 = vector.shape_cast %slice3A_2106 : vector<1x128xf32> to vector<1x128xf32>
    %broadcast_in_dim3A_2108 = vector.broadcast %broadcast_in_dim3A_2107 : vector<1x128xf32> to vector<200x128xf32>
    %lt3A_2109 = arith.cmpf olt, %broadcast_in_dim3A_2108, %transpose3A : vector<200x128xf32>
    %eq3A_2110 = arith.cmpf oeq, %broadcast_in_dim3A_2108, %transpose3A : vector<200x128xf32>
    %gt3A_2111 = arith.constant 132 : i32
    %gt3A_2112 = vector.broadcast %gt3A_2111 : i32 to vector<200x128xi32>
    %gt3A_2113 = arith.cmpi sgt, %iota3A, %gt3A_2112 : vector<200x128xi32>
    %and3A_2114 = arith.andi %eq3A_2110, %gt3A_2113 : vector<200x128xi1>
    %or3A_2115 = arith.ori %lt3A_2109, %and3A_2114 : vector<200x128xi1>
    %jit3A_2116 = arith.constant 1.000000e+00 : f32
    %jit3A_2117 = arith.constant 0.000000e+00 : f32
    %broadcast_in_dim3A_2118 = vector.broadcast %jit3A_2116 : f32 to vector<200x128xf32>
    %broadcast_in_dim3A_2119 = vector.broadcast %jit3A_2117 : f32 to vector<200x128xf32>
    %select_n3A_2120 = arith.select %or3A_2115, %broadcast_in_dim3A_2118, %broadcast_in_dim3A_2119 : vector<200x128xi1>, vector<200x128xf32>
    %add3A_2121 = arith.addf %add3A_2105, %select_n3A_2120 : vector<200x128xf32>
    %slice3A_2122 = vector.extract_strided_slice %transpose3A {offsets = [133, 0], sizes = [1, 128], strides = [1, 1]} : vector<200x128xf32> to vector<1x128xf32>
    %broadcast_in_dim3A_2123 = vector.shape_cast %slice3A_2122 : vector<1x128xf32> to vector<1x128xf32>
    %broadcast_in_dim3A_2124 = vector.broadcast %broadcast_in_dim3A_2123 : vector<1x128xf32> to vector<200x128xf32>
    %lt3A_2125 = arith.cmpf olt, %broadcast_in_dim3A_2124, %transpose3A : vector<200x128xf32>
    %eq3A_2126 = arith.cmpf oeq, %broadcast_in_dim3A_2124, %transpose3A : vector<200x128xf32>
    %gt3A_2127 = arith.constant 133 : i32
    %gt3A_2128 = vector.broadcast %gt3A_2127 : i32 to vector<200x128xi32>
    %gt3A_2129 = arith.cmpi sgt, %iota3A, %gt3A_2128 : vector<200x128xi32>
    %and3A_2130 = arith.andi %eq3A_2126, %gt3A_2129 : vector<200x128xi1>
    %or3A_2131 = arith.ori %lt3A_2125, %and3A_2130 : vector<200x128xi1>
    %jit3A_2132 = arith.constant 1.000000e+00 : f32
    %jit3A_2133 = arith.constant 0.000000e+00 : f32
    %broadcast_in_dim3A_2134 = vector.broadcast %jit3A_2132 : f32 to vector<200x128xf32>
    %broadcast_in_dim3A_2135 = vector.broadcast %jit3A_2133 : f32 to vector<200x128xf32>
    %select_n3A_2136 = arith.select %or3A_2131, %broadcast_in_dim3A_2134, %broadcast_in_dim3A_2135 : vector<200x128xi1>, vector<200x128xf32>
    %add3A_2137 = arith.addf %add3A_2121, %select_n3A_2136 : vector<200x128xf32>
    %slice3A_2138 = vector.extract_strided_slice %transpose3A {offsets = [134, 0], sizes = [1, 128], strides = [1, 1]} : vector<200x128xf32> to vector<1x128xf32>
    %broadcast_in_dim3A_2139 = vector.shape_cast %slice3A_2138 : vector<1x128xf32> to vector<1x128xf32>
    %broadcast_in_dim3A_2140 = vector.broadcast %broadcast_in_dim3A_2139 : vector<1x128xf32> to vector<200x128xf32>
    %lt3A_2141 = arith.cmpf olt, %broadcast_in_dim3A_2140, %transpose3A : vector<200x128xf32>
    %eq3A_2142 = arith.cmpf oeq, %broadcast_in_dim3A_2140, %transpose3A : vector<200x128xf32>
    %gt3A_2143 = arith.constant 134 : i32
    %gt3A_2144 = vector.broadcast %gt3A_2143 : i32 to vector<200x128xi32>
    %gt3A_2145 = arith.cmpi sgt, %iota3A, %gt3A_2144 : vector<200x128xi32>
    %and3A_2146 = arith.andi %eq3A_2142, %gt3A_2145 : vector<200x128xi1>
    %or3A_2147 = arith.ori %lt3A_2141, %and3A_2146 : vector<200x128xi1>
    %jit3A_2148 = arith.constant 1.000000e+00 : f32
    %jit3A_2149 = arith.constant 0.000000e+00 : f32
    %broadcast_in_dim3A_2150 = vector.broadcast %jit3A_2148 : f32 to vector<200x128xf32>
    %broadcast_in_dim3A_2151 = vector.broadcast %jit3A_2149 : f32 to vector<200x128xf32>
    %select_n3A_2152 = arith.select %or3A_2147, %broadcast_in_dim3A_2150, %broadcast_in_dim3A_2151 : vector<200x128xi1>, vector<200x128xf32>
    %add3A_2153 = arith.addf %add3A_2137, %select_n3A_2152 : vector<200x128xf32>
    %slice3A_2154 = vector.extract_strided_slice %transpose3A {offsets = [135, 0], sizes = [1, 128], strides = [1, 1]} : vector<200x128xf32> to vector<1x128xf32>
    %broadcast_in_dim3A_2155 = vector.shape_cast %slice3A_2154 : vector<1x128xf32> to vector<1x128xf32>
    %broadcast_in_dim3A_2156 = vector.broadcast %broadcast_in_dim3A_2155 : vector<1x128xf32> to vector<200x128xf32>
    %lt3A_2157 = arith.cmpf olt, %broadcast_in_dim3A_2156, %transpose3A : vector<200x128xf32>
    %eq3A_2158 = arith.cmpf oeq, %broadcast_in_dim3A_2156, %transpose3A : vector<200x128xf32>
    %gt3A_2159 = arith.constant 135 : i32
    %gt3A_2160 = vector.broadcast %gt3A_2159 : i32 to vector<200x128xi32>
    %gt3A_2161 = arith.cmpi sgt, %iota3A, %gt3A_2160 : vector<200x128xi32>
    %and3A_2162 = arith.andi %eq3A_2158, %gt3A_2161 : vector<200x128xi1>
    %or3A_2163 = arith.ori %lt3A_2157, %and3A_2162 : vector<200x128xi1>
    %jit3A_2164 = arith.constant 1.000000e+00 : f32
    %jit3A_2165 = arith.constant 0.000000e+00 : f32
    %broadcast_in_dim3A_2166 = vector.broadcast %jit3A_2164 : f32 to vector<200x128xf32>
    %broadcast_in_dim3A_2167 = vector.broadcast %jit3A_2165 : f32 to vector<200x128xf32>
    %select_n3A_2168 = arith.select %or3A_2163, %broadcast_in_dim3A_2166, %broadcast_in_dim3A_2167 : vector<200x128xi1>, vector<200x128xf32>
    %add3A_2169 = arith.addf %add3A_2153, %select_n3A_2168 : vector<200x128xf32>
    %slice3A_2170 = vector.extract_strided_slice %transpose3A {offsets = [136, 0], sizes = [1, 128], strides = [1, 1]} : vector<200x128xf32> to vector<1x128xf32>
    %broadcast_in_dim3A_2171 = vector.shape_cast %slice3A_2170 : vector<1x128xf32> to vector<1x128xf32>
    %broadcast_in_dim3A_2172 = vector.broadcast %broadcast_in_dim3A_2171 : vector<1x128xf32> to vector<200x128xf32>
    %lt3A_2173 = arith.cmpf olt, %broadcast_in_dim3A_2172, %transpose3A : vector<200x128xf32>
    %eq3A_2174 = arith.cmpf oeq, %broadcast_in_dim3A_2172, %transpose3A : vector<200x128xf32>
    %gt3A_2175 = arith.constant 136 : i32
    %gt3A_2176 = vector.broadcast %gt3A_2175 : i32 to vector<200x128xi32>
    %gt3A_2177 = arith.cmpi sgt, %iota3A, %gt3A_2176 : vector<200x128xi32>
    %and3A_2178 = arith.andi %eq3A_2174, %gt3A_2177 : vector<200x128xi1>
    %or3A_2179 = arith.ori %lt3A_2173, %and3A_2178 : vector<200x128xi1>
    %jit3A_2180 = arith.constant 1.000000e+00 : f32
    %jit3A_2181 = arith.constant 0.000000e+00 : f32
    %broadcast_in_dim3A_2182 = vector.broadcast %jit3A_2180 : f32 to vector<200x128xf32>
    %broadcast_in_dim3A_2183 = vector.broadcast %jit3A_2181 : f32 to vector<200x128xf32>
    %select_n3A_2184 = arith.select %or3A_2179, %broadcast_in_dim3A_2182, %broadcast_in_dim3A_2183 : vector<200x128xi1>, vector<200x128xf32>
    %add3A_2185 = arith.addf %add3A_2169, %select_n3A_2184 : vector<200x128xf32>
    %slice3A_2186 = vector.extract_strided_slice %transpose3A {offsets = [137, 0], sizes = [1, 128], strides = [1, 1]} : vector<200x128xf32> to vector<1x128xf32>
    %broadcast_in_dim3A_2187 = vector.shape_cast %slice3A_2186 : vector<1x128xf32> to vector<1x128xf32>
    %broadcast_in_dim3A_2188 = vector.broadcast %broadcast_in_dim3A_2187 : vector<1x128xf32> to vector<200x128xf32>
    %lt3A_2189 = arith.cmpf olt, %broadcast_in_dim3A_2188, %transpose3A : vector<200x128xf32>
    %eq3A_2190 = arith.cmpf oeq, %broadcast_in_dim3A_2188, %transpose3A : vector<200x128xf32>
    %gt3A_2191 = arith.constant 137 : i32
    %gt3A_2192 = vector.broadcast %gt3A_2191 : i32 to vector<200x128xi32>
    %gt3A_2193 = arith.cmpi sgt, %iota3A, %gt3A_2192 : vector<200x128xi32>
    %and3A_2194 = arith.andi %eq3A_2190, %gt3A_2193 : vector<200x128xi1>
    %or3A_2195 = arith.ori %lt3A_2189, %and3A_2194 : vector<200x128xi1>
    %jit3A_2196 = arith.constant 1.000000e+00 : f32
    %jit3A_2197 = arith.constant 0.000000e+00 : f32
    %broadcast_in_dim3A_2198 = vector.broadcast %jit3A_2196 : f32 to vector<200x128xf32>
    %broadcast_in_dim3A_2199 = vector.broadcast %jit3A_2197 : f32 to vector<200x128xf32>
    %select_n3A_2200 = arith.select %or3A_2195, %broadcast_in_dim3A_2198, %broadcast_in_dim3A_2199 : vector<200x128xi1>, vector<200x128xf32>
    %add3A_2201 = arith.addf %add3A_2185, %select_n3A_2200 : vector<200x128xf32>
    %slice3A_2202 = vector.extract_strided_slice %transpose3A {offsets = [138, 0], sizes = [1, 128], strides = [1, 1]} : vector<200x128xf32> to vector<1x128xf32>
    %broadcast_in_dim3A_2203 = vector.shape_cast %slice3A_2202 : vector<1x128xf32> to vector<1x128xf32>
    %broadcast_in_dim3A_2204 = vector.broadcast %broadcast_in_dim3A_2203 : vector<1x128xf32> to vector<200x128xf32>
    %lt3A_2205 = arith.cmpf olt, %broadcast_in_dim3A_2204, %transpose3A : vector<200x128xf32>
    %eq3A_2206 = arith.cmpf oeq, %broadcast_in_dim3A_2204, %transpose3A : vector<200x128xf32>
    %gt3A_2207 = arith.constant 138 : i32
    %gt3A_2208 = vector.broadcast %gt3A_2207 : i32 to vector<200x128xi32>
    %gt3A_2209 = arith.cmpi sgt, %iota3A, %gt3A_2208 : vector<200x128xi32>
    %and3A_2210 = arith.andi %eq3A_2206, %gt3A_2209 : vector<200x128xi1>
    %or3A_2211 = arith.ori %lt3A_2205, %and3A_2210 : vector<200x128xi1>
    %jit3A_2212 = arith.constant 1.000000e+00 : f32
    %jit3A_2213 = arith.constant 0.000000e+00 : f32
    %broadcast_in_dim3A_2214 = vector.broadcast %jit3A_2212 : f32 to vector<200x128xf32>
    %broadcast_in_dim3A_2215 = vector.broadcast %jit3A_2213 : f32 to vector<200x128xf32>
    %select_n3A_2216 = arith.select %or3A_2211, %broadcast_in_dim3A_2214, %broadcast_in_dim3A_2215 : vector<200x128xi1>, vector<200x128xf32>
    %add3A_2217 = arith.addf %add3A_2201, %select_n3A_2216 : vector<200x128xf32>
    %slice3A_2218 = vector.extract_strided_slice %transpose3A {offsets = [139, 0], sizes = [1, 128], strides = [1, 1]} : vector<200x128xf32> to vector<1x128xf32>
    %broadcast_in_dim3A_2219 = vector.shape_cast %slice3A_2218 : vector<1x128xf32> to vector<1x128xf32>
    %broadcast_in_dim3A_2220 = vector.broadcast %broadcast_in_dim3A_2219 : vector<1x128xf32> to vector<200x128xf32>
    %lt3A_2221 = arith.cmpf olt, %broadcast_in_dim3A_2220, %transpose3A : vector<200x128xf32>
    %eq3A_2222 = arith.cmpf oeq, %broadcast_in_dim3A_2220, %transpose3A : vector<200x128xf32>
    %gt3A_2223 = arith.constant 139 : i32
    %gt3A_2224 = vector.broadcast %gt3A_2223 : i32 to vector<200x128xi32>
    %gt3A_2225 = arith.cmpi sgt, %iota3A, %gt3A_2224 : vector<200x128xi32>
    %and3A_2226 = arith.andi %eq3A_2222, %gt3A_2225 : vector<200x128xi1>
    %or3A_2227 = arith.ori %lt3A_2221, %and3A_2226 : vector<200x128xi1>
    %jit3A_2228 = arith.constant 1.000000e+00 : f32
    %jit3A_2229 = arith.constant 0.000000e+00 : f32
    %broadcast_in_dim3A_2230 = vector.broadcast %jit3A_2228 : f32 to vector<200x128xf32>
    %broadcast_in_dim3A_2231 = vector.broadcast %jit3A_2229 : f32 to vector<200x128xf32>
    %select_n3A_2232 = arith.select %or3A_2227, %broadcast_in_dim3A_2230, %broadcast_in_dim3A_2231 : vector<200x128xi1>, vector<200x128xf32>
    %add3A_2233 = arith.addf %add3A_2217, %select_n3A_2232 : vector<200x128xf32>
    %slice3A_2234 = vector.extract_strided_slice %transpose3A {offsets = [140, 0], sizes = [1, 128], strides = [1, 1]} : vector<200x128xf32> to vector<1x128xf32>
    %broadcast_in_dim3A_2235 = vector.shape_cast %slice3A_2234 : vector<1x128xf32> to vector<1x128xf32>
    %broadcast_in_dim3A_2236 = vector.broadcast %broadcast_in_dim3A_2235 : vector<1x128xf32> to vector<200x128xf32>
    %lt3A_2237 = arith.cmpf olt, %broadcast_in_dim3A_2236, %transpose3A : vector<200x128xf32>
    %eq3A_2238 = arith.cmpf oeq, %broadcast_in_dim3A_2236, %transpose3A : vector<200x128xf32>
    %gt3A_2239 = arith.constant 140 : i32
    %gt3A_2240 = vector.broadcast %gt3A_2239 : i32 to vector<200x128xi32>
    %gt3A_2241 = arith.cmpi sgt, %iota3A, %gt3A_2240 : vector<200x128xi32>
    %and3A_2242 = arith.andi %eq3A_2238, %gt3A_2241 : vector<200x128xi1>
    %or3A_2243 = arith.ori %lt3A_2237, %and3A_2242 : vector<200x128xi1>
    %jit3A_2244 = arith.constant 1.000000e+00 : f32
    %jit3A_2245 = arith.constant 0.000000e+00 : f32
    %broadcast_in_dim3A_2246 = vector.broadcast %jit3A_2244 : f32 to vector<200x128xf32>
    %broadcast_in_dim3A_2247 = vector.broadcast %jit3A_2245 : f32 to vector<200x128xf32>
    %select_n3A_2248 = arith.select %or3A_2243, %broadcast_in_dim3A_2246, %broadcast_in_dim3A_2247 : vector<200x128xi1>, vector<200x128xf32>
    %add3A_2249 = arith.addf %add3A_2233, %select_n3A_2248 : vector<200x128xf32>
    %slice3A_2250 = vector.extract_strided_slice %transpose3A {offsets = [141, 0], sizes = [1, 128], strides = [1, 1]} : vector<200x128xf32> to vector<1x128xf32>
    %broadcast_in_dim3A_2251 = vector.shape_cast %slice3A_2250 : vector<1x128xf32> to vector<1x128xf32>
    %broadcast_in_dim3A_2252 = vector.broadcast %broadcast_in_dim3A_2251 : vector<1x128xf32> to vector<200x128xf32>
    %lt3A_2253 = arith.cmpf olt, %broadcast_in_dim3A_2252, %transpose3A : vector<200x128xf32>
    %eq3A_2254 = arith.cmpf oeq, %broadcast_in_dim3A_2252, %transpose3A : vector<200x128xf32>
    %gt3A_2255 = arith.constant 141 : i32
    %gt3A_2256 = vector.broadcast %gt3A_2255 : i32 to vector<200x128xi32>
    %gt3A_2257 = arith.cmpi sgt, %iota3A, %gt3A_2256 : vector<200x128xi32>
    %and3A_2258 = arith.andi %eq3A_2254, %gt3A_2257 : vector<200x128xi1>
    %or3A_2259 = arith.ori %lt3A_2253, %and3A_2258 : vector<200x128xi1>
    %jit3A_2260 = arith.constant 1.000000e+00 : f32
    %jit3A_2261 = arith.constant 0.000000e+00 : f32
    %broadcast_in_dim3A_2262 = vector.broadcast %jit3A_2260 : f32 to vector<200x128xf32>
    %broadcast_in_dim3A_2263 = vector.broadcast %jit3A_2261 : f32 to vector<200x128xf32>
    %select_n3A_2264 = arith.select %or3A_2259, %broadcast_in_dim3A_2262, %broadcast_in_dim3A_2263 : vector<200x128xi1>, vector<200x128xf32>
    %add3A_2265 = arith.addf %add3A_2249, %select_n3A_2264 : vector<200x128xf32>
    %slice3A_2266 = vector.extract_strided_slice %transpose3A {offsets = [142, 0], sizes = [1, 128], strides = [1, 1]} : vector<200x128xf32> to vector<1x128xf32>
    %broadcast_in_dim3A_2267 = vector.shape_cast %slice3A_2266 : vector<1x128xf32> to vector<1x128xf32>
    %broadcast_in_dim3A_2268 = vector.broadcast %broadcast_in_dim3A_2267 : vector<1x128xf32> to vector<200x128xf32>
    %lt3A_2269 = arith.cmpf olt, %broadcast_in_dim3A_2268, %transpose3A : vector<200x128xf32>
    %eq3A_2270 = arith.cmpf oeq, %broadcast_in_dim3A_2268, %transpose3A : vector<200x128xf32>
    %gt3A_2271 = arith.constant 142 : i32
    %gt3A_2272 = vector.broadcast %gt3A_2271 : i32 to vector<200x128xi32>
    %gt3A_2273 = arith.cmpi sgt, %iota3A, %gt3A_2272 : vector<200x128xi32>
    %and3A_2274 = arith.andi %eq3A_2270, %gt3A_2273 : vector<200x128xi1>
    %or3A_2275 = arith.ori %lt3A_2269, %and3A_2274 : vector<200x128xi1>
    %jit3A_2276 = arith.constant 1.000000e+00 : f32
    %jit3A_2277 = arith.constant 0.000000e+00 : f32
    %broadcast_in_dim3A_2278 = vector.broadcast %jit3A_2276 : f32 to vector<200x128xf32>
    %broadcast_in_dim3A_2279 = vector.broadcast %jit3A_2277 : f32 to vector<200x128xf32>
    %select_n3A_2280 = arith.select %or3A_2275, %broadcast_in_dim3A_2278, %broadcast_in_dim3A_2279 : vector<200x128xi1>, vector<200x128xf32>
    %add3A_2281 = arith.addf %add3A_2265, %select_n3A_2280 : vector<200x128xf32>
    %slice3A_2282 = vector.extract_strided_slice %transpose3A {offsets = [143, 0], sizes = [1, 128], strides = [1, 1]} : vector<200x128xf32> to vector<1x128xf32>
    %broadcast_in_dim3A_2283 = vector.shape_cast %slice3A_2282 : vector<1x128xf32> to vector<1x128xf32>
    %broadcast_in_dim3A_2284 = vector.broadcast %broadcast_in_dim3A_2283 : vector<1x128xf32> to vector<200x128xf32>
    %lt3A_2285 = arith.cmpf olt, %broadcast_in_dim3A_2284, %transpose3A : vector<200x128xf32>
    %eq3A_2286 = arith.cmpf oeq, %broadcast_in_dim3A_2284, %transpose3A : vector<200x128xf32>
    %gt3A_2287 = arith.constant 143 : i32
    %gt3A_2288 = vector.broadcast %gt3A_2287 : i32 to vector<200x128xi32>
    %gt3A_2289 = arith.cmpi sgt, %iota3A, %gt3A_2288 : vector<200x128xi32>
    %and3A_2290 = arith.andi %eq3A_2286, %gt3A_2289 : vector<200x128xi1>
    %or3A_2291 = arith.ori %lt3A_2285, %and3A_2290 : vector<200x128xi1>
    %jit3A_2292 = arith.constant 1.000000e+00 : f32
    %jit3A_2293 = arith.constant 0.000000e+00 : f32
    %broadcast_in_dim3A_2294 = vector.broadcast %jit3A_2292 : f32 to vector<200x128xf32>
    %broadcast_in_dim3A_2295 = vector.broadcast %jit3A_2293 : f32 to vector<200x128xf32>
    %select_n3A_2296 = arith.select %or3A_2291, %broadcast_in_dim3A_2294, %broadcast_in_dim3A_2295 : vector<200x128xi1>, vector<200x128xf32>
    %add3A_2297 = arith.addf %add3A_2281, %select_n3A_2296 : vector<200x128xf32>
    %slice3A_2298 = vector.extract_strided_slice %transpose3A {offsets = [144, 0], sizes = [1, 128], strides = [1, 1]} : vector<200x128xf32> to vector<1x128xf32>
    %broadcast_in_dim3A_2299 = vector.shape_cast %slice3A_2298 : vector<1x128xf32> to vector<1x128xf32>
    %broadcast_in_dim3A_2300 = vector.broadcast %broadcast_in_dim3A_2299 : vector<1x128xf32> to vector<200x128xf32>
    %lt3A_2301 = arith.cmpf olt, %broadcast_in_dim3A_2300, %transpose3A : vector<200x128xf32>
    %eq3A_2302 = arith.cmpf oeq, %broadcast_in_dim3A_2300, %transpose3A : vector<200x128xf32>
    %gt3A_2303 = arith.constant 144 : i32
    %gt3A_2304 = vector.broadcast %gt3A_2303 : i32 to vector<200x128xi32>
    %gt3A_2305 = arith.cmpi sgt, %iota3A, %gt3A_2304 : vector<200x128xi32>
    %and3A_2306 = arith.andi %eq3A_2302, %gt3A_2305 : vector<200x128xi1>
    %or3A_2307 = arith.ori %lt3A_2301, %and3A_2306 : vector<200x128xi1>
    %jit3A_2308 = arith.constant 1.000000e+00 : f32
    %jit3A_2309 = arith.constant 0.000000e+00 : f32
    %broadcast_in_dim3A_2310 = vector.broadcast %jit3A_2308 : f32 to vector<200x128xf32>
    %broadcast_in_dim3A_2311 = vector.broadcast %jit3A_2309 : f32 to vector<200x128xf32>
    %select_n3A_2312 = arith.select %or3A_2307, %broadcast_in_dim3A_2310, %broadcast_in_dim3A_2311 : vector<200x128xi1>, vector<200x128xf32>
    %add3A_2313 = arith.addf %add3A_2297, %select_n3A_2312 : vector<200x128xf32>
    %slice3A_2314 = vector.extract_strided_slice %transpose3A {offsets = [145, 0], sizes = [1, 128], strides = [1, 1]} : vector<200x128xf32> to vector<1x128xf32>
    %broadcast_in_dim3A_2315 = vector.shape_cast %slice3A_2314 : vector<1x128xf32> to vector<1x128xf32>
    %broadcast_in_dim3A_2316 = vector.broadcast %broadcast_in_dim3A_2315 : vector<1x128xf32> to vector<200x128xf32>
    %lt3A_2317 = arith.cmpf olt, %broadcast_in_dim3A_2316, %transpose3A : vector<200x128xf32>
    %eq3A_2318 = arith.cmpf oeq, %broadcast_in_dim3A_2316, %transpose3A : vector<200x128xf32>
    %gt3A_2319 = arith.constant 145 : i32
    %gt3A_2320 = vector.broadcast %gt3A_2319 : i32 to vector<200x128xi32>
    %gt3A_2321 = arith.cmpi sgt, %iota3A, %gt3A_2320 : vector<200x128xi32>
    %and3A_2322 = arith.andi %eq3A_2318, %gt3A_2321 : vector<200x128xi1>
    %or3A_2323 = arith.ori %lt3A_2317, %and3A_2322 : vector<200x128xi1>
    %jit3A_2324 = arith.constant 1.000000e+00 : f32
    %jit3A_2325 = arith.constant 0.000000e+00 : f32
    %broadcast_in_dim3A_2326 = vector.broadcast %jit3A_2324 : f32 to vector<200x128xf32>
    %broadcast_in_dim3A_2327 = vector.broadcast %jit3A_2325 : f32 to vector<200x128xf32>
    %select_n3A_2328 = arith.select %or3A_2323, %broadcast_in_dim3A_2326, %broadcast_in_dim3A_2327 : vector<200x128xi1>, vector<200x128xf32>
    %add3A_2329 = arith.addf %add3A_2313, %select_n3A_2328 : vector<200x128xf32>
    %slice3A_2330 = vector.extract_strided_slice %transpose3A {offsets = [146, 0], sizes = [1, 128], strides = [1, 1]} : vector<200x128xf32> to vector<1x128xf32>
    %broadcast_in_dim3A_2331 = vector.shape_cast %slice3A_2330 : vector<1x128xf32> to vector<1x128xf32>
    %broadcast_in_dim3A_2332 = vector.broadcast %broadcast_in_dim3A_2331 : vector<1x128xf32> to vector<200x128xf32>
    %lt3A_2333 = arith.cmpf olt, %broadcast_in_dim3A_2332, %transpose3A : vector<200x128xf32>
    %eq3A_2334 = arith.cmpf oeq, %broadcast_in_dim3A_2332, %transpose3A : vector<200x128xf32>
    %gt3A_2335 = arith.constant 146 : i32
    %gt3A_2336 = vector.broadcast %gt3A_2335 : i32 to vector<200x128xi32>
    %gt3A_2337 = arith.cmpi sgt, %iota3A, %gt3A_2336 : vector<200x128xi32>
    %and3A_2338 = arith.andi %eq3A_2334, %gt3A_2337 : vector<200x128xi1>
    %or3A_2339 = arith.ori %lt3A_2333, %and3A_2338 : vector<200x128xi1>
    %jit3A_2340 = arith.constant 1.000000e+00 : f32
    %jit3A_2341 = arith.constant 0.000000e+00 : f32
    %broadcast_in_dim3A_2342 = vector.broadcast %jit3A_2340 : f32 to vector<200x128xf32>
    %broadcast_in_dim3A_2343 = vector.broadcast %jit3A_2341 : f32 to vector<200x128xf32>
    %select_n3A_2344 = arith.select %or3A_2339, %broadcast_in_dim3A_2342, %broadcast_in_dim3A_2343 : vector<200x128xi1>, vector<200x128xf32>
    %add3A_2345 = arith.addf %add3A_2329, %select_n3A_2344 : vector<200x128xf32>
    %slice3A_2346 = vector.extract_strided_slice %transpose3A {offsets = [147, 0], sizes = [1, 128], strides = [1, 1]} : vector<200x128xf32> to vector<1x128xf32>
    %broadcast_in_dim3A_2347 = vector.shape_cast %slice3A_2346 : vector<1x128xf32> to vector<1x128xf32>
    %broadcast_in_dim3A_2348 = vector.broadcast %broadcast_in_dim3A_2347 : vector<1x128xf32> to vector<200x128xf32>
    %lt3A_2349 = arith.cmpf olt, %broadcast_in_dim3A_2348, %transpose3A : vector<200x128xf32>
    %eq3A_2350 = arith.cmpf oeq, %broadcast_in_dim3A_2348, %transpose3A : vector<200x128xf32>
    %gt3A_2351 = arith.constant 147 : i32
    %gt3A_2352 = vector.broadcast %gt3A_2351 : i32 to vector<200x128xi32>
    %gt3A_2353 = arith.cmpi sgt, %iota3A, %gt3A_2352 : vector<200x128xi32>
    %and3A_2354 = arith.andi %eq3A_2350, %gt3A_2353 : vector<200x128xi1>
    %or3A_2355 = arith.ori %lt3A_2349, %and3A_2354 : vector<200x128xi1>
    %jit3A_2356 = arith.constant 1.000000e+00 : f32
    %jit3A_2357 = arith.constant 0.000000e+00 : f32
    %broadcast_in_dim3A_2358 = vector.broadcast %jit3A_2356 : f32 to vector<200x128xf32>
    %broadcast_in_dim3A_2359 = vector.broadcast %jit3A_2357 : f32 to vector<200x128xf32>
    %select_n3A_2360 = arith.select %or3A_2355, %broadcast_in_dim3A_2358, %broadcast_in_dim3A_2359 : vector<200x128xi1>, vector<200x128xf32>
    %add3A_2361 = arith.addf %add3A_2345, %select_n3A_2360 : vector<200x128xf32>
    %slice3A_2362 = vector.extract_strided_slice %transpose3A {offsets = [148, 0], sizes = [1, 128], strides = [1, 1]} : vector<200x128xf32> to vector<1x128xf32>
    %broadcast_in_dim3A_2363 = vector.shape_cast %slice3A_2362 : vector<1x128xf32> to vector<1x128xf32>
    %broadcast_in_dim3A_2364 = vector.broadcast %broadcast_in_dim3A_2363 : vector<1x128xf32> to vector<200x128xf32>
    %lt3A_2365 = arith.cmpf olt, %broadcast_in_dim3A_2364, %transpose3A : vector<200x128xf32>
    %eq3A_2366 = arith.cmpf oeq, %broadcast_in_dim3A_2364, %transpose3A : vector<200x128xf32>
    %gt3A_2367 = arith.constant 148 : i32
    %gt3A_2368 = vector.broadcast %gt3A_2367 : i32 to vector<200x128xi32>
    %gt3A_2369 = arith.cmpi sgt, %iota3A, %gt3A_2368 : vector<200x128xi32>
    %and3A_2370 = arith.andi %eq3A_2366, %gt3A_2369 : vector<200x128xi1>
    %or3A_2371 = arith.ori %lt3A_2365, %and3A_2370 : vector<200x128xi1>
    %jit3A_2372 = arith.constant 1.000000e+00 : f32
    %jit3A_2373 = arith.constant 0.000000e+00 : f32
    %broadcast_in_dim3A_2374 = vector.broadcast %jit3A_2372 : f32 to vector<200x128xf32>
    %broadcast_in_dim3A_2375 = vector.broadcast %jit3A_2373 : f32 to vector<200x128xf32>
    %select_n3A_2376 = arith.select %or3A_2371, %broadcast_in_dim3A_2374, %broadcast_in_dim3A_2375 : vector<200x128xi1>, vector<200x128xf32>
    %add3A_2377 = arith.addf %add3A_2361, %select_n3A_2376 : vector<200x128xf32>
    %slice3A_2378 = vector.extract_strided_slice %transpose3A {offsets = [149, 0], sizes = [1, 128], strides = [1, 1]} : vector<200x128xf32> to vector<1x128xf32>
    %broadcast_in_dim3A_2379 = vector.shape_cast %slice3A_2378 : vector<1x128xf32> to vector<1x128xf32>
    %broadcast_in_dim3A_2380 = vector.broadcast %broadcast_in_dim3A_2379 : vector<1x128xf32> to vector<200x128xf32>
    %lt3A_2381 = arith.cmpf olt, %broadcast_in_dim3A_2380, %transpose3A : vector<200x128xf32>
    %eq3A_2382 = arith.cmpf oeq, %broadcast_in_dim3A_2380, %transpose3A : vector<200x128xf32>
    %gt3A_2383 = arith.constant 149 : i32
    %gt3A_2384 = vector.broadcast %gt3A_2383 : i32 to vector<200x128xi32>
    %gt3A_2385 = arith.cmpi sgt, %iota3A, %gt3A_2384 : vector<200x128xi32>
    %and3A_2386 = arith.andi %eq3A_2382, %gt3A_2385 : vector<200x128xi1>
    %or3A_2387 = arith.ori %lt3A_2381, %and3A_2386 : vector<200x128xi1>
    %jit3A_2388 = arith.constant 1.000000e+00 : f32
    %jit3A_2389 = arith.constant 0.000000e+00 : f32
    %broadcast_in_dim3A_2390 = vector.broadcast %jit3A_2388 : f32 to vector<200x128xf32>
    %broadcast_in_dim3A_2391 = vector.broadcast %jit3A_2389 : f32 to vector<200x128xf32>
    %select_n3A_2392 = arith.select %or3A_2387, %broadcast_in_dim3A_2390, %broadcast_in_dim3A_2391 : vector<200x128xi1>, vector<200x128xf32>
    %add3A_2393 = arith.addf %add3A_2377, %select_n3A_2392 : vector<200x128xf32>
    %slice3A_2394 = vector.extract_strided_slice %transpose3A {offsets = [150, 0], sizes = [1, 128], strides = [1, 1]} : vector<200x128xf32> to vector<1x128xf32>
    %broadcast_in_dim3A_2395 = vector.shape_cast %slice3A_2394 : vector<1x128xf32> to vector<1x128xf32>
    %broadcast_in_dim3A_2396 = vector.broadcast %broadcast_in_dim3A_2395 : vector<1x128xf32> to vector<200x128xf32>
    %lt3A_2397 = arith.cmpf olt, %broadcast_in_dim3A_2396, %transpose3A : vector<200x128xf32>
    %eq3A_2398 = arith.cmpf oeq, %broadcast_in_dim3A_2396, %transpose3A : vector<200x128xf32>
    %gt3A_2399 = arith.constant 150 : i32
    %gt3A_2400 = vector.broadcast %gt3A_2399 : i32 to vector<200x128xi32>
    %gt3A_2401 = arith.cmpi sgt, %iota3A, %gt3A_2400 : vector<200x128xi32>
    %and3A_2402 = arith.andi %eq3A_2398, %gt3A_2401 : vector<200x128xi1>
    %or3A_2403 = arith.ori %lt3A_2397, %and3A_2402 : vector<200x128xi1>
    %jit3A_2404 = arith.constant 1.000000e+00 : f32
    %jit3A_2405 = arith.constant 0.000000e+00 : f32
    %broadcast_in_dim3A_2406 = vector.broadcast %jit3A_2404 : f32 to vector<200x128xf32>
    %broadcast_in_dim3A_2407 = vector.broadcast %jit3A_2405 : f32 to vector<200x128xf32>
    %select_n3A_2408 = arith.select %or3A_2403, %broadcast_in_dim3A_2406, %broadcast_in_dim3A_2407 : vector<200x128xi1>, vector<200x128xf32>
    %add3A_2409 = arith.addf %add3A_2393, %select_n3A_2408 : vector<200x128xf32>
    %slice3A_2410 = vector.extract_strided_slice %transpose3A {offsets = [151, 0], sizes = [1, 128], strides = [1, 1]} : vector<200x128xf32> to vector<1x128xf32>
    %broadcast_in_dim3A_2411 = vector.shape_cast %slice3A_2410 : vector<1x128xf32> to vector<1x128xf32>
    %broadcast_in_dim3A_2412 = vector.broadcast %broadcast_in_dim3A_2411 : vector<1x128xf32> to vector<200x128xf32>
    %lt3A_2413 = arith.cmpf olt, %broadcast_in_dim3A_2412, %transpose3A : vector<200x128xf32>
    %eq3A_2414 = arith.cmpf oeq, %broadcast_in_dim3A_2412, %transpose3A : vector<200x128xf32>
    %gt3A_2415 = arith.constant 151 : i32
    %gt3A_2416 = vector.broadcast %gt3A_2415 : i32 to vector<200x128xi32>
    %gt3A_2417 = arith.cmpi sgt, %iota3A, %gt3A_2416 : vector<200x128xi32>
    %and3A_2418 = arith.andi %eq3A_2414, %gt3A_2417 : vector<200x128xi1>
    %or3A_2419 = arith.ori %lt3A_2413, %and3A_2418 : vector<200x128xi1>
    %jit3A_2420 = arith.constant 1.000000e+00 : f32
    %jit3A_2421 = arith.constant 0.000000e+00 : f32
    %broadcast_in_dim3A_2422 = vector.broadcast %jit3A_2420 : f32 to vector<200x128xf32>
    %broadcast_in_dim3A_2423 = vector.broadcast %jit3A_2421 : f32 to vector<200x128xf32>
    %select_n3A_2424 = arith.select %or3A_2419, %broadcast_in_dim3A_2422, %broadcast_in_dim3A_2423 : vector<200x128xi1>, vector<200x128xf32>
    %add3A_2425 = arith.addf %add3A_2409, %select_n3A_2424 : vector<200x128xf32>
    %slice3A_2426 = vector.extract_strided_slice %transpose3A {offsets = [152, 0], sizes = [1, 128], strides = [1, 1]} : vector<200x128xf32> to vector<1x128xf32>
    %broadcast_in_dim3A_2427 = vector.shape_cast %slice3A_2426 : vector<1x128xf32> to vector<1x128xf32>
    %broadcast_in_dim3A_2428 = vector.broadcast %broadcast_in_dim3A_2427 : vector<1x128xf32> to vector<200x128xf32>
    %lt3A_2429 = arith.cmpf olt, %broadcast_in_dim3A_2428, %transpose3A : vector<200x128xf32>
    %eq3A_2430 = arith.cmpf oeq, %broadcast_in_dim3A_2428, %transpose3A : vector<200x128xf32>
    %gt3A_2431 = arith.constant 152 : i32
    %gt3A_2432 = vector.broadcast %gt3A_2431 : i32 to vector<200x128xi32>
    %gt3A_2433 = arith.cmpi sgt, %iota3A, %gt3A_2432 : vector<200x128xi32>
    %and3A_2434 = arith.andi %eq3A_2430, %gt3A_2433 : vector<200x128xi1>
    %or3A_2435 = arith.ori %lt3A_2429, %and3A_2434 : vector<200x128xi1>
    %jit3A_2436 = arith.constant 1.000000e+00 : f32
    %jit3A_2437 = arith.constant 0.000000e+00 : f32
    %broadcast_in_dim3A_2438 = vector.broadcast %jit3A_2436 : f32 to vector<200x128xf32>
    %broadcast_in_dim3A_2439 = vector.broadcast %jit3A_2437 : f32 to vector<200x128xf32>
    %select_n3A_2440 = arith.select %or3A_2435, %broadcast_in_dim3A_2438, %broadcast_in_dim3A_2439 : vector<200x128xi1>, vector<200x128xf32>
    %add3A_2441 = arith.addf %add3A_2425, %select_n3A_2440 : vector<200x128xf32>
    %slice3A_2442 = vector.extract_strided_slice %transpose3A {offsets = [153, 0], sizes = [1, 128], strides = [1, 1]} : vector<200x128xf32> to vector<1x128xf32>
    %broadcast_in_dim3A_2443 = vector.shape_cast %slice3A_2442 : vector<1x128xf32> to vector<1x128xf32>
    %broadcast_in_dim3A_2444 = vector.broadcast %broadcast_in_dim3A_2443 : vector<1x128xf32> to vector<200x128xf32>
    %lt3A_2445 = arith.cmpf olt, %broadcast_in_dim3A_2444, %transpose3A : vector<200x128xf32>
    %eq3A_2446 = arith.cmpf oeq, %broadcast_in_dim3A_2444, %transpose3A : vector<200x128xf32>
    %gt3A_2447 = arith.constant 153 : i32
    %gt3A_2448 = vector.broadcast %gt3A_2447 : i32 to vector<200x128xi32>
    %gt3A_2449 = arith.cmpi sgt, %iota3A, %gt3A_2448 : vector<200x128xi32>
    %and3A_2450 = arith.andi %eq3A_2446, %gt3A_2449 : vector<200x128xi1>
    %or3A_2451 = arith.ori %lt3A_2445, %and3A_2450 : vector<200x128xi1>
    %jit3A_2452 = arith.constant 1.000000e+00 : f32
    %jit3A_2453 = arith.constant 0.000000e+00 : f32
    %broadcast_in_dim3A_2454 = vector.broadcast %jit3A_2452 : f32 to vector<200x128xf32>
    %broadcast_in_dim3A_2455 = vector.broadcast %jit3A_2453 : f32 to vector<200x128xf32>
    %select_n3A_2456 = arith.select %or3A_2451, %broadcast_in_dim3A_2454, %broadcast_in_dim3A_2455 : vector<200x128xi1>, vector<200x128xf32>
    %add3A_2457 = arith.addf %add3A_2441, %select_n3A_2456 : vector<200x128xf32>
    %slice3A_2458 = vector.extract_strided_slice %transpose3A {offsets = [154, 0], sizes = [1, 128], strides = [1, 1]} : vector<200x128xf32> to vector<1x128xf32>
    %broadcast_in_dim3A_2459 = vector.shape_cast %slice3A_2458 : vector<1x128xf32> to vector<1x128xf32>
    %broadcast_in_dim3A_2460 = vector.broadcast %broadcast_in_dim3A_2459 : vector<1x128xf32> to vector<200x128xf32>
    %lt3A_2461 = arith.cmpf olt, %broadcast_in_dim3A_2460, %transpose3A : vector<200x128xf32>
    %eq3A_2462 = arith.cmpf oeq, %broadcast_in_dim3A_2460, %transpose3A : vector<200x128xf32>
    %gt3A_2463 = arith.constant 154 : i32
    %gt3A_2464 = vector.broadcast %gt3A_2463 : i32 to vector<200x128xi32>
    %gt3A_2465 = arith.cmpi sgt, %iota3A, %gt3A_2464 : vector<200x128xi32>
    %and3A_2466 = arith.andi %eq3A_2462, %gt3A_2465 : vector<200x128xi1>
    %or3A_2467 = arith.ori %lt3A_2461, %and3A_2466 : vector<200x128xi1>
    %jit3A_2468 = arith.constant 1.000000e+00 : f32
    %jit3A_2469 = arith.constant 0.000000e+00 : f32
    %broadcast_in_dim3A_2470 = vector.broadcast %jit3A_2468 : f32 to vector<200x128xf32>
    %broadcast_in_dim3A_2471 = vector.broadcast %jit3A_2469 : f32 to vector<200x128xf32>
    %select_n3A_2472 = arith.select %or3A_2467, %broadcast_in_dim3A_2470, %broadcast_in_dim3A_2471 : vector<200x128xi1>, vector<200x128xf32>
    %add3A_2473 = arith.addf %add3A_2457, %select_n3A_2472 : vector<200x128xf32>
    %slice3A_2474 = vector.extract_strided_slice %transpose3A {offsets = [155, 0], sizes = [1, 128], strides = [1, 1]} : vector<200x128xf32> to vector<1x128xf32>
    %broadcast_in_dim3A_2475 = vector.shape_cast %slice3A_2474 : vector<1x128xf32> to vector<1x128xf32>
    %broadcast_in_dim3A_2476 = vector.broadcast %broadcast_in_dim3A_2475 : vector<1x128xf32> to vector<200x128xf32>
    %lt3A_2477 = arith.cmpf olt, %broadcast_in_dim3A_2476, %transpose3A : vector<200x128xf32>
    %eq3A_2478 = arith.cmpf oeq, %broadcast_in_dim3A_2476, %transpose3A : vector<200x128xf32>
    %gt3A_2479 = arith.constant 155 : i32
    %gt3A_2480 = vector.broadcast %gt3A_2479 : i32 to vector<200x128xi32>
    %gt3A_2481 = arith.cmpi sgt, %iota3A, %gt3A_2480 : vector<200x128xi32>
    %and3A_2482 = arith.andi %eq3A_2478, %gt3A_2481 : vector<200x128xi1>
    %or3A_2483 = arith.ori %lt3A_2477, %and3A_2482 : vector<200x128xi1>
    %jit3A_2484 = arith.constant 1.000000e+00 : f32
    %jit3A_2485 = arith.constant 0.000000e+00 : f32
    %broadcast_in_dim3A_2486 = vector.broadcast %jit3A_2484 : f32 to vector<200x128xf32>
    %broadcast_in_dim3A_2487 = vector.broadcast %jit3A_2485 : f32 to vector<200x128xf32>
    %select_n3A_2488 = arith.select %or3A_2483, %broadcast_in_dim3A_2486, %broadcast_in_dim3A_2487 : vector<200x128xi1>, vector<200x128xf32>
    %add3A_2489 = arith.addf %add3A_2473, %select_n3A_2488 : vector<200x128xf32>
    %slice3A_2490 = vector.extract_strided_slice %transpose3A {offsets = [156, 0], sizes = [1, 128], strides = [1, 1]} : vector<200x128xf32> to vector<1x128xf32>
    %broadcast_in_dim3A_2491 = vector.shape_cast %slice3A_2490 : vector<1x128xf32> to vector<1x128xf32>
    %broadcast_in_dim3A_2492 = vector.broadcast %broadcast_in_dim3A_2491 : vector<1x128xf32> to vector<200x128xf32>
    %lt3A_2493 = arith.cmpf olt, %broadcast_in_dim3A_2492, %transpose3A : vector<200x128xf32>
    %eq3A_2494 = arith.cmpf oeq, %broadcast_in_dim3A_2492, %transpose3A : vector<200x128xf32>
    %gt3A_2495 = arith.constant 156 : i32
    %gt3A_2496 = vector.broadcast %gt3A_2495 : i32 to vector<200x128xi32>
    %gt3A_2497 = arith.cmpi sgt, %iota3A, %gt3A_2496 : vector<200x128xi32>
    %and3A_2498 = arith.andi %eq3A_2494, %gt3A_2497 : vector<200x128xi1>
    %or3A_2499 = arith.ori %lt3A_2493, %and3A_2498 : vector<200x128xi1>
    %jit3A_2500 = arith.constant 1.000000e+00 : f32
    %jit3A_2501 = arith.constant 0.000000e+00 : f32
    %broadcast_in_dim3A_2502 = vector.broadcast %jit3A_2500 : f32 to vector<200x128xf32>
    %broadcast_in_dim3A_2503 = vector.broadcast %jit3A_2501 : f32 to vector<200x128xf32>
    %select_n3A_2504 = arith.select %or3A_2499, %broadcast_in_dim3A_2502, %broadcast_in_dim3A_2503 : vector<200x128xi1>, vector<200x128xf32>
    %add3A_2505 = arith.addf %add3A_2489, %select_n3A_2504 : vector<200x128xf32>
    %slice3A_2506 = vector.extract_strided_slice %transpose3A {offsets = [157, 0], sizes = [1, 128], strides = [1, 1]} : vector<200x128xf32> to vector<1x128xf32>
    %broadcast_in_dim3A_2507 = vector.shape_cast %slice3A_2506 : vector<1x128xf32> to vector<1x128xf32>
    %broadcast_in_dim3A_2508 = vector.broadcast %broadcast_in_dim3A_2507 : vector<1x128xf32> to vector<200x128xf32>
    %lt3A_2509 = arith.cmpf olt, %broadcast_in_dim3A_2508, %transpose3A : vector<200x128xf32>
    %eq3A_2510 = arith.cmpf oeq, %broadcast_in_dim3A_2508, %transpose3A : vector<200x128xf32>
    %gt3A_2511 = arith.constant 157 : i32
    %gt3A_2512 = vector.broadcast %gt3A_2511 : i32 to vector<200x128xi32>
    %gt3A_2513 = arith.cmpi sgt, %iota3A, %gt3A_2512 : vector<200x128xi32>
    %and3A_2514 = arith.andi %eq3A_2510, %gt3A_2513 : vector<200x128xi1>
    %or3A_2515 = arith.ori %lt3A_2509, %and3A_2514 : vector<200x128xi1>
    %jit3A_2516 = arith.constant 1.000000e+00 : f32
    %jit3A_2517 = arith.constant 0.000000e+00 : f32
    %broadcast_in_dim3A_2518 = vector.broadcast %jit3A_2516 : f32 to vector<200x128xf32>
    %broadcast_in_dim3A_2519 = vector.broadcast %jit3A_2517 : f32 to vector<200x128xf32>
    %select_n3A_2520 = arith.select %or3A_2515, %broadcast_in_dim3A_2518, %broadcast_in_dim3A_2519 : vector<200x128xi1>, vector<200x128xf32>
    %add3A_2521 = arith.addf %add3A_2505, %select_n3A_2520 : vector<200x128xf32>
    %slice3A_2522 = vector.extract_strided_slice %transpose3A {offsets = [158, 0], sizes = [1, 128], strides = [1, 1]} : vector<200x128xf32> to vector<1x128xf32>
    %broadcast_in_dim3A_2523 = vector.shape_cast %slice3A_2522 : vector<1x128xf32> to vector<1x128xf32>
    %broadcast_in_dim3A_2524 = vector.broadcast %broadcast_in_dim3A_2523 : vector<1x128xf32> to vector<200x128xf32>
    %lt3A_2525 = arith.cmpf olt, %broadcast_in_dim3A_2524, %transpose3A : vector<200x128xf32>
    %eq3A_2526 = arith.cmpf oeq, %broadcast_in_dim3A_2524, %transpose3A : vector<200x128xf32>
    %gt3A_2527 = arith.constant 158 : i32
    %gt3A_2528 = vector.broadcast %gt3A_2527 : i32 to vector<200x128xi32>
    %gt3A_2529 = arith.cmpi sgt, %iota3A, %gt3A_2528 : vector<200x128xi32>
    %and3A_2530 = arith.andi %eq3A_2526, %gt3A_2529 : vector<200x128xi1>
    %or3A_2531 = arith.ori %lt3A_2525, %and3A_2530 : vector<200x128xi1>
    %jit3A_2532 = arith.constant 1.000000e+00 : f32
    %jit3A_2533 = arith.constant 0.000000e+00 : f32
    %broadcast_in_dim3A_2534 = vector.broadcast %jit3A_2532 : f32 to vector<200x128xf32>
    %broadcast_in_dim3A_2535 = vector.broadcast %jit3A_2533 : f32 to vector<200x128xf32>
    %select_n3A_2536 = arith.select %or3A_2531, %broadcast_in_dim3A_2534, %broadcast_in_dim3A_2535 : vector<200x128xi1>, vector<200x128xf32>
    %add3A_2537 = arith.addf %add3A_2521, %select_n3A_2536 : vector<200x128xf32>
    %slice3A_2538 = vector.extract_strided_slice %transpose3A {offsets = [159, 0], sizes = [1, 128], strides = [1, 1]} : vector<200x128xf32> to vector<1x128xf32>
    %broadcast_in_dim3A_2539 = vector.shape_cast %slice3A_2538 : vector<1x128xf32> to vector<1x128xf32>
    %broadcast_in_dim3A_2540 = vector.broadcast %broadcast_in_dim3A_2539 : vector<1x128xf32> to vector<200x128xf32>
    %lt3A_2541 = arith.cmpf olt, %broadcast_in_dim3A_2540, %transpose3A : vector<200x128xf32>
    %eq3A_2542 = arith.cmpf oeq, %broadcast_in_dim3A_2540, %transpose3A : vector<200x128xf32>
    %gt3A_2543 = arith.constant 159 : i32
    %gt3A_2544 = vector.broadcast %gt3A_2543 : i32 to vector<200x128xi32>
    %gt3A_2545 = arith.cmpi sgt, %iota3A, %gt3A_2544 : vector<200x128xi32>
    %and3A_2546 = arith.andi %eq3A_2542, %gt3A_2545 : vector<200x128xi1>
    %or3A_2547 = arith.ori %lt3A_2541, %and3A_2546 : vector<200x128xi1>
    %jit3A_2548 = arith.constant 1.000000e+00 : f32
    %jit3A_2549 = arith.constant 0.000000e+00 : f32
    %broadcast_in_dim3A_2550 = vector.broadcast %jit3A_2548 : f32 to vector<200x128xf32>
    %broadcast_in_dim3A_2551 = vector.broadcast %jit3A_2549 : f32 to vector<200x128xf32>
    %select_n3A_2552 = arith.select %or3A_2547, %broadcast_in_dim3A_2550, %broadcast_in_dim3A_2551 : vector<200x128xi1>, vector<200x128xf32>
    %add3A_2553 = arith.addf %add3A_2537, %select_n3A_2552 : vector<200x128xf32>
    %slice3A_2554 = vector.extract_strided_slice %transpose3A {offsets = [160, 0], sizes = [1, 128], strides = [1, 1]} : vector<200x128xf32> to vector<1x128xf32>
    %broadcast_in_dim3A_2555 = vector.shape_cast %slice3A_2554 : vector<1x128xf32> to vector<1x128xf32>
    %broadcast_in_dim3A_2556 = vector.broadcast %broadcast_in_dim3A_2555 : vector<1x128xf32> to vector<200x128xf32>
    %lt3A_2557 = arith.cmpf olt, %broadcast_in_dim3A_2556, %transpose3A : vector<200x128xf32>
    %eq3A_2558 = arith.cmpf oeq, %broadcast_in_dim3A_2556, %transpose3A : vector<200x128xf32>
    %gt3A_2559 = arith.constant 160 : i32
    %gt3A_2560 = vector.broadcast %gt3A_2559 : i32 to vector<200x128xi32>
    %gt3A_2561 = arith.cmpi sgt, %iota3A, %gt3A_2560 : vector<200x128xi32>
    %and3A_2562 = arith.andi %eq3A_2558, %gt3A_2561 : vector<200x128xi1>
    %or3A_2563 = arith.ori %lt3A_2557, %and3A_2562 : vector<200x128xi1>
    %jit3A_2564 = arith.constant 1.000000e+00 : f32
    %jit3A_2565 = arith.constant 0.000000e+00 : f32
    %broadcast_in_dim3A_2566 = vector.broadcast %jit3A_2564 : f32 to vector<200x128xf32>
    %broadcast_in_dim3A_2567 = vector.broadcast %jit3A_2565 : f32 to vector<200x128xf32>
    %select_n3A_2568 = arith.select %or3A_2563, %broadcast_in_dim3A_2566, %broadcast_in_dim3A_2567 : vector<200x128xi1>, vector<200x128xf32>
    %add3A_2569 = arith.addf %add3A_2553, %select_n3A_2568 : vector<200x128xf32>
    %slice3A_2570 = vector.extract_strided_slice %transpose3A {offsets = [161, 0], sizes = [1, 128], strides = [1, 1]} : vector<200x128xf32> to vector<1x128xf32>
    %broadcast_in_dim3A_2571 = vector.shape_cast %slice3A_2570 : vector<1x128xf32> to vector<1x128xf32>
    %broadcast_in_dim3A_2572 = vector.broadcast %broadcast_in_dim3A_2571 : vector<1x128xf32> to vector<200x128xf32>
    %lt3A_2573 = arith.cmpf olt, %broadcast_in_dim3A_2572, %transpose3A : vector<200x128xf32>
    %eq3A_2574 = arith.cmpf oeq, %broadcast_in_dim3A_2572, %transpose3A : vector<200x128xf32>
    %gt3A_2575 = arith.constant 161 : i32
    %gt3A_2576 = vector.broadcast %gt3A_2575 : i32 to vector<200x128xi32>
    %gt3A_2577 = arith.cmpi sgt, %iota3A, %gt3A_2576 : vector<200x128xi32>
    %and3A_2578 = arith.andi %eq3A_2574, %gt3A_2577 : vector<200x128xi1>
    %or3A_2579 = arith.ori %lt3A_2573, %and3A_2578 : vector<200x128xi1>
    %jit3A_2580 = arith.constant 1.000000e+00 : f32
    %jit3A_2581 = arith.constant 0.000000e+00 : f32
    %broadcast_in_dim3A_2582 = vector.broadcast %jit3A_2580 : f32 to vector<200x128xf32>
    %broadcast_in_dim3A_2583 = vector.broadcast %jit3A_2581 : f32 to vector<200x128xf32>
    %select_n3A_2584 = arith.select %or3A_2579, %broadcast_in_dim3A_2582, %broadcast_in_dim3A_2583 : vector<200x128xi1>, vector<200x128xf32>
    %add3A_2585 = arith.addf %add3A_2569, %select_n3A_2584 : vector<200x128xf32>
    %slice3A_2586 = vector.extract_strided_slice %transpose3A {offsets = [162, 0], sizes = [1, 128], strides = [1, 1]} : vector<200x128xf32> to vector<1x128xf32>
    %broadcast_in_dim3A_2587 = vector.shape_cast %slice3A_2586 : vector<1x128xf32> to vector<1x128xf32>
    %broadcast_in_dim3A_2588 = vector.broadcast %broadcast_in_dim3A_2587 : vector<1x128xf32> to vector<200x128xf32>
    %lt3A_2589 = arith.cmpf olt, %broadcast_in_dim3A_2588, %transpose3A : vector<200x128xf32>
    %eq3A_2590 = arith.cmpf oeq, %broadcast_in_dim3A_2588, %transpose3A : vector<200x128xf32>
    %gt3A_2591 = arith.constant 162 : i32
    %gt3A_2592 = vector.broadcast %gt3A_2591 : i32 to vector<200x128xi32>
    %gt3A_2593 = arith.cmpi sgt, %iota3A, %gt3A_2592 : vector<200x128xi32>
    %and3A_2594 = arith.andi %eq3A_2590, %gt3A_2593 : vector<200x128xi1>
    %or3A_2595 = arith.ori %lt3A_2589, %and3A_2594 : vector<200x128xi1>
    %jit3A_2596 = arith.constant 1.000000e+00 : f32
    %jit3A_2597 = arith.constant 0.000000e+00 : f32
    %broadcast_in_dim3A_2598 = vector.broadcast %jit3A_2596 : f32 to vector<200x128xf32>
    %broadcast_in_dim3A_2599 = vector.broadcast %jit3A_2597 : f32 to vector<200x128xf32>
    %select_n3A_2600 = arith.select %or3A_2595, %broadcast_in_dim3A_2598, %broadcast_in_dim3A_2599 : vector<200x128xi1>, vector<200x128xf32>
    %add3A_2601 = arith.addf %add3A_2585, %select_n3A_2600 : vector<200x128xf32>
    %slice3A_2602 = vector.extract_strided_slice %transpose3A {offsets = [163, 0], sizes = [1, 128], strides = [1, 1]} : vector<200x128xf32> to vector<1x128xf32>
    %broadcast_in_dim3A_2603 = vector.shape_cast %slice3A_2602 : vector<1x128xf32> to vector<1x128xf32>
    %broadcast_in_dim3A_2604 = vector.broadcast %broadcast_in_dim3A_2603 : vector<1x128xf32> to vector<200x128xf32>
    %lt3A_2605 = arith.cmpf olt, %broadcast_in_dim3A_2604, %transpose3A : vector<200x128xf32>
    %eq3A_2606 = arith.cmpf oeq, %broadcast_in_dim3A_2604, %transpose3A : vector<200x128xf32>
    %gt3A_2607 = arith.constant 163 : i32
    %gt3A_2608 = vector.broadcast %gt3A_2607 : i32 to vector<200x128xi32>
    %gt3A_2609 = arith.cmpi sgt, %iota3A, %gt3A_2608 : vector<200x128xi32>
    %and3A_2610 = arith.andi %eq3A_2606, %gt3A_2609 : vector<200x128xi1>
    %or3A_2611 = arith.ori %lt3A_2605, %and3A_2610 : vector<200x128xi1>
    %jit3A_2612 = arith.constant 1.000000e+00 : f32
    %jit3A_2613 = arith.constant 0.000000e+00 : f32
    %broadcast_in_dim3A_2614 = vector.broadcast %jit3A_2612 : f32 to vector<200x128xf32>
    %broadcast_in_dim3A_2615 = vector.broadcast %jit3A_2613 : f32 to vector<200x128xf32>
    %select_n3A_2616 = arith.select %or3A_2611, %broadcast_in_dim3A_2614, %broadcast_in_dim3A_2615 : vector<200x128xi1>, vector<200x128xf32>
    %add3A_2617 = arith.addf %add3A_2601, %select_n3A_2616 : vector<200x128xf32>
    %slice3A_2618 = vector.extract_strided_slice %transpose3A {offsets = [164, 0], sizes = [1, 128], strides = [1, 1]} : vector<200x128xf32> to vector<1x128xf32>
    %broadcast_in_dim3A_2619 = vector.shape_cast %slice3A_2618 : vector<1x128xf32> to vector<1x128xf32>
    %broadcast_in_dim3A_2620 = vector.broadcast %broadcast_in_dim3A_2619 : vector<1x128xf32> to vector<200x128xf32>
    %lt3A_2621 = arith.cmpf olt, %broadcast_in_dim3A_2620, %transpose3A : vector<200x128xf32>
    %eq3A_2622 = arith.cmpf oeq, %broadcast_in_dim3A_2620, %transpose3A : vector<200x128xf32>
    %gt3A_2623 = arith.constant 164 : i32
    %gt3A_2624 = vector.broadcast %gt3A_2623 : i32 to vector<200x128xi32>
    %gt3A_2625 = arith.cmpi sgt, %iota3A, %gt3A_2624 : vector<200x128xi32>
    %and3A_2626 = arith.andi %eq3A_2622, %gt3A_2625 : vector<200x128xi1>
    %or3A_2627 = arith.ori %lt3A_2621, %and3A_2626 : vector<200x128xi1>
    %jit3A_2628 = arith.constant 1.000000e+00 : f32
    %jit3A_2629 = arith.constant 0.000000e+00 : f32
    %broadcast_in_dim3A_2630 = vector.broadcast %jit3A_2628 : f32 to vector<200x128xf32>
    %broadcast_in_dim3A_2631 = vector.broadcast %jit3A_2629 : f32 to vector<200x128xf32>
    %select_n3A_2632 = arith.select %or3A_2627, %broadcast_in_dim3A_2630, %broadcast_in_dim3A_2631 : vector<200x128xi1>, vector<200x128xf32>
    %add3A_2633 = arith.addf %add3A_2617, %select_n3A_2632 : vector<200x128xf32>
    %slice3A_2634 = vector.extract_strided_slice %transpose3A {offsets = [165, 0], sizes = [1, 128], strides = [1, 1]} : vector<200x128xf32> to vector<1x128xf32>
    %broadcast_in_dim3A_2635 = vector.shape_cast %slice3A_2634 : vector<1x128xf32> to vector<1x128xf32>
    %broadcast_in_dim3A_2636 = vector.broadcast %broadcast_in_dim3A_2635 : vector<1x128xf32> to vector<200x128xf32>
    %lt3A_2637 = arith.cmpf olt, %broadcast_in_dim3A_2636, %transpose3A : vector<200x128xf32>
    %eq3A_2638 = arith.cmpf oeq, %broadcast_in_dim3A_2636, %transpose3A : vector<200x128xf32>
    %gt3A_2639 = arith.constant 165 : i32
    %gt3A_2640 = vector.broadcast %gt3A_2639 : i32 to vector<200x128xi32>
    %gt3A_2641 = arith.cmpi sgt, %iota3A, %gt3A_2640 : vector<200x128xi32>
    %and3A_2642 = arith.andi %eq3A_2638, %gt3A_2641 : vector<200x128xi1>
    %or3A_2643 = arith.ori %lt3A_2637, %and3A_2642 : vector<200x128xi1>
    %jit3A_2644 = arith.constant 1.000000e+00 : f32
    %jit3A_2645 = arith.constant 0.000000e+00 : f32
    %broadcast_in_dim3A_2646 = vector.broadcast %jit3A_2644 : f32 to vector<200x128xf32>
    %broadcast_in_dim3A_2647 = vector.broadcast %jit3A_2645 : f32 to vector<200x128xf32>
    %select_n3A_2648 = arith.select %or3A_2643, %broadcast_in_dim3A_2646, %broadcast_in_dim3A_2647 : vector<200x128xi1>, vector<200x128xf32>
    %add3A_2649 = arith.addf %add3A_2633, %select_n3A_2648 : vector<200x128xf32>
    %slice3A_2650 = vector.extract_strided_slice %transpose3A {offsets = [166, 0], sizes = [1, 128], strides = [1, 1]} : vector<200x128xf32> to vector<1x128xf32>
    %broadcast_in_dim3A_2651 = vector.shape_cast %slice3A_2650 : vector<1x128xf32> to vector<1x128xf32>
    %broadcast_in_dim3A_2652 = vector.broadcast %broadcast_in_dim3A_2651 : vector<1x128xf32> to vector<200x128xf32>
    %lt3A_2653 = arith.cmpf olt, %broadcast_in_dim3A_2652, %transpose3A : vector<200x128xf32>
    %eq3A_2654 = arith.cmpf oeq, %broadcast_in_dim3A_2652, %transpose3A : vector<200x128xf32>
    %gt3A_2655 = arith.constant 166 : i32
    %gt3A_2656 = vector.broadcast %gt3A_2655 : i32 to vector<200x128xi32>
    %gt3A_2657 = arith.cmpi sgt, %iota3A, %gt3A_2656 : vector<200x128xi32>
    %and3A_2658 = arith.andi %eq3A_2654, %gt3A_2657 : vector<200x128xi1>
    %or3A_2659 = arith.ori %lt3A_2653, %and3A_2658 : vector<200x128xi1>
    %jit3A_2660 = arith.constant 1.000000e+00 : f32
    %jit3A_2661 = arith.constant 0.000000e+00 : f32
    %broadcast_in_dim3A_2662 = vector.broadcast %jit3A_2660 : f32 to vector<200x128xf32>
    %broadcast_in_dim3A_2663 = vector.broadcast %jit3A_2661 : f32 to vector<200x128xf32>
    %select_n3A_2664 = arith.select %or3A_2659, %broadcast_in_dim3A_2662, %broadcast_in_dim3A_2663 : vector<200x128xi1>, vector<200x128xf32>
    %add3A_2665 = arith.addf %add3A_2649, %select_n3A_2664 : vector<200x128xf32>
    %slice3A_2666 = vector.extract_strided_slice %transpose3A {offsets = [167, 0], sizes = [1, 128], strides = [1, 1]} : vector<200x128xf32> to vector<1x128xf32>
    %broadcast_in_dim3A_2667 = vector.shape_cast %slice3A_2666 : vector<1x128xf32> to vector<1x128xf32>
    %broadcast_in_dim3A_2668 = vector.broadcast %broadcast_in_dim3A_2667 : vector<1x128xf32> to vector<200x128xf32>
    %lt3A_2669 = arith.cmpf olt, %broadcast_in_dim3A_2668, %transpose3A : vector<200x128xf32>
    %eq3A_2670 = arith.cmpf oeq, %broadcast_in_dim3A_2668, %transpose3A : vector<200x128xf32>
    %gt3A_2671 = arith.constant 167 : i32
    %gt3A_2672 = vector.broadcast %gt3A_2671 : i32 to vector<200x128xi32>
    %gt3A_2673 = arith.cmpi sgt, %iota3A, %gt3A_2672 : vector<200x128xi32>
    %and3A_2674 = arith.andi %eq3A_2670, %gt3A_2673 : vector<200x128xi1>
    %or3A_2675 = arith.ori %lt3A_2669, %and3A_2674 : vector<200x128xi1>
    %jit3A_2676 = arith.constant 1.000000e+00 : f32
    %jit3A_2677 = arith.constant 0.000000e+00 : f32
    %broadcast_in_dim3A_2678 = vector.broadcast %jit3A_2676 : f32 to vector<200x128xf32>
    %broadcast_in_dim3A_2679 = vector.broadcast %jit3A_2677 : f32 to vector<200x128xf32>
    %select_n3A_2680 = arith.select %or3A_2675, %broadcast_in_dim3A_2678, %broadcast_in_dim3A_2679 : vector<200x128xi1>, vector<200x128xf32>
    %add3A_2681 = arith.addf %add3A_2665, %select_n3A_2680 : vector<200x128xf32>
    %slice3A_2682 = vector.extract_strided_slice %transpose3A {offsets = [168, 0], sizes = [1, 128], strides = [1, 1]} : vector<200x128xf32> to vector<1x128xf32>
    %broadcast_in_dim3A_2683 = vector.shape_cast %slice3A_2682 : vector<1x128xf32> to vector<1x128xf32>
    %broadcast_in_dim3A_2684 = vector.broadcast %broadcast_in_dim3A_2683 : vector<1x128xf32> to vector<200x128xf32>
    %lt3A_2685 = arith.cmpf olt, %broadcast_in_dim3A_2684, %transpose3A : vector<200x128xf32>
    %eq3A_2686 = arith.cmpf oeq, %broadcast_in_dim3A_2684, %transpose3A : vector<200x128xf32>
    %gt3A_2687 = arith.constant 168 : i32
    %gt3A_2688 = vector.broadcast %gt3A_2687 : i32 to vector<200x128xi32>
    %gt3A_2689 = arith.cmpi sgt, %iota3A, %gt3A_2688 : vector<200x128xi32>
    %and3A_2690 = arith.andi %eq3A_2686, %gt3A_2689 : vector<200x128xi1>
    %or3A_2691 = arith.ori %lt3A_2685, %and3A_2690 : vector<200x128xi1>
    %jit3A_2692 = arith.constant 1.000000e+00 : f32
    %jit3A_2693 = arith.constant 0.000000e+00 : f32
    %broadcast_in_dim3A_2694 = vector.broadcast %jit3A_2692 : f32 to vector<200x128xf32>
    %broadcast_in_dim3A_2695 = vector.broadcast %jit3A_2693 : f32 to vector<200x128xf32>
    %select_n3A_2696 = arith.select %or3A_2691, %broadcast_in_dim3A_2694, %broadcast_in_dim3A_2695 : vector<200x128xi1>, vector<200x128xf32>
    %add3A_2697 = arith.addf %add3A_2681, %select_n3A_2696 : vector<200x128xf32>
    %slice3A_2698 = vector.extract_strided_slice %transpose3A {offsets = [169, 0], sizes = [1, 128], strides = [1, 1]} : vector<200x128xf32> to vector<1x128xf32>
    %broadcast_in_dim3A_2699 = vector.shape_cast %slice3A_2698 : vector<1x128xf32> to vector<1x128xf32>
    %broadcast_in_dim3A_2700 = vector.broadcast %broadcast_in_dim3A_2699 : vector<1x128xf32> to vector<200x128xf32>
    %lt3A_2701 = arith.cmpf olt, %broadcast_in_dim3A_2700, %transpose3A : vector<200x128xf32>
    %eq3A_2702 = arith.cmpf oeq, %broadcast_in_dim3A_2700, %transpose3A : vector<200x128xf32>
    %gt3A_2703 = arith.constant 169 : i32
    %gt3A_2704 = vector.broadcast %gt3A_2703 : i32 to vector<200x128xi32>
    %gt3A_2705 = arith.cmpi sgt, %iota3A, %gt3A_2704 : vector<200x128xi32>
    %and3A_2706 = arith.andi %eq3A_2702, %gt3A_2705 : vector<200x128xi1>
    %or3A_2707 = arith.ori %lt3A_2701, %and3A_2706 : vector<200x128xi1>
    %jit3A_2708 = arith.constant 1.000000e+00 : f32
    %jit3A_2709 = arith.constant 0.000000e+00 : f32
    %broadcast_in_dim3A_2710 = vector.broadcast %jit3A_2708 : f32 to vector<200x128xf32>
    %broadcast_in_dim3A_2711 = vector.broadcast %jit3A_2709 : f32 to vector<200x128xf32>
    %select_n3A_2712 = arith.select %or3A_2707, %broadcast_in_dim3A_2710, %broadcast_in_dim3A_2711 : vector<200x128xi1>, vector<200x128xf32>
    %add3A_2713 = arith.addf %add3A_2697, %select_n3A_2712 : vector<200x128xf32>
    %slice3A_2714 = vector.extract_strided_slice %transpose3A {offsets = [170, 0], sizes = [1, 128], strides = [1, 1]} : vector<200x128xf32> to vector<1x128xf32>
    %broadcast_in_dim3A_2715 = vector.shape_cast %slice3A_2714 : vector<1x128xf32> to vector<1x128xf32>
    %broadcast_in_dim3A_2716 = vector.broadcast %broadcast_in_dim3A_2715 : vector<1x128xf32> to vector<200x128xf32>
    %lt3A_2717 = arith.cmpf olt, %broadcast_in_dim3A_2716, %transpose3A : vector<200x128xf32>
    %eq3A_2718 = arith.cmpf oeq, %broadcast_in_dim3A_2716, %transpose3A : vector<200x128xf32>
    %gt3A_2719 = arith.constant 170 : i32
    %gt3A_2720 = vector.broadcast %gt3A_2719 : i32 to vector<200x128xi32>
    %gt3A_2721 = arith.cmpi sgt, %iota3A, %gt3A_2720 : vector<200x128xi32>
    %and3A_2722 = arith.andi %eq3A_2718, %gt3A_2721 : vector<200x128xi1>
    %or3A_2723 = arith.ori %lt3A_2717, %and3A_2722 : vector<200x128xi1>
    %jit3A_2724 = arith.constant 1.000000e+00 : f32
    %jit3A_2725 = arith.constant 0.000000e+00 : f32
    %broadcast_in_dim3A_2726 = vector.broadcast %jit3A_2724 : f32 to vector<200x128xf32>
    %broadcast_in_dim3A_2727 = vector.broadcast %jit3A_2725 : f32 to vector<200x128xf32>
    %select_n3A_2728 = arith.select %or3A_2723, %broadcast_in_dim3A_2726, %broadcast_in_dim3A_2727 : vector<200x128xi1>, vector<200x128xf32>
    %add3A_2729 = arith.addf %add3A_2713, %select_n3A_2728 : vector<200x128xf32>
    %slice3A_2730 = vector.extract_strided_slice %transpose3A {offsets = [171, 0], sizes = [1, 128], strides = [1, 1]} : vector<200x128xf32> to vector<1x128xf32>
    %broadcast_in_dim3A_2731 = vector.shape_cast %slice3A_2730 : vector<1x128xf32> to vector<1x128xf32>
    %broadcast_in_dim3A_2732 = vector.broadcast %broadcast_in_dim3A_2731 : vector<1x128xf32> to vector<200x128xf32>
    %lt3A_2733 = arith.cmpf olt, %broadcast_in_dim3A_2732, %transpose3A : vector<200x128xf32>
    %eq3A_2734 = arith.cmpf oeq, %broadcast_in_dim3A_2732, %transpose3A : vector<200x128xf32>
    %gt3A_2735 = arith.constant 171 : i32
    %gt3A_2736 = vector.broadcast %gt3A_2735 : i32 to vector<200x128xi32>
    %gt3A_2737 = arith.cmpi sgt, %iota3A, %gt3A_2736 : vector<200x128xi32>
    %and3A_2738 = arith.andi %eq3A_2734, %gt3A_2737 : vector<200x128xi1>
    %or3A_2739 = arith.ori %lt3A_2733, %and3A_2738 : vector<200x128xi1>
    %jit3A_2740 = arith.constant 1.000000e+00 : f32
    %jit3A_2741 = arith.constant 0.000000e+00 : f32
    %broadcast_in_dim3A_2742 = vector.broadcast %jit3A_2740 : f32 to vector<200x128xf32>
    %broadcast_in_dim3A_2743 = vector.broadcast %jit3A_2741 : f32 to vector<200x128xf32>
    %select_n3A_2744 = arith.select %or3A_2739, %broadcast_in_dim3A_2742, %broadcast_in_dim3A_2743 : vector<200x128xi1>, vector<200x128xf32>
    %add3A_2745 = arith.addf %add3A_2729, %select_n3A_2744 : vector<200x128xf32>
    %slice3A_2746 = vector.extract_strided_slice %transpose3A {offsets = [172, 0], sizes = [1, 128], strides = [1, 1]} : vector<200x128xf32> to vector<1x128xf32>
    %broadcast_in_dim3A_2747 = vector.shape_cast %slice3A_2746 : vector<1x128xf32> to vector<1x128xf32>
    %broadcast_in_dim3A_2748 = vector.broadcast %broadcast_in_dim3A_2747 : vector<1x128xf32> to vector<200x128xf32>
    %lt3A_2749 = arith.cmpf olt, %broadcast_in_dim3A_2748, %transpose3A : vector<200x128xf32>
    %eq3A_2750 = arith.cmpf oeq, %broadcast_in_dim3A_2748, %transpose3A : vector<200x128xf32>
    %gt3A_2751 = arith.constant 172 : i32
    %gt3A_2752 = vector.broadcast %gt3A_2751 : i32 to vector<200x128xi32>
    %gt3A_2753 = arith.cmpi sgt, %iota3A, %gt3A_2752 : vector<200x128xi32>
    %and3A_2754 = arith.andi %eq3A_2750, %gt3A_2753 : vector<200x128xi1>
    %or3A_2755 = arith.ori %lt3A_2749, %and3A_2754 : vector<200x128xi1>
    %jit3A_2756 = arith.constant 1.000000e+00 : f32
    %jit3A_2757 = arith.constant 0.000000e+00 : f32
    %broadcast_in_dim3A_2758 = vector.broadcast %jit3A_2756 : f32 to vector<200x128xf32>
    %broadcast_in_dim3A_2759 = vector.broadcast %jit3A_2757 : f32 to vector<200x128xf32>
    %select_n3A_2760 = arith.select %or3A_2755, %broadcast_in_dim3A_2758, %broadcast_in_dim3A_2759 : vector<200x128xi1>, vector<200x128xf32>
    %add3A_2761 = arith.addf %add3A_2745, %select_n3A_2760 : vector<200x128xf32>
    %slice3A_2762 = vector.extract_strided_slice %transpose3A {offsets = [173, 0], sizes = [1, 128], strides = [1, 1]} : vector<200x128xf32> to vector<1x128xf32>
    %broadcast_in_dim3A_2763 = vector.shape_cast %slice3A_2762 : vector<1x128xf32> to vector<1x128xf32>
    %broadcast_in_dim3A_2764 = vector.broadcast %broadcast_in_dim3A_2763 : vector<1x128xf32> to vector<200x128xf32>
    %lt3A_2765 = arith.cmpf olt, %broadcast_in_dim3A_2764, %transpose3A : vector<200x128xf32>
    %eq3A_2766 = arith.cmpf oeq, %broadcast_in_dim3A_2764, %transpose3A : vector<200x128xf32>
    %gt3A_2767 = arith.constant 173 : i32
    %gt3A_2768 = vector.broadcast %gt3A_2767 : i32 to vector<200x128xi32>
    %gt3A_2769 = arith.cmpi sgt, %iota3A, %gt3A_2768 : vector<200x128xi32>
    %and3A_2770 = arith.andi %eq3A_2766, %gt3A_2769 : vector<200x128xi1>
    %or3A_2771 = arith.ori %lt3A_2765, %and3A_2770 : vector<200x128xi1>
    %jit3A_2772 = arith.constant 1.000000e+00 : f32
    %jit3A_2773 = arith.constant 0.000000e+00 : f32
    %broadcast_in_dim3A_2774 = vector.broadcast %jit3A_2772 : f32 to vector<200x128xf32>
    %broadcast_in_dim3A_2775 = vector.broadcast %jit3A_2773 : f32 to vector<200x128xf32>
    %select_n3A_2776 = arith.select %or3A_2771, %broadcast_in_dim3A_2774, %broadcast_in_dim3A_2775 : vector<200x128xi1>, vector<200x128xf32>
    %add3A_2777 = arith.addf %add3A_2761, %select_n3A_2776 : vector<200x128xf32>
    %slice3A_2778 = vector.extract_strided_slice %transpose3A {offsets = [174, 0], sizes = [1, 128], strides = [1, 1]} : vector<200x128xf32> to vector<1x128xf32>
    %broadcast_in_dim3A_2779 = vector.shape_cast %slice3A_2778 : vector<1x128xf32> to vector<1x128xf32>
    %broadcast_in_dim3A_2780 = vector.broadcast %broadcast_in_dim3A_2779 : vector<1x128xf32> to vector<200x128xf32>
    %lt3A_2781 = arith.cmpf olt, %broadcast_in_dim3A_2780, %transpose3A : vector<200x128xf32>
    %eq3A_2782 = arith.cmpf oeq, %broadcast_in_dim3A_2780, %transpose3A : vector<200x128xf32>
    %gt3A_2783 = arith.constant 174 : i32
    %gt3A_2784 = vector.broadcast %gt3A_2783 : i32 to vector<200x128xi32>
    %gt3A_2785 = arith.cmpi sgt, %iota3A, %gt3A_2784 : vector<200x128xi32>
    %and3A_2786 = arith.andi %eq3A_2782, %gt3A_2785 : vector<200x128xi1>
    %or3A_2787 = arith.ori %lt3A_2781, %and3A_2786 : vector<200x128xi1>
    %jit3A_2788 = arith.constant 1.000000e+00 : f32
    %jit3A_2789 = arith.constant 0.000000e+00 : f32
    %broadcast_in_dim3A_2790 = vector.broadcast %jit3A_2788 : f32 to vector<200x128xf32>
    %broadcast_in_dim3A_2791 = vector.broadcast %jit3A_2789 : f32 to vector<200x128xf32>
    %select_n3A_2792 = arith.select %or3A_2787, %broadcast_in_dim3A_2790, %broadcast_in_dim3A_2791 : vector<200x128xi1>, vector<200x128xf32>
    %add3A_2793 = arith.addf %add3A_2777, %select_n3A_2792 : vector<200x128xf32>
    %slice3A_2794 = vector.extract_strided_slice %transpose3A {offsets = [175, 0], sizes = [1, 128], strides = [1, 1]} : vector<200x128xf32> to vector<1x128xf32>
    %broadcast_in_dim3A_2795 = vector.shape_cast %slice3A_2794 : vector<1x128xf32> to vector<1x128xf32>
    %broadcast_in_dim3A_2796 = vector.broadcast %broadcast_in_dim3A_2795 : vector<1x128xf32> to vector<200x128xf32>
    %lt3A_2797 = arith.cmpf olt, %broadcast_in_dim3A_2796, %transpose3A : vector<200x128xf32>
    %eq3A_2798 = arith.cmpf oeq, %broadcast_in_dim3A_2796, %transpose3A : vector<200x128xf32>
    %gt3A_2799 = arith.constant 175 : i32
    %gt3A_2800 = vector.broadcast %gt3A_2799 : i32 to vector<200x128xi32>
    %gt3A_2801 = arith.cmpi sgt, %iota3A, %gt3A_2800 : vector<200x128xi32>
    %and3A_2802 = arith.andi %eq3A_2798, %gt3A_2801 : vector<200x128xi1>
    %or3A_2803 = arith.ori %lt3A_2797, %and3A_2802 : vector<200x128xi1>
    %jit3A_2804 = arith.constant 1.000000e+00 : f32
    %jit3A_2805 = arith.constant 0.000000e+00 : f32
    %broadcast_in_dim3A_2806 = vector.broadcast %jit3A_2804 : f32 to vector<200x128xf32>
    %broadcast_in_dim3A_2807 = vector.broadcast %jit3A_2805 : f32 to vector<200x128xf32>
    %select_n3A_2808 = arith.select %or3A_2803, %broadcast_in_dim3A_2806, %broadcast_in_dim3A_2807 : vector<200x128xi1>, vector<200x128xf32>
    %add3A_2809 = arith.addf %add3A_2793, %select_n3A_2808 : vector<200x128xf32>
    %slice3A_2810 = vector.extract_strided_slice %transpose3A {offsets = [176, 0], sizes = [1, 128], strides = [1, 1]} : vector<200x128xf32> to vector<1x128xf32>
    %broadcast_in_dim3A_2811 = vector.shape_cast %slice3A_2810 : vector<1x128xf32> to vector<1x128xf32>
    %broadcast_in_dim3A_2812 = vector.broadcast %broadcast_in_dim3A_2811 : vector<1x128xf32> to vector<200x128xf32>
    %lt3A_2813 = arith.cmpf olt, %broadcast_in_dim3A_2812, %transpose3A : vector<200x128xf32>
    %eq3A_2814 = arith.cmpf oeq, %broadcast_in_dim3A_2812, %transpose3A : vector<200x128xf32>
    %gt3A_2815 = arith.constant 176 : i32
    %gt3A_2816 = vector.broadcast %gt3A_2815 : i32 to vector<200x128xi32>
    %gt3A_2817 = arith.cmpi sgt, %iota3A, %gt3A_2816 : vector<200x128xi32>
    %and3A_2818 = arith.andi %eq3A_2814, %gt3A_2817 : vector<200x128xi1>
    %or3A_2819 = arith.ori %lt3A_2813, %and3A_2818 : vector<200x128xi1>
    %jit3A_2820 = arith.constant 1.000000e+00 : f32
    %jit3A_2821 = arith.constant 0.000000e+00 : f32
    %broadcast_in_dim3A_2822 = vector.broadcast %jit3A_2820 : f32 to vector<200x128xf32>
    %broadcast_in_dim3A_2823 = vector.broadcast %jit3A_2821 : f32 to vector<200x128xf32>
    %select_n3A_2824 = arith.select %or3A_2819, %broadcast_in_dim3A_2822, %broadcast_in_dim3A_2823 : vector<200x128xi1>, vector<200x128xf32>
    %add3A_2825 = arith.addf %add3A_2809, %select_n3A_2824 : vector<200x128xf32>
    %slice3A_2826 = vector.extract_strided_slice %transpose3A {offsets = [177, 0], sizes = [1, 128], strides = [1, 1]} : vector<200x128xf32> to vector<1x128xf32>
    %broadcast_in_dim3A_2827 = vector.shape_cast %slice3A_2826 : vector<1x128xf32> to vector<1x128xf32>
    %broadcast_in_dim3A_2828 = vector.broadcast %broadcast_in_dim3A_2827 : vector<1x128xf32> to vector<200x128xf32>
    %lt3A_2829 = arith.cmpf olt, %broadcast_in_dim3A_2828, %transpose3A : vector<200x128xf32>
    %eq3A_2830 = arith.cmpf oeq, %broadcast_in_dim3A_2828, %transpose3A : vector<200x128xf32>
    %gt3A_2831 = arith.constant 177 : i32
    %gt3A_2832 = vector.broadcast %gt3A_2831 : i32 to vector<200x128xi32>
    %gt3A_2833 = arith.cmpi sgt, %iota3A, %gt3A_2832 : vector<200x128xi32>
    %and3A_2834 = arith.andi %eq3A_2830, %gt3A_2833 : vector<200x128xi1>
    %or3A_2835 = arith.ori %lt3A_2829, %and3A_2834 : vector<200x128xi1>
    %jit3A_2836 = arith.constant 1.000000e+00 : f32
    %jit3A_2837 = arith.constant 0.000000e+00 : f32
    %broadcast_in_dim3A_2838 = vector.broadcast %jit3A_2836 : f32 to vector<200x128xf32>
    %broadcast_in_dim3A_2839 = vector.broadcast %jit3A_2837 : f32 to vector<200x128xf32>
    %select_n3A_2840 = arith.select %or3A_2835, %broadcast_in_dim3A_2838, %broadcast_in_dim3A_2839 : vector<200x128xi1>, vector<200x128xf32>
    %add3A_2841 = arith.addf %add3A_2825, %select_n3A_2840 : vector<200x128xf32>
    %slice3A_2842 = vector.extract_strided_slice %transpose3A {offsets = [178, 0], sizes = [1, 128], strides = [1, 1]} : vector<200x128xf32> to vector<1x128xf32>
    %broadcast_in_dim3A_2843 = vector.shape_cast %slice3A_2842 : vector<1x128xf32> to vector<1x128xf32>
    %broadcast_in_dim3A_2844 = vector.broadcast %broadcast_in_dim3A_2843 : vector<1x128xf32> to vector<200x128xf32>
    %lt3A_2845 = arith.cmpf olt, %broadcast_in_dim3A_2844, %transpose3A : vector<200x128xf32>
    %eq3A_2846 = arith.cmpf oeq, %broadcast_in_dim3A_2844, %transpose3A : vector<200x128xf32>
    %gt3A_2847 = arith.constant 178 : i32
    %gt3A_2848 = vector.broadcast %gt3A_2847 : i32 to vector<200x128xi32>
    %gt3A_2849 = arith.cmpi sgt, %iota3A, %gt3A_2848 : vector<200x128xi32>
    %and3A_2850 = arith.andi %eq3A_2846, %gt3A_2849 : vector<200x128xi1>
    %or3A_2851 = arith.ori %lt3A_2845, %and3A_2850 : vector<200x128xi1>
    %jit3A_2852 = arith.constant 1.000000e+00 : f32
    %jit3A_2853 = arith.constant 0.000000e+00 : f32
    %broadcast_in_dim3A_2854 = vector.broadcast %jit3A_2852 : f32 to vector<200x128xf32>
    %broadcast_in_dim3A_2855 = vector.broadcast %jit3A_2853 : f32 to vector<200x128xf32>
    %select_n3A_2856 = arith.select %or3A_2851, %broadcast_in_dim3A_2854, %broadcast_in_dim3A_2855 : vector<200x128xi1>, vector<200x128xf32>
    %add3A_2857 = arith.addf %add3A_2841, %select_n3A_2856 : vector<200x128xf32>
    %slice3A_2858 = vector.extract_strided_slice %transpose3A {offsets = [179, 0], sizes = [1, 128], strides = [1, 1]} : vector<200x128xf32> to vector<1x128xf32>
    %broadcast_in_dim3A_2859 = vector.shape_cast %slice3A_2858 : vector<1x128xf32> to vector<1x128xf32>
    %broadcast_in_dim3A_2860 = vector.broadcast %broadcast_in_dim3A_2859 : vector<1x128xf32> to vector<200x128xf32>
    %lt3A_2861 = arith.cmpf olt, %broadcast_in_dim3A_2860, %transpose3A : vector<200x128xf32>
    %eq3A_2862 = arith.cmpf oeq, %broadcast_in_dim3A_2860, %transpose3A : vector<200x128xf32>
    %gt3A_2863 = arith.constant 179 : i32
    %gt3A_2864 = vector.broadcast %gt3A_2863 : i32 to vector<200x128xi32>
    %gt3A_2865 = arith.cmpi sgt, %iota3A, %gt3A_2864 : vector<200x128xi32>
    %and3A_2866 = arith.andi %eq3A_2862, %gt3A_2865 : vector<200x128xi1>
    %or3A_2867 = arith.ori %lt3A_2861, %and3A_2866 : vector<200x128xi1>
    %jit3A_2868 = arith.constant 1.000000e+00 : f32
    %jit3A_2869 = arith.constant 0.000000e+00 : f32
    %broadcast_in_dim3A_2870 = vector.broadcast %jit3A_2868 : f32 to vector<200x128xf32>
    %broadcast_in_dim3A_2871 = vector.broadcast %jit3A_2869 : f32 to vector<200x128xf32>
    %select_n3A_2872 = arith.select %or3A_2867, %broadcast_in_dim3A_2870, %broadcast_in_dim3A_2871 : vector<200x128xi1>, vector<200x128xf32>
    %add3A_2873 = arith.addf %add3A_2857, %select_n3A_2872 : vector<200x128xf32>
    %slice3A_2874 = vector.extract_strided_slice %transpose3A {offsets = [180, 0], sizes = [1, 128], strides = [1, 1]} : vector<200x128xf32> to vector<1x128xf32>
    %broadcast_in_dim3A_2875 = vector.shape_cast %slice3A_2874 : vector<1x128xf32> to vector<1x128xf32>
    %broadcast_in_dim3A_2876 = vector.broadcast %broadcast_in_dim3A_2875 : vector<1x128xf32> to vector<200x128xf32>
    %lt3A_2877 = arith.cmpf olt, %broadcast_in_dim3A_2876, %transpose3A : vector<200x128xf32>
    %eq3A_2878 = arith.cmpf oeq, %broadcast_in_dim3A_2876, %transpose3A : vector<200x128xf32>
    %gt3A_2879 = arith.constant 180 : i32
    %gt3A_2880 = vector.broadcast %gt3A_2879 : i32 to vector<200x128xi32>
    %gt3A_2881 = arith.cmpi sgt, %iota3A, %gt3A_2880 : vector<200x128xi32>
    %and3A_2882 = arith.andi %eq3A_2878, %gt3A_2881 : vector<200x128xi1>
    %or3A_2883 = arith.ori %lt3A_2877, %and3A_2882 : vector<200x128xi1>
    %jit3A_2884 = arith.constant 1.000000e+00 : f32
    %jit3A_2885 = arith.constant 0.000000e+00 : f32
    %broadcast_in_dim3A_2886 = vector.broadcast %jit3A_2884 : f32 to vector<200x128xf32>
    %broadcast_in_dim3A_2887 = vector.broadcast %jit3A_2885 : f32 to vector<200x128xf32>
    %select_n3A_2888 = arith.select %or3A_2883, %broadcast_in_dim3A_2886, %broadcast_in_dim3A_2887 : vector<200x128xi1>, vector<200x128xf32>
    %add3A_2889 = arith.addf %add3A_2873, %select_n3A_2888 : vector<200x128xf32>
    %slice3A_2890 = vector.extract_strided_slice %transpose3A {offsets = [181, 0], sizes = [1, 128], strides = [1, 1]} : vector<200x128xf32> to vector<1x128xf32>
    %broadcast_in_dim3A_2891 = vector.shape_cast %slice3A_2890 : vector<1x128xf32> to vector<1x128xf32>
    %broadcast_in_dim3A_2892 = vector.broadcast %broadcast_in_dim3A_2891 : vector<1x128xf32> to vector<200x128xf32>
    %lt3A_2893 = arith.cmpf olt, %broadcast_in_dim3A_2892, %transpose3A : vector<200x128xf32>
    %eq3A_2894 = arith.cmpf oeq, %broadcast_in_dim3A_2892, %transpose3A : vector<200x128xf32>
    %gt3A_2895 = arith.constant 181 : i32
    %gt3A_2896 = vector.broadcast %gt3A_2895 : i32 to vector<200x128xi32>
    %gt3A_2897 = arith.cmpi sgt, %iota3A, %gt3A_2896 : vector<200x128xi32>
    %and3A_2898 = arith.andi %eq3A_2894, %gt3A_2897 : vector<200x128xi1>
    %or3A_2899 = arith.ori %lt3A_2893, %and3A_2898 : vector<200x128xi1>
    %jit3A_2900 = arith.constant 1.000000e+00 : f32
    %jit3A_2901 = arith.constant 0.000000e+00 : f32
    %broadcast_in_dim3A_2902 = vector.broadcast %jit3A_2900 : f32 to vector<200x128xf32>
    %broadcast_in_dim3A_2903 = vector.broadcast %jit3A_2901 : f32 to vector<200x128xf32>
    %select_n3A_2904 = arith.select %or3A_2899, %broadcast_in_dim3A_2902, %broadcast_in_dim3A_2903 : vector<200x128xi1>, vector<200x128xf32>
    %add3A_2905 = arith.addf %add3A_2889, %select_n3A_2904 : vector<200x128xf32>
    %slice3A_2906 = vector.extract_strided_slice %transpose3A {offsets = [182, 0], sizes = [1, 128], strides = [1, 1]} : vector<200x128xf32> to vector<1x128xf32>
    %broadcast_in_dim3A_2907 = vector.shape_cast %slice3A_2906 : vector<1x128xf32> to vector<1x128xf32>
    %broadcast_in_dim3A_2908 = vector.broadcast %broadcast_in_dim3A_2907 : vector<1x128xf32> to vector<200x128xf32>
    %lt3A_2909 = arith.cmpf olt, %broadcast_in_dim3A_2908, %transpose3A : vector<200x128xf32>
    %eq3A_2910 = arith.cmpf oeq, %broadcast_in_dim3A_2908, %transpose3A : vector<200x128xf32>
    %gt3A_2911 = arith.constant 182 : i32
    %gt3A_2912 = vector.broadcast %gt3A_2911 : i32 to vector<200x128xi32>
    %gt3A_2913 = arith.cmpi sgt, %iota3A, %gt3A_2912 : vector<200x128xi32>
    %and3A_2914 = arith.andi %eq3A_2910, %gt3A_2913 : vector<200x128xi1>
    %or3A_2915 = arith.ori %lt3A_2909, %and3A_2914 : vector<200x128xi1>
    %jit3A_2916 = arith.constant 1.000000e+00 : f32
    %jit3A_2917 = arith.constant 0.000000e+00 : f32
    %broadcast_in_dim3A_2918 = vector.broadcast %jit3A_2916 : f32 to vector<200x128xf32>
    %broadcast_in_dim3A_2919 = vector.broadcast %jit3A_2917 : f32 to vector<200x128xf32>
    %select_n3A_2920 = arith.select %or3A_2915, %broadcast_in_dim3A_2918, %broadcast_in_dim3A_2919 : vector<200x128xi1>, vector<200x128xf32>
    %add3A_2921 = arith.addf %add3A_2905, %select_n3A_2920 : vector<200x128xf32>
    %slice3A_2922 = vector.extract_strided_slice %transpose3A {offsets = [183, 0], sizes = [1, 128], strides = [1, 1]} : vector<200x128xf32> to vector<1x128xf32>
    %broadcast_in_dim3A_2923 = vector.shape_cast %slice3A_2922 : vector<1x128xf32> to vector<1x128xf32>
    %broadcast_in_dim3A_2924 = vector.broadcast %broadcast_in_dim3A_2923 : vector<1x128xf32> to vector<200x128xf32>
    %lt3A_2925 = arith.cmpf olt, %broadcast_in_dim3A_2924, %transpose3A : vector<200x128xf32>
    %eq3A_2926 = arith.cmpf oeq, %broadcast_in_dim3A_2924, %transpose3A : vector<200x128xf32>
    %gt3A_2927 = arith.constant 183 : i32
    %gt3A_2928 = vector.broadcast %gt3A_2927 : i32 to vector<200x128xi32>
    %gt3A_2929 = arith.cmpi sgt, %iota3A, %gt3A_2928 : vector<200x128xi32>
    %and3A_2930 = arith.andi %eq3A_2926, %gt3A_2929 : vector<200x128xi1>
    %or3A_2931 = arith.ori %lt3A_2925, %and3A_2930 : vector<200x128xi1>
    %jit3A_2932 = arith.constant 1.000000e+00 : f32
    %jit3A_2933 = arith.constant 0.000000e+00 : f32
    %broadcast_in_dim3A_2934 = vector.broadcast %jit3A_2932 : f32 to vector<200x128xf32>
    %broadcast_in_dim3A_2935 = vector.broadcast %jit3A_2933 : f32 to vector<200x128xf32>
    %select_n3A_2936 = arith.select %or3A_2931, %broadcast_in_dim3A_2934, %broadcast_in_dim3A_2935 : vector<200x128xi1>, vector<200x128xf32>
    %add3A_2937 = arith.addf %add3A_2921, %select_n3A_2936 : vector<200x128xf32>
    %slice3A_2938 = vector.extract_strided_slice %transpose3A {offsets = [184, 0], sizes = [1, 128], strides = [1, 1]} : vector<200x128xf32> to vector<1x128xf32>
    %broadcast_in_dim3A_2939 = vector.shape_cast %slice3A_2938 : vector<1x128xf32> to vector<1x128xf32>
    %broadcast_in_dim3A_2940 = vector.broadcast %broadcast_in_dim3A_2939 : vector<1x128xf32> to vector<200x128xf32>
    %lt3A_2941 = arith.cmpf olt, %broadcast_in_dim3A_2940, %transpose3A : vector<200x128xf32>
    %eq3A_2942 = arith.cmpf oeq, %broadcast_in_dim3A_2940, %transpose3A : vector<200x128xf32>
    %gt3A_2943 = arith.constant 184 : i32
    %gt3A_2944 = vector.broadcast %gt3A_2943 : i32 to vector<200x128xi32>
    %gt3A_2945 = arith.cmpi sgt, %iota3A, %gt3A_2944 : vector<200x128xi32>
    %and3A_2946 = arith.andi %eq3A_2942, %gt3A_2945 : vector<200x128xi1>
    %or3A_2947 = arith.ori %lt3A_2941, %and3A_2946 : vector<200x128xi1>
    %jit3A_2948 = arith.constant 1.000000e+00 : f32
    %jit3A_2949 = arith.constant 0.000000e+00 : f32
    %broadcast_in_dim3A_2950 = vector.broadcast %jit3A_2948 : f32 to vector<200x128xf32>
    %broadcast_in_dim3A_2951 = vector.broadcast %jit3A_2949 : f32 to vector<200x128xf32>
    %select_n3A_2952 = arith.select %or3A_2947, %broadcast_in_dim3A_2950, %broadcast_in_dim3A_2951 : vector<200x128xi1>, vector<200x128xf32>
    %add3A_2953 = arith.addf %add3A_2937, %select_n3A_2952 : vector<200x128xf32>
    %slice3A_2954 = vector.extract_strided_slice %transpose3A {offsets = [185, 0], sizes = [1, 128], strides = [1, 1]} : vector<200x128xf32> to vector<1x128xf32>
    %broadcast_in_dim3A_2955 = vector.shape_cast %slice3A_2954 : vector<1x128xf32> to vector<1x128xf32>
    %broadcast_in_dim3A_2956 = vector.broadcast %broadcast_in_dim3A_2955 : vector<1x128xf32> to vector<200x128xf32>
    %lt3A_2957 = arith.cmpf olt, %broadcast_in_dim3A_2956, %transpose3A : vector<200x128xf32>
    %eq3A_2958 = arith.cmpf oeq, %broadcast_in_dim3A_2956, %transpose3A : vector<200x128xf32>
    %gt3A_2959 = arith.constant 185 : i32
    %gt3A_2960 = vector.broadcast %gt3A_2959 : i32 to vector<200x128xi32>
    %gt3A_2961 = arith.cmpi sgt, %iota3A, %gt3A_2960 : vector<200x128xi32>
    %and3A_2962 = arith.andi %eq3A_2958, %gt3A_2961 : vector<200x128xi1>
    %or3A_2963 = arith.ori %lt3A_2957, %and3A_2962 : vector<200x128xi1>
    %jit3A_2964 = arith.constant 1.000000e+00 : f32
    %jit3A_2965 = arith.constant 0.000000e+00 : f32
    %broadcast_in_dim3A_2966 = vector.broadcast %jit3A_2964 : f32 to vector<200x128xf32>
    %broadcast_in_dim3A_2967 = vector.broadcast %jit3A_2965 : f32 to vector<200x128xf32>
    %select_n3A_2968 = arith.select %or3A_2963, %broadcast_in_dim3A_2966, %broadcast_in_dim3A_2967 : vector<200x128xi1>, vector<200x128xf32>
    %add3A_2969 = arith.addf %add3A_2953, %select_n3A_2968 : vector<200x128xf32>
    %slice3A_2970 = vector.extract_strided_slice %transpose3A {offsets = [186, 0], sizes = [1, 128], strides = [1, 1]} : vector<200x128xf32> to vector<1x128xf32>
    %broadcast_in_dim3A_2971 = vector.shape_cast %slice3A_2970 : vector<1x128xf32> to vector<1x128xf32>
    %broadcast_in_dim3A_2972 = vector.broadcast %broadcast_in_dim3A_2971 : vector<1x128xf32> to vector<200x128xf32>
    %lt3A_2973 = arith.cmpf olt, %broadcast_in_dim3A_2972, %transpose3A : vector<200x128xf32>
    %eq3A_2974 = arith.cmpf oeq, %broadcast_in_dim3A_2972, %transpose3A : vector<200x128xf32>
    %gt3A_2975 = arith.constant 186 : i32
    %gt3A_2976 = vector.broadcast %gt3A_2975 : i32 to vector<200x128xi32>
    %gt3A_2977 = arith.cmpi sgt, %iota3A, %gt3A_2976 : vector<200x128xi32>
    %and3A_2978 = arith.andi %eq3A_2974, %gt3A_2977 : vector<200x128xi1>
    %or3A_2979 = arith.ori %lt3A_2973, %and3A_2978 : vector<200x128xi1>
    %jit3A_2980 = arith.constant 1.000000e+00 : f32
    %jit3A_2981 = arith.constant 0.000000e+00 : f32
    %broadcast_in_dim3A_2982 = vector.broadcast %jit3A_2980 : f32 to vector<200x128xf32>
    %broadcast_in_dim3A_2983 = vector.broadcast %jit3A_2981 : f32 to vector<200x128xf32>
    %select_n3A_2984 = arith.select %or3A_2979, %broadcast_in_dim3A_2982, %broadcast_in_dim3A_2983 : vector<200x128xi1>, vector<200x128xf32>
    %add3A_2985 = arith.addf %add3A_2969, %select_n3A_2984 : vector<200x128xf32>
    %slice3A_2986 = vector.extract_strided_slice %transpose3A {offsets = [187, 0], sizes = [1, 128], strides = [1, 1]} : vector<200x128xf32> to vector<1x128xf32>
    %broadcast_in_dim3A_2987 = vector.shape_cast %slice3A_2986 : vector<1x128xf32> to vector<1x128xf32>
    %broadcast_in_dim3A_2988 = vector.broadcast %broadcast_in_dim3A_2987 : vector<1x128xf32> to vector<200x128xf32>
    %lt3A_2989 = arith.cmpf olt, %broadcast_in_dim3A_2988, %transpose3A : vector<200x128xf32>
    %eq3A_2990 = arith.cmpf oeq, %broadcast_in_dim3A_2988, %transpose3A : vector<200x128xf32>
    %gt3A_2991 = arith.constant 187 : i32
    %gt3A_2992 = vector.broadcast %gt3A_2991 : i32 to vector<200x128xi32>
    %gt3A_2993 = arith.cmpi sgt, %iota3A, %gt3A_2992 : vector<200x128xi32>
    %and3A_2994 = arith.andi %eq3A_2990, %gt3A_2993 : vector<200x128xi1>
    %or3A_2995 = arith.ori %lt3A_2989, %and3A_2994 : vector<200x128xi1>
    %jit3A_2996 = arith.constant 1.000000e+00 : f32
    %jit3A_2997 = arith.constant 0.000000e+00 : f32
    %broadcast_in_dim3A_2998 = vector.broadcast %jit3A_2996 : f32 to vector<200x128xf32>
    %broadcast_in_dim3A_2999 = vector.broadcast %jit3A_2997 : f32 to vector<200x128xf32>
    %select_n3A_3000 = arith.select %or3A_2995, %broadcast_in_dim3A_2998, %broadcast_in_dim3A_2999 : vector<200x128xi1>, vector<200x128xf32>
    %add3A_3001 = arith.addf %add3A_2985, %select_n3A_3000 : vector<200x128xf32>
    %slice3A_3002 = vector.extract_strided_slice %transpose3A {offsets = [188, 0], sizes = [1, 128], strides = [1, 1]} : vector<200x128xf32> to vector<1x128xf32>
    %broadcast_in_dim3A_3003 = vector.shape_cast %slice3A_3002 : vector<1x128xf32> to vector<1x128xf32>
    %broadcast_in_dim3A_3004 = vector.broadcast %broadcast_in_dim3A_3003 : vector<1x128xf32> to vector<200x128xf32>
    %lt3A_3005 = arith.cmpf olt, %broadcast_in_dim3A_3004, %transpose3A : vector<200x128xf32>
    %eq3A_3006 = arith.cmpf oeq, %broadcast_in_dim3A_3004, %transpose3A : vector<200x128xf32>
    %gt3A_3007 = arith.constant 188 : i32
    %gt3A_3008 = vector.broadcast %gt3A_3007 : i32 to vector<200x128xi32>
    %gt3A_3009 = arith.cmpi sgt, %iota3A, %gt3A_3008 : vector<200x128xi32>
    %and3A_3010 = arith.andi %eq3A_3006, %gt3A_3009 : vector<200x128xi1>
    %or3A_3011 = arith.ori %lt3A_3005, %and3A_3010 : vector<200x128xi1>
    %jit3A_3012 = arith.constant 1.000000e+00 : f32
    %jit3A_3013 = arith.constant 0.000000e+00 : f32
    %broadcast_in_dim3A_3014 = vector.broadcast %jit3A_3012 : f32 to vector<200x128xf32>
    %broadcast_in_dim3A_3015 = vector.broadcast %jit3A_3013 : f32 to vector<200x128xf32>
    %select_n3A_3016 = arith.select %or3A_3011, %broadcast_in_dim3A_3014, %broadcast_in_dim3A_3015 : vector<200x128xi1>, vector<200x128xf32>
    %add3A_3017 = arith.addf %add3A_3001, %select_n3A_3016 : vector<200x128xf32>
    %slice3A_3018 = vector.extract_strided_slice %transpose3A {offsets = [189, 0], sizes = [1, 128], strides = [1, 1]} : vector<200x128xf32> to vector<1x128xf32>
    %broadcast_in_dim3A_3019 = vector.shape_cast %slice3A_3018 : vector<1x128xf32> to vector<1x128xf32>
    %broadcast_in_dim3A_3020 = vector.broadcast %broadcast_in_dim3A_3019 : vector<1x128xf32> to vector<200x128xf32>
    %lt3A_3021 = arith.cmpf olt, %broadcast_in_dim3A_3020, %transpose3A : vector<200x128xf32>
    %eq3A_3022 = arith.cmpf oeq, %broadcast_in_dim3A_3020, %transpose3A : vector<200x128xf32>
    %gt3A_3023 = arith.constant 189 : i32
    %gt3A_3024 = vector.broadcast %gt3A_3023 : i32 to vector<200x128xi32>
    %gt3A_3025 = arith.cmpi sgt, %iota3A, %gt3A_3024 : vector<200x128xi32>
    %and3A_3026 = arith.andi %eq3A_3022, %gt3A_3025 : vector<200x128xi1>
    %or3A_3027 = arith.ori %lt3A_3021, %and3A_3026 : vector<200x128xi1>
    %jit3A_3028 = arith.constant 1.000000e+00 : f32
    %jit3A_3029 = arith.constant 0.000000e+00 : f32
    %broadcast_in_dim3A_3030 = vector.broadcast %jit3A_3028 : f32 to vector<200x128xf32>
    %broadcast_in_dim3A_3031 = vector.broadcast %jit3A_3029 : f32 to vector<200x128xf32>
    %select_n3A_3032 = arith.select %or3A_3027, %broadcast_in_dim3A_3030, %broadcast_in_dim3A_3031 : vector<200x128xi1>, vector<200x128xf32>
    %add3A_3033 = arith.addf %add3A_3017, %select_n3A_3032 : vector<200x128xf32>
    %slice3A_3034 = vector.extract_strided_slice %transpose3A {offsets = [190, 0], sizes = [1, 128], strides = [1, 1]} : vector<200x128xf32> to vector<1x128xf32>
    %broadcast_in_dim3A_3035 = vector.shape_cast %slice3A_3034 : vector<1x128xf32> to vector<1x128xf32>
    %broadcast_in_dim3A_3036 = vector.broadcast %broadcast_in_dim3A_3035 : vector<1x128xf32> to vector<200x128xf32>
    %lt3A_3037 = arith.cmpf olt, %broadcast_in_dim3A_3036, %transpose3A : vector<200x128xf32>
    %eq3A_3038 = arith.cmpf oeq, %broadcast_in_dim3A_3036, %transpose3A : vector<200x128xf32>
    %gt3A_3039 = arith.constant 190 : i32
    %gt3A_3040 = vector.broadcast %gt3A_3039 : i32 to vector<200x128xi32>
    %gt3A_3041 = arith.cmpi sgt, %iota3A, %gt3A_3040 : vector<200x128xi32>
    %and3A_3042 = arith.andi %eq3A_3038, %gt3A_3041 : vector<200x128xi1>
    %or3A_3043 = arith.ori %lt3A_3037, %and3A_3042 : vector<200x128xi1>
    %jit3A_3044 = arith.constant 1.000000e+00 : f32
    %jit3A_3045 = arith.constant 0.000000e+00 : f32
    %broadcast_in_dim3A_3046 = vector.broadcast %jit3A_3044 : f32 to vector<200x128xf32>
    %broadcast_in_dim3A_3047 = vector.broadcast %jit3A_3045 : f32 to vector<200x128xf32>
    %select_n3A_3048 = arith.select %or3A_3043, %broadcast_in_dim3A_3046, %broadcast_in_dim3A_3047 : vector<200x128xi1>, vector<200x128xf32>
    %add3A_3049 = arith.addf %add3A_3033, %select_n3A_3048 : vector<200x128xf32>
    %slice3A_3050 = vector.extract_strided_slice %transpose3A {offsets = [191, 0], sizes = [1, 128], strides = [1, 1]} : vector<200x128xf32> to vector<1x128xf32>
    %broadcast_in_dim3A_3051 = vector.shape_cast %slice3A_3050 : vector<1x128xf32> to vector<1x128xf32>
    %broadcast_in_dim3A_3052 = vector.broadcast %broadcast_in_dim3A_3051 : vector<1x128xf32> to vector<200x128xf32>
    %lt3A_3053 = arith.cmpf olt, %broadcast_in_dim3A_3052, %transpose3A : vector<200x128xf32>
    %eq3A_3054 = arith.cmpf oeq, %broadcast_in_dim3A_3052, %transpose3A : vector<200x128xf32>
    %gt3A_3055 = arith.constant 191 : i32
    %gt3A_3056 = vector.broadcast %gt3A_3055 : i32 to vector<200x128xi32>
    %gt3A_3057 = arith.cmpi sgt, %iota3A, %gt3A_3056 : vector<200x128xi32>
    %and3A_3058 = arith.andi %eq3A_3054, %gt3A_3057 : vector<200x128xi1>
    %or3A_3059 = arith.ori %lt3A_3053, %and3A_3058 : vector<200x128xi1>
    %jit3A_3060 = arith.constant 1.000000e+00 : f32
    %jit3A_3061 = arith.constant 0.000000e+00 : f32
    %broadcast_in_dim3A_3062 = vector.broadcast %jit3A_3060 : f32 to vector<200x128xf32>
    %broadcast_in_dim3A_3063 = vector.broadcast %jit3A_3061 : f32 to vector<200x128xf32>
    %select_n3A_3064 = arith.select %or3A_3059, %broadcast_in_dim3A_3062, %broadcast_in_dim3A_3063 : vector<200x128xi1>, vector<200x128xf32>
    %add3A_3065 = arith.addf %add3A_3049, %select_n3A_3064 : vector<200x128xf32>
    %slice3A_3066 = vector.extract_strided_slice %transpose3A {offsets = [192, 0], sizes = [1, 128], strides = [1, 1]} : vector<200x128xf32> to vector<1x128xf32>
    %broadcast_in_dim3A_3067 = vector.shape_cast %slice3A_3066 : vector<1x128xf32> to vector<1x128xf32>
    %broadcast_in_dim3A_3068 = vector.broadcast %broadcast_in_dim3A_3067 : vector<1x128xf32> to vector<200x128xf32>
    %lt3A_3069 = arith.cmpf olt, %broadcast_in_dim3A_3068, %transpose3A : vector<200x128xf32>
    %eq3A_3070 = arith.cmpf oeq, %broadcast_in_dim3A_3068, %transpose3A : vector<200x128xf32>
    %gt3A_3071 = arith.constant 192 : i32
    %gt3A_3072 = vector.broadcast %gt3A_3071 : i32 to vector<200x128xi32>
    %gt3A_3073 = arith.cmpi sgt, %iota3A, %gt3A_3072 : vector<200x128xi32>
    %and3A_3074 = arith.andi %eq3A_3070, %gt3A_3073 : vector<200x128xi1>
    %or3A_3075 = arith.ori %lt3A_3069, %and3A_3074 : vector<200x128xi1>
    %jit3A_3076 = arith.constant 1.000000e+00 : f32
    %jit3A_3077 = arith.constant 0.000000e+00 : f32
    %broadcast_in_dim3A_3078 = vector.broadcast %jit3A_3076 : f32 to vector<200x128xf32>
    %broadcast_in_dim3A_3079 = vector.broadcast %jit3A_3077 : f32 to vector<200x128xf32>
    %select_n3A_3080 = arith.select %or3A_3075, %broadcast_in_dim3A_3078, %broadcast_in_dim3A_3079 : vector<200x128xi1>, vector<200x128xf32>
    %add3A_3081 = arith.addf %add3A_3065, %select_n3A_3080 : vector<200x128xf32>
    %slice3A_3082 = vector.extract_strided_slice %transpose3A {offsets = [193, 0], sizes = [1, 128], strides = [1, 1]} : vector<200x128xf32> to vector<1x128xf32>
    %broadcast_in_dim3A_3083 = vector.shape_cast %slice3A_3082 : vector<1x128xf32> to vector<1x128xf32>
    %broadcast_in_dim3A_3084 = vector.broadcast %broadcast_in_dim3A_3083 : vector<1x128xf32> to vector<200x128xf32>
    %lt3A_3085 = arith.cmpf olt, %broadcast_in_dim3A_3084, %transpose3A : vector<200x128xf32>
    %eq3A_3086 = arith.cmpf oeq, %broadcast_in_dim3A_3084, %transpose3A : vector<200x128xf32>
    %gt3A_3087 = arith.constant 193 : i32
    %gt3A_3088 = vector.broadcast %gt3A_3087 : i32 to vector<200x128xi32>
    %gt3A_3089 = arith.cmpi sgt, %iota3A, %gt3A_3088 : vector<200x128xi32>
    %and3A_3090 = arith.andi %eq3A_3086, %gt3A_3089 : vector<200x128xi1>
    %or3A_3091 = arith.ori %lt3A_3085, %and3A_3090 : vector<200x128xi1>
    %jit3A_3092 = arith.constant 1.000000e+00 : f32
    %jit3A_3093 = arith.constant 0.000000e+00 : f32
    %broadcast_in_dim3A_3094 = vector.broadcast %jit3A_3092 : f32 to vector<200x128xf32>
    %broadcast_in_dim3A_3095 = vector.broadcast %jit3A_3093 : f32 to vector<200x128xf32>
    %select_n3A_3096 = arith.select %or3A_3091, %broadcast_in_dim3A_3094, %broadcast_in_dim3A_3095 : vector<200x128xi1>, vector<200x128xf32>
    %add3A_3097 = arith.addf %add3A_3081, %select_n3A_3096 : vector<200x128xf32>
    %slice3A_3098 = vector.extract_strided_slice %transpose3A {offsets = [194, 0], sizes = [1, 128], strides = [1, 1]} : vector<200x128xf32> to vector<1x128xf32>
    %broadcast_in_dim3A_3099 = vector.shape_cast %slice3A_3098 : vector<1x128xf32> to vector<1x128xf32>
    %broadcast_in_dim3A_3100 = vector.broadcast %broadcast_in_dim3A_3099 : vector<1x128xf32> to vector<200x128xf32>
    %lt3A_3101 = arith.cmpf olt, %broadcast_in_dim3A_3100, %transpose3A : vector<200x128xf32>
    %eq3A_3102 = arith.cmpf oeq, %broadcast_in_dim3A_3100, %transpose3A : vector<200x128xf32>
    %gt3A_3103 = arith.constant 194 : i32
    %gt3A_3104 = vector.broadcast %gt3A_3103 : i32 to vector<200x128xi32>
    %gt3A_3105 = arith.cmpi sgt, %iota3A, %gt3A_3104 : vector<200x128xi32>
    %and3A_3106 = arith.andi %eq3A_3102, %gt3A_3105 : vector<200x128xi1>
    %or3A_3107 = arith.ori %lt3A_3101, %and3A_3106 : vector<200x128xi1>
    %jit3A_3108 = arith.constant 1.000000e+00 : f32
    %jit3A_3109 = arith.constant 0.000000e+00 : f32
    %broadcast_in_dim3A_3110 = vector.broadcast %jit3A_3108 : f32 to vector<200x128xf32>
    %broadcast_in_dim3A_3111 = vector.broadcast %jit3A_3109 : f32 to vector<200x128xf32>
    %select_n3A_3112 = arith.select %or3A_3107, %broadcast_in_dim3A_3110, %broadcast_in_dim3A_3111 : vector<200x128xi1>, vector<200x128xf32>
    %add3A_3113 = arith.addf %add3A_3097, %select_n3A_3112 : vector<200x128xf32>
    %slice3A_3114 = vector.extract_strided_slice %transpose3A {offsets = [195, 0], sizes = [1, 128], strides = [1, 1]} : vector<200x128xf32> to vector<1x128xf32>
    %broadcast_in_dim3A_3115 = vector.shape_cast %slice3A_3114 : vector<1x128xf32> to vector<1x128xf32>
    %broadcast_in_dim3A_3116 = vector.broadcast %broadcast_in_dim3A_3115 : vector<1x128xf32> to vector<200x128xf32>
    %lt3A_3117 = arith.cmpf olt, %broadcast_in_dim3A_3116, %transpose3A : vector<200x128xf32>
    %eq3A_3118 = arith.cmpf oeq, %broadcast_in_dim3A_3116, %transpose3A : vector<200x128xf32>
    %gt3A_3119 = arith.constant 195 : i32
    %gt3A_3120 = vector.broadcast %gt3A_3119 : i32 to vector<200x128xi32>
    %gt3A_3121 = arith.cmpi sgt, %iota3A, %gt3A_3120 : vector<200x128xi32>
    %and3A_3122 = arith.andi %eq3A_3118, %gt3A_3121 : vector<200x128xi1>
    %or3A_3123 = arith.ori %lt3A_3117, %and3A_3122 : vector<200x128xi1>
    %jit3A_3124 = arith.constant 1.000000e+00 : f32
    %jit3A_3125 = arith.constant 0.000000e+00 : f32
    %broadcast_in_dim3A_3126 = vector.broadcast %jit3A_3124 : f32 to vector<200x128xf32>
    %broadcast_in_dim3A_3127 = vector.broadcast %jit3A_3125 : f32 to vector<200x128xf32>
    %select_n3A_3128 = arith.select %or3A_3123, %broadcast_in_dim3A_3126, %broadcast_in_dim3A_3127 : vector<200x128xi1>, vector<200x128xf32>
    %add3A_3129 = arith.addf %add3A_3113, %select_n3A_3128 : vector<200x128xf32>
    %slice3A_3130 = vector.extract_strided_slice %transpose3A {offsets = [196, 0], sizes = [1, 128], strides = [1, 1]} : vector<200x128xf32> to vector<1x128xf32>
    %broadcast_in_dim3A_3131 = vector.shape_cast %slice3A_3130 : vector<1x128xf32> to vector<1x128xf32>
    %broadcast_in_dim3A_3132 = vector.broadcast %broadcast_in_dim3A_3131 : vector<1x128xf32> to vector<200x128xf32>
    %lt3A_3133 = arith.cmpf olt, %broadcast_in_dim3A_3132, %transpose3A : vector<200x128xf32>
    %eq3A_3134 = arith.cmpf oeq, %broadcast_in_dim3A_3132, %transpose3A : vector<200x128xf32>
    %gt3A_3135 = arith.constant 196 : i32
    %gt3A_3136 = vector.broadcast %gt3A_3135 : i32 to vector<200x128xi32>
    %gt3A_3137 = arith.cmpi sgt, %iota3A, %gt3A_3136 : vector<200x128xi32>
    %and3A_3138 = arith.andi %eq3A_3134, %gt3A_3137 : vector<200x128xi1>
    %or3A_3139 = arith.ori %lt3A_3133, %and3A_3138 : vector<200x128xi1>
    %jit3A_3140 = arith.constant 1.000000e+00 : f32
    %jit3A_3141 = arith.constant 0.000000e+00 : f32
    %broadcast_in_dim3A_3142 = vector.broadcast %jit3A_3140 : f32 to vector<200x128xf32>
    %broadcast_in_dim3A_3143 = vector.broadcast %jit3A_3141 : f32 to vector<200x128xf32>
    %select_n3A_3144 = arith.select %or3A_3139, %broadcast_in_dim3A_3142, %broadcast_in_dim3A_3143 : vector<200x128xi1>, vector<200x128xf32>
    %add3A_3145 = arith.addf %add3A_3129, %select_n3A_3144 : vector<200x128xf32>
    %slice3A_3146 = vector.extract_strided_slice %transpose3A {offsets = [197, 0], sizes = [1, 128], strides = [1, 1]} : vector<200x128xf32> to vector<1x128xf32>
    %broadcast_in_dim3A_3147 = vector.shape_cast %slice3A_3146 : vector<1x128xf32> to vector<1x128xf32>
    %broadcast_in_dim3A_3148 = vector.broadcast %broadcast_in_dim3A_3147 : vector<1x128xf32> to vector<200x128xf32>
    %lt3A_3149 = arith.cmpf olt, %broadcast_in_dim3A_3148, %transpose3A : vector<200x128xf32>
    %eq3A_3150 = arith.cmpf oeq, %broadcast_in_dim3A_3148, %transpose3A : vector<200x128xf32>
    %gt3A_3151 = arith.constant 197 : i32
    %gt3A_3152 = vector.broadcast %gt3A_3151 : i32 to vector<200x128xi32>
    %gt3A_3153 = arith.cmpi sgt, %iota3A, %gt3A_3152 : vector<200x128xi32>
    %and3A_3154 = arith.andi %eq3A_3150, %gt3A_3153 : vector<200x128xi1>
    %or3A_3155 = arith.ori %lt3A_3149, %and3A_3154 : vector<200x128xi1>
    %jit3A_3156 = arith.constant 1.000000e+00 : f32
    %jit3A_3157 = arith.constant 0.000000e+00 : f32
    %broadcast_in_dim3A_3158 = vector.broadcast %jit3A_3156 : f32 to vector<200x128xf32>
    %broadcast_in_dim3A_3159 = vector.broadcast %jit3A_3157 : f32 to vector<200x128xf32>
    %select_n3A_3160 = arith.select %or3A_3155, %broadcast_in_dim3A_3158, %broadcast_in_dim3A_3159 : vector<200x128xi1>, vector<200x128xf32>
    %add3A_3161 = arith.addf %add3A_3145, %select_n3A_3160 : vector<200x128xf32>
    %slice3A_3162 = vector.extract_strided_slice %transpose3A {offsets = [198, 0], sizes = [1, 128], strides = [1, 1]} : vector<200x128xf32> to vector<1x128xf32>
    %broadcast_in_dim3A_3163 = vector.shape_cast %slice3A_3162 : vector<1x128xf32> to vector<1x128xf32>
    %broadcast_in_dim3A_3164 = vector.broadcast %broadcast_in_dim3A_3163 : vector<1x128xf32> to vector<200x128xf32>
    %lt3A_3165 = arith.cmpf olt, %broadcast_in_dim3A_3164, %transpose3A : vector<200x128xf32>
    %eq3A_3166 = arith.cmpf oeq, %broadcast_in_dim3A_3164, %transpose3A : vector<200x128xf32>
    %gt3A_3167 = arith.constant 198 : i32
    %gt3A_3168 = vector.broadcast %gt3A_3167 : i32 to vector<200x128xi32>
    %gt3A_3169 = arith.cmpi sgt, %iota3A, %gt3A_3168 : vector<200x128xi32>
    %and3A_3170 = arith.andi %eq3A_3166, %gt3A_3169 : vector<200x128xi1>
    %or3A_3171 = arith.ori %lt3A_3165, %and3A_3170 : vector<200x128xi1>
    %jit3A_3172 = arith.constant 1.000000e+00 : f32
    %jit3A_3173 = arith.constant 0.000000e+00 : f32
    %broadcast_in_dim3A_3174 = vector.broadcast %jit3A_3172 : f32 to vector<200x128xf32>
    %broadcast_in_dim3A_3175 = vector.broadcast %jit3A_3173 : f32 to vector<200x128xf32>
    %select_n3A_3176 = arith.select %or3A_3171, %broadcast_in_dim3A_3174, %broadcast_in_dim3A_3175 : vector<200x128xi1>, vector<200x128xf32>
    %add3A_3177 = arith.addf %add3A_3161, %select_n3A_3176 : vector<200x128xf32>
    %slice3A_3178 = vector.extract_strided_slice %transpose3A {offsets = [199, 0], sizes = [1, 128], strides = [1, 1]} : vector<200x128xf32> to vector<1x128xf32>
    %broadcast_in_dim3A_3179 = vector.shape_cast %slice3A_3178 : vector<1x128xf32> to vector<1x128xf32>
    %broadcast_in_dim3A_3180 = vector.broadcast %broadcast_in_dim3A_3179 : vector<1x128xf32> to vector<200x128xf32>
    %lt3A_3181 = arith.cmpf olt, %broadcast_in_dim3A_3180, %transpose3A : vector<200x128xf32>
    %eq3A_3182 = arith.cmpf oeq, %broadcast_in_dim3A_3180, %transpose3A : vector<200x128xf32>
    %gt3A_3183 = arith.constant 199 : i32
    %gt3A_3184 = vector.broadcast %gt3A_3183 : i32 to vector<200x128xi32>
    %gt3A_3185 = arith.cmpi sgt, %iota3A, %gt3A_3184 : vector<200x128xi32>
    %and3A_3186 = arith.andi %eq3A_3182, %gt3A_3185 : vector<200x128xi1>
    %or3A_3187 = arith.ori %lt3A_3181, %and3A_3186 : vector<200x128xi1>
    %jit3A_3188 = arith.constant 1.000000e+00 : f32
    %jit3A_3189 = arith.constant 0.000000e+00 : f32
    %broadcast_in_dim3A_3190 = vector.broadcast %jit3A_3188 : f32 to vector<200x128xf32>
    %broadcast_in_dim3A_3191 = vector.broadcast %jit3A_3189 : f32 to vector<200x128xf32>
    %select_n3A_3192 = arith.select %or3A_3187, %broadcast_in_dim3A_3190, %broadcast_in_dim3A_3191 : vector<200x128xi1>, vector<200x128xf32>
    %add3A_3193 = arith.addf %add3A_3177, %select_n3A_3192 : vector<200x128xf32>
    %mul3A = arith.constant 128 : i32
    %mul3A_3194 = arith.muli %arg0, %mul3A : i32
    %iota3A_3195 = tpu.iota {dimensions = array<i32: 0>} : vector<128x200xi32>
    %add3A_3196 = vector.broadcast %mul3A_3194 : i32 to vector<128x200xi32>
    %add3A_3197 = arith.addi %add3A_3196, %iota3A_3195 : vector<128x200xi32>
    %transpose3A_3198 = tpu.transpose %add3A_3193, [1, 0] : vector<200x128xf32> -> vector<128x200xf32>
    %convert_element_type3A = arith.fptosi %transpose3A_3198 : vector<128x200xf32> to vector<128x200xi32>
    %mul3A_3199 = arith.constant 200 : i32
    %mul3A_3200 = vector.broadcast %mul3A_3199 : i32 to vector<128x200xi32>
    %mul3A_3201 = arith.muli %add3A_3197, %mul3A_3200 : vector<128x200xi32>
    %add3A_3202 = arith.addi %convert_element_type3A, %mul3A_3201 : vector<128x200xi32>
    %swap3A = arith.constant 0 : index
    %swap3A_3203 = arith.constant 0 : index
    %swap3A_3204 = vector.load %arg2[%swap3A, %swap3A_3203] : memref<128x200xi32, #tpu.memory_space<vmem>>, vector<128x200xi32>
    tpu.vector_store %arg2[%swap3A, %swap3A_3203], %add3A_3202 {strides = array<i32>} : memref<128x200xi32, #tpu.memory_space<vmem>>, vector<128x200xi32>,
    return
  }
  func.func @transform_0(%arg0: i32) -> (i32, i32) {
    %c0_i32 = arith.constant 0 : i32
    %c0_i32_0 = arith.constant 0 : i32
    return %arg0, %c0_i32 : i32, i32
  }
  func.func @transform_1(%arg0: i32) -> (i32, i32) {
    %c0_i32 = arith.constant 0 : i32
    %c0_i32_0 = arith.constant 0 : i32
    return %arg0, %c0_i32 : i32, i32
  }
}

</mosaic_0001>

<sc_bundles>
// kernel: kernel.4.cloned.1.call-start
scs
__scs_entry_jumppad:
0x0: {  	(pc) =	sbr.rel $0x88, $3  }
0x1: {  	(tag) =	ssettag $0x0;
	lr =	simm.s32 $0x1  }
0x2: {  	[smem:$0x3F9F] =	sst lr;
	_ =	strace $0xD0000000  }
0x3: {  	_ = 	snop  }
0x4: {  	_ = 	snop  }
0x5: {  	_ = 	snop  }
0x6: {  	_ = 	snop  }
0x7: {  	_ = 	snop  }
__scs_overlays_trampoline_lowered:
0x8: {  	[smem:$0x3FAE] =	sst s0  }
0x9: {  	[smem:$0x3FAF] =	sst s1  }
0xa: {  	[smem:$0x3FB0] =	sst s2  }
0xb: {  	[smem:$0x3FB1] =	sst s3  }
0xc: {  	[smem:$0x3FB2] =	sst s4  }
0xd: {  	[smem:$0x3FB3] =	sst s5  }
0xe: {  	[smem:$0x3FB4] =	sst s6  }
0xf: {  	[smem:$0x3FB5] =	sst s7  }
0x10: {  	[smem:$0x3FB6] =	sst s8  }
0x11: {  	[smem:$0x3FB7] =	sst s9;
	s0 =	simm.s32 @!p0 $0x0  }
0x12: {  	s1 =	sld [smem:$0x3F9D];
	s0 =	simm.s32 @p0 $0x1  }
0x13: {  	[smem:$0x3FB8] =	sst s0;
	s0 =	simm.s32 @!p1 $0x0  }
0x14: {  	s2 =	sld [smem:$0x3F9C];
	s0 =	simm.s32 @p1 $0x1  }
0x15: {  	[smem:$0x3FB9] =	sst s0;
	s0 =	simm.s32 @!p2 $0x0  }
0x16: {  	s3 =	sld [smem:$0x3FDB];
	s0 =	simm.s32 @p2 $0x1  }
0x17: {  	s4 =	simm.s32 $0x1BF5;
	[smem:$0x3FBB] =	sst s0  }
0x18: {  	s0 =	sld [smem:$0x3F9E];
	_ =	swait.ge [sflag:s4], $0x0  }
0x19: {  	s7 =	sld [smem:$0x3F9F]  }
0x1a: {  	s8 =	sadd.s32 $0xFFFFE003, lr  }
0x1b: {  	s9 =	sadd.s32 $0xFFFFFEF7, lr;
	s5 =	simm.s32 $0xFFFFFFFF;
	p2 =	slt.u32 s8, $0xFFFFF086  }
0x1c: {  	p1 =	slt.u32 s9, $0xF7A;
	s5 =	simm.s32 @!p2 $0x0  }
0x1d: {  	s5 =	simm.s32 @p1 $0x1;
	p0 =	seq.s32 s7, s2  }
0x1e: {  	s7 =	smul.u32 @!p0 $0xF7A, s2;
	p2 =	seq.s32 @!p0 s5, $0x0  }
0x1f: {  	s9 =	smul.u32 $0xF7A, s1;
	s8 =	simm.s32 @!p0 $0x1BF5;
	p2 =	por !p2, p0  }
0x20: {  	[sflag:s8] =	ssyncset.s32 @!p0 $0xFFFFF086;
	s6 =	sadd.s32 @!p0 s3, s7;
	s7 =	simm.s32 @!p0 $0x108  }
0x21: {  	s3 =	sadd.s32 s3, s9;
	s6 =	sadd.s32 @!p0 $0x88, s6;
	s7 =	simm.s32 @p2 $0x1082  }
0x22: {  	[simem:s7], [sflag:s8] =	dma.local @!p0 [hbm:s6], $0xF7A  }
0x23: {  	s9 =	sor.u32 $0xD0000000, s2;
	s6 =	simm.s32 $0x108;
	_ =	swait.ge @!p0 [sflag:s8], $0x0  }
0x24: {  	s3 =	sadd.s32 $0x88, s3;
	s6 =	simm.s32 @!p1 $0x1082;
	[sflag:s4] =	ssyncset.s32 $0xFFFFF086  }
0x25: {  	[simem:s6], [sflag:s4] =	dma.local [hbm:s3], $0xF7A  }
0x26: {  	[smem:$0x3F9F] =	sst s1;
	(tag) =	ssettag s2;
	_ =	strace s9  }
0x27: {  	s1 =	sld [smem:$0x3FAF]  }
0x28: {  	s2 =	sld [smem:$0x3FB0]  }
0x29: {  	s4 =	sld [smem:$0x3FB2]  }
0x2a: {  	p0 =	seq.s32 s5, $0x0;
	s5 =	sld [smem:$0x3FB3]  }
0x2b: {  	s6 =	sld [smem:$0x3FB4]  }
0x2c: {  	s7 =	sld [smem:$0x3FB5]  }
0x2d: {  	s3 =	simm.s32 $0x108;
	s8 =	sld [smem:$0x3FB6]  }
0x2e: {  	s3 =	simm.s32 @!p0 $0x1082;
	s9 =	sld [smem:$0x3FB7]  }
0x2f: {  	lr =	sadd.s32 s0, s3;
	s0 =	sld [smem:$0x3FAE]  }
0x30: {  	s3 =	sld [smem:$0x3FB1]  }
0x31: {  	[smem:$0x3FBA] =	sst s10  }
0x32: {  	s10 =	sld [smem:$0x3FB8];
	_ =	sdelay $0x3  }
0x33: {  	p0 =	seq.s32 s10, $0x1;
	s10 =	sld [smem:$0x3FBA];
	_ =	sdelay $0x3  }
0x34: {  	[smem:$0x3FBA] =	sst s10  }
0x35: {  	s10 =	sld [smem:$0x3FB9];
	_ =	sdelay $0x3  }
0x36: {  	p1 =	seq.s32 s10, $0x1;
	s10 =	sld [smem:$0x3FBA];
	_ =	sdelay $0x3  }
0x37: {  	[smem:$0x3FBA] =	sst s10  }
0x38: {  	s10 =	sld [smem:$0x3FBB]  }
0x39: {  	_ = 	snop;
	(pc) =	sbr.ind lr, $3  }
0x3a: {  	_ = 	snop  }
0x3b: {  	_ = 	snop  }
0x3c: {  	p2 =	seq.s32 s10, $0x1;
	s10 =	sld [smem:$0x3FBA]  }
0x3d: {  	_ =	shalt  }
0x3e: {  	_ =	shalt  }
0x3f: {  	_ =	shalt  }
0x40: {  	_ =	shalt  }
0x41: {  	_ =	shalt  }
0x42: {  	_ =	shalt  }
0x43: {  	_ =	shalt  }
0x44: {  	_ =	shalt  }
0x45: {  	_ =	shalt  }
0x46: {  	_ =	shalt  }
0x47: {  	_ =	shalt  }
0x48: {  	_ =	shalt  }
0x49: {  	_ =	shalt  }
0x4a: {  	_ =	shalt  }
0x4b: {  	_ =	shalt  }
0x4c: {  	_ =	shalt  }
0x4d: {  	_ =	shalt  }
0x4e: {  	_ =	shalt  }
0x4f: {  	_ =	shalt  }
0x50: {  	_ =	shalt  }
0x51: {  	_ =	shalt  }
0x52: {  	_ =	shalt  }
0x53: {  	_ =	shalt  }
0x54: {  	_ =	shalt  }
0x55: {  	_ =	shalt  }
0x56: {  	_ =	shalt  }
0x57: {  	_ =	shalt  }
0x58: {  	_ =	shalt  }
0x59: {  	_ =	shalt  }
0x5a: {  	_ =	shalt  }
0x5b: {  	_ =	shalt  }
0x5c: {  	_ =	shalt  }
0x5d: {  	_ =	shalt  }
0x5e: {  	_ =	shalt  }
0x5f: {  	_ =	shalt  }
0x60: {  	_ =	shalt  }
0x61: {  	_ =	shalt  }
0x62: {  	_ =	shalt  }
0x63: {  	_ =	shalt  }
0x64: {  	_ =	shalt  }
0x65: {  	_ =	shalt  }
0x66: {  	_ =	shalt  }
0x67: {  	_ =	shalt  }
0x68: {  	_ =	shalt  }
0x69: {  	_ =	shalt  }
0x6a: {  	_ =	shalt  }
0x6b: {  	_ =	shalt  }
0x6c: {  	_ =	shalt  }
0x6d: {  	_ =	shalt  }
0x6e: {  	_ =	shalt  }
0x6f: {  	_ =	shalt  }
0x70: {  	_ =	shalt  }
0x71: {  	_ =	shalt  }
0x72: {  	_ =	shalt  }
0x73: {  	_ =	shalt  }
0x74: {  	_ =	shalt  }
0x75: {  	_ =	shalt  }
0x76: {  	_ =	shalt  }
0x77: {  	_ =	shalt  }
0x78: {  	_ =	shalt  }
0x79: {  	_ =	shalt  }
0x7a: {  	_ =	shalt  }
0x7b: {  	_ =	shalt  }
0x7c: {  	_ =	shalt  }
0x7d: {  	_ =	shalt  }
0x7e: {  	_ =	shalt  }
0x7f: {  	_ =	shalt  }
0x80: {  	_ =	shalt  }
0x81: {  	_ =	shalt  }
0x82: {  	_ =	shalt  }
0x83: {  	_ =	shalt  }
0x84: {  	_ =	shalt  }
0x85: {  	_ =	shalt  }
0x86: {  	_ =	shalt  }
0x87: {  	_ =	shalt  }
.Lfunc_end0:
.L_simem_size_0:
called_computation.1_lowered:
.L_overlay_start_0:
0x88: {  	s2 =	sld [smem:$0x3FD9]  }
0x89: {  	s3 =	sld [smem:$0x3FFE];
	_ =	sdelay $0x1  }
0x8a: {  	s1 =	srdreg.scid  }
0x8b: {  	s0 =	sand.u32 $0x1, s1  }
0x8c: {  	s17 =	sshll.u32 s0, $0xA;
	s2 =	sadd.s32 s3, s2  }
0x8d: {  	s2 =	sadd.s32 s2, s17  }
0x8e: {  	[smem:$0x3FC6] =	sst s2  }
0x8f: {  	_ = 	snop  }
0x90: {  	s2 =	sld [smem:$0x3FD0];
	(tm) =	ssettm $0x1  }
0x91: {  	s18 =	sld [smem:$0x3FFB];
	_ =	sdelay $0x3  }
0x92: {  	_ =	strace s18  }
0x93: {  	s3 =	sld [smem:$0x3FFC];
	_ =	sdelay $0x3  }
0x94: {  	_ =	strace s3  }
0x95: {  	s3 =	sld [smem:$0x3FFD];
	_ =	sdelay $0x3  }
0x96: {  	_ =	strace s3  }
0x97: {  	_ =	strace $0x8FFFFFFF  }
0x98: {  	s19 =	sld [smem:$0x3FDB];
	_ =	sdelay $0x1  }
0x99: {  	s4 =	simm.s32 $_scs_section_size  }
0x9a: {  	s5 =	simm.s32 $_size__tile_overlayer_lowered;
	s6 =	simm.s32 $_tile_overlayer_lowered  }
0x9b: {  	s22 =	simm.s32 $0x1BFF;
	s21 =	sshll.u32 s6, $0x1;
	s3 =	sadd.s32 s4, s19  }
0x9c: {  	s7 =	simm.s32 $0x0;
	s20 =	sshll.u32 s5, $0x1;
	s5 =	sadd.s32 s21, s3  }
0x9d: {  	[timem:s7], [sflag:s22] =	dma.local [hbm:s5], s20  }
0x9e: {  	_ =	swait.ge [sflag:s22], s20  }
0x9f: {  	s4 =	ssub.s32 $0x0, s20;
	[sflag:s22] =	ssyncset.done $0x0  }
0xa0: {  	[sflag:s22] =	ssyncadd.s32 s4;
	_ =	sdelay $0x1  }
0xa1: {  	s23 =	simm.s32 $0x1B8B  }
0xa2: {  	_ =	swait.ge [sflag:s23], $0x1  }
0xa3: {  	[sflag:s23] =	ssyncset.done $0x0  }
0xa4: {  	s25 =	simm.s32 $0x1B8E;
	s24 =	sld [smem:$0x3FFE];
	[sflag:s23] =	ssyncadd.s32 $0xFFFFFFFF  }
0xa5: {  	s26 =	simm.s32 $execute0_lowered;
	[smem:$0x3FD2] =	sst s25  }
0xa6: {  	s5 =	sshll.u32 s26, $0x1;
	_ =	strace $0x80000046;
	[dreg:$0x1] =	wrdreg $0xFFFFFFFF  }
0xa7: {  	s28 =	simm.s32 $_size_execute0_lowered;
	s3 =	sadd.s32 s3, s5;
	[dreg:$0x0] =	wrdreg $0x0  }
0xa8: {  	s5 =	sshll.u32 s28, $0x1;
	[dreg:$0x2] =	wrdreg s3  }
0xa9: {  	[dreg:$0x3] =	wrdreg s5  }
0xaa: {  	[dreg:$0x4] =	wrdreg $0xC0  }
0xab: {  	_ =	task [dreg:s7], $0x5FFFF  }
0xac: {  	[dreg:$0x1] =	wrdreg $0xFFFFFFFF  }
0xad: {  	[dreg:$0x0] =	wrdreg $0x60  }
0xae: {  	[dreg:$0x2] =	wrdreg s24  }
0xaf: {  	[dreg:$0x3] =	wrdreg s2  }
0xb0: {  	[dreg:$0x4] =	wrdreg $0x9  }
0xb1: {  	_ =	task.clear_ibuf [dreg:s7], $0x5FFFF;
	_ =	strace $0x90000046  }
0xb2: {  	s29 =	simm.s32 $0x9;
	_ =	strace $0x80000048  }
0xb3: {  	_ =	swait.ge [sflag:s29], $0x1  }
0xb4: {  	[sflag:s29] =	ssyncadd.s32 $0xFFFFFFFF  }
0xb5: {  	_ =	strace $0x90000048  }
0xb6: {  	_ =	sfence  }
0xb7: {  	s30 =	sld [smem:$0x0];
	_ =	sdelay $0x2  }
0xb8: {  	s31 =	sshll.u32 s1, $0xD;
	s1 =	sshrl.u32 s1, $0x2  }
0xb9: {  	s3 =	sand.u32 $0x4000, s31;
	s1 =	sadd.s32 s1, s30  }
0xba: {  	s0 =	sor.u32 s3, s0;
	s1 =	sshll.u32 s1, $0x11  }
0xbb: {  	s0 =	sor.u32 s1, s0  }
0xbc: {  	s0 =	sadd.s32 $0x8F2B, s0  }
0xbd: {  	[sflag:s0] =	ssyncadd.remote.s32 $0x1  }
0xbe: {  	_ =	sfence.sel $0xFFFF  }
0xbf: {  	[dreg:$0x0] =	wrdreg $0xFFFFFFFF;
	(pc) =	sbr.abs _section_cstart, $3  }
0xc0: {  	[dreg:$0x1] =	wrdreg $0xFFFFFFFF  }
0xc1: {  	_ =	task.clear_ibuf [dreg:s7], $0x2FFFF;
	_ =	strace $0x9FFFFFFF  }
0xc2: {  	(tm) =	ssettm $0x7FFFFFFF  }
0xc3: {  	_ =	shalt  }
tec
execute0_lowered:
.L_overlay_start_1:
0x0: {  	(tag) =	ssettag $0x1  }
0x1: {  	s4 =	rddreg [dreg:$0x0];
	s1 =	srdreg.scid  }
0x2: {  	s0 =	stileid.u32;
	s2 =	rddreg [dreg:$0x1];
	s3 =	simm.s32 $0x0  }
0x3: {  	s11 =	simm.s32 $0x3;
	s12 =	simm.s32 $0x2;
	s13 =	simm.s32 $0x6400  }
0x4: {  	s14 =	simm.s32 $0xC8;
	s5 =	sand.u32 $0x1, s1;
	s6 =	sshll.u32 s0, $0x1  }
0x5: {  	s15 =	simm.s32 $0x1;
	s1 =	rddreg [dreg:$0x2];
	s6 =	sor.u32 s5, s6  }
0x6: {  	s16 =	simm.s32 $0x0;
	[smem:$0x7FF] =	sst s3;
	s7 =	smul.u32 $0x19000, s6  }
0x7: {  	s8 =	sadd.s32 $0xC00, s4;
	s4 =	sadd.s32 $0x800, s4;
	s5 =	ssub.s32 $0x2, s5  }
0x8: {  	s9 =	sshrl.u32 s5, $0x1;
	s6 =	smul.u32 $0x3200, s6;
	s7 =	sshrl.u32 s7, $0x3  }
0x9: {  	_ =	strace $0x80000047;
	s9 =	ssub.s32 s5, s9;
	s10 =	sadd.s32 s8, s7  }
0xa: {  	s5 =	sadd.s32 s8, s6;
	s9 =	smax.u32 s9, $0x1;
	s6 =	sadd.s32 $0xC80, s10  }
0xb: {  	s7 =	sadd.s32 $0x1900, s10;
	s8 =	sadd.s32 $0x2580, s10;
	s10 =	simm.s32 $0xC800  }
.LBB2_1:
0xc: {  	[tilespmem:s10], [sflag:$0x3] =	stream.linear.gather [hbm4b:s4+s3], $0x1900, $0x38;
	[tilespmem:$0xE100] =	vst v63  }
0xd: {  	_ =	swait.ge [sflag:s11], $0x1900  }
0xe: {  	[sflag:s11] =	ssyncset.done $0x0  }
0xf: {  	[sflag:s11] =	ssyncadd.s32 $0xFFFFE700  }
0x10: {  	[tilespmem:s3], [sflag:$0x2] =	stream.linear.gather [hbm4b:s5+s3], $0x6400, $0x38;
	[tilespmem:$0xE100] =	vst v63  }
0x11: {  	_ =	swait.ge [sflag:s12], $0x6400  }
0x12: {  	[sflag:s12] =	ssyncset.done $0x0  }
0x13: {  	p0 =	por $0x1, $0x1;
	[sflag:s12] =	ssyncadd.s32 $0xFFFF9C00  }
0x14: {  	[tilespmem:s13], [sflag:$0x2] =	stream.linear.gather [hbm4b:s6+s3], $0x6400, $0x38;
	[tilespmem:$0xE100] =	vst v63  }
0x15: {  	s19 =	simm.s32 @!p0 $0x1  }
0x16: {  	[hbm4b:s2+s14] =	stream.indirect.scatter [tilespmem:s10], [sflag:$0x1], $0x20, s3, s14, $0xb8;
	[tilespmem:$0xE100] =	vst v63  }
0x17: {  	_ =	swait.ge @!p0 [sflag:s19], $0x1900  }
0x18: {  	s17 =	simm.s32 $0x1;
	s18 =	simm.s32 $0x0;
	[sflag:s19] =	ssyncset.done @!p0 $0x0  }
.LBB2_2:
0x19: {  	[sflag:s19] =	ssyncadd.s32 @!p0 $0xFFFFE700  }
0x1a: {  	s18 =	sadd.s32 $0xC8, s18;
	s19 =	smov.u32 s17;
	s17 =	sadd.s32 $0x1, s17  }
0x1b: {  	p1 =	sne.s32 s17, $0x80  }
0x1c: {  	[hbm4b:s2+s14] =	stream.indirect.scatter [tilespmem:s10], [sflag:$0x1], $0x20, s18, s14, $0xb8;
	[tilespmem:$0xE100] =	vst v63  }
.Ltmp0:
0x1d: {  	_ = 	snop;
	(pc) =	sbr.rel @p1 .LBB2_2-.Ltmp0, $4  }
0x1e: {  	p0 =	slt.u32 s19, $0x8  }
0x1f: {  	s19 =	simm.s32 @!p0 $0x1  }
0x20: {  	_ =	swait.ge @!p0 [sflag:s19], $0x1900  }
0x21: {  	[sflag:s19] =	ssyncset.done @!p0 $0x0  }
0x22: {  	[sflag:s19] =	ssyncadd.s32 @!p0 $0xFFFFE700  }
0x23: {  	_ =	swait.ge [sflag:s15], $0x1900  }
0x24: {  	[sflag:s15] =	ssyncset.done $0x0  }
0x25: {  	[sflag:s15] =	ssyncadd.s32 $0xFFFFE700  }
0x26: {  	_ =	swait.ge [sflag:s15], $0x1900  }
0x27: {  	[sflag:s15] =	ssyncset.done $0x0  }
0x28: {  	[sflag:s15] =	ssyncadd.s32 $0xFFFFE700  }
0x29: {  	_ =	swait.ge [sflag:s15], $0x1900  }
0x2a: {  	[sflag:s15] =	ssyncset.done $0x0  }
0x2b: {  	[sflag:s15] =	ssyncadd.s32 $0xFFFFE700  }
0x2c: {  	_ =	swait.ge [sflag:s15], $0x1900  }
0x2d: {  	[sflag:s15] =	ssyncset.done $0x0  }
0x2e: {  	[sflag:s15] =	ssyncadd.s32 $0xFFFFE700  }
0x2f: {  	_ =	swait.ge [sflag:s15], $0x1900  }
0x30: {  	[sflag:s15] =	ssyncset.done $0x0  }
0x31: {  	[sflag:s15] =	ssyncadd.s32 $0xFFFFE700  }
0x32: {  	_ =	swait.ge [sflag:s15], $0x1900  }
0x33: {  	[sflag:s15] =	ssyncset.done $0x0  }
0x34: {  	[sflag:s15] =	ssyncadd.s32 $0xFFFFE700  }
0x35: {  	_ =	swait.ge [sflag:s15], $0x1900  }
0x36: {  	[sflag:s15] =	ssyncset.done $0x0  }
0x37: {  	[sflag:s15] =	ssyncadd.s32 $0xFFFFE700  }
0x38: {  	_ =	swait.ge [sflag:s15], $0x1900  }
0x39: {  	[sflag:s15] =	ssyncset.done $0x0  }
0x3a: {  	[sflag:s15] =	ssyncadd.s32 $0xFFFFE700  }
0x3b: {  	_ =	swait.ge [sflag:s12], $0x6400  }
0x3c: {  	[sflag:s12] =	ssyncset.done $0x0  }
0x3d: {  	s17 =	simm.s32 $0x0;
	p0 =	por $0x1, $0x1;
	[sflag:s12] =	ssyncadd.s32 $0xFFFF9C00  }
0x3e: {  	[tilespmem:s17], [sflag:$0x2] =	stream.linear.gather [hbm4b:s7+s17], $0x6400, $0x38;
	[tilespmem:$0xE100] =	vst v63  }
0x3f: {  	s19 =	simm.s32 @!p0 $0x1;
	s17 =	simm.s32 $0x6400  }
0x40: {  	[hbm4b:s2+s14] =	stream.indirect.scatter [tilespmem:s10], [sflag:$0x1], $0x20, s17, s14, $0xb8;
	[tilespmem:$0xE100] =	vst v63  }
0x41: {  	_ =	swait.ge @!p0 [sflag:s19], $0x1900  }
0x42: {  	s18 =	simm.s32 $0x1;
	[sflag:s19] =	ssyncset.done @!p0 $0x0  }
.LBB2_4:
0x43: {  	[sflag:s19] =	ssyncadd.s32 @!p0 $0xFFFFE700  }
0x44: {  	s17 =	sadd.s32 $0xC8, s17;
	s19 =	smov.u32 s18;
	s18 =	sadd.s32 $0x1, s18  }
0x45: {  	p1 =	sne.s32 s18, $0x80  }
0x46: {  	[hbm4b:s2+s14] =	stream.indirect.scatter [tilespmem:s10], [sflag:$0x1], $0x20, s17, s14, $0xb8;
	[tilespmem:$0xE100] =	vst v63  }
.Ltmp1:
0x47: {  	_ = 	snop;
	(pc) =	sbr.rel @p1 .LBB2_4-.Ltmp1, $4  }
0x48: {  	p0 =	slt.u32 s19, $0x8  }
0x49: {  	s19 =	simm.s32 @!p0 $0x1  }
0x4a: {  	_ =	swait.ge @!p0 [sflag:s19], $0x1900  }
0x4b: {  	[sflag:s19] =	ssyncset.done @!p0 $0x0  }
0x4c: {  	[sflag:s19] =	ssyncadd.s32 @!p0 $0xFFFFE700  }
0x4d: {  	_ =	swait.ge [sflag:s15], $0x1900  }
0x4e: {  	[sflag:s15] =	ssyncset.done $0x0  }
0x4f: {  	[sflag:s15] =	ssyncadd.s32 $0xFFFFE700  }
0x50: {  	_ =	swait.ge [sflag:s15], $0x1900  }
0x51: {  	[sflag:s15] =	ssyncset.done $0x0  }
0x52: {  	[sflag:s15] =	ssyncadd.s32 $0xFFFFE700  }
0x53: {  	_ =	swait.ge [sflag:s15], $0x1900  }
0x54: {  	[sflag:s15] =	ssyncset.done $0x0  }
0x55: {  	[sflag:s15] =	ssyncadd.s32 $0xFFFFE700  }
0x56: {  	_ =	swait.ge [sflag:s15], $0x1900  }
0x57: {  	[sflag:s15] =	ssyncset.done $0x0  }
0x58: {  	[sflag:s15] =	ssyncadd.s32 $0xFFFFE700  }
0x59: {  	_ =	swait.ge [sflag:s15], $0x1900  }
0x5a: {  	[sflag:s15] =	ssyncset.done $0x0  }
0x5b: {  	[sflag:s15] =	ssyncadd.s32 $0xFFFFE700  }
0x5c: {  	_ =	swait.ge [sflag:s15], $0x1900  }
0x5d: {  	[sflag:s15] =	ssyncset.done $0x0  }
0x5e: {  	[sflag:s15] =	ssyncadd.s32 $0xFFFFE700  }
0x5f: {  	_ =	swait.ge [sflag:s15], $0x1900  }
0x60: {  	[sflag:s15] =	ssyncset.done $0x0  }
0x61: {  	[sflag:s15] =	ssyncadd.s32 $0xFFFFE700  }
0x62: {  	_ =	swait.ge [sflag:s15], $0x1900  }
0x63: {  	[sflag:s15] =	ssyncset.done $0x0  }
0x64: {  	[sflag:s15] =	ssyncadd.s32 $0xFFFFE700  }
0x65: {  	_ =	swait.ge [sflag:s12], $0x6400  }
0x66: {  	[sflag:s12] =	ssyncset.done $0x0  }
0x67: {  	s17 =	simm.s32 $0x0;
	p0 =	por $0x1, $0x1;
	[sflag:s12] =	ssyncadd.s32 $0xFFFF9C00  }
0x68: {  	[tilespmem:s13], [sflag:$0x2] =	stream.linear.gather [hbm4b:s8+s17], $0x6400, $0x38;
	[tilespmem:$0xE100] =	vst v63  }
0x69: {  	s19 =	simm.s32 @!p0 $0x1  }
0x6a: {  	[hbm4b:s2+s14] =	stream.indirect.scatter [tilespmem:s10], [sflag:$0x1], $0x20, s17, s14, $0xb8;
	[tilespmem:$0xE100] =	vst v63  }
0x6b: {  	_ =	swait.ge @!p0 [sflag:s19], $0x1900  }
0x6c: {  	s18 =	simm.s32 $0x1;
	[sflag:s19] =	ssyncset.done @!p0 $0x0  }
.LBB2_6:
0x6d: {  	[sflag:s19] =	ssyncadd.s32 @!p0 $0xFFFFE700  }
0x6e: {  	s17 =	sadd.s32 $0xC8, s17;
	s19 =	smov.u32 s18;
	s18 =	sadd.s32 $0x1, s18  }
0x6f: {  	p1 =	sne.s32 s18, $0x80  }
0x70: {  	[hbm4b:s2+s14] =	stream.indirect.scatter [tilespmem:s10], [sflag:$0x1], $0x20, s17, s14, $0xb8;
	[tilespmem:$0xE100] =	vst v63  }
.Ltmp2:
0x71: {  	_ = 	snop;
	(pc) =	sbr.rel @p1 .LBB2_6-.Ltmp2, $4  }
0x72: {  	p0 =	slt.u32 s19, $0x8  }
0x73: {  	s19 =	simm.s32 @!p0 $0x1  }
0x74: {  	_ =	swait.ge @!p0 [sflag:s19], $0x1900  }
0x75: {  	[sflag:s19] =	ssyncset.done @!p0 $0x0  }
0x76: {  	[sflag:s19] =	ssyncadd.s32 @!p0 $0xFFFFE700  }
0x77: {  	_ =	swait.ge [sflag:s15], $0x1900  }
0x78: {  	[sflag:s15] =	ssyncset.done $0x0  }
0x79: {  	[sflag:s15] =	ssyncadd.s32 $0xFFFFE700  }
0x7a: {  	_ =	swait.ge [sflag:s15], $0x1900  }
0x7b: {  	[sflag:s15] =	ssyncset.done $0x0  }
0x7c: {  	[sflag:s15] =	ssyncadd.s32 $0xFFFFE700  }
0x7d: {  	_ =	swait.ge [sflag:s15], $0x1900  }
0x7e: {  	[sflag:s15] =	ssyncset.done $0x0  }
0x7f: {  	[sflag:s15] =	ssyncadd.s32 $0xFFFFE700  }
0x80: {  	_ =	swait.ge [sflag:s15], $0x1900  }
0x81: {  	[sflag:s15] =	ssyncset.done $0x0  }
0x82: {  	[sflag:s15] =	ssyncadd.s32 $0xFFFFE700  }
0x83: {  	_ =	swait.ge [sflag:s15], $0x1900  }
0x84: {  	[sflag:s15] =	ssyncset.done $0x0  }
0x85: {  	[sflag:s15] =	ssyncadd.s32 $0xFFFFE700  }
0x86: {  	_ =	swait.ge [sflag:s15], $0x1900  }
0x87: {  	[sflag:s15] =	ssyncset.done $0x0  }
0x88: {  	[sflag:s15] =	ssyncadd.s32 $0xFFFFE700  }
0x89: {  	_ =	swait.ge [sflag:s15], $0x1900  }
0x8a: {  	[sflag:s15] =	ssyncset.done $0x0  }
0x8b: {  	[sflag:s15] =	ssyncadd.s32 $0xFFFFE700  }
0x8c: {  	_ =	swait.ge [sflag:s15], $0x1900  }
0x8d: {  	[sflag:s15] =	ssyncset.done $0x0  }
0x8e: {  	[sflag:s15] =	ssyncadd.s32 $0xFFFFE700  }
0x8f: {  	_ =	swait.ge [sflag:s12], $0x6400  }
0x90: {  	p0 =	por $0x1, $0x1;
	[sflag:s12] =	ssyncset.done $0x0  }
0x91: {  	s17 =	simm.s32 $0x6400;
	s19 =	simm.s32 @!p0 $0x1;
	[sflag:s12] =	ssyncadd.s32 $0xFFFF9C00  }
0x92: {  	[hbm4b:s2+s14] =	stream.indirect.scatter [tilespmem:s10], [sflag:$0x1], $0x20, s17, s14, $0xb8;
	[tilespmem:$0xE100] =	vst v63  }
0x93: {  	_ =	swait.ge @!p0 [sflag:s19], $0x1900  }
0x94: {  	s18 =	simm.s32 $0x1;
	[sflag:s19] =	ssyncset.done @!p0 $0x0  }
.LBB2_8:
0x95: {  	[sflag:s19] =	ssyncadd.s32 @!p0 $0xFFFFE700  }
0x96: {  	s17 =	sadd.s32 $0xC8, s17;
	s19 =	smov.u32 s18;
	s18 =	sadd.s32 $0x1, s18  }
0x97: {  	p1 =	sne.s32 s18, $0x80  }
0x98: {  	[hbm4b:s2+s14] =	stream.indirect.scatter [tilespmem:s10], [sflag:$0x1], $0x20, s17, s14, $0xb8;
	[tilespmem:$0xE100] =	vst v63  }
.Ltmp3:
0x99: {  	_ = 	snop;
	(pc) =	sbr.rel @p1 .LBB2_8-.Ltmp3, $4  }
0x9a: {  	p0 =	slt.u32 s19, $0x8  }
0x9b: {  	s19 =	simm.s32 @!p0 $0x1  }
0x9c: {  	_ =	swait.ge @!p0 [sflag:s19], $0x1900  }
0x9d: {  	[sflag:s19] =	ssyncset.done @!p0 $0x0  }
0x9e: {  	[sflag:s19] =	ssyncadd.s32 @!p0 $0xFFFFE700  }
0x9f: {  	_ =	swait.ge [sflag:s15], $0x1900  }
0xa0: {  	[sflag:s15] =	ssyncset.done $0x0  }
0xa1: {  	[sflag:s15] =	ssyncadd.s32 $0xFFFFE700  }
0xa2: {  	_ =	swait.ge [sflag:s15], $0x1900  }
0xa3: {  	[sflag:s15] =	ssyncset.done $0x0  }
0xa4: {  	[sflag:s15] =	ssyncadd.s32 $0xFFFFE700  }
0xa5: {  	_ =	swait.ge [sflag:s15], $0x1900  }
0xa6: {  	[sflag:s15] =	ssyncset.done $0x0  }
0xa7: {  	[sflag:s15] =	ssyncadd.s32 $0xFFFFE700  }
0xa8: {  	_ =	swait.ge [sflag:s15], $0x1900  }
0xa9: {  	[sflag:s15] =	ssyncset.done $0x0  }
0xaa: {  	[sflag:s15] =	ssyncadd.s32 $0xFFFFE700  }
0xab: {  	_ =	swait.ge [sflag:s15], $0x1900  }
0xac: {  	[sflag:s15] =	ssyncset.done $0x0  }
0xad: {  	[sflag:s15] =	ssyncadd.s32 $0xFFFFE700  }
0xae: {  	_ =	swait.ge [sflag:s15], $0x1900  }
0xaf: {  	[sflag:s15] =	ssyncset.done $0x0  }
0xb0: {  	s16 =	sadd.s32 $0x1, s16;
	[sflag:s15] =	ssyncadd.s32 $0xFFFFE700  }
0xb1: {  	p0 =	sne.s32 s16, s9;
	_ =	swait.ge [sflag:s15], $0x1900  }
.Ltmp4:
0xb2: {  	[sflag:s15] =	ssyncset.done $0x0;
	(pc) =	sbr.rel @p0 .LBB2_1-.Ltmp4, $4  }
0xb3: {  	[sflag:s15] =	ssyncadd.s32 $0xFFFFE700  }
0xb4: {  	_ =	swait.ge [sflag:s15], $0x1900  }
0xb5: {  	[sflag:s15] =	ssyncset.done $0x0  }
0xb6: {  	[sflag:s15] =	ssyncadd.s32 $0xFFFFE700  }
0xb7: {  	_ =	sfence.sel $0x180000  }
0xb8: {  	[bflag:$0x0] =	sbarrier.arrive $0xFFFF  }
0xb9: {  	p0 =	sne.s32 s0, $0x0;
	_ =	strace $0x90000047  }
0xba: {  	s0 =	sadd.s32 @!p0 $0x100000, s1;
	[bflag:$0x2] =	sbarrier.arrive $0xFFFF  }
0xbb: {  	[sflag:s0] =	ssyncadd.tile.s32 @!p0 $0x1;
	_ =	shalt  }
.Lfunc_end2:
_tile_overlayer_lowered:
.L_overlay_start_2:
0xbc: {  	(tag) =	ssettag $0x2  }
0xbd: {  	s0 =	rddreg [dreg:$0x0];
	s2 =	stileid.u32  }
0xbe: {  	s1 =	rddreg [dreg:$0x1];
	p0 =	sne.s32 s2, $0x0  }
0xbf: {  	s3 =	rddreg [dreg:$0x2];
	[bflag:$0x3] =	sbarrier.arrive $0xFFFF;
	s2 =	simm.s32 @!p0 $0x1C03  }
0xc0: {  	[timem:s3], [sflag:s2] =	dma.local @!p0 [hbm:s0], s1  }
0xc1: {  	s0 =	simm.s32 @!p0 $0x3  }
0xc2: {  	_ =	swait.ge @!p0 [sflag:s0], s1  }
0xc3: {  	s1 =	ssub.s32 @!p0 $0x0, s1;
	[sflag:s0] =	ssyncset.done @!p0 $0x0  }
0xc4: {  	[sflag:s0] =	ssyncadd.s32 @!p0 s1  }
0xc5: {  	[bflag:$0x3] =	sbarrier.arrive $0xFFFF  }
0xc6: {  	_ =	shalt  }

// kernel: sparse-core-data-format-call.cloned.1.call-start
scs
called_computation_lowered:
.L_overlay_start_0:
0x0: {  	s2 =	sld [smem:$0x3FD9]  }
0x1: {  	s3 =	sld [smem:$0x3FFE];
	_ =	sdelay $0x1  }
0x2: {  	s1 =	srdreg.scid  }
0x3: {  	s0 =	sand.u32 $0x1, s1  }
0x4: {  	s18 =	sshll.u32 s0, $0xA;
	s2 =	sadd.s32 s3, s2  }
0x5: {  	s2 =	sadd.s32 s2, s18  }
0x6: {  	[smem:$0x3FC6] =	sst s2  }
0x7: {  	_ = 	snop  }
0x8: {  	s2 =	sld [smem:$0x3FD0];
	(tm) =	ssettm $0x1  }
0x9: {  	s19 =	sld [smem:$0x3FFB];
	_ =	sdelay $0x3  }
0xa: {  	_ =	strace s19  }
0xb: {  	s3 =	sld [smem:$0x3FFC];
	_ =	sdelay $0x3  }
0xc: {  	_ =	strace s3  }
0xd: {  	s3 =	sld [smem:$0x3FFD];
	_ =	sdelay $0x3  }
0xe: {  	_ =	strace s3  }
0xf: {  	_ =	strace $0x8FFFFFFF  }
0x10: {  	s20 =	sld [smem:$0x3FDB];
	_ =	sdelay $0x1  }
0x11: {  	s4 =	simm.s32 $_scs_section_size  }
0x12: {  	s5 =	simm.s32 $_size__tile_overlayer_lowered;
	s6 =	simm.s32 $_tile_overlayer_lowered  }
0x13: {  	s23 =	simm.s32 $0x1BFF;
	s22 =	sshll.u32 s6, $0x1;
	s3 =	sadd.s32 s4, s20  }
0x14: {  	s7 =	simm.s32 $0x0;
	s21 =	sshll.u32 s5, $0x1;
	s5 =	sadd.s32 s22, s3  }
0x15: {  	[timem:s7], [sflag:s23] =	dma.local [hbm:s5], s21  }
0x16: {  	_ =	swait.ge [sflag:s23], s21  }
0x17: {  	s4 =	ssub.s32 $0x0, s21;
	[sflag:s23] =	ssyncset.done $0x0  }
0x18: {  	[sflag:s23] =	ssyncadd.s32 s4;
	_ =	sdelay $0x1  }
0x19: {  	s24 =	simm.s32 $0x1B8B  }
0x1a: {  	_ =	swait.ge [sflag:s24], $0x1  }
0x1b: {  	[sflag:s24] =	ssyncset.done $0x0  }
0x1c: {  	s26 =	simm.s32 $0x1B8E;
	s25 =	sld [smem:$0x3FFE];
	[sflag:s24] =	ssyncadd.s32 $0xFFFFFFFF  }
0x1d: {  	s27 =	simm.s32 $execute0_lowered;
	[smem:$0x3FD2] =	sst s26  }
0x1e: {  	s5 =	sshll.u32 s27, $0x1;
	_ =	strace $0x80000049;
	[dreg:$0x1] =	wrdreg $0xFFFFFFFF  }
0x1f: {  	s28 =	simm.s32 $_size_execute0_lowered;
	s3 =	sadd.s32 s3, s5;
	[dreg:$0x0] =	wrdreg $0x0  }
0x20: {  	s5 =	sshll.u32 s28, $0x1;
	[dreg:$0x2] =	wrdreg s3  }
0x21: {  	[dreg:$0x3] =	wrdreg s5  }
0x22: {  	[dreg:$0x4] =	wrdreg $0xC0  }
0x23: {  	_ =	task [dreg:s7], $0x5FFFF  }
0x24: {  	[dreg:$0x1] =	wrdreg $0xFFFFFFFF  }
0x25: {  	[dreg:$0x0] =	wrdreg $0x60  }
0x26: {  	[dreg:$0x2] =	wrdreg s25  }
0x27: {  	[dreg:$0x3] =	wrdreg s2  }
0x28: {  	[dreg:$0x4] =	wrdreg $0x9  }
0x29: {  	_ =	task.clear_ibuf [dreg:s7], $0x5FFFF;
	_ =	strace $0x90000049  }
0x2a: {  	s29 =	simm.s32 $0x9;
	_ =	strace $0x8000004B  }
0x2b: {  	_ =	swait.ge [sflag:s29], $0x1  }
0x2c: {  	[sflag:s29] =	ssyncadd.s32 $0xFFFFFFFF  }
0x2d: {  	_ =	strace $0x9000004B  }
0x2e: {  	_ =	sfence  }
0x2f: {  	s30 =	sld [smem:$0x0];
	_ =	sdelay $0x2  }
0x30: {  	s31 =	sshll.u32 s1, $0xD;
	s1 =	sshrl.u32 s1, $0x2  }
0x31: {  	s3 =	sand.u32 $0x4000, s31;
	s1 =	sadd.s32 s1, s30  }
0x32: {  	s0 =	sor.u32 s3, s0;
	s1 =	sshll.u32 s1, $0x11  }
0x33: {  	s0 =	sor.u32 s1, s0  }
0x34: {  	s0 =	sadd.s32 $0x8F2B, s0  }
0x35: {  	[sflag:s0] =	ssyncadd.remote.s32 $0x1  }
0x36: {  	_ =	sfence.sel $0xFFFF  }
0x37: {  	[dreg:$0x0] =	wrdreg $0xFFFFFFFF;
	(pc) =	sbr.abs _section_cstart, $3  }
0x38: {  	[dreg:$0x1] =	wrdreg $0xFFFFFFFF  }
0x39: {  	_ =	task.clear_ibuf [dreg:s7], $0x2FFFF;
	_ =	strace $0x9FFFFFFF  }
0x3a: {  	(tm) =	ssettm $0x7FFFFFFF  }
0x3b: {  	_ =	shalt  }
tec
execute0_lowered:
.L_overlay_start_1:
0x0: {  	(tag) =	ssettag $0x1  }
0x1: {  	s0 =	srdreg.scid  }
0x2: {  	s1 =	sshll.u32 s0, $0x4  }
0x3: {  	s0 =	stileid.u32;
	s1 =	sand.u32 $0x10, s1  }
0x4: {  	s1 =	sor.u32 s0, s1  }
0x5: {  	s6 =	rddreg [dreg:$0x0];
	s4 =	simm.s32 $0x1;
	s2 =	sshll.u32 s1, $0x7  }
0x6: {  	s7 =	simm.s32 $0x2;
	s12 =	simm.s32 $0x0;
	s1 =	ssub.s32 $0x4000, s2  }
0x7: {  	s8 =	simm.s32 $0x20000;
	s13 =	simm.s32 $0x0;
	s3 =	sand.u32 $0xF80, s1  }
0x8: {  	s9 =	simm.s32 $0x0;
	s5 =	sshrl.u32 s1, $0xC;
	p0 =	sne.s32 s3, $0x0  }
.Ltmp0:
0x9: {  	s1 =	rddreg [dreg:$0x2];
	s4 =	simm.s32 @!p0 $0x0;
	(pc) =	sbr.rel .LBB1_1-.Ltmp0, $4  }
0xa: {  	s11 =	simm.s32 $0x0;
	s3 =	rddreg [dreg:$0x1];
	s5 =	sadd.s32 s4, s5  }
0xb: {  	_ =	strace $0x8000004A;
	s4 =	simm.s32 $0x1;
	s5 =	smul.u32 $0xC8, s5  }
0xc: {  	s6 =	sadd.s32 $0x800, s6;
	s10 =	smov.u32 s2;
	[sflag:s4] =	ssyncpa.u1 $0x0  }
0xd: {  	p0 =	por $0x0, $0x0;
	[sflag:s7] =	ssyncpa.u1 $0x0;
	s7 =	sor.u32 $0x1, s5  }
.LBB1_4:
0xe: {  	s16 =	sshll.u32 s13, $0x3;
	s17 =	sand.u32 $0x78, s13  }
0xf: {  	s30 =	sand.u32 $0xF800, s13;
	s12 =	sshll.u32 s12, $0x10;
	s16 =	sand.u32 $0x3C00, s16  }
0x10: {  	s31 =	sand.u32 $0x7, s13;
	s16 =	sor.u32 s17, s16;
	s17 =	sadd.s32 s3, s30  }
0x11: {  	s13 =	sshll.u32 s31, $0x12;
	s16 =	sshrl.u32 s16, $0x3;
	s12 =	sadd.s32 s12, s17  }
0x12: {  	[tilespmem:s15+$0x0 ss:$0x81] =	vst.msk $0xffff, v0;
	s13 =	sor.u32 $0x400, s13;
	s12 =	sadd.s32 s16, s12  }
0x13: {  	[hbm4b:s12+s13] =	stream.strided.scatter [tilespmem:s14], [sflag:$0x2], $0x1000, s8, s13, $0x20;
	[tilespmem:$0x4040] =	vst v63  }
.LBB1_5:
0x14: {  	s14 =	sadd.s32 $0x1, s9  }
0x15: {  	s12 =	sadd.s32 $0x1000, s10;
	s16 =	smov.u32 s10;
	p2 =	sgt.s32 s14, $0xC7  }
0x16: {  	s16 =	smov.u32 @p2 s12  }
0x17: {  	s14 =	simm.s32 @p2 $0x0;
	p2 =	sgt.s32 s16, $0x3FFF  }
0x18: {  	s16 =	smov.u32 @p2 s2;
	p2 =	sne.s32 s11, s7  }
.Ltmp1:
0x19: {  	p1 =	slt.u32 s11, $0x2;
	(pc) =	sbr.rel @!p2 .LBB1_6-.Ltmp1, $4  }
0x1a: {  	s15 =	simm.s32 @!p1 $0x2  }
0x1b: {  	s13 =	smov.u32 s10;
	p0 =	por !p0, !p0;
	_ =	swait.ge @!p1 [sflag:s15], $0x1000  }
0x1c: {  	s12 =	smov.u32 s9;
	[sflag:s15] =	ssyncset.done @!p1 $0x0;
	s9 =	smov.u32 s14  }
0x1d: {  	s11 =	sadd.s32 $0x1, s11;
	[sflag:s15] =	ssyncadd.s32 @!p1 $0xFFFFF000;
	s10 =	smov.u32 s16  }
.LBB1_1:
0x1e: {  	p1 =	sge.u32 s11, s5  }
0x1f: {  	s14 =	sand.u32 @!p1 $0x1FFFFFF, s9  }
0x20: {  	s15 =	smulhi.u32 @!p1 $0x147AE15, s14;
	_ =	sdelay $0x1  }
0x21: {  	s15 =	smul.u32 @!p1 $0xC8, s15  }
0x22: {  	s16 =	sxor.u32 @!p1 $0xFFFFFFFF, s11;
	s17 =	smul.u32 @!p1 $0xC80, s10  }
0x23: {  	s31 =	sadd.s32 $0xFFFFFFFF, s11;
	s16 =	sshll.u32 @!p1 s16, $0xC;
	s14 =	ssub.s32 @!p1 s14, s15  }
0x24: {  	s15 =	sand.u32 @!p1 $0x1000, s16;
	s16 =	sadd.s32 @!p1 s6, s17;
	s14 =	sshll.u32 @!p1 s14, $0x4  }
0x25: {  	s17 =	simm.s32 @!p1 $0x6400;
	s14 =	sadd.s32 @!p1 s14, s16;
	s16 =	simm.s32 @!p1 $0x20  }
0x26: {  	[tilespmem:s15], [sflag:$0x1] =	stream.strided.gather @!p1 [hbm4b:s14+s16], $0x1000, s17, s16, $0x38;
	[tilespmem:$0x4040] =	vst v63  }
0x27: {  	p1 =	sge.u32 s31, s5  }
.Ltmp2:
0x28: {  	_ = 	snop;
	(pc) =	sbr.rel @p1 .LBB1_5-.Ltmp2, $1  }
0x29: {  	_ =	sdelay $0x3  }
0x2a: {  	s14 =	simm.s32 $0x1  }
0x2b: {  	_ =	swait.ge [sflag:s4], $0x1000;
	s14 =	simm.s32 @!p0 $0x0  }
0x2c: {  	[sflag:s4] =	ssyncset.done $0x0;
	s15 =	sshll.u32 s14, $0xC  }
0x2d: {  	[sflag:s4] =	ssyncadd.s32 $0xFFFFF000;
	s18 =	sor.u32 $0x10, s15  }
0x2e: {  	s14 =	smul.u32 $0x4080, s14;
	v1 =	vld [tilespmem:s18+$0x0]  }
0x2f: {  	s30 =	sand.u32 $0x1, s11;
	v0 =	vld [tilespmem:s18+$0xFFFFFFF0]  }
0x30: {  	s15 =	smul.u32 $0x4080, s30;
	s14 =	sshrl.u32 s14, $0x2  }
0x31: {  	s16 =	sor.u32 $0x2000, s14  }
0x32: {  	s31 =	sshrl.u32 s15, $0x2;
	s15 =	sadd.s32 $0x0, s16  }
0x33: {  	s17 =	simm.s32 $0x4;
	s18 =	sadd.s32 $0x20, s18;
	s14 =	sor.u32 $0x2000, s31;
	[tilespmem:s15+$0x810 ss:$0x81] =	vst.msk $0xffff, v1  }
.LBB1_3:
0x34: {  	v1 =	vld [tilespmem:s18+$0x0];
	p1 =	sne.s32 s17, $0x1FC;
	[tilespmem:s15+$0x0 ss:$0x81] =	vst.msk $0xffff, v0;
	s15 =	smov.u32 s17;
	s17 =	sadd.s32 $0x4, s17  }
.Ltmp3:
0x35: {  	v0 =	vld [tilespmem:s18+$0xFFFFFFF0];
	(pc) =	sbr.rel @p1 .LBB1_3-.Ltmp3, $4  }
0x36: {  	_ = 	snop  }
0x37: {  	s15 =	sshra.s32 s15, $0x2  }
0x38: {  	s15 =	sadd.s32 s15, s16  }
0x39: {  	s18 =	sadd.s32 $0x20, s18;
	[tilespmem:s15+$0x810 ss:$0x81] =	vst.msk $0xffff, v1  }
.Ltmp4:
0x3a: {  	_ = 	snop;
	(pc) =	sbr.rel .LBB1_4-.Ltmp4, $1  }
0x3b: {  	_ =	sdelay $0x3  }
.LBB1_6:
0x3c: {  	_ =	sfence.sel $0x180000  }
0x3d: {  	s2 =	simm.s32 $0x1;
	[bflag:$0x0] =	sbarrier.arrive $0xFFFF  }
0x3e: {  	s31 =	simm.s32 $0x2;
	[sflag:s2] =	ssyncpa.u1 $0x1  }
0x3f: {  	[sflag:s31] =	ssyncpa.u1 $0x1  }
0x40: {  	p0 =	sne.s32 s0, $0x0;
	_ =	strace $0x9000004A  }
0x41: {  	s0 =	sadd.s32 @!p0 $0x100000, s1;
	[bflag:$0x2] =	sbarrier.arrive $0xFFFF  }
0x42: {  	[sflag:s0] =	ssyncadd.tile.s32 @!p0 $0x1;
	_ =	shalt  }
.Lfunc_end1:
_tile_overlayer_lowered:
.L_overlay_start_2:
0x43: {  	(tag) =	ssettag $0x2  }
0x44: {  	s0 =	rddreg [dreg:$0x0];
	s2 =	stileid.u32  }
0x45: {  	s1 =	rddreg [dreg:$0x1];
	p0 =	sne.s32 s2, $0x0  }
0x46: {  	s3 =	rddreg [dreg:$0x2];
	[bflag:$0x3] =	sbarrier.arrive $0xFFFF;
	s2 =	simm.s32 @!p0 $0x1C01  }
0x47: {  	[timem:s3], [sflag:s2] =	dma.local @!p0 [hbm:s0], s1  }
0x48: {  	s0 =	simm.s32 @!p0 $0x1  }
0x49: {  	_ =	swait.ge @!p0 [sflag:s0], s1  }
0x4a: {  	s1 =	ssub.s32 @!p0 $0x0, s1;
	[sflag:s0] =	ssyncset.done @!p0 $0x0  }
0x4b: {  	[sflag:s0] =	ssyncadd.s32 @!p0 s1  }
0x4c: {  	[bflag:$0x3] =	sbarrier.arrive $0xFFFF  }
0x4d: {  	_ =	shalt  }

</sc_bundles>
